<compile_context>
chip_gen: v7x
topology: tpu7x:2x2x1
jax: 0.10.2.dev20260603
libtpu: 0.0.44.dev20260713+nightly
codegen_flags: <defaults>
</compile_context>

<pallas_src>
import functools

import jax
import jax.numpy as jnp
from jax import lax
from jax.experimental import pallas as pl
from jax.experimental.pallas import tpu as pltpu
from jax.experimental.pallas import tpu_sc as plsc

BATCH = 1024
SEQ = 200
D = 64
VOCAB = 1000000
NC, NS, L = 2, 16, 16
NW = NC * NS
N_ITEMS = (SEQ // 8) * (BATCH // 128)
SCALE = 8.0

_mesh = plsc.VectorSubcoreMesh(
    core_axis_name="c", subcore_axis_name="s", num_cores=NC, num_subcores=NS
)


@functools.partial(
    pl.kernel,
    out_type=jax.ShapeDtypeStruct((SEQ, 8, 8, 8, 128), jnp.float32),
    mesh=_mesh,
    scratch_types=[
        pltpu.VMEM((8, 128), jnp.int32),
        pltpu.VMEM((128, D), jnp.float32),
        pltpu.VMEM((128, D), jnp.float32),
        pltpu.VMEM((8, 8, 132), jnp.float32),
        pltpu.VMEM((8, 8, 132), jnp.float32),
        pltpu.SemaphoreType.DMA,
        pltpu.SemaphoreType.DMA,
        pltpu.SemaphoreType.DMA,
        pltpu.SemaphoreType.DMA,
    ],
    compiler_params=pltpu.CompilerParams(
        use_tc_tiling_on_sc=False, needs_layout_passes=False
    ),
)
def _embed(
    x4_hbm, table_hbm, out_hbm,
    idx_v, rows0, rows1, ob0, ob1, sem0, sem1, osem0, osem1,
):
    wid = lax.axis_index("s") * NC + lax.axis_index("c")
    nitems = jnp.where(wid < N_ITEMS % NW, N_ITEMS // NW + 1, N_ITEMS // NW)
    rows = (rows0, rows1)
    obs = (ob0, ob1)
    sems = (sem0, sem1)
    osems = (osem0, osem1)
    lane = lax.iota(jnp.int32, L)
    dts = [(lane + dg * L) // 8 for dg in range(D // L)]
    dsubs = [(lane + dg * L) % 8 for dg in range(D // L)]

    @pl.loop(0, nitems)
    def _item(j):
        item = wid + NW * j
        st = item // 8
        bt = item % 8
        pltpu.sync_copy(x4_hbm.at[st, bt], idx_v)
        copies = [None, None]
        ocopies = [None, None]
        copies[0] = pltpu.async_copy(table_hbm.at[idx_v.at[0]], rows0, sem0)
        for ssub in range(8):
            p = ssub % 2
            copies[p].wait()
            if ssub < 7:
                q = (ssub + 1) % 2
                copies[q] = pltpu.async_copy(
                    table_hbm.at[idx_v.at[ssub + 1]], rows[q], sems[q]
                )
            rbuf = rows[p]
            po = ssub % 2
            ob = obs[po]
            if ocopies[po] is not None:
                ocopies[po].wait()

            @pl.loop(0, 32)
            def _tok(b4):
                b0 = b4 * 4
                bvec0 = jnp.full((L,), b0, jnp.int32)
                for u in range(4):
                    b = b0 + u
                    bvec = bvec0 + u
                    for dg in range(D // L):
                        v = rbuf[b, pl.ds(dg * L, L)] * SCALE
                        plsc.store_scatter(ob, [dts[dg], dsubs[dg], bvec], v)

            ocopies[po] = pltpu.async_copy(
                ob.at[:, :, pl.ds(0, 128)],
                out_hbm.at[st * 8 + ssub, :, bt],
                osems[po],
            )
        ocopies[0].wait()
        ocopies[1].wait()


def kernel(x, table):
    x4 = x.T.reshape(SEQ // 8, 8, BATCH // 128, 128).transpose(0, 2, 1, 3)
    out5 = _embed(x4, table)
    return out5.transpose(2, 4, 0, 1, 3).reshape(BATCH, SEQ, D)

# --- scband reference (transcript-rebuilt; emitter-appended) ---
"""Pipeline reference for scband-token-embedding-20796231647359 (READ-ONLY COPY).

The authoritative reference and input builder live on the scoring server;
editing this copy changes nothing except your own understanding.
"""

import jax, jax.numpy as jnp
import numpy as np
import math

VOCAB = 1000000
D_MODEL = 64
PAD_IDX = 0
BATCH = 1024
SEQ = 200


def setup_inputs(seed: int = 0) -> dict:
    key = jax.random.key(seed)
    k_idx, k_tab = jax.random.split(key)
    x = jax.random.randint(k_idx, (BATCH, SEQ), 0, VOCAB, dtype=jnp.int32)
    table = jax.random.normal(k_tab, (VOCAB, D_MODEL), dtype=jnp.float32)
    # padding_idx row is zero, matching nn.Embedding(padding_idx=0) init
    table = table.at[PAD_IDX].set(0.0)
    return {"x": x, "table": table}


def reference(x, table):
    scale = math.sqrt(table.shape[1])
    emb = jnp.take(table, x, axis=0)  # gather: [B, S, D]
    return emb * scale

if __name__ == "__main__":
    import jax
    _d = setup_inputs()
    print(jax.jit(kernel)(*tuple(_d.values())))

</pallas_src>

<mosaic_0001>
#map = affine_map<(d0, d1) -> (0, 0, 0, 0)>
#map1 = affine_map<(d0, d1) -> (0, 0)>
#map2 = affine_map<(d0, d1) -> (0, 0, 0, 0, 0)>
module attributes {stable_mosaic.version = 14 : i64} {
  func.func @_embed(%arg0: i32, %arg1: i32, %arg2: memref<25x8x8x128xi32, #tpu.memory_space<hbm>>, %arg3: memref<1000000x64xf32, #tpu.memory_space<hbm>>, %arg4: memref<200x8x8x8x128xf32, #tpu.memory_space<hbm>>, %arg5: memref<8x128xi32, #tpu.memory_space<vmem>>, %arg6: memref<128x64xf32, #tpu.memory_space<vmem>>, %arg7: memref<128x64xf32, #tpu.memory_space<vmem>>, %arg8: memref<8x8x132xf32, #tpu.memory_space<vmem>>, %arg9: memref<8x8x132xf32, #tpu.memory_space<vmem>>, %arg10: memref<!tpu.dma_semaphore, #tpu.memory_space<semaphore_mem>>, %arg11: memref<!tpu.dma_semaphore, #tpu.memory_space<semaphore_mem>>, %arg12: memref<!tpu.dma_semaphore, #tpu.memory_space<semaphore_mem>>, %arg13: memref<!tpu.dma_semaphore, #tpu.memory_space<semaphore_mem>>) attributes {dimension_semantics = [#tpu.dimension_semantics<core_parallel>, #tpu.dimension_semantics<subcore_parallel>], iteration_bounds = array<i64: 2, 16>, scalar_prefetch = 0 : i64, scratch_operands = 9 : i64, tpu.core_type = #tpu.core_type<sc_vector_subcore>, window_params = [{transform_indices = #map}, {transform_indices = #map1}, {transform_indices = #map2}]} {
    %mul3A = arith.constant 2 : i32
    %mul3A_0 = arith.muli %arg1, %mul3A : i32
    %add3A = arith.addi %mul3A_0, %arg0 : i32
    %lt3A = arith.constant 8 : i32
    %lt3A_1 = arith.cmpi slt, %add3A, %lt3A : i32
    %jit3A = arith.constant 7 : i32
    %jit3A_2 = arith.constant 6 : i32
    %select_n3A = arith.select %lt3A_1, %jit3A, %jit3A_2 : i32
    %iota3A = tpu.iota {dimensions = array<i32: 0>} : vector<16xi32>
    %add3A_3 = arith.constant 0 : i32
    %add3A_4 = vector.broadcast %add3A_3 : i32 to vector<16xi32>
    %add3A_5 = arith.addi %iota3A, %add3A_4 : vector<16xi32>
    %jit3A_6 = arith.constant 8 : i32
    %div3A = vector.broadcast %jit3A_6 : i32 to vector<16xi32>
    %div3A_7 = arith.divsi %add3A_5, %div3A : vector<16xi32>
    %sign3A = arith.constant 0 : i32
    %sign3A_8 = vector.broadcast %sign3A : i32 to vector<16xi32>
    %sign3A_9 = arith.cmpi sgt, %add3A_5, %sign3A_8 : vector<16xi32>
    %sign3A_10 = arith.extui %sign3A_9 : vector<16xi1> to vector<16xi32>
    %sign3A_11 = arith.constant 0 : i32
    %sign3A_12 = vector.broadcast %sign3A_11 : i32 to vector<16xi32>
    %sign3A_13 = arith.cmpi slt, %add3A_5, %sign3A_12 : vector<16xi32>
    %sign3A_14 = arith.extui %sign3A_13 : vector<16xi1> to vector<16xi32>
    %sign3A_15 = arith.subi %sign3A_10, %sign3A_14 : vector<16xi32>
    %sign3A_16 = arith.constant 0 : i32
    %sign3A_17 = arith.cmpi sgt, %jit3A_6, %sign3A_16 : i32
    %sign3A_18 = arith.extui %sign3A_17 : i1 to i32
    %sign3A_19 = arith.constant 0 : i32
    %sign3A_20 = arith.cmpi slt, %jit3A_6, %sign3A_19 : i32
    %sign3A_21 = arith.extui %sign3A_20 : i1 to i32
    %sign3A_22 = arith.subi %sign3A_18, %sign3A_21 : i32
    %ne3A = vector.broadcast %sign3A_22 : i32 to vector<16xi32>
    %ne3A_23 = arith.cmpi ne, %sign3A_15, %ne3A : vector<16xi32>
    %rem3A = vector.broadcast %jit3A_6 : i32 to vector<16xi32>
    %rem3A_24 = arith.remsi %add3A_5, %rem3A : vector<16xi32>
    %ne3A_25 = arith.constant 0 : i32
    %ne3A_26 = vector.broadcast %ne3A_25 : i32 to vector<16xi32>
    %ne3A_27 = arith.cmpi ne, %rem3A_24, %ne3A_26 : vector<16xi32>
    %and3A = arith.andi %ne3A_23, %ne3A_27 : vector<16xi1>
    %sub3A = arith.constant 1 : i32
    %sub3A_28 = vector.broadcast %sub3A : i32 to vector<16xi32>
    %sub3A_29 = arith.subi %div3A_7, %sub3A_28 : vector<16xi32>
    %select_n3A_30 = arith.select %and3A, %sub3A_29, %div3A_7 : vector<16xi1>, vector<16xi32>
    %add3A_31 = arith.constant 16 : i32
    %add3A_32 = vector.broadcast %add3A_31 : i32 to vector<16xi32>
    %add3A_33 = arith.addi %iota3A, %add3A_32 : vector<16xi32>
    %jit3A_34 = arith.constant 8 : i32
    %div3A_35 = vector.broadcast %jit3A_34 : i32 to vector<16xi32>
    %div3A_36 = arith.divsi %add3A_33, %div3A_35 : vector<16xi32>
    %sign3A_37 = arith.constant 0 : i32
    %sign3A_38 = vector.broadcast %sign3A_37 : i32 to vector<16xi32>
    %sign3A_39 = arith.cmpi sgt, %add3A_33, %sign3A_38 : vector<16xi32>
    %sign3A_40 = arith.extui %sign3A_39 : vector<16xi1> to vector<16xi32>
    %sign3A_41 = arith.constant 0 : i32
    %sign3A_42 = vector.broadcast %sign3A_41 : i32 to vector<16xi32>
    %sign3A_43 = arith.cmpi slt, %add3A_33, %sign3A_42 : vector<16xi32>
    %sign3A_44 = arith.extui %sign3A_43 : vector<16xi1> to vector<16xi32>
    %sign3A_45 = arith.subi %sign3A_40, %sign3A_44 : vector<16xi32>
    %sign3A_46 = arith.constant 0 : i32
    %sign3A_47 = arith.cmpi sgt, %jit3A_34, %sign3A_46 : i32
    %sign3A_48 = arith.extui %sign3A_47 : i1 to i32
    %sign3A_49 = arith.constant 0 : i32
    %sign3A_50 = arith.cmpi slt, %jit3A_34, %sign3A_49 : i32
    %sign3A_51 = arith.extui %sign3A_50 : i1 to i32
    %sign3A_52 = arith.subi %sign3A_48, %sign3A_51 : i32
    %ne3A_53 = vector.broadcast %sign3A_52 : i32 to vector<16xi32>
    %ne3A_54 = arith.cmpi ne, %sign3A_45, %ne3A_53 : vector<16xi32>
    %rem3A_55 = vector.broadcast %jit3A_34 : i32 to vector<16xi32>
    %rem3A_56 = arith.remsi %add3A_33, %rem3A_55 : vector<16xi32>
    %ne3A_57 = arith.constant 0 : i32
    %ne3A_58 = vector.broadcast %ne3A_57 : i32 to vector<16xi32>
    %ne3A_59 = arith.cmpi ne, %rem3A_56, %ne3A_58 : vector<16xi32>
    %and3A_60 = arith.andi %ne3A_54, %ne3A_59 : vector<16xi1>
    %sub3A_61 = arith.constant 1 : i32
    %sub3A_62 = vector.broadcast %sub3A_61 : i32 to vector<16xi32>
    %sub3A_63 = arith.subi %div3A_36, %sub3A_62 : vector<16xi32>
    %select_n3A_64 = arith.select %and3A_60, %sub3A_63, %div3A_36 : vector<16xi1>, vector<16xi32>
    %add3A_65 = arith.constant 32 : i32
    %add3A_66 = vector.broadcast %add3A_65 : i32 to vector<16xi32>
    %add3A_67 = arith.addi %iota3A, %add3A_66 : vector<16xi32>
    %jit3A_68 = arith.constant 8 : i32
    %div3A_69 = vector.broadcast %jit3A_68 : i32 to vector<16xi32>
    %div3A_70 = arith.divsi %add3A_67, %div3A_69 : vector<16xi32>
    %sign3A_71 = arith.constant 0 : i32
    %sign3A_72 = vector.broadcast %sign3A_71 : i32 to vector<16xi32>
    %sign3A_73 = arith.cmpi sgt, %add3A_67, %sign3A_72 : vector<16xi32>
    %sign3A_74 = arith.extui %sign3A_73 : vector<16xi1> to vector<16xi32>
    %sign3A_75 = arith.constant 0 : i32
    %sign3A_76 = vector.broadcast %sign3A_75 : i32 to vector<16xi32>
    %sign3A_77 = arith.cmpi slt, %add3A_67, %sign3A_76 : vector<16xi32>
    %sign3A_78 = arith.extui %sign3A_77 : vector<16xi1> to vector<16xi32>
    %sign3A_79 = arith.subi %sign3A_74, %sign3A_78 : vector<16xi32>
    %sign3A_80 = arith.constant 0 : i32
    %sign3A_81 = arith.cmpi sgt, %jit3A_68, %sign3A_80 : i32
    %sign3A_82 = arith.extui %sign3A_81 : i1 to i32
    %sign3A_83 = arith.constant 0 : i32
    %sign3A_84 = arith.cmpi slt, %jit3A_68, %sign3A_83 : i32
    %sign3A_85 = arith.extui %sign3A_84 : i1 to i32
    %sign3A_86 = arith.subi %sign3A_82, %sign3A_85 : i32
    %ne3A_87 = vector.broadcast %sign3A_86 : i32 to vector<16xi32>
    %ne3A_88 = arith.cmpi ne, %sign3A_79, %ne3A_87 : vector<16xi32>
    %rem3A_89 = vector.broadcast %jit3A_68 : i32 to vector<16xi32>
    %rem3A_90 = arith.remsi %add3A_67, %rem3A_89 : vector<16xi32>
    %ne3A_91 = arith.constant 0 : i32
    %ne3A_92 = vector.broadcast %ne3A_91 : i32 to vector<16xi32>
    %ne3A_93 = arith.cmpi ne, %rem3A_90, %ne3A_92 : vector<16xi32>
    %and3A_94 = arith.andi %ne3A_88, %ne3A_93 : vector<16xi1>
    %sub3A_95 = arith.constant 1 : i32
    %sub3A_96 = vector.broadcast %sub3A_95 : i32 to vector<16xi32>
    %sub3A_97 = arith.subi %div3A_70, %sub3A_96 : vector<16xi32>
    %select_n3A_98 = arith.select %and3A_94, %sub3A_97, %div3A_70 : vector<16xi1>, vector<16xi32>
    %add3A_99 = arith.constant 48 : i32
    %add3A_100 = vector.broadcast %add3A_99 : i32 to vector<16xi32>
    %add3A_101 = arith.addi %iota3A, %add3A_100 : vector<16xi32>
    %jit3A_102 = arith.constant 8 : i32
    %div3A_103 = vector.broadcast %jit3A_102 : i32 to vector<16xi32>
    %div3A_104 = arith.divsi %add3A_101, %div3A_103 : vector<16xi32>
    %sign3A_105 = arith.constant 0 : i32
    %sign3A_106 = vector.broadcast %sign3A_105 : i32 to vector<16xi32>
    %sign3A_107 = arith.cmpi sgt, %add3A_101, %sign3A_106 : vector<16xi32>
    %sign3A_108 = arith.extui %sign3A_107 : vector<16xi1> to vector<16xi32>
    %sign3A_109 = arith.constant 0 : i32
    %sign3A_110 = vector.broadcast %sign3A_109 : i32 to vector<16xi32>
    %sign3A_111 = arith.cmpi slt, %add3A_101, %sign3A_110 : vector<16xi32>
    %sign3A_112 = arith.extui %sign3A_111 : vector<16xi1> to vector<16xi32>
    %sign3A_113 = arith.subi %sign3A_108, %sign3A_112 : vector<16xi32>
    %sign3A_114 = arith.constant 0 : i32
    %sign3A_115 = arith.cmpi sgt, %jit3A_102, %sign3A_114 : i32
    %sign3A_116 = arith.extui %sign3A_115 : i1 to i32
    %sign3A_117 = arith.constant 0 : i32
    %sign3A_118 = arith.cmpi slt, %jit3A_102, %sign3A_117 : i32
    %sign3A_119 = arith.extui %sign3A_118 : i1 to i32
    %sign3A_120 = arith.subi %sign3A_116, %sign3A_119 : i32
    %ne3A_121 = vector.broadcast %sign3A_120 : i32 to vector<16xi32>
    %ne3A_122 = arith.cmpi ne, %sign3A_113, %ne3A_121 : vector<16xi32>
    %rem3A_123 = vector.broadcast %jit3A_102 : i32 to vector<16xi32>
    %rem3A_124 = arith.remsi %add3A_101, %rem3A_123 : vector<16xi32>
    %ne3A_125 = arith.constant 0 : i32
    %ne3A_126 = vector.broadcast %ne3A_125 : i32 to vector<16xi32>
    %ne3A_127 = arith.cmpi ne, %rem3A_124, %ne3A_126 : vector<16xi32>
    %and3A_128 = arith.andi %ne3A_122, %ne3A_127 : vector<16xi1>
    %sub3A_129 = arith.constant 1 : i32
    %sub3A_130 = vector.broadcast %sub3A_129 : i32 to vector<16xi32>
    %sub3A_131 = arith.subi %div3A_104, %sub3A_130 : vector<16xi32>
    %select_n3A_132 = arith.select %and3A_128, %sub3A_131, %div3A_104 : vector<16xi1>, vector<16xi32>
    %add3A_133 = arith.constant 0 : i32
    %add3A_134 = vector.broadcast %add3A_133 : i32 to vector<16xi32>
    %add3A_135 = arith.addi %iota3A, %add3A_134 : vector<16xi32>
    %jit3A_136 = arith.constant 8 : i32
    %eq3A = arith.constant 0 : i32
    %eq3A_137 = arith.cmpi eq, %jit3A_136, %eq3A : i32
    %jit3A_138 = arith.constant 1 : i32
    %select_n3A_139 = arith.select %eq3A_137, %jit3A_138, %jit3A_136 : i32
    %rem3A_140 = vector.broadcast %select_n3A_139 : i32 to vector<16xi32>
    %rem3A_141 = arith.remsi %add3A_135, %rem3A_140 : vector<16xi32>
    %ne3A_142 = arith.constant 0 : i32
    %ne3A_143 = vector.broadcast %ne3A_142 : i32 to vector<16xi32>
    %ne3A_144 = arith.cmpi ne, %rem3A_141, %ne3A_143 : vector<16xi32>
    %lt3A_145 = arith.constant 0 : i32
    %lt3A_146 = vector.broadcast %lt3A_145 : i32 to vector<16xi32>
    %lt3A_147 = arith.cmpi slt, %rem3A_141, %lt3A_146 : vector<16xi32>
    %lt3A_148 = arith.constant 0 : i32
    %lt3A_149 = arith.cmpi slt, %select_n3A_139, %lt3A_148 : i32
    %ne3A_150 = vector.broadcast %lt3A_149 : i1 to vector<16xi1>
    %ne3A_151 = vector.broadcast %ne3A_150 : vector<16xi1> to vector<16xi1>
    %ne3A_152 = arith.xori %lt3A_147, %ne3A_151 : vector<16xi1>
    %and3A_153 = arith.andi %ne3A_152, %ne3A_144 : vector<16xi1>
    %add3A_154 = vector.broadcast %select_n3A_139 : i32 to vector<16xi32>
    %add3A_155 = arith.addi %rem3A_141, %add3A_154 : vector<16xi32>
    %select_n3A_156 = arith.select %and3A_153, %add3A_155, %rem3A_141 : vector<16xi1>, vector<16xi32>
    %add3A_157 = arith.constant 16 : i32
    %add3A_158 = vector.broadcast %add3A_157 : i32 to vector<16xi32>
    %add3A_159 = arith.addi %iota3A, %add3A_158 : vector<16xi32>
    %jit3A_160 = arith.constant 8 : i32
    %eq3A_161 = arith.constant 0 : i32
    %eq3A_162 = arith.cmpi eq, %jit3A_160, %eq3A_161 : i32
    %jit3A_163 = arith.constant 1 : i32
    %select_n3A_164 = arith.select %eq3A_162, %jit3A_163, %jit3A_160 : i32
    %rem3A_165 = vector.broadcast %select_n3A_164 : i32 to vector<16xi32>
    %rem3A_166 = arith.remsi %add3A_159, %rem3A_165 : vector<16xi32>
    %ne3A_167 = arith.constant 0 : i32
    %ne3A_168 = vector.broadcast %ne3A_167 : i32 to vector<16xi32>
    %ne3A_169 = arith.cmpi ne, %rem3A_166, %ne3A_168 : vector<16xi32>
    %lt3A_170 = arith.constant 0 : i32
    %lt3A_171 = vector.broadcast %lt3A_170 : i32 to vector<16xi32>
    %lt3A_172 = arith.cmpi slt, %rem3A_166, %lt3A_171 : vector<16xi32>
    %lt3A_173 = arith.constant 0 : i32
    %lt3A_174 = arith.cmpi slt, %select_n3A_164, %lt3A_173 : i32
    %ne3A_175 = vector.broadcast %lt3A_174 : i1 to vector<16xi1>
    %ne3A_176 = vector.broadcast %ne3A_175 : vector<16xi1> to vector<16xi1>
    %ne3A_177 = arith.xori %lt3A_172, %ne3A_176 : vector<16xi1>
    %and3A_178 = arith.andi %ne3A_177, %ne3A_169 : vector<16xi1>
    %add3A_179 = vector.broadcast %select_n3A_164 : i32 to vector<16xi32>
    %add3A_180 = arith.addi %rem3A_166, %add3A_179 : vector<16xi32>
    %select_n3A_181 = arith.select %and3A_178, %add3A_180, %rem3A_166 : vector<16xi1>, vector<16xi32>
    %add3A_182 = arith.constant 32 : i32
    %add3A_183 = vector.broadcast %add3A_182 : i32 to vector<16xi32>
    %add3A_184 = arith.addi %iota3A, %add3A_183 : vector<16xi32>
    %jit3A_185 = arith.constant 8 : i32
    %eq3A_186 = arith.constant 0 : i32
    %eq3A_187 = arith.cmpi eq, %jit3A_185, %eq3A_186 : i32
    %jit3A_188 = arith.constant 1 : i32
    %select_n3A_189 = arith.select %eq3A_187, %jit3A_188, %jit3A_185 : i32
    %rem3A_190 = vector.broadcast %select_n3A_189 : i32 to vector<16xi32>
    %rem3A_191 = arith.remsi %add3A_184, %rem3A_190 : vector<16xi32>
    %ne3A_192 = arith.constant 0 : i32
    %ne3A_193 = vector.broadcast %ne3A_192 : i32 to vector<16xi32>
    %ne3A_194 = arith.cmpi ne, %rem3A_191, %ne3A_193 : vector<16xi32>
    %lt3A_195 = arith.constant 0 : i32
    %lt3A_196 = vector.broadcast %lt3A_195 : i32 to vector<16xi32>
    %lt3A_197 = arith.cmpi slt, %rem3A_191, %lt3A_196 : vector<16xi32>
    %lt3A_198 = arith.constant 0 : i32
    %lt3A_199 = arith.cmpi slt, %select_n3A_189, %lt3A_198 : i32
    %ne3A_200 = vector.broadcast %lt3A_199 : i1 to vector<16xi1>
    %ne3A_201 = vector.broadcast %ne3A_200 : vector<16xi1> to vector<16xi1>
    %ne3A_202 = arith.xori %lt3A_197, %ne3A_201 : vector<16xi1>
    %and3A_203 = arith.andi %ne3A_202, %ne3A_194 : vector<16xi1>
    %add3A_204 = vector.broadcast %select_n3A_189 : i32 to vector<16xi32>
    %add3A_205 = arith.addi %rem3A_191, %add3A_204 : vector<16xi32>
    %select_n3A_206 = arith.select %and3A_203, %add3A_205, %rem3A_191 : vector<16xi1>, vector<16xi32>
    %add3A_207 = arith.constant 48 : i32
    %add3A_208 = vector.broadcast %add3A_207 : i32 to vector<16xi32>
    %add3A_209 = arith.addi %iota3A, %add3A_208 : vector<16xi32>
    %jit3A_210 = arith.constant 8 : i32
    %eq3A_211 = arith.constant 0 : i32
    %eq3A_212 = arith.cmpi eq, %jit3A_210, %eq3A_211 : i32
    %jit3A_213 = arith.constant 1 : i32
    %select_n3A_214 = arith.select %eq3A_212, %jit3A_213, %jit3A_210 : i32
    %rem3A_215 = vector.broadcast %select_n3A_214 : i32 to vector<16xi32>
    %rem3A_216 = arith.remsi %add3A_209, %rem3A_215 : vector<16xi32>
    %ne3A_217 = arith.constant 0 : i32
    %ne3A_218 = vector.broadcast %ne3A_217 : i32 to vector<16xi32>
    %ne3A_219 = arith.cmpi ne, %rem3A_216, %ne3A_218 : vector<16xi32>
    %lt3A_220 = arith.constant 0 : i32
    %lt3A_221 = vector.broadcast %lt3A_220 : i32 to vector<16xi32>
    %lt3A_222 = arith.cmpi slt, %rem3A_216, %lt3A_221 : vector<16xi32>
    %lt3A_223 = arith.constant 0 : i32
    %lt3A_224 = arith.cmpi slt, %select_n3A_214, %lt3A_223 : i32
    %ne3A_225 = vector.broadcast %lt3A_224 : i1 to vector<16xi1>
    %ne3A_226 = vector.broadcast %ne3A_225 : vector<16xi1> to vector<16xi1>
    %ne3A_227 = arith.xori %lt3A_222, %ne3A_226 : vector<16xi1>
    %and3A_228 = arith.andi %ne3A_227, %ne3A_219 : vector<16xi1>
    %add3A_229 = vector.broadcast %select_n3A_214 : i32 to vector<16xi32>
    %add3A_230 = arith.addi %rem3A_216, %add3A_229 : vector<16xi32>
    %select_n3A_231 = arith.select %and3A_228, %add3A_230, %rem3A_216 : vector<16xi1>, vector<16xi32>
    %sub3A_232 = arith.constant 0 : i32
    %sub3A_233 = arith.subi %select_n3A, %sub3A_232 : i32
    %sub3A_234 = arith.constant 1 : i32
    %sub3A_235 = arith.constant 1 : i32
    %sub3A_236 = arith.subi %sub3A_234, %sub3A_235 : i32
    %add3A_237 = arith.addi %sub3A_233, %sub3A_236 : i32
    %div3A_238 = arith.constant 1 : i32
    %div3A_239 = arith.divsi %add3A_237, %div3A_238 : i32
    %while3A = arith.constant 1 : i32
    %while3A_240 = arith.constant 0 : i32
    %while3A_241 = arith.constant 0 : i32
    %while3A_242 = arith.subi %div3A_239, %while3A_241 : i32
    %while3A_243 = arith.addi %while3A_241, %while3A_242 : i32
    %while3A_244 = arith.constant 1 : i32
    %while3A_245 = arith.divsi %while3A_242, %while3A_244 : i32
    %while3A_246 = arith.muli %while3A_245, %while3A_244 : i32
    %while3A_247 = arith.addi %while3A_241, %while3A_246 : i32
    %while3A_248 = arith.constant 1 : i32
    scf.for %while3A_250 = %while3A_241 to %while3A_247 step %while3A_248  : i32 {
      %mul3A_251 = arith.muli %while3A_250, %while3A : i32
      %add3A_252 = arith.addi %while3A_240, %mul3A_251 : i32
      %mul3A_253 = arith.constant 32 : i32
      %mul3A_254 = arith.muli %mul3A_253, %add3A_252 : i32
      %add3A_255 = arith.addi %add3A, %mul3A_254 : i32
      %jit3A_256 = arith.constant 8 : i32
      %div3A_257 = arith.divsi %add3A_255, %jit3A_256 : i32
      %sign3A_258 = arith.constant 0 : i32
      %sign3A_259 = arith.cmpi sgt, %add3A_255, %sign3A_258 : i32
      %sign3A_260 = arith.extui %sign3A_259 : i1 to i32
      %sign3A_261 = arith.constant 0 : i32
      %sign3A_262 = arith.cmpi slt, %add3A_255, %sign3A_261 : i32
      %sign3A_263 = arith.extui %sign3A_262 : i1 to i32
      %sign3A_264 = arith.subi %sign3A_260, %sign3A_263 : i32
      %sign3A_265 = arith.constant 0 : i32
      %sign3A_266 = arith.cmpi sgt, %jit3A_256, %sign3A_265 : i32
      %sign3A_267 = arith.extui %sign3A_266 : i1 to i32
      %sign3A_268 = arith.constant 0 : i32
      %sign3A_269 = arith.cmpi slt, %jit3A_256, %sign3A_268 : i32
      %sign3A_270 = arith.extui %sign3A_269 : i1 to i32
      %sign3A_271 = arith.subi %sign3A_267, %sign3A_270 : i32
      %ne3A_272 = arith.cmpi ne, %sign3A_264, %sign3A_271 : i32
      %rem3A_273 = arith.remsi %add3A_255, %jit3A_256 : i32
      %ne3A_274 = arith.constant 0 : i32
      %ne3A_275 = arith.cmpi ne, %rem3A_273, %ne3A_274 : i32
      %and3A_276 = arith.andi %ne3A_272, %ne3A_275 : i1
      %sub3A_277 = arith.constant 1 : i32
      %sub3A_278 = arith.subi %div3A_257, %sub3A_277 : i32
      %select_n3A_279 = arith.select %and3A_276, %sub3A_278, %div3A_257 : i32
      %jit3A_280 = arith.constant 8 : i32
      %eq3A_281 = arith.constant 0 : i32
      %eq3A_282 = arith.cmpi eq, %jit3A_280, %eq3A_281 : i32
      %jit3A_283 = arith.constant 1 : i32
      %select_n3A_284 = arith.select %eq3A_282, %jit3A_283, %jit3A_280 : i32
      %rem3A_285 = arith.remsi %add3A_255, %select_n3A_284 : i32
      %ne3A_286 = arith.constant 0 : i32
      %ne3A_287 = arith.cmpi ne, %rem3A_285, %ne3A_286 : i32
      %lt3A_288 = arith.constant 0 : i32
      %lt3A_289 = arith.cmpi slt, %rem3A_285, %lt3A_288 : i32
      %lt3A_290 = arith.constant 0 : i32
      %lt3A_291 = arith.cmpi slt, %select_n3A_284, %lt3A_290 : i32
      %ne3A_292 = arith.xori %lt3A_289, %lt3A_291 : i1
      %and3A_293 = arith.andi %ne3A_292, %ne3A_287 : i1
      %add3A_294 = arith.addi %rem3A_285, %select_n3A_284 : i32
      %select_n3A_295 = arith.select %and3A_293, %add3A_294, %rem3A_285 : i32
      "tpu.region"() ({
        %run_scoped3A = tpu.sem_alloc : memref<!tpu.dma_semaphore, #tpu.memory_space<semaphore_mem>>
        %dma_start3A_765 = arith.constant 0 : i32
        %dma_start3A_766 = arith.constant 0 : i32
        %dma_start3A_767 = tpu.memref_slice %arg2[%select_n3A_279, %select_n3A_295, %dma_start3A_765, %dma_start3A_766] : memref<25x8x8x128xi32, #tpu.memory_space<hbm>> -> memref<1x1x8x128xi32, #tpu.memory_space<hbm>>
        %dma_start3A_768 = tpu.memref_squeeze %dma_start3A_767 : memref<1x1x8x128xi32, #tpu.memory_space<hbm>> -> memref<8x128xi32, #tpu.memory_space<hbm>>
        %dma_start3A_769 = arith.constant 0 : i32
        %dma_start3A_770 = arith.constant 0 : i32
        %dma_start3A_771 = tpu.memref_slice %arg2[%select_n3A_279, %select_n3A_295, %dma_start3A_769, %dma_start3A_770] : memref<25x8x8x128xi32, #tpu.memory_space<hbm>> -> memref<1x1x8x128xi32, #tpu.memory_space<hbm>>
        %dma_start3A_772 = tpu.memref_squeeze %dma_start3A_771 : memref<1x1x8x128xi32, #tpu.memory_space<hbm>> -> memref<8x128xi32, #tpu.memory_space<hbm>>
        tpu.enqueue_dma source(%dma_start3A_772 : memref<8x128xi32, #tpu.memory_space<hbm>>) target(%arg5 : memref<8x128xi32, #tpu.memory_space<vmem>>) target_semaphore(%run_scoped3A : memref<!tpu.dma_semaphore, #tpu.memory_space<semaphore_mem>>)
        %dma_wait3A_773 = arith.constant 0 : i32
        %dma_wait3A_774 = arith.constant 0 : i32
        %dma_wait3A_775 = tpu.memref_slice %arg2[%select_n3A_279, %select_n3A_295, %dma_wait3A_773, %dma_wait3A_774] : memref<25x8x8x128xi32, #tpu.memory_space<hbm>> -> memref<1x1x8x128xi32, #tpu.memory_space<hbm>>
        %dma_wait3A_776 = tpu.memref_squeeze %dma_wait3A_775 : memref<1x1x8x128xi32, #tpu.memory_space<hbm>> -> memref<8x128xi32, #tpu.memory_space<hbm>>
        %dma_wait3A_777 = arith.constant 0 : i32
        %dma_wait3A_778 = arith.constant 0 : i32
        %dma_wait3A_779 = tpu.memref_slice %arg2[%select_n3A_279, %select_n3A_295, %dma_wait3A_777, %dma_wait3A_778] : memref<25x8x8x128xi32, #tpu.memory_space<hbm>> -> memref<1x1x8x128xi32, #tpu.memory_space<hbm>>
        %dma_wait3A_780 = tpu.memref_squeeze %dma_wait3A_779 : memref<1x1x8x128xi32, #tpu.memory_space<hbm>> -> memref<8x128xi32, #tpu.memory_space<hbm>>
        tpu.wait_dma2 semaphore(%run_scoped3A : memref<!tpu.dma_semaphore, #tpu.memory_space<semaphore_mem>>) src(%dma_wait3A_780 : memref<8x128xi32, #tpu.memory_space<hbm>>) dst(%arg5 : memref<8x128xi32, #tpu.memory_space<vmem>>)
        tpu.yield
      }) : () -> ()
      %dma_start3A = arith.constant 0 : i32
      %dma_start3A_296 = arith.constant 0 : i32
      %dma_start3A_297 = tpu.memref_slice %arg5[%dma_start3A, %dma_start3A_296] : memref<8x128xi32, #tpu.memory_space<vmem>> -> memref<1x128xi32, #tpu.memory_space<vmem>>
      %dma_start3A_298 = tpu.memref_squeeze %dma_start3A_297 : memref<1x128xi32, #tpu.memory_space<vmem>> -> memref<128xi32, #tpu.memory_space<vmem>>
      %dma_start3A_299 = arith.constant 0 : i32
      %dma_start3A_300 = arith.constant 0 : i32
      %dma_start3A_301 = tpu.memref_slice %arg3[%dma_start3A_299, %dma_start3A_300] : memref<1000000x64xf32, #tpu.memory_space<hbm>> -> memref<1000000x64xf32, #tpu.memory_space<hbm>>
      tpu.enqueue_indirect_dma source(%dma_start3A_301 : memref<1000000x64xf32, #tpu.memory_space<hbm>>) target(%arg6 : memref<128x64xf32, #tpu.memory_space<vmem>>) offsets(%dma_start3A_298 : memref<128xi32, #tpu.memory_space<vmem>>) semaphore(%arg10 : memref<!tpu.dma_semaphore, #tpu.memory_space<semaphore_mem>>)
      %dma_wait3A = arith.constant 0 : i32
      %dma_wait3A_302 = arith.constant 0 : i32
      %dma_wait3A_303 = tpu.memref_slice %arg5[%dma_wait3A, %dma_wait3A_302] : memref<8x128xi32, #tpu.memory_space<vmem>> -> memref<1x128xi32, #tpu.memory_space<vmem>>
      %dma_wait3A_304 = tpu.memref_squeeze %dma_wait3A_303 : memref<1x128xi32, #tpu.memory_space<vmem>> -> memref<128xi32, #tpu.memory_space<vmem>>
      %dma_wait3A_305 = arith.constant 0 : i32
      %dma_wait3A_306 = arith.constant 0 : i32
      %dma_wait3A_307 = tpu.memref_slice %arg3[%dma_wait3A_305, %dma_wait3A_306] : memref<1000000x64xf32, #tpu.memory_space<hbm>> -> memref<1000000x64xf32, #tpu.memory_space<hbm>>
      tpu.wait_indirect_dma semaphore(%arg10 : memref<!tpu.dma_semaphore, #tpu.memory_space<semaphore_mem>>) src(%dma_wait3A_307 : memref<1000000x64xf32, #tpu.memory_space<hbm>>) dst(%arg6 : memref<128x64xf32, #tpu.memory_space<vmem>>)
      %dma_start3A_308 = arith.constant 1 : i32
      %dma_start3A_309 = arith.constant 0 : i32
      %dma_start3A_310 = tpu.memref_slice %arg5[%dma_start3A_308, %dma_start3A_309] : memref<8x128xi32, #tpu.memory_space<vmem>> -> memref<1x128xi32, #tpu.memory_space<vmem>>
      %dma_start3A_311 = tpu.memref_squeeze %dma_start3A_310 : memref<1x128xi32, #tpu.memory_space<vmem>> -> memref<128xi32, #tpu.memory_space<vmem>>
      %dma_start3A_312 = arith.constant 0 : i32
      %dma_start3A_313 = arith.constant 0 : i32
      %dma_start3A_314 = tpu.memref_slice %arg3[%dma_start3A_312, %dma_start3A_313] : memref<1000000x64xf32, #tpu.memory_space<hbm>> -> memref<1000000x64xf32, #tpu.memory_space<hbm>>
      tpu.enqueue_indirect_dma source(%dma_start3A_314 : memref<1000000x64xf32, #tpu.memory_space<hbm>>) target(%arg7 : memref<128x64xf32, #tpu.memory_space<vmem>>) offsets(%dma_start3A_311 : memref<128xi32, #tpu.memory_space<vmem>>) semaphore(%arg11 : memref<!tpu.dma_semaphore, #tpu.memory_space<semaphore_mem>>)
      %scan3A = arith.constant 0 : i32
      %scan3A_315 = arith.constant 32 : i32
      %scan3A_316 = arith.addi %scan3A, %scan3A_315 : i32
      %scan3A_317 = arith.constant 1 : i32
      scf.for %scan3A_765 = %scan3A to %scan3A_316 step %scan3A_317  : i32 {
        %mul3A_766 = arith.constant 1 : i32
        %mul3A_767 = arith.muli %scan3A_765, %mul3A_766 : i32
        %add3A_768 = arith.constant 0 : i32
        %add3A_769 = arith.addi %add3A_768, %mul3A_767 : i32
        %mul3A_770 = arith.constant 4 : i32
        %mul3A_771 = arith.muli %add3A_769, %mul3A_770 : i32
        %broadcast_in_dim3A = vector.broadcast %mul3A_771 : i32 to vector<16xi32>
        %add3A_772 = arith.constant 0 : i32
        %add3A_773 = arith.addi %mul3A_771, %add3A_772 : i32
        %add3A_774 = arith.constant 0 : i32
        %add3A_775 = vector.broadcast %add3A_774 : i32 to vector<16xi32>
        %add3A_776 = arith.addi %broadcast_in_dim3A, %add3A_775 : vector<16xi32>
        %get3A = arith.index_cast %add3A_773 : i32 to index
        %get3A_777 = arith.constant 0 : index
        %get3A_778 = tpu.vector_load %arg6[%get3A, %get3A_777] {strides = array<i32>} : memref<128x64xf32, #tpu.memory_space<vmem>>, vector<16xf32>,
        %mul3A_779 = arith.constant 8.000000e+00 : f32
        %mul3A_780 = vector.broadcast %mul3A_779 : f32 to vector<16xf32>
        %mul3A_781 = arith.mulf %get3A_778, %mul3A_780 : vector<16xf32>
        tpu.vector_store_idx %arg8[%select_n3A_30, %select_n3A_156, %add3A_776], %mul3A_781 : memref<8x8x132xf32, #tpu.memory_space<vmem>>[vector<16xi32>, vector<16xi32>, vector<16xi32>], vector<16xf32>,
        %get3A_782 = arith.index_cast %add3A_773 : i32 to index
        %get3A_783 = arith.constant 16 : index
        %get3A_784 = tpu.vector_load %arg6[%get3A_782, %get3A_783] {strides = array<i32>} : memref<128x64xf32, #tpu.memory_space<vmem>>, vector<16xf32>,
        %mul3A_785 = arith.constant 8.000000e+00 : f32
        %mul3A_786 = vector.broadcast %mul3A_785 : f32 to vector<16xf32>
        %mul3A_787 = arith.mulf %get3A_784, %mul3A_786 : vector<16xf32>
        tpu.vector_store_idx %arg8[%select_n3A_64, %select_n3A_181, %add3A_776], %mul3A_787 : memref<8x8x132xf32, #tpu.memory_space<vmem>>[vector<16xi32>, vector<16xi32>, vector<16xi32>], vector<16xf32>,
        %get3A_788 = arith.index_cast %add3A_773 : i32 to index
        %get3A_789 = arith.constant 32 : index
        %get3A_790 = tpu.vector_load %arg6[%get3A_788, %get3A_789] {strides = array<i32>} : memref<128x64xf32, #tpu.memory_space<vmem>>, vector<16xf32>,
        %mul3A_791 = arith.constant 8.000000e+00 : f32
        %mul3A_792 = vector.broadcast %mul3A_791 : f32 to vector<16xf32>
        %mul3A_793 = arith.mulf %get3A_790, %mul3A_792 : vector<16xf32>
        tpu.vector_store_idx %arg8[%select_n3A_98, %select_n3A_206, %add3A_776], %mul3A_793 : memref<8x8x132xf32, #tpu.memory_space<vmem>>[vector<16xi32>, vector<16xi32>, vector<16xi32>], vector<16xf32>,
        %get3A_794 = arith.index_cast %add3A_773 : i32 to index
        %get3A_795 = arith.constant 48 : index
        %get3A_796 = tpu.vector_load %arg6[%get3A_794, %get3A_795] {strides = array<i32>} : memref<128x64xf32, #tpu.memory_space<vmem>>, vector<16xf32>,
        %mul3A_797 = arith.constant 8.000000e+00 : f32
        %mul3A_798 = vector.broadcast %mul3A_797 : f32 to vector<16xf32>
        %mul3A_799 = arith.mulf %get3A_796, %mul3A_798 : vector<16xf32>
        tpu.vector_store_idx %arg8[%select_n3A_132, %select_n3A_231, %add3A_776], %mul3A_799 : memref<8x8x132xf32, #tpu.memory_space<vmem>>[vector<16xi32>, vector<16xi32>, vector<16xi32>], vector<16xf32>,
        %add3A_800 = arith.constant 1 : i32
        %add3A_801 = arith.addi %mul3A_771, %add3A_800 : i32
        %add3A_802 = arith.constant 1 : i32
        %add3A_803 = vector.broadcast %add3A_802 : i32 to vector<16xi32>
        %add3A_804 = arith.addi %broadcast_in_dim3A, %add3A_803 : vector<16xi32>
        %get3A_805 = arith.index_cast %add3A_801 : i32 to index
        %get3A_806 = arith.constant 0 : index
        %get3A_807 = tpu.vector_load %arg6[%get3A_805, %get3A_806] {strides = array<i32>} : memref<128x64xf32, #tpu.memory_space<vmem>>, vector<16xf32>,
        %mul3A_808 = arith.constant 8.000000e+00 : f32
        %mul3A_809 = vector.broadcast %mul3A_808 : f32 to vector<16xf32>
        %mul3A_810 = arith.mulf %get3A_807, %mul3A_809 : vector<16xf32>
        tpu.vector_store_idx %arg8[%select_n3A_30, %select_n3A_156, %add3A_804], %mul3A_810 : memref<8x8x132xf32, #tpu.memory_space<vmem>>[vector<16xi32>, vector<16xi32>, vector<16xi32>], vector<16xf32>,
        %get3A_811 = arith.index_cast %add3A_801 : i32 to index
        %get3A_812 = arith.constant 16 : index
        %get3A_813 = tpu.vector_load %arg6[%get3A_811, %get3A_812] {strides = array<i32>} : memref<128x64xf32, #tpu.memory_space<vmem>>, vector<16xf32>,
        %mul3A_814 = arith.constant 8.000000e+00 : f32
        %mul3A_815 = vector.broadcast %mul3A_814 : f32 to vector<16xf32>
        %mul3A_816 = arith.mulf %get3A_813, %mul3A_815 : vector<16xf32>
        tpu.vector_store_idx %arg8[%select_n3A_64, %select_n3A_181, %add3A_804], %mul3A_816 : memref<8x8x132xf32, #tpu.memory_space<vmem>>[vector<16xi32>, vector<16xi32>, vector<16xi32>], vector<16xf32>,
        %get3A_817 = arith.index_cast %add3A_801 : i32 to index
        %get3A_818 = arith.constant 32 : index
        %get3A_819 = tpu.vector_load %arg6[%get3A_817, %get3A_818] {strides = array<i32>} : memref<128x64xf32, #tpu.memory_space<vmem>>, vector<16xf32>,
        %mul3A_820 = arith.constant 8.000000e+00 : f32
        %mul3A_821 = vector.broadcast %mul3A_820 : f32 to vector<16xf32>
        %mul3A_822 = arith.mulf %get3A_819, %mul3A_821 : vector<16xf32>
        tpu.vector_store_idx %arg8[%select_n3A_98, %select_n3A_206, %add3A_804], %mul3A_822 : memref<8x8x132xf32, #tpu.memory_space<vmem>>[vector<16xi32>, vector<16xi32>, vector<16xi32>], vector<16xf32>,
        %get3A_823 = arith.index_cast %add3A_801 : i32 to index
        %get3A_824 = arith.constant 48 : index
        %get3A_825 = tpu.vector_load %arg6[%get3A_823, %get3A_824] {strides = array<i32>} : memref<128x64xf32, #tpu.memory_space<vmem>>, vector<16xf32>,
        %mul3A_826 = arith.constant 8.000000e+00 : f32
        %mul3A_827 = vector.broadcast %mul3A_826 : f32 to vector<16xf32>
        %mul3A_828 = arith.mulf %get3A_825, %mul3A_827 : vector<16xf32>
        tpu.vector_store_idx %arg8[%select_n3A_132, %select_n3A_231, %add3A_804], %mul3A_828 : memref<8x8x132xf32, #tpu.memory_space<vmem>>[vector<16xi32>, vector<16xi32>, vector<16xi32>], vector<16xf32>,
        %add3A_829 = arith.constant 2 : i32
        %add3A_830 = arith.addi %mul3A_771, %add3A_829 : i32
        %add3A_831 = arith.constant 2 : i32
        %add3A_832 = vector.broadcast %add3A_831 : i32 to vector<16xi32>
        %add3A_833 = arith.addi %broadcast_in_dim3A, %add3A_832 : vector<16xi32>
        %get3A_834 = arith.index_cast %add3A_830 : i32 to index
        %get3A_835 = arith.constant 0 : index
        %get3A_836 = tpu.vector_load %arg6[%get3A_834, %get3A_835] {strides = array<i32>} : memref<128x64xf32, #tpu.memory_space<vmem>>, vector<16xf32>,
        %mul3A_837 = arith.constant 8.000000e+00 : f32
        %mul3A_838 = vector.broadcast %mul3A_837 : f32 to vector<16xf32>
        %mul3A_839 = arith.mulf %get3A_836, %mul3A_838 : vector<16xf32>
        tpu.vector_store_idx %arg8[%select_n3A_30, %select_n3A_156, %add3A_833], %mul3A_839 : memref<8x8x132xf32, #tpu.memory_space<vmem>>[vector<16xi32>, vector<16xi32>, vector<16xi32>], vector<16xf32>,
        %get3A_840 = arith.index_cast %add3A_830 : i32 to index
        %get3A_841 = arith.constant 16 : index
        %get3A_842 = tpu.vector_load %arg6[%get3A_840, %get3A_841] {strides = array<i32>} : memref<128x64xf32, #tpu.memory_space<vmem>>, vector<16xf32>,
        %mul3A_843 = arith.constant 8.000000e+00 : f32
        %mul3A_844 = vector.broadcast %mul3A_843 : f32 to vector<16xf32>
        %mul3A_845 = arith.mulf %get3A_842, %mul3A_844 : vector<16xf32>
        tpu.vector_store_idx %arg8[%select_n3A_64, %select_n3A_181, %add3A_833], %mul3A_845 : memref<8x8x132xf32, #tpu.memory_space<vmem>>[vector<16xi32>, vector<16xi32>, vector<16xi32>], vector<16xf32>,
        %get3A_846 = arith.index_cast %add3A_830 : i32 to index
        %get3A_847 = arith.constant 32 : index
        %get3A_848 = tpu.vector_load %arg6[%get3A_846, %get3A_847] {strides = array<i32>} : memref<128x64xf32, #tpu.memory_space<vmem>>, vector<16xf32>,
        %mul3A_849 = arith.constant 8.000000e+00 : f32
        %mul3A_850 = vector.broadcast %mul3A_849 : f32 to vector<16xf32>
        %mul3A_851 = arith.mulf %get3A_848, %mul3A_850 : vector<16xf32>
        tpu.vector_store_idx %arg8[%select_n3A_98, %select_n3A_206, %add3A_833], %mul3A_851 : memref<8x8x132xf32, #tpu.memory_space<vmem>>[vector<16xi32>, vector<16xi32>, vector<16xi32>], vector<16xf32>,
        %get3A_852 = arith.index_cast %add3A_830 : i32 to index
        %get3A_853 = arith.constant 48 : index
        %get3A_854 = tpu.vector_load %arg6[%get3A_852, %get3A_853] {strides = array<i32>} : memref<128x64xf32, #tpu.memory_space<vmem>>, vector<16xf32>,
        %mul3A_855 = arith.constant 8.000000e+00 : f32
        %mul3A_856 = vector.broadcast %mul3A_855 : f32 to vector<16xf32>
        %mul3A_857 = arith.mulf %get3A_854, %mul3A_856 : vector<16xf32>
        tpu.vector_store_idx %arg8[%select_n3A_132, %select_n3A_231, %add3A_833], %mul3A_857 : memref<8x8x132xf32, #tpu.memory_space<vmem>>[vector<16xi32>, vector<16xi32>, vector<16xi32>], vector<16xf32>,
        %add3A_858 = arith.constant 3 : i32
        %add3A_859 = arith.addi %mul3A_771, %add3A_858 : i32
        %add3A_860 = arith.constant 3 : i32
        %add3A_861 = vector.broadcast %add3A_860 : i32 to vector<16xi32>
        %add3A_862 = arith.addi %broadcast_in_dim3A, %add3A_861 : vector<16xi32>
        %get3A_863 = arith.index_cast %add3A_859 : i32 to index
        %get3A_864 = arith.constant 0 : index
        %get3A_865 = tpu.vector_load %arg6[%get3A_863, %get3A_864] {strides = array<i32>} : memref<128x64xf32, #tpu.memory_space<vmem>>, vector<16xf32>,
        %mul3A_866 = arith.constant 8.000000e+00 : f32
        %mul3A_867 = vector.broadcast %mul3A_866 : f32 to vector<16xf32>
        %mul3A_868 = arith.mulf %get3A_865, %mul3A_867 : vector<16xf32>
        tpu.vector_store_idx %arg8[%select_n3A_30, %select_n3A_156, %add3A_862], %mul3A_868 : memref<8x8x132xf32, #tpu.memory_space<vmem>>[vector<16xi32>, vector<16xi32>, vector<16xi32>], vector<16xf32>,
        %get3A_869 = arith.index_cast %add3A_859 : i32 to index
        %get3A_870 = arith.constant 16 : index
        %get3A_871 = tpu.vector_load %arg6[%get3A_869, %get3A_870] {strides = array<i32>} : memref<128x64xf32, #tpu.memory_space<vmem>>, vector<16xf32>,
        %mul3A_872 = arith.constant 8.000000e+00 : f32
        %mul3A_873 = vector.broadcast %mul3A_872 : f32 to vector<16xf32>
        %mul3A_874 = arith.mulf %get3A_871, %mul3A_873 : vector<16xf32>
        tpu.vector_store_idx %arg8[%select_n3A_64, %select_n3A_181, %add3A_862], %mul3A_874 : memref<8x8x132xf32, #tpu.memory_space<vmem>>[vector<16xi32>, vector<16xi32>, vector<16xi32>], vector<16xf32>,
        %get3A_875 = arith.index_cast %add3A_859 : i32 to index
        %get3A_876 = arith.constant 32 : index
        %get3A_877 = tpu.vector_load %arg6[%get3A_875, %get3A_876] {strides = array<i32>} : memref<128x64xf32, #tpu.memory_space<vmem>>, vector<16xf32>,
        %mul3A_878 = arith.constant 8.000000e+00 : f32
        %mul3A_879 = vector.broadcast %mul3A_878 : f32 to vector<16xf32>
        %mul3A_880 = arith.mulf %get3A_877, %mul3A_879 : vector<16xf32>
        tpu.vector_store_idx %arg8[%select_n3A_98, %select_n3A_206, %add3A_862], %mul3A_880 : memref<8x8x132xf32, #tpu.memory_space<vmem>>[vector<16xi32>, vector<16xi32>, vector<16xi32>], vector<16xf32>,
        %get3A_881 = arith.index_cast %add3A_859 : i32 to index
        %get3A_882 = arith.constant 48 : index
        %get3A_883 = tpu.vector_load %arg6[%get3A_881, %get3A_882] {strides = array<i32>} : memref<128x64xf32, #tpu.memory_space<vmem>>, vector<16xf32>,
        %mul3A_884 = arith.constant 8.000000e+00 : f32
        %mul3A_885 = vector.broadcast %mul3A_884 : f32 to vector<16xf32>
        %mul3A_886 = arith.mulf %get3A_883, %mul3A_885 : vector<16xf32>
        tpu.vector_store_idx %arg8[%select_n3A_132, %select_n3A_231, %add3A_862], %mul3A_886 : memref<8x8x132xf32, #tpu.memory_space<vmem>>[vector<16xi32>, vector<16xi32>, vector<16xi32>], vector<16xf32>,
      }
      %scan3A_318 = arith.constant 32 : i32
      %mul3A_319 = arith.constant 8 : i32
      %mul3A_320 = arith.muli %select_n3A_279, %mul3A_319 : i32
      %add3A_321 = arith.constant 0 : i32
      %add3A_322 = arith.addi %mul3A_320, %add3A_321 : i32
      %dma_start3A_323 = arith.constant 0 : i32
      %dma_start3A_324 = arith.constant 0 : i32
      %dma_start3A_325 = arith.constant 0 : i32
      %dma_start3A_326 = tpu.memref_slice %arg8[%dma_start3A_323, %dma_start3A_324, %dma_start3A_325] : memref<8x8x132xf32, #tpu.memory_space<vmem>> -> memref<8x8x128xf32, #tpu.memory_space<vmem>>
      %dma_start3A_327 = arith.constant 0 : i32
      %dma_start3A_328 = arith.constant 0 : i32
      %dma_start3A_329 = arith.constant 0 : i32
      %dma_start3A_330 = tpu.memref_slice %arg4[%add3A_322, %dma_start3A_327, %select_n3A_295, %dma_start3A_328, %dma_start3A_329] : memref<200x8x8x8x128xf32, #tpu.memory_space<hbm>> -> memref<1x8x1x8x128xf32, #tpu.memory_space<hbm>>
      %dma_start3A_331 = tpu.memref_squeeze %dma_start3A_330 : memref<1x8x1x8x128xf32, #tpu.memory_space<hbm>> -> memref<8x8x128xf32, #tpu.memory_space<hbm>>
      %dma_start3A_332 = arith.constant 0 : i32
      %dma_start3A_333 = arith.constant 0 : i32
      %dma_start3A_334 = arith.constant 0 : i32
      %dma_start3A_335 = tpu.memref_slice %arg4[%add3A_322, %dma_start3A_332, %select_n3A_295, %dma_start3A_333, %dma_start3A_334] : memref<200x8x8x8x128xf32, #tpu.memory_space<hbm>> -> memref<1x8x1x8x128xf32, #tpu.memory_space<hbm>>
      %dma_start3A_336 = tpu.memref_squeeze %dma_start3A_335 : memref<1x8x1x8x128xf32, #tpu.memory_space<hbm>> -> memref<8x8x128xf32, #tpu.memory_space<hbm>>
      %dma_start3A_337 = arith.constant 0 : i32
      %dma_start3A_338 = arith.constant 0 : i32
      %dma_start3A_339 = arith.constant 0 : i32
      %dma_start3A_340 = tpu.memref_slice %arg8[%dma_start3A_337, %dma_start3A_338, %dma_start3A_339] : memref<8x8x132xf32, #tpu.memory_space<vmem>> -> memref<8x8x128xf32, #tpu.memory_space<vmem>>
      tpu.enqueue_dma source(%dma_start3A_340 : memref<8x8x128xf32, #tpu.memory_space<vmem>>) target(%dma_start3A_336 : memref<8x8x128xf32, #tpu.memory_space<hbm>>) target_semaphore(%arg12 : memref<!tpu.dma_semaphore, #tpu.memory_space<semaphore_mem>>)
      %dma_wait3A_341 = arith.constant 1 : i32
      %dma_wait3A_342 = arith.constant 0 : i32
      %dma_wait3A_343 = tpu.memref_slice %arg5[%dma_wait3A_341, %dma_wait3A_342] : memref<8x128xi32, #tpu.memory_space<vmem>> -> memref<1x128xi32, #tpu.memory_space<vmem>>
      %dma_wait3A_344 = tpu.memref_squeeze %dma_wait3A_343 : memref<1x128xi32, #tpu.memory_space<vmem>> -> memref<128xi32, #tpu.memory_space<vmem>>
      %dma_wait3A_345 = arith.constant 0 : i32
      %dma_wait3A_346 = arith.constant 0 : i32
      %dma_wait3A_347 = tpu.memref_slice %arg3[%dma_wait3A_345, %dma_wait3A_346] : memref<1000000x64xf32, #tpu.memory_space<hbm>> -> memref<1000000x64xf32, #tpu.memory_space<hbm>>
      tpu.wait_indirect_dma semaphore(%arg11 : memref<!tpu.dma_semaphore, #tpu.memory_space<semaphore_mem>>) src(%dma_wait3A_347 : memref<1000000x64xf32, #tpu.memory_space<hbm>>) dst(%arg7 : memref<128x64xf32, #tpu.memory_space<vmem>>)
      %dma_start3A_348 = arith.constant 2 : i32
      %dma_start3A_349 = arith.constant 0 : i32
      %dma_start3A_350 = tpu.memref_slice %arg5[%dma_start3A_348, %dma_start3A_349] : memref<8x128xi32, #tpu.memory_space<vmem>> -> memref<1x128xi32, #tpu.memory_space<vmem>>
      %dma_start3A_351 = tpu.memref_squeeze %dma_start3A_350 : memref<1x128xi32, #tpu.memory_space<vmem>> -> memref<128xi32, #tpu.memory_space<vmem>>
      %dma_start3A_352 = arith.constant 0 : i32
      %dma_start3A_353 = arith.constant 0 : i32
      %dma_start3A_354 = tpu.memref_slice %arg3[%dma_start3A_352, %dma_start3A_353] : memref<1000000x64xf32, #tpu.memory_space<hbm>> -> memref<1000000x64xf32, #tpu.memory_space<hbm>>
      tpu.enqueue_indirect_dma source(%dma_start3A_354 : memref<1000000x64xf32, #tpu.memory_space<hbm>>) target(%arg6 : memref<128x64xf32, #tpu.memory_space<vmem>>) offsets(%dma_start3A_351 : memref<128xi32, #tpu.memory_space<vmem>>) semaphore(%arg10 : memref<!tpu.dma_semaphore, #tpu.memory_space<semaphore_mem>>)
      %scan3A_355 = arith.constant 0 : i32
      %scan3A_356 = arith.constant 32 : i32
      %scan3A_357 = arith.addi %scan3A_355, %scan3A_356 : i32
      %scan3A_358 = arith.constant 1 : i32
      scf.for %scan3A_765 = %scan3A_355 to %scan3A_357 step %scan3A_358  : i32 {
        %mul3A_766 = arith.constant 1 : i32
        %mul3A_767 = arith.muli %scan3A_765, %mul3A_766 : i32
        %add3A_768 = arith.constant 0 : i32
        %add3A_769 = arith.addi %add3A_768, %mul3A_767 : i32
        %mul3A_770 = arith.constant 4 : i32
        %mul3A_771 = arith.muli %add3A_769, %mul3A_770 : i32
        %broadcast_in_dim3A = vector.broadcast %mul3A_771 : i32 to vector<16xi32>
        %add3A_772 = arith.constant 0 : i32
        %add3A_773 = arith.addi %mul3A_771, %add3A_772 : i32
        %add3A_774 = arith.constant 0 : i32
        %add3A_775 = vector.broadcast %add3A_774 : i32 to vector<16xi32>
        %add3A_776 = arith.addi %broadcast_in_dim3A, %add3A_775 : vector<16xi32>
        %get3A = arith.index_cast %add3A_773 : i32 to index
        %get3A_777 = arith.constant 0 : index
        %get3A_778 = tpu.vector_load %arg7[%get3A, %get3A_777] {strides = array<i32>} : memref<128x64xf32, #tpu.memory_space<vmem>>, vector<16xf32>,
        %mul3A_779 = arith.constant 8.000000e+00 : f32
        %mul3A_780 = vector.broadcast %mul3A_779 : f32 to vector<16xf32>
        %mul3A_781 = arith.mulf %get3A_778, %mul3A_780 : vector<16xf32>
        tpu.vector_store_idx %arg9[%select_n3A_30, %select_n3A_156, %add3A_776], %mul3A_781 : memref<8x8x132xf32, #tpu.memory_space<vmem>>[vector<16xi32>, vector<16xi32>, vector<16xi32>], vector<16xf32>,
        %get3A_782 = arith.index_cast %add3A_773 : i32 to index
        %get3A_783 = arith.constant 16 : index
        %get3A_784 = tpu.vector_load %arg7[%get3A_782, %get3A_783] {strides = array<i32>} : memref<128x64xf32, #tpu.memory_space<vmem>>, vector<16xf32>,
        %mul3A_785 = arith.constant 8.000000e+00 : f32
        %mul3A_786 = vector.broadcast %mul3A_785 : f32 to vector<16xf32>
        %mul3A_787 = arith.mulf %get3A_784, %mul3A_786 : vector<16xf32>
        tpu.vector_store_idx %arg9[%select_n3A_64, %select_n3A_181, %add3A_776], %mul3A_787 : memref<8x8x132xf32, #tpu.memory_space<vmem>>[vector<16xi32>, vector<16xi32>, vector<16xi32>], vector<16xf32>,
        %get3A_788 = arith.index_cast %add3A_773 : i32 to index
        %get3A_789 = arith.constant 32 : index
        %get3A_790 = tpu.vector_load %arg7[%get3A_788, %get3A_789] {strides = array<i32>} : memref<128x64xf32, #tpu.memory_space<vmem>>, vector<16xf32>,
        %mul3A_791 = arith.constant 8.000000e+00 : f32
        %mul3A_792 = vector.broadcast %mul3A_791 : f32 to vector<16xf32>
        %mul3A_793 = arith.mulf %get3A_790, %mul3A_792 : vector<16xf32>
        tpu.vector_store_idx %arg9[%select_n3A_98, %select_n3A_206, %add3A_776], %mul3A_793 : memref<8x8x132xf32, #tpu.memory_space<vmem>>[vector<16xi32>, vector<16xi32>, vector<16xi32>], vector<16xf32>,
        %get3A_794 = arith.index_cast %add3A_773 : i32 to index
        %get3A_795 = arith.constant 48 : index
        %get3A_796 = tpu.vector_load %arg7[%get3A_794, %get3A_795] {strides = array<i32>} : memref<128x64xf32, #tpu.memory_space<vmem>>, vector<16xf32>,
        %mul3A_797 = arith.constant 8.000000e+00 : f32
        %mul3A_798 = vector.broadcast %mul3A_797 : f32 to vector<16xf32>
        %mul3A_799 = arith.mulf %get3A_796, %mul3A_798 : vector<16xf32>
        tpu.vector_store_idx %arg9[%select_n3A_132, %select_n3A_231, %add3A_776], %mul3A_799 : memref<8x8x132xf32, #tpu.memory_space<vmem>>[vector<16xi32>, vector<16xi32>, vector<16xi32>], vector<16xf32>,
        %add3A_800 = arith.constant 1 : i32
        %add3A_801 = arith.addi %mul3A_771, %add3A_800 : i32
        %add3A_802 = arith.constant 1 : i32
        %add3A_803 = vector.broadcast %add3A_802 : i32 to vector<16xi32>
        %add3A_804 = arith.addi %broadcast_in_dim3A, %add3A_803 : vector<16xi32>
        %get3A_805 = arith.index_cast %add3A_801 : i32 to index
        %get3A_806 = arith.constant 0 : index
        %get3A_807 = tpu.vector_load %arg7[%get3A_805, %get3A_806] {strides = array<i32>} : memref<128x64xf32, #tpu.memory_space<vmem>>, vector<16xf32>,
        %mul3A_808 = arith.constant 8.000000e+00 : f32
        %mul3A_809 = vector.broadcast %mul3A_808 : f32 to vector<16xf32>
        %mul3A_810 = arith.mulf %get3A_807, %mul3A_809 : vector<16xf32>
        tpu.vector_store_idx %arg9[%select_n3A_30, %select_n3A_156, %add3A_804], %mul3A_810 : memref<8x8x132xf32, #tpu.memory_space<vmem>>[vector<16xi32>, vector<16xi32>, vector<16xi32>], vector<16xf32>,
        %get3A_811 = arith.index_cast %add3A_801 : i32 to index
        %get3A_812 = arith.constant 16 : index
        %get3A_813 = tpu.vector_load %arg7[%get3A_811, %get3A_812] {strides = array<i32>} : memref<128x64xf32, #tpu.memory_space<vmem>>, vector<16xf32>,
        %mul3A_814 = arith.constant 8.000000e+00 : f32
        %mul3A_815 = vector.broadcast %mul3A_814 : f32 to vector<16xf32>
        %mul3A_816 = arith.mulf %get3A_813, %mul3A_815 : vector<16xf32>
        tpu.vector_store_idx %arg9[%select_n3A_64, %select_n3A_181, %add3A_804], %mul3A_816 : memref<8x8x132xf32, #tpu.memory_space<vmem>>[vector<16xi32>, vector<16xi32>, vector<16xi32>], vector<16xf32>,
        %get3A_817 = arith.index_cast %add3A_801 : i32 to index
        %get3A_818 = arith.constant 32 : index
        %get3A_819 = tpu.vector_load %arg7[%get3A_817, %get3A_818] {strides = array<i32>} : memref<128x64xf32, #tpu.memory_space<vmem>>, vector<16xf32>,
        %mul3A_820 = arith.constant 8.000000e+00 : f32
        %mul3A_821 = vector.broadcast %mul3A_820 : f32 to vector<16xf32>
        %mul3A_822 = arith.mulf %get3A_819, %mul3A_821 : vector<16xf32>
        tpu.vector_store_idx %arg9[%select_n3A_98, %select_n3A_206, %add3A_804], %mul3A_822 : memref<8x8x132xf32, #tpu.memory_space<vmem>>[vector<16xi32>, vector<16xi32>, vector<16xi32>], vector<16xf32>,
        %get3A_823 = arith.index_cast %add3A_801 : i32 to index
        %get3A_824 = arith.constant 48 : index
        %get3A_825 = tpu.vector_load %arg7[%get3A_823, %get3A_824] {strides = array<i32>} : memref<128x64xf32, #tpu.memory_space<vmem>>, vector<16xf32>,
        %mul3A_826 = arith.constant 8.000000e+00 : f32
        %mul3A_827 = vector.broadcast %mul3A_826 : f32 to vector<16xf32>
        %mul3A_828 = arith.mulf %get3A_825, %mul3A_827 : vector<16xf32>
        tpu.vector_store_idx %arg9[%select_n3A_132, %select_n3A_231, %add3A_804], %mul3A_828 : memref<8x8x132xf32, #tpu.memory_space<vmem>>[vector<16xi32>, vector<16xi32>, vector<16xi32>], vector<16xf32>,
        %add3A_829 = arith.constant 2 : i32
        %add3A_830 = arith.addi %mul3A_771, %add3A_829 : i32
        %add3A_831 = arith.constant 2 : i32
        %add3A_832 = vector.broadcast %add3A_831 : i32 to vector<16xi32>
        %add3A_833 = arith.addi %broadcast_in_dim3A, %add3A_832 : vector<16xi32>
        %get3A_834 = arith.index_cast %add3A_830 : i32 to index
        %get3A_835 = arith.constant 0 : index
        %get3A_836 = tpu.vector_load %arg7[%get3A_834, %get3A_835] {strides = array<i32>} : memref<128x64xf32, #tpu.memory_space<vmem>>, vector<16xf32>,
        %mul3A_837 = arith.constant 8.000000e+00 : f32
        %mul3A_838 = vector.broadcast %mul3A_837 : f32 to vector<16xf32>
        %mul3A_839 = arith.mulf %get3A_836, %mul3A_838 : vector<16xf32>
        tpu.vector_store_idx %arg9[%select_n3A_30, %select_n3A_156, %add3A_833], %mul3A_839 : memref<8x8x132xf32, #tpu.memory_space<vmem>>[vector<16xi32>, vector<16xi32>, vector<16xi32>], vector<16xf32>,
        %get3A_840 = arith.index_cast %add3A_830 : i32 to index
        %get3A_841 = arith.constant 16 : index
        %get3A_842 = tpu.vector_load %arg7[%get3A_840, %get3A_841] {strides = array<i32>} : memref<128x64xf32, #tpu.memory_space<vmem>>, vector<16xf32>,
        %mul3A_843 = arith.constant 8.000000e+00 : f32
        %mul3A_844 = vector.broadcast %mul3A_843 : f32 to vector<16xf32>
        %mul3A_845 = arith.mulf %get3A_842, %mul3A_844 : vector<16xf32>
        tpu.vector_store_idx %arg9[%select_n3A_64, %select_n3A_181, %add3A_833], %mul3A_845 : memref<8x8x132xf32, #tpu.memory_space<vmem>>[vector<16xi32>, vector<16xi32>, vector<16xi32>], vector<16xf32>,
        %get3A_846 = arith.index_cast %add3A_830 : i32 to index
        %get3A_847 = arith.constant 32 : index
        %get3A_848 = tpu.vector_load %arg7[%get3A_846, %get3A_847] {strides = array<i32>} : memref<128x64xf32, #tpu.memory_space<vmem>>, vector<16xf32>,
        %mul3A_849 = arith.constant 8.000000e+00 : f32
        %mul3A_850 = vector.broadcast %mul3A_849 : f32 to vector<16xf32>
        %mul3A_851 = arith.mulf %get3A_848, %mul3A_850 : vector<16xf32>
        tpu.vector_store_idx %arg9[%select_n3A_98, %select_n3A_206, %add3A_833], %mul3A_851 : memref<8x8x132xf32, #tpu.memory_space<vmem>>[vector<16xi32>, vector<16xi32>, vector<16xi32>], vector<16xf32>,
        %get3A_852 = arith.index_cast %add3A_830 : i32 to index
        %get3A_853 = arith.constant 48 : index
        %get3A_854 = tpu.vector_load %arg7[%get3A_852, %get3A_853] {strides = array<i32>} : memref<128x64xf32, #tpu.memory_space<vmem>>, vector<16xf32>,
        %mul3A_855 = arith.constant 8.000000e+00 : f32
        %mul3A_856 = vector.broadcast %mul3A_855 : f32 to vector<16xf32>
        %mul3A_857 = arith.mulf %get3A_854, %mul3A_856 : vector<16xf32>
        tpu.vector_store_idx %arg9[%select_n3A_132, %select_n3A_231, %add3A_833], %mul3A_857 : memref<8x8x132xf32, #tpu.memory_space<vmem>>[vector<16xi32>, vector<16xi32>, vector<16xi32>], vector<16xf32>,
        %add3A_858 = arith.constant 3 : i32
        %add3A_859 = arith.addi %mul3A_771, %add3A_858 : i32
        %add3A_860 = arith.constant 3 : i32
        %add3A_861 = vector.broadcast %add3A_860 : i32 to vector<16xi32>
        %add3A_862 = arith.addi %broadcast_in_dim3A, %add3A_861 : vector<16xi32>
        %get3A_863 = arith.index_cast %add3A_859 : i32 to index
        %get3A_864 = arith.constant 0 : index
        %get3A_865 = tpu.vector_load %arg7[%get3A_863, %get3A_864] {strides = array<i32>} : memref<128x64xf32, #tpu.memory_space<vmem>>, vector<16xf32>,
        %mul3A_866 = arith.constant 8.000000e+00 : f32
        %mul3A_867 = vector.broadcast %mul3A_866 : f32 to vector<16xf32>
        %mul3A_868 = arith.mulf %get3A_865, %mul3A_867 : vector<16xf32>
        tpu.vector_store_idx %arg9[%select_n3A_30, %select_n3A_156, %add3A_862], %mul3A_868 : memref<8x8x132xf32, #tpu.memory_space<vmem>>[vector<16xi32>, vector<16xi32>, vector<16xi32>], vector<16xf32>,
        %get3A_869 = arith.index_cast %add3A_859 : i32 to index
        %get3A_870 = arith.constant 16 : index
        %get3A_871 = tpu.vector_load %arg7[%get3A_869, %get3A_870] {strides = array<i32>} : memref<128x64xf32, #tpu.memory_space<vmem>>, vector<16xf32>,
        %mul3A_872 = arith.constant 8.000000e+00 : f32
        %mul3A_873 = vector.broadcast %mul3A_872 : f32 to vector<16xf32>
        %mul3A_874 = arith.mulf %get3A_871, %mul3A_873 : vector<16xf32>
        tpu.vector_store_idx %arg9[%select_n3A_64, %select_n3A_181, %add3A_862], %mul3A_874 : memref<8x8x132xf32, #tpu.memory_space<vmem>>[vector<16xi32>, vector<16xi32>, vector<16xi32>], vector<16xf32>,
        %get3A_875 = arith.index_cast %add3A_859 : i32 to index
        %get3A_876 = arith.constant 32 : index
        %get3A_877 = tpu.vector_load %arg7[%get3A_875, %get3A_876] {strides = array<i32>} : memref<128x64xf32, #tpu.memory_space<vmem>>, vector<16xf32>,
        %mul3A_878 = arith.constant 8.000000e+00 : f32
        %mul3A_879 = vector.broadcast %mul3A_878 : f32 to vector<16xf32>
        %mul3A_880 = arith.mulf %get3A_877, %mul3A_879 : vector<16xf32>
        tpu.vector_store_idx %arg9[%select_n3A_98, %select_n3A_206, %add3A_862], %mul3A_880 : memref<8x8x132xf32, #tpu.memory_space<vmem>>[vector<16xi32>, vector<16xi32>, vector<16xi32>], vector<16xf32>,
        %get3A_881 = arith.index_cast %add3A_859 : i32 to index
        %get3A_882 = arith.constant 48 : index
        %get3A_883 = tpu.vector_load %arg7[%get3A_881, %get3A_882] {strides = array<i32>} : memref<128x64xf32, #tpu.memory_space<vmem>>, vector<16xf32>,
        %mul3A_884 = arith.constant 8.000000e+00 : f32
        %mul3A_885 = vector.broadcast %mul3A_884 : f32 to vector<16xf32>
        %mul3A_886 = arith.mulf %get3A_883, %mul3A_885 : vector<16xf32>
        tpu.vector_store_idx %arg9[%select_n3A_132, %select_n3A_231, %add3A_862], %mul3A_886 : memref<8x8x132xf32, #tpu.memory_space<vmem>>[vector<16xi32>, vector<16xi32>, vector<16xi32>], vector<16xf32>,
      }
      %scan3A_359 = arith.constant 32 : i32
      %mul3A_360 = arith.constant 8 : i32
      %mul3A_361 = arith.muli %select_n3A_279, %mul3A_360 : i32
      %add3A_362 = arith.constant 1 : i32
      %add3A_363 = arith.addi %mul3A_361, %add3A_362 : i32
      %dma_start3A_364 = arith.constant 0 : i32
      %dma_start3A_365 = arith.constant 0 : i32
      %dma_start3A_366 = arith.constant 0 : i32
      %dma_start3A_367 = tpu.memref_slice %arg9[%dma_start3A_364, %dma_start3A_365, %dma_start3A_366] : memref<8x8x132xf32, #tpu.memory_space<vmem>> -> memref<8x8x128xf32, #tpu.memory_space<vmem>>
      %dma_start3A_368 = arith.constant 0 : i32
      %dma_start3A_369 = arith.constant 0 : i32
      %dma_start3A_370 = arith.constant 0 : i32
      %dma_start3A_371 = tpu.memref_slice %arg4[%add3A_363, %dma_start3A_368, %select_n3A_295, %dma_start3A_369, %dma_start3A_370] : memref<200x8x8x8x128xf32, #tpu.memory_space<hbm>> -> memref<1x8x1x8x128xf32, #tpu.memory_space<hbm>>
      %dma_start3A_372 = tpu.memref_squeeze %dma_start3A_371 : memref<1x8x1x8x128xf32, #tpu.memory_space<hbm>> -> memref<8x8x128xf32, #tpu.memory_space<hbm>>
      %dma_start3A_373 = arith.constant 0 : i32
      %dma_start3A_374 = arith.constant 0 : i32
      %dma_start3A_375 = arith.constant 0 : i32
      %dma_start3A_376 = tpu.memref_slice %arg4[%add3A_363, %dma_start3A_373, %select_n3A_295, %dma_start3A_374, %dma_start3A_375] : memref<200x8x8x8x128xf32, #tpu.memory_space<hbm>> -> memref<1x8x1x8x128xf32, #tpu.memory_space<hbm>>
      %dma_start3A_377 = tpu.memref_squeeze %dma_start3A_376 : memref<1x8x1x8x128xf32, #tpu.memory_space<hbm>> -> memref<8x8x128xf32, #tpu.memory_space<hbm>>
      %dma_start3A_378 = arith.constant 0 : i32
      %dma_start3A_379 = arith.constant 0 : i32
      %dma_start3A_380 = arith.constant 0 : i32
      %dma_start3A_381 = tpu.memref_slice %arg9[%dma_start3A_378, %dma_start3A_379, %dma_start3A_380] : memref<8x8x132xf32, #tpu.memory_space<vmem>> -> memref<8x8x128xf32, #tpu.memory_space<vmem>>
      tpu.enqueue_dma source(%dma_start3A_381 : memref<8x8x128xf32, #tpu.memory_space<vmem>>) target(%dma_start3A_377 : memref<8x8x128xf32, #tpu.memory_space<hbm>>) target_semaphore(%arg13 : memref<!tpu.dma_semaphore, #tpu.memory_space<semaphore_mem>>)
      %dma_wait3A_382 = arith.constant 2 : i32
      %dma_wait3A_383 = arith.constant 0 : i32
      %dma_wait3A_384 = tpu.memref_slice %arg5[%dma_wait3A_382, %dma_wait3A_383] : memref<8x128xi32, #tpu.memory_space<vmem>> -> memref<1x128xi32, #tpu.memory_space<vmem>>
      %dma_wait3A_385 = tpu.memref_squeeze %dma_wait3A_384 : memref<1x128xi32, #tpu.memory_space<vmem>> -> memref<128xi32, #tpu.memory_space<vmem>>
      %dma_wait3A_386 = arith.constant 0 : i32
      %dma_wait3A_387 = arith.constant 0 : i32
      %dma_wait3A_388 = tpu.memref_slice %arg3[%dma_wait3A_386, %dma_wait3A_387] : memref<1000000x64xf32, #tpu.memory_space<hbm>> -> memref<1000000x64xf32, #tpu.memory_space<hbm>>
      tpu.wait_indirect_dma semaphore(%arg10 : memref<!tpu.dma_semaphore, #tpu.memory_space<semaphore_mem>>) src(%dma_wait3A_388 : memref<1000000x64xf32, #tpu.memory_space<hbm>>) dst(%arg6 : memref<128x64xf32, #tpu.memory_space<vmem>>)
      %dma_start3A_389 = arith.constant 3 : i32
      %dma_start3A_390 = arith.constant 0 : i32
      %dma_start3A_391 = tpu.memref_slice %arg5[%dma_start3A_389, %dma_start3A_390] : memref<8x128xi32, #tpu.memory_space<vmem>> -> memref<1x128xi32, #tpu.memory_space<vmem>>
      %dma_start3A_392 = tpu.memref_squeeze %dma_start3A_391 : memref<1x128xi32, #tpu.memory_space<vmem>> -> memref<128xi32, #tpu.memory_space<vmem>>
      %dma_start3A_393 = arith.constant 0 : i32
      %dma_start3A_394 = arith.constant 0 : i32
      %dma_start3A_395 = tpu.memref_slice %arg3[%dma_start3A_393, %dma_start3A_394] : memref<1000000x64xf32, #tpu.memory_space<hbm>> -> memref<1000000x64xf32, #tpu.memory_space<hbm>>
      tpu.enqueue_indirect_dma source(%dma_start3A_395 : memref<1000000x64xf32, #tpu.memory_space<hbm>>) target(%arg7 : memref<128x64xf32, #tpu.memory_space<vmem>>) offsets(%dma_start3A_392 : memref<128xi32, #tpu.memory_space<vmem>>) semaphore(%arg11 : memref<!tpu.dma_semaphore, #tpu.memory_space<semaphore_mem>>)
      %dma_wait3A_396 = arith.constant 0 : i32
      %dma_wait3A_397 = arith.constant 0 : i32
      %dma_wait3A_398 = arith.constant 0 : i32
      %dma_wait3A_399 = tpu.memref_slice %arg8[%dma_wait3A_396, %dma_wait3A_397, %dma_wait3A_398] : memref<8x8x132xf32, #tpu.memory_space<vmem>> -> memref<8x8x128xf32, #tpu.memory_space<vmem>>
      %dma_wait3A_400 = arith.constant 0 : i32
      %dma_wait3A_401 = arith.constant 0 : i32
      %dma_wait3A_402 = arith.constant 0 : i32
      %dma_wait3A_403 = tpu.memref_slice %arg4[%add3A_322, %dma_wait3A_400, %select_n3A_295, %dma_wait3A_401, %dma_wait3A_402] : memref<200x8x8x8x128xf32, #tpu.memory_space<hbm>> -> memref<1x8x1x8x128xf32, #tpu.memory_space<hbm>>
      %dma_wait3A_404 = tpu.memref_squeeze %dma_wait3A_403 : memref<1x8x1x8x128xf32, #tpu.memory_space<hbm>> -> memref<8x8x128xf32, #tpu.memory_space<hbm>>
      %dma_wait3A_405 = arith.constant 0 : i32
      %dma_wait3A_406 = arith.constant 0 : i32
      %dma_wait3A_407 = arith.constant 0 : i32
      %dma_wait3A_408 = tpu.memref_slice %arg4[%add3A_322, %dma_wait3A_405, %select_n3A_295, %dma_wait3A_406, %dma_wait3A_407] : memref<200x8x8x8x128xf32, #tpu.memory_space<hbm>> -> memref<1x8x1x8x128xf32, #tpu.memory_space<hbm>>
      %dma_wait3A_409 = tpu.memref_squeeze %dma_wait3A_408 : memref<1x8x1x8x128xf32, #tpu.memory_space<hbm>> -> memref<8x8x128xf32, #tpu.memory_space<hbm>>
      %dma_wait3A_410 = arith.constant 0 : i32
      %dma_wait3A_411 = arith.constant 0 : i32
      %dma_wait3A_412 = arith.constant 0 : i32
      %dma_wait3A_413 = tpu.memref_slice %arg8[%dma_wait3A_410, %dma_wait3A_411, %dma_wait3A_412] : memref<8x8x132xf32, #tpu.memory_space<vmem>> -> memref<8x8x128xf32, #tpu.memory_space<vmem>>
      tpu.wait_dma2 semaphore(%arg12 : memref<!tpu.dma_semaphore, #tpu.memory_space<semaphore_mem>>) src(%dma_wait3A_413 : memref<8x8x128xf32, #tpu.memory_space<vmem>>) dst(%dma_wait3A_409 : memref<8x8x128xf32, #tpu.memory_space<hbm>>)
      %scan3A_414 = arith.constant 0 : i32
      %scan3A_415 = arith.constant 32 : i32
      %scan3A_416 = arith.addi %scan3A_414, %scan3A_415 : i32
      %scan3A_417 = arith.constant 1 : i32
      scf.for %scan3A_765 = %scan3A_414 to %scan3A_416 step %scan3A_417  : i32 {
        %mul3A_766 = arith.constant 1 : i32
        %mul3A_767 = arith.muli %scan3A_765, %mul3A_766 : i32
        %add3A_768 = arith.constant 0 : i32
        %add3A_769 = arith.addi %add3A_768, %mul3A_767 : i32
        %mul3A_770 = arith.constant 4 : i32
        %mul3A_771 = arith.muli %add3A_769, %mul3A_770 : i32
        %broadcast_in_dim3A = vector.broadcast %mul3A_771 : i32 to vector<16xi32>
        %add3A_772 = arith.constant 0 : i32
        %add3A_773 = arith.addi %mul3A_771, %add3A_772 : i32
        %add3A_774 = arith.constant 0 : i32
        %add3A_775 = vector.broadcast %add3A_774 : i32 to vector<16xi32>
        %add3A_776 = arith.addi %broadcast_in_dim3A, %add3A_775 : vector<16xi32>
        %get3A = arith.index_cast %add3A_773 : i32 to index
        %get3A_777 = arith.constant 0 : index
        %get3A_778 = tpu.vector_load %arg6[%get3A, %get3A_777] {strides = array<i32>} : memref<128x64xf32, #tpu.memory_space<vmem>>, vector<16xf32>,
        %mul3A_779 = arith.constant 8.000000e+00 : f32
        %mul3A_780 = vector.broadcast %mul3A_779 : f32 to vector<16xf32>
        %mul3A_781 = arith.mulf %get3A_778, %mul3A_780 : vector<16xf32>
        tpu.vector_store_idx %arg8[%select_n3A_30, %select_n3A_156, %add3A_776], %mul3A_781 : memref<8x8x132xf32, #tpu.memory_space<vmem>>[vector<16xi32>, vector<16xi32>, vector<16xi32>], vector<16xf32>,
        %get3A_782 = arith.index_cast %add3A_773 : i32 to index
        %get3A_783 = arith.constant 16 : index
        %get3A_784 = tpu.vector_load %arg6[%get3A_782, %get3A_783] {strides = array<i32>} : memref<128x64xf32, #tpu.memory_space<vmem>>, vector<16xf32>,
        %mul3A_785 = arith.constant 8.000000e+00 : f32
        %mul3A_786 = vector.broadcast %mul3A_785 : f32 to vector<16xf32>
        %mul3A_787 = arith.mulf %get3A_784, %mul3A_786 : vector<16xf32>
        tpu.vector_store_idx %arg8[%select_n3A_64, %select_n3A_181, %add3A_776], %mul3A_787 : memref<8x8x132xf32, #tpu.memory_space<vmem>>[vector<16xi32>, vector<16xi32>, vector<16xi32>], vector<16xf32>,
        %get3A_788 = arith.index_cast %add3A_773 : i32 to index
        %get3A_789 = arith.constant 32 : index
        %get3A_790 = tpu.vector_load %arg6[%get3A_788, %get3A_789] {strides = array<i32>} : memref<128x64xf32, #tpu.memory_space<vmem>>, vector<16xf32>,
        %mul3A_791 = arith.constant 8.000000e+00 : f32
        %mul3A_792 = vector.broadcast %mul3A_791 : f32 to vector<16xf32>
        %mul3A_793 = arith.mulf %get3A_790, %mul3A_792 : vector<16xf32>
        tpu.vector_store_idx %arg8[%select_n3A_98, %select_n3A_206, %add3A_776], %mul3A_793 : memref<8x8x132xf32, #tpu.memory_space<vmem>>[vector<16xi32>, vector<16xi32>, vector<16xi32>], vector<16xf32>,
        %get3A_794 = arith.index_cast %add3A_773 : i32 to index
        %get3A_795 = arith.constant 48 : index
        %get3A_796 = tpu.vector_load %arg6[%get3A_794, %get3A_795] {strides = array<i32>} : memref<128x64xf32, #tpu.memory_space<vmem>>, vector<16xf32>,
        %mul3A_797 = arith.constant 8.000000e+00 : f32
        %mul3A_798 = vector.broadcast %mul3A_797 : f32 to vector<16xf32>
        %mul3A_799 = arith.mulf %get3A_796, %mul3A_798 : vector<16xf32>
        tpu.vector_store_idx %arg8[%select_n3A_132, %select_n3A_231, %add3A_776], %mul3A_799 : memref<8x8x132xf32, #tpu.memory_space<vmem>>[vector<16xi32>, vector<16xi32>, vector<16xi32>], vector<16xf32>,
        %add3A_800 = arith.constant 1 : i32
        %add3A_801 = arith.addi %mul3A_771, %add3A_800 : i32
        %add3A_802 = arith.constant 1 : i32
        %add3A_803 = vector.broadcast %add3A_802 : i32 to vector<16xi32>
        %add3A_804 = arith.addi %broadcast_in_dim3A, %add3A_803 : vector<16xi32>
        %get3A_805 = arith.index_cast %add3A_801 : i32 to index
        %get3A_806 = arith.constant 0 : index
        %get3A_807 = tpu.vector_load %arg6[%get3A_805, %get3A_806] {strides = array<i32>} : memref<128x64xf32, #tpu.memory_space<vmem>>, vector<16xf32>,
        %mul3A_808 = arith.constant 8.000000e+00 : f32
        %mul3A_809 = vector.broadcast %mul3A_808 : f32 to vector<16xf32>
        %mul3A_810 = arith.mulf %get3A_807, %mul3A_809 : vector<16xf32>
        tpu.vector_store_idx %arg8[%select_n3A_30, %select_n3A_156, %add3A_804], %mul3A_810 : memref<8x8x132xf32, #tpu.memory_space<vmem>>[vector<16xi32>, vector<16xi32>, vector<16xi32>], vector<16xf32>,
        %get3A_811 = arith.index_cast %add3A_801 : i32 to index
        %get3A_812 = arith.constant 16 : index
        %get3A_813 = tpu.vector_load %arg6[%get3A_811, %get3A_812] {strides = array<i32>} : memref<128x64xf32, #tpu.memory_space<vmem>>, vector<16xf32>,
        %mul3A_814 = arith.constant 8.000000e+00 : f32
        %mul3A_815 = vector.broadcast %mul3A_814 : f32 to vector<16xf32>
        %mul3A_816 = arith.mulf %get3A_813, %mul3A_815 : vector<16xf32>
        tpu.vector_store_idx %arg8[%select_n3A_64, %select_n3A_181, %add3A_804], %mul3A_816 : memref<8x8x132xf32, #tpu.memory_space<vmem>>[vector<16xi32>, vector<16xi32>, vector<16xi32>], vector<16xf32>,
        %get3A_817 = arith.index_cast %add3A_801 : i32 to index
        %get3A_818 = arith.constant 32 : index
        %get3A_819 = tpu.vector_load %arg6[%get3A_817, %get3A_818] {strides = array<i32>} : memref<128x64xf32, #tpu.memory_space<vmem>>, vector<16xf32>,
        %mul3A_820 = arith.constant 8.000000e+00 : f32
        %mul3A_821 = vector.broadcast %mul3A_820 : f32 to vector<16xf32>
        %mul3A_822 = arith.mulf %get3A_819, %mul3A_821 : vector<16xf32>
        tpu.vector_store_idx %arg8[%select_n3A_98, %select_n3A_206, %add3A_804], %mul3A_822 : memref<8x8x132xf32, #tpu.memory_space<vmem>>[vector<16xi32>, vector<16xi32>, vector<16xi32>], vector<16xf32>,
        %get3A_823 = arith.index_cast %add3A_801 : i32 to index
        %get3A_824 = arith.constant 48 : index
        %get3A_825 = tpu.vector_load %arg6[%get3A_823, %get3A_824] {strides = array<i32>} : memref<128x64xf32, #tpu.memory_space<vmem>>, vector<16xf32>,
        %mul3A_826 = arith.constant 8.000000e+00 : f32
        %mul3A_827 = vector.broadcast %mul3A_826 : f32 to vector<16xf32>
        %mul3A_828 = arith.mulf %get3A_825, %mul3A_827 : vector<16xf32>
        tpu.vector_store_idx %arg8[%select_n3A_132, %select_n3A_231, %add3A_804], %mul3A_828 : memref<8x8x132xf32, #tpu.memory_space<vmem>>[vector<16xi32>, vector<16xi32>, vector<16xi32>], vector<16xf32>,
        %add3A_829 = arith.constant 2 : i32
        %add3A_830 = arith.addi %mul3A_771, %add3A_829 : i32
        %add3A_831 = arith.constant 2 : i32
        %add3A_832 = vector.broadcast %add3A_831 : i32 to vector<16xi32>
        %add3A_833 = arith.addi %broadcast_in_dim3A, %add3A_832 : vector<16xi32>
        %get3A_834 = arith.index_cast %add3A_830 : i32 to index
        %get3A_835 = arith.constant 0 : index
        %get3A_836 = tpu.vector_load %arg6[%get3A_834, %get3A_835] {strides = array<i32>} : memref<128x64xf32, #tpu.memory_space<vmem>>, vector<16xf32>,
        %mul3A_837 = arith.constant 8.000000e+00 : f32
        %mul3A_838 = vector.broadcast %mul3A_837 : f32 to vector<16xf32>
        %mul3A_839 = arith.mulf %get3A_836, %mul3A_838 : vector<16xf32>
        tpu.vector_store_idx %arg8[%select_n3A_30, %select_n3A_156, %add3A_833], %mul3A_839 : memref<8x8x132xf32, #tpu.memory_space<vmem>>[vector<16xi32>, vector<16xi32>, vector<16xi32>], vector<16xf32>,
        %get3A_840 = arith.index_cast %add3A_830 : i32 to index
        %get3A_841 = arith.constant 16 : index
        %get3A_842 = tpu.vector_load %arg6[%get3A_840, %get3A_841] {strides = array<i32>} : memref<128x64xf32, #tpu.memory_space<vmem>>, vector<16xf32>,
        %mul3A_843 = arith.constant 8.000000e+00 : f32
        %mul3A_844 = vector.broadcast %mul3A_843 : f32 to vector<16xf32>
        %mul3A_845 = arith.mulf %get3A_842, %mul3A_844 : vector<16xf32>
        tpu.vector_store_idx %arg8[%select_n3A_64, %select_n3A_181, %add3A_833], %mul3A_845 : memref<8x8x132xf32, #tpu.memory_space<vmem>>[vector<16xi32>, vector<16xi32>, vector<16xi32>], vector<16xf32>,
        %get3A_846 = arith.index_cast %add3A_830 : i32 to index
        %get3A_847 = arith.constant 32 : index
        %get3A_848 = tpu.vector_load %arg6[%get3A_846, %get3A_847] {strides = array<i32>} : memref<128x64xf32, #tpu.memory_space<vmem>>, vector<16xf32>,
        %mul3A_849 = arith.constant 8.000000e+00 : f32
        %mul3A_850 = vector.broadcast %mul3A_849 : f32 to vector<16xf32>
        %mul3A_851 = arith.mulf %get3A_848, %mul3A_850 : vector<16xf32>
        tpu.vector_store_idx %arg8[%select_n3A_98, %select_n3A_206, %add3A_833], %mul3A_851 : memref<8x8x132xf32, #tpu.memory_space<vmem>>[vector<16xi32>, vector<16xi32>, vector<16xi32>], vector<16xf32>,
        %get3A_852 = arith.index_cast %add3A_830 : i32 to index
        %get3A_853 = arith.constant 48 : index
        %get3A_854 = tpu.vector_load %arg6[%get3A_852, %get3A_853] {strides = array<i32>} : memref<128x64xf32, #tpu.memory_space<vmem>>, vector<16xf32>,
        %mul3A_855 = arith.constant 8.000000e+00 : f32
        %mul3A_856 = vector.broadcast %mul3A_855 : f32 to vector<16xf32>
        %mul3A_857 = arith.mulf %get3A_854, %mul3A_856 : vector<16xf32>
        tpu.vector_store_idx %arg8[%select_n3A_132, %select_n3A_231, %add3A_833], %mul3A_857 : memref<8x8x132xf32, #tpu.memory_space<vmem>>[vector<16xi32>, vector<16xi32>, vector<16xi32>], vector<16xf32>,
        %add3A_858 = arith.constant 3 : i32
        %add3A_859 = arith.addi %mul3A_771, %add3A_858 : i32
        %add3A_860 = arith.constant 3 : i32
        %add3A_861 = vector.broadcast %add3A_860 : i32 to vector<16xi32>
        %add3A_862 = arith.addi %broadcast_in_dim3A, %add3A_861 : vector<16xi32>
        %get3A_863 = arith.index_cast %add3A_859 : i32 to index
        %get3A_864 = arith.constant 0 : index
        %get3A_865 = tpu.vector_load %arg6[%get3A_863, %get3A_864] {strides = array<i32>} : memref<128x64xf32, #tpu.memory_space<vmem>>, vector<16xf32>,
        %mul3A_866 = arith.constant 8.000000e+00 : f32
        %mul3A_867 = vector.broadcast %mul3A_866 : f32 to vector<16xf32>
        %mul3A_868 = arith.mulf %get3A_865, %mul3A_867 : vector<16xf32>
        tpu.vector_store_idx %arg8[%select_n3A_30, %select_n3A_156, %add3A_862], %mul3A_868 : memref<8x8x132xf32, #tpu.memory_space<vmem>>[vector<16xi32>, vector<16xi32>, vector<16xi32>], vector<16xf32>,
        %get3A_869 = arith.index_cast %add3A_859 : i32 to index
        %get3A_870 = arith.constant 16 : index
        %get3A_871 = tpu.vector_load %arg6[%get3A_869, %get3A_870] {strides = array<i32>} : memref<128x64xf32, #tpu.memory_space<vmem>>, vector<16xf32>,
        %mul3A_872 = arith.constant 8.000000e+00 : f32
        %mul3A_873 = vector.broadcast %mul3A_872 : f32 to vector<16xf32>
        %mul3A_874 = arith.mulf %get3A_871, %mul3A_873 : vector<16xf32>
        tpu.vector_store_idx %arg8[%select_n3A_64, %select_n3A_181, %add3A_862], %mul3A_874 : memref<8x8x132xf32, #tpu.memory_space<vmem>>[vector<16xi32>, vector<16xi32>, vector<16xi32>], vector<16xf32>,
        %get3A_875 = arith.index_cast %add3A_859 : i32 to index
        %get3A_876 = arith.constant 32 : index
        %get3A_877 = tpu.vector_load %arg6[%get3A_875, %get3A_876] {strides = array<i32>} : memref<128x64xf32, #tpu.memory_space<vmem>>, vector<16xf32>,
        %mul3A_878 = arith.constant 8.000000e+00 : f32
        %mul3A_879 = vector.broadcast %mul3A_878 : f32 to vector<16xf32>
        %mul3A_880 = arith.mulf %get3A_877, %mul3A_879 : vector<16xf32>
        tpu.vector_store_idx %arg8[%select_n3A_98, %select_n3A_206, %add3A_862], %mul3A_880 : memref<8x8x132xf32, #tpu.memory_space<vmem>>[vector<16xi32>, vector<16xi32>, vector<16xi32>], vector<16xf32>,
        %get3A_881 = arith.index_cast %add3A_859 : i32 to index
        %get3A_882 = arith.constant 48 : index
        %get3A_883 = tpu.vector_load %arg6[%get3A_881, %get3A_882] {strides = array<i32>} : memref<128x64xf32, #tpu.memory_space<vmem>>, vector<16xf32>,
        %mul3A_884 = arith.constant 8.000000e+00 : f32
        %mul3A_885 = vector.broadcast %mul3A_884 : f32 to vector<16xf32>
        %mul3A_886 = arith.mulf %get3A_883, %mul3A_885 : vector<16xf32>
        tpu.vector_store_idx %arg8[%select_n3A_132, %select_n3A_231, %add3A_862], %mul3A_886 : memref<8x8x132xf32, #tpu.memory_space<vmem>>[vector<16xi32>, vector<16xi32>, vector<16xi32>], vector<16xf32>,
      }
      %scan3A_418 = arith.constant 32 : i32
      %mul3A_419 = arith.constant 8 : i32
      %mul3A_420 = arith.muli %select_n3A_279, %mul3A_419 : i32
      %add3A_421 = arith.constant 2 : i32
      %add3A_422 = arith.addi %mul3A_420, %add3A_421 : i32
      %dma_start3A_423 = arith.constant 0 : i32
      %dma_start3A_424 = arith.constant 0 : i32
      %dma_start3A_425 = arith.constant 0 : i32
      %dma_start3A_426 = tpu.memref_slice %arg8[%dma_start3A_423, %dma_start3A_424, %dma_start3A_425] : memref<8x8x132xf32, #tpu.memory_space<vmem>> -> memref<8x8x128xf32, #tpu.memory_space<vmem>>
      %dma_start3A_427 = arith.constant 0 : i32
      %dma_start3A_428 = arith.constant 0 : i32
      %dma_start3A_429 = arith.constant 0 : i32
      %dma_start3A_430 = tpu.memref_slice %arg4[%add3A_422, %dma_start3A_427, %select_n3A_295, %dma_start3A_428, %dma_start3A_429] : memref<200x8x8x8x128xf32, #tpu.memory_space<hbm>> -> memref<1x8x1x8x128xf32, #tpu.memory_space<hbm>>
      %dma_start3A_431 = tpu.memref_squeeze %dma_start3A_430 : memref<1x8x1x8x128xf32, #tpu.memory_space<hbm>> -> memref<8x8x128xf32, #tpu.memory_space<hbm>>
      %dma_start3A_432 = arith.constant 0 : i32
      %dma_start3A_433 = arith.constant 0 : i32
      %dma_start3A_434 = arith.constant 0 : i32
      %dma_start3A_435 = tpu.memref_slice %arg4[%add3A_422, %dma_start3A_432, %select_n3A_295, %dma_start3A_433, %dma_start3A_434] : memref<200x8x8x8x128xf32, #tpu.memory_space<hbm>> -> memref<1x8x1x8x128xf32, #tpu.memory_space<hbm>>
      %dma_start3A_436 = tpu.memref_squeeze %dma_start3A_435 : memref<1x8x1x8x128xf32, #tpu.memory_space<hbm>> -> memref<8x8x128xf32, #tpu.memory_space<hbm>>
      %dma_start3A_437 = arith.constant 0 : i32
      %dma_start3A_438 = arith.constant 0 : i32
      %dma_start3A_439 = arith.constant 0 : i32
      %dma_start3A_440 = tpu.memref_slice %arg8[%dma_start3A_437, %dma_start3A_438, %dma_start3A_439] : memref<8x8x132xf32, #tpu.memory_space<vmem>> -> memref<8x8x128xf32, #tpu.memory_space<vmem>>
      tpu.enqueue_dma source(%dma_start3A_440 : memref<8x8x128xf32, #tpu.memory_space<vmem>>) target(%dma_start3A_436 : memref<8x8x128xf32, #tpu.memory_space<hbm>>) target_semaphore(%arg12 : memref<!tpu.dma_semaphore, #tpu.memory_space<semaphore_mem>>)
      %dma_wait3A_441 = arith.constant 3 : i32
      %dma_wait3A_442 = arith.constant 0 : i32
      %dma_wait3A_443 = tpu.memref_slice %arg5[%dma_wait3A_441, %dma_wait3A_442] : memref<8x128xi32, #tpu.memory_space<vmem>> -> memref<1x128xi32, #tpu.memory_space<vmem>>
      %dma_wait3A_444 = tpu.memref_squeeze %dma_wait3A_443 : memref<1x128xi32, #tpu.memory_space<vmem>> -> memref<128xi32, #tpu.memory_space<vmem>>
      %dma_wait3A_445 = arith.constant 0 : i32
      %dma_wait3A_446 = arith.constant 0 : i32
      %dma_wait3A_447 = tpu.memref_slice %arg3[%dma_wait3A_445, %dma_wait3A_446] : memref<1000000x64xf32, #tpu.memory_space<hbm>> -> memref<1000000x64xf32, #tpu.memory_space<hbm>>
      tpu.wait_indirect_dma semaphore(%arg11 : memref<!tpu.dma_semaphore, #tpu.memory_space<semaphore_mem>>) src(%dma_wait3A_447 : memref<1000000x64xf32, #tpu.memory_space<hbm>>) dst(%arg7 : memref<128x64xf32, #tpu.memory_space<vmem>>)
      %dma_start3A_448 = arith.constant 4 : i32
      %dma_start3A_449 = arith.constant 0 : i32
      %dma_start3A_450 = tpu.memref_slice %arg5[%dma_start3A_448, %dma_start3A_449] : memref<8x128xi32, #tpu.memory_space<vmem>> -> memref<1x128xi32, #tpu.memory_space<vmem>>
      %dma_start3A_451 = tpu.memref_squeeze %dma_start3A_450 : memref<1x128xi32, #tpu.memory_space<vmem>> -> memref<128xi32, #tpu.memory_space<vmem>>
      %dma_start3A_452 = arith.constant 0 : i32
      %dma_start3A_453 = arith.constant 0 : i32
      %dma_start3A_454 = tpu.memref_slice %arg3[%dma_start3A_452, %dma_start3A_453] : memref<1000000x64xf32, #tpu.memory_space<hbm>> -> memref<1000000x64xf32, #tpu.memory_space<hbm>>
      tpu.enqueue_indirect_dma source(%dma_start3A_454 : memref<1000000x64xf32, #tpu.memory_space<hbm>>) target(%arg6 : memref<128x64xf32, #tpu.memory_space<vmem>>) offsets(%dma_start3A_451 : memref<128xi32, #tpu.memory_space<vmem>>) semaphore(%arg10 : memref<!tpu.dma_semaphore, #tpu.memory_space<semaphore_mem>>)
      %dma_wait3A_455 = arith.constant 0 : i32
      %dma_wait3A_456 = arith.constant 0 : i32
      %dma_wait3A_457 = arith.constant 0 : i32
      %dma_wait3A_458 = tpu.memref_slice %arg9[%dma_wait3A_455, %dma_wait3A_456, %dma_wait3A_457] : memref<8x8x132xf32, #tpu.memory_space<vmem>> -> memref<8x8x128xf32, #tpu.memory_space<vmem>>
      %dma_wait3A_459 = arith.constant 0 : i32
      %dma_wait3A_460 = arith.constant 0 : i32
      %dma_wait3A_461 = arith.constant 0 : i32
      %dma_wait3A_462 = tpu.memref_slice %arg4[%add3A_363, %dma_wait3A_459, %select_n3A_295, %dma_wait3A_460, %dma_wait3A_461] : memref<200x8x8x8x128xf32, #tpu.memory_space<hbm>> -> memref<1x8x1x8x128xf32, #tpu.memory_space<hbm>>
      %dma_wait3A_463 = tpu.memref_squeeze %dma_wait3A_462 : memref<1x8x1x8x128xf32, #tpu.memory_space<hbm>> -> memref<8x8x128xf32, #tpu.memory_space<hbm>>
      %dma_wait3A_464 = arith.constant 0 : i32
      %dma_wait3A_465 = arith.constant 0 : i32
      %dma_wait3A_466 = arith.constant 0 : i32
      %dma_wait3A_467 = tpu.memref_slice %arg4[%add3A_363, %dma_wait3A_464, %select_n3A_295, %dma_wait3A_465, %dma_wait3A_466] : memref<200x8x8x8x128xf32, #tpu.memory_space<hbm>> -> memref<1x8x1x8x128xf32, #tpu.memory_space<hbm>>
      %dma_wait3A_468 = tpu.memref_squeeze %dma_wait3A_467 : memref<1x8x1x8x128xf32, #tpu.memory_space<hbm>> -> memref<8x8x128xf32, #tpu.memory_space<hbm>>
      %dma_wait3A_469 = arith.constant 0 : i32
      %dma_wait3A_470 = arith.constant 0 : i32
      %dma_wait3A_471 = arith.constant 0 : i32
      %dma_wait3A_472 = tpu.memref_slice %arg9[%dma_wait3A_469, %dma_wait3A_470, %dma_wait3A_471] : memref<8x8x132xf32, #tpu.memory_space<vmem>> -> memref<8x8x128xf32, #tpu.memory_space<vmem>>
      tpu.wait_dma2 semaphore(%arg13 : memref<!tpu.dma_semaphore, #tpu.memory_space<semaphore_mem>>) src(%dma_wait3A_472 : memref<8x8x128xf32, #tpu.memory_space<vmem>>) dst(%dma_wait3A_468 : memref<8x8x128xf32, #tpu.memory_space<hbm>>)
      %scan3A_473 = arith.constant 0 : i32
      %scan3A_474 = arith.constant 32 : i32
      %scan3A_475 = arith.addi %scan3A_473, %scan3A_474 : i32
      %scan3A_476 = arith.constant 1 : i32
      scf.for %scan3A_765 = %scan3A_473 to %scan3A_475 step %scan3A_476  : i32 {
        %mul3A_766 = arith.constant 1 : i32
        %mul3A_767 = arith.muli %scan3A_765, %mul3A_766 : i32
        %add3A_768 = arith.constant 0 : i32
        %add3A_769 = arith.addi %add3A_768, %mul3A_767 : i32
        %mul3A_770 = arith.constant 4 : i32
        %mul3A_771 = arith.muli %add3A_769, %mul3A_770 : i32
        %broadcast_in_dim3A = vector.broadcast %mul3A_771 : i32 to vector<16xi32>
        %add3A_772 = arith.constant 0 : i32
        %add3A_773 = arith.addi %mul3A_771, %add3A_772 : i32
        %add3A_774 = arith.constant 0 : i32
        %add3A_775 = vector.broadcast %add3A_774 : i32 to vector<16xi32>
        %add3A_776 = arith.addi %broadcast_in_dim3A, %add3A_775 : vector<16xi32>
        %get3A = arith.index_cast %add3A_773 : i32 to index
        %get3A_777 = arith.constant 0 : index
        %get3A_778 = tpu.vector_load %arg7[%get3A, %get3A_777] {strides = array<i32>} : memref<128x64xf32, #tpu.memory_space<vmem>>, vector<16xf32>,
        %mul3A_779 = arith.constant 8.000000e+00 : f32
        %mul3A_780 = vector.broadcast %mul3A_779 : f32 to vector<16xf32>
        %mul3A_781 = arith.mulf %get3A_778, %mul3A_780 : vector<16xf32>
        tpu.vector_store_idx %arg9[%select_n3A_30, %select_n3A_156, %add3A_776], %mul3A_781 : memref<8x8x132xf32, #tpu.memory_space<vmem>>[vector<16xi32>, vector<16xi32>, vector<16xi32>], vector<16xf32>,
        %get3A_782 = arith.index_cast %add3A_773 : i32 to index
        %get3A_783 = arith.constant 16 : index
        %get3A_784 = tpu.vector_load %arg7[%get3A_782, %get3A_783] {strides = array<i32>} : memref<128x64xf32, #tpu.memory_space<vmem>>, vector<16xf32>,
        %mul3A_785 = arith.constant 8.000000e+00 : f32
        %mul3A_786 = vector.broadcast %mul3A_785 : f32 to vector<16xf32>
        %mul3A_787 = arith.mulf %get3A_784, %mul3A_786 : vector<16xf32>
        tpu.vector_store_idx %arg9[%select_n3A_64, %select_n3A_181, %add3A_776], %mul3A_787 : memref<8x8x132xf32, #tpu.memory_space<vmem>>[vector<16xi32>, vector<16xi32>, vector<16xi32>], vector<16xf32>,
        %get3A_788 = arith.index_cast %add3A_773 : i32 to index
        %get3A_789 = arith.constant 32 : index
        %get3A_790 = tpu.vector_load %arg7[%get3A_788, %get3A_789] {strides = array<i32>} : memref<128x64xf32, #tpu.memory_space<vmem>>, vector<16xf32>,
        %mul3A_791 = arith.constant 8.000000e+00 : f32
        %mul3A_792 = vector.broadcast %mul3A_791 : f32 to vector<16xf32>
        %mul3A_793 = arith.mulf %get3A_790, %mul3A_792 : vector<16xf32>
        tpu.vector_store_idx %arg9[%select_n3A_98, %select_n3A_206, %add3A_776], %mul3A_793 : memref<8x8x132xf32, #tpu.memory_space<vmem>>[vector<16xi32>, vector<16xi32>, vector<16xi32>], vector<16xf32>,
        %get3A_794 = arith.index_cast %add3A_773 : i32 to index
        %get3A_795 = arith.constant 48 : index
        %get3A_796 = tpu.vector_load %arg7[%get3A_794, %get3A_795] {strides = array<i32>} : memref<128x64xf32, #tpu.memory_space<vmem>>, vector<16xf32>,
        %mul3A_797 = arith.constant 8.000000e+00 : f32
        %mul3A_798 = vector.broadcast %mul3A_797 : f32 to vector<16xf32>
        %mul3A_799 = arith.mulf %get3A_796, %mul3A_798 : vector<16xf32>
        tpu.vector_store_idx %arg9[%select_n3A_132, %select_n3A_231, %add3A_776], %mul3A_799 : memref<8x8x132xf32, #tpu.memory_space<vmem>>[vector<16xi32>, vector<16xi32>, vector<16xi32>], vector<16xf32>,
        %add3A_800 = arith.constant 1 : i32
        %add3A_801 = arith.addi %mul3A_771, %add3A_800 : i32
        %add3A_802 = arith.constant 1 : i32
        %add3A_803 = vector.broadcast %add3A_802 : i32 to vector<16xi32>
        %add3A_804 = arith.addi %broadcast_in_dim3A, %add3A_803 : vector<16xi32>
        %get3A_805 = arith.index_cast %add3A_801 : i32 to index
        %get3A_806 = arith.constant 0 : index
        %get3A_807 = tpu.vector_load %arg7[%get3A_805, %get3A_806] {strides = array<i32>} : memref<128x64xf32, #tpu.memory_space<vmem>>, vector<16xf32>,
        %mul3A_808 = arith.constant 8.000000e+00 : f32
        %mul3A_809 = vector.broadcast %mul3A_808 : f32 to vector<16xf32>
        %mul3A_810 = arith.mulf %get3A_807, %mul3A_809 : vector<16xf32>
        tpu.vector_store_idx %arg9[%select_n3A_30, %select_n3A_156, %add3A_804], %mul3A_810 : memref<8x8x132xf32, #tpu.memory_space<vmem>>[vector<16xi32>, vector<16xi32>, vector<16xi32>], vector<16xf32>,
        %get3A_811 = arith.index_cast %add3A_801 : i32 to index
        %get3A_812 = arith.constant 16 : index
        %get3A_813 = tpu.vector_load %arg7[%get3A_811, %get3A_812] {strides = array<i32>} : memref<128x64xf32, #tpu.memory_space<vmem>>, vector<16xf32>,
        %mul3A_814 = arith.constant 8.000000e+00 : f32
        %mul3A_815 = vector.broadcast %mul3A_814 : f32 to vector<16xf32>
        %mul3A_816 = arith.mulf %get3A_813, %mul3A_815 : vector<16xf32>
        tpu.vector_store_idx %arg9[%select_n3A_64, %select_n3A_181, %add3A_804], %mul3A_816 : memref<8x8x132xf32, #tpu.memory_space<vmem>>[vector<16xi32>, vector<16xi32>, vector<16xi32>], vector<16xf32>,
        %get3A_817 = arith.index_cast %add3A_801 : i32 to index
        %get3A_818 = arith.constant 32 : index
        %get3A_819 = tpu.vector_load %arg7[%get3A_817, %get3A_818] {strides = array<i32>} : memref<128x64xf32, #tpu.memory_space<vmem>>, vector<16xf32>,
        %mul3A_820 = arith.constant 8.000000e+00 : f32
        %mul3A_821 = vector.broadcast %mul3A_820 : f32 to vector<16xf32>
        %mul3A_822 = arith.mulf %get3A_819, %mul3A_821 : vector<16xf32>
        tpu.vector_store_idx %arg9[%select_n3A_98, %select_n3A_206, %add3A_804], %mul3A_822 : memref<8x8x132xf32, #tpu.memory_space<vmem>>[vector<16xi32>, vector<16xi32>, vector<16xi32>], vector<16xf32>,
        %get3A_823 = arith.index_cast %add3A_801 : i32 to index
        %get3A_824 = arith.constant 48 : index
        %get3A_825 = tpu.vector_load %arg7[%get3A_823, %get3A_824] {strides = array<i32>} : memref<128x64xf32, #tpu.memory_space<vmem>>, vector<16xf32>,
        %mul3A_826 = arith.constant 8.000000e+00 : f32
        %mul3A_827 = vector.broadcast %mul3A_826 : f32 to vector<16xf32>
        %mul3A_828 = arith.mulf %get3A_825, %mul3A_827 : vector<16xf32>
        tpu.vector_store_idx %arg9[%select_n3A_132, %select_n3A_231, %add3A_804], %mul3A_828 : memref<8x8x132xf32, #tpu.memory_space<vmem>>[vector<16xi32>, vector<16xi32>, vector<16xi32>], vector<16xf32>,
        %add3A_829 = arith.constant 2 : i32
        %add3A_830 = arith.addi %mul3A_771, %add3A_829 : i32
        %add3A_831 = arith.constant 2 : i32
        %add3A_832 = vector.broadcast %add3A_831 : i32 to vector<16xi32>
        %add3A_833 = arith.addi %broadcast_in_dim3A, %add3A_832 : vector<16xi32>
        %get3A_834 = arith.index_cast %add3A_830 : i32 to index
        %get3A_835 = arith.constant 0 : index
        %get3A_836 = tpu.vector_load %arg7[%get3A_834, %get3A_835] {strides = array<i32>} : memref<128x64xf32, #tpu.memory_space<vmem>>, vector<16xf32>,
        %mul3A_837 = arith.constant 8.000000e+00 : f32
        %mul3A_838 = vector.broadcast %mul3A_837 : f32 to vector<16xf32>
        %mul3A_839 = arith.mulf %get3A_836, %mul3A_838 : vector<16xf32>
        tpu.vector_store_idx %arg9[%select_n3A_30, %select_n3A_156, %add3A_833], %mul3A_839 : memref<8x8x132xf32, #tpu.memory_space<vmem>>[vector<16xi32>, vector<16xi32>, vector<16xi32>], vector<16xf32>,
        %get3A_840 = arith.index_cast %add3A_830 : i32 to index
        %get3A_841 = arith.constant 16 : index
        %get3A_842 = tpu.vector_load %arg7[%get3A_840, %get3A_841] {strides = array<i32>} : memref<128x64xf32, #tpu.memory_space<vmem>>, vector<16xf32>,
        %mul3A_843 = arith.constant 8.000000e+00 : f32
        %mul3A_844 = vector.broadcast %mul3A_843 : f32 to vector<16xf32>
        %mul3A_845 = arith.mulf %get3A_842, %mul3A_844 : vector<16xf32>
        tpu.vector_store_idx %arg9[%select_n3A_64, %select_n3A_181, %add3A_833], %mul3A_845 : memref<8x8x132xf32, #tpu.memory_space<vmem>>[vector<16xi32>, vector<16xi32>, vector<16xi32>], vector<16xf32>,
        %get3A_846 = arith.index_cast %add3A_830 : i32 to index
        %get3A_847 = arith.constant 32 : index
        %get3A_848 = tpu.vector_load %arg7[%get3A_846, %get3A_847] {strides = array<i32>} : memref<128x64xf32, #tpu.memory_space<vmem>>, vector<16xf32>,
        %mul3A_849 = arith.constant 8.000000e+00 : f32
        %mul3A_850 = vector.broadcast %mul3A_849 : f32 to vector<16xf32>
        %mul3A_851 = arith.mulf %get3A_848, %mul3A_850 : vector<16xf32>
        tpu.vector_store_idx %arg9[%select_n3A_98, %select_n3A_206, %add3A_833], %mul3A_851 : memref<8x8x132xf32, #tpu.memory_space<vmem>>[vector<16xi32>, vector<16xi32>, vector<16xi32>], vector<16xf32>,
        %get3A_852 = arith.index_cast %add3A_830 : i32 to index
        %get3A_853 = arith.constant 48 : index
        %get3A_854 = tpu.vector_load %arg7[%get3A_852, %get3A_853] {strides = array<i32>} : memref<128x64xf32, #tpu.memory_space<vmem>>, vector<16xf32>,
        %mul3A_855 = arith.constant 8.000000e+00 : f32
        %mul3A_856 = vector.broadcast %mul3A_855 : f32 to vector<16xf32>
        %mul3A_857 = arith.mulf %get3A_854, %mul3A_856 : vector<16xf32>
        tpu.vector_store_idx %arg9[%select_n3A_132, %select_n3A_231, %add3A_833], %mul3A_857 : memref<8x8x132xf32, #tpu.memory_space<vmem>>[vector<16xi32>, vector<16xi32>, vector<16xi32>], vector<16xf32>,
        %add3A_858 = arith.constant 3 : i32
        %add3A_859 = arith.addi %mul3A_771, %add3A_858 : i32
        %add3A_860 = arith.constant 3 : i32
        %add3A_861 = vector.broadcast %add3A_860 : i32 to vector<16xi32>
        %add3A_862 = arith.addi %broadcast_in_dim3A, %add3A_861 : vector<16xi32>
        %get3A_863 = arith.index_cast %add3A_859 : i32 to index
        %get3A_864 = arith.constant 0 : index
        %get3A_865 = tpu.vector_load %arg7[%get3A_863, %get3A_864] {strides = array<i32>} : memref<128x64xf32, #tpu.memory_space<vmem>>, vector<16xf32>,
        %mul3A_866 = arith.constant 8.000000e+00 : f32
        %mul3A_867 = vector.broadcast %mul3A_866 : f32 to vector<16xf32>
        %mul3A_868 = arith.mulf %get3A_865, %mul3A_867 : vector<16xf32>
        tpu.vector_store_idx %arg9[%select_n3A_30, %select_n3A_156, %add3A_862], %mul3A_868 : memref<8x8x132xf32, #tpu.memory_space<vmem>>[vector<16xi32>, vector<16xi32>, vector<16xi32>], vector<16xf32>,
        %get3A_869 = arith.index_cast %add3A_859 : i32 to index
        %get3A_870 = arith.constant 16 : index
        %get3A_871 = tpu.vector_load %arg7[%get3A_869, %get3A_870] {strides = array<i32>} : memref<128x64xf32, #tpu.memory_space<vmem>>, vector<16xf32>,
        %mul3A_872 = arith.constant 8.000000e+00 : f32
        %mul3A_873 = vector.broadcast %mul3A_872 : f32 to vector<16xf32>
        %mul3A_874 = arith.mulf %get3A_871, %mul3A_873 : vector<16xf32>
        tpu.vector_store_idx %arg9[%select_n3A_64, %select_n3A_181, %add3A_862], %mul3A_874 : memref<8x8x132xf32, #tpu.memory_space<vmem>>[vector<16xi32>, vector<16xi32>, vector<16xi32>], vector<16xf32>,
        %get3A_875 = arith.index_cast %add3A_859 : i32 to index
        %get3A_876 = arith.constant 32 : index
        %get3A_877 = tpu.vector_load %arg7[%get3A_875, %get3A_876] {strides = array<i32>} : memref<128x64xf32, #tpu.memory_space<vmem>>, vector<16xf32>,
        %mul3A_878 = arith.constant 8.000000e+00 : f32
        %mul3A_879 = vector.broadcast %mul3A_878 : f32 to vector<16xf32>
        %mul3A_880 = arith.mulf %get3A_877, %mul3A_879 : vector<16xf32>
        tpu.vector_store_idx %arg9[%select_n3A_98, %select_n3A_206, %add3A_862], %mul3A_880 : memref<8x8x132xf32, #tpu.memory_space<vmem>>[vector<16xi32>, vector<16xi32>, vector<16xi32>], vector<16xf32>,
        %get3A_881 = arith.index_cast %add3A_859 : i32 to index
        %get3A_882 = arith.constant 48 : index
        %get3A_883 = tpu.vector_load %arg7[%get3A_881, %get3A_882] {strides = array<i32>} : memref<128x64xf32, #tpu.memory_space<vmem>>, vector<16xf32>,
        %mul3A_884 = arith.constant 8.000000e+00 : f32
        %mul3A_885 = vector.broadcast %mul3A_884 : f32 to vector<16xf32>
        %mul3A_886 = arith.mulf %get3A_883, %mul3A_885 : vector<16xf32>
        tpu.vector_store_idx %arg9[%select_n3A_132, %select_n3A_231, %add3A_862], %mul3A_886 : memref<8x8x132xf32, #tpu.memory_space<vmem>>[vector<16xi32>, vector<16xi32>, vector<16xi32>], vector<16xf32>,
      }
      %scan3A_477 = arith.constant 32 : i32
      %mul3A_478 = arith.constant 8 : i32
      %mul3A_479 = arith.muli %select_n3A_279, %mul3A_478 : i32
      %add3A_480 = arith.constant 3 : i32
      %add3A_481 = arith.addi %mul3A_479, %add3A_480 : i32
      %dma_start3A_482 = arith.constant 0 : i32
      %dma_start3A_483 = arith.constant 0 : i32
      %dma_start3A_484 = arith.constant 0 : i32
      %dma_start3A_485 = tpu.memref_slice %arg9[%dma_start3A_482, %dma_start3A_483, %dma_start3A_484] : memref<8x8x132xf32, #tpu.memory_space<vmem>> -> memref<8x8x128xf32, #tpu.memory_space<vmem>>
      %dma_start3A_486 = arith.constant 0 : i32
      %dma_start3A_487 = arith.constant 0 : i32
      %dma_start3A_488 = arith.constant 0 : i32
      %dma_start3A_489 = tpu.memref_slice %arg4[%add3A_481, %dma_start3A_486, %select_n3A_295, %dma_start3A_487, %dma_start3A_488] : memref<200x8x8x8x128xf32, #tpu.memory_space<hbm>> -> memref<1x8x1x8x128xf32, #tpu.memory_space<hbm>>
      %dma_start3A_490 = tpu.memref_squeeze %dma_start3A_489 : memref<1x8x1x8x128xf32, #tpu.memory_space<hbm>> -> memref<8x8x128xf32, #tpu.memory_space<hbm>>
      %dma_start3A_491 = arith.constant 0 : i32
      %dma_start3A_492 = arith.constant 0 : i32
      %dma_start3A_493 = arith.constant 0 : i32
      %dma_start3A_494 = tpu.memref_slice %arg4[%add3A_481, %dma_start3A_491, %select_n3A_295, %dma_start3A_492, %dma_start3A_493] : memref<200x8x8x8x128xf32, #tpu.memory_space<hbm>> -> memref<1x8x1x8x128xf32, #tpu.memory_space<hbm>>
      %dma_start3A_495 = tpu.memref_squeeze %dma_start3A_494 : memref<1x8x1x8x128xf32, #tpu.memory_space<hbm>> -> memref<8x8x128xf32, #tpu.memory_space<hbm>>
      %dma_start3A_496 = arith.constant 0 : i32
      %dma_start3A_497 = arith.constant 0 : i32
      %dma_start3A_498 = arith.constant 0 : i32
      %dma_start3A_499 = tpu.memref_slice %arg9[%dma_start3A_496, %dma_start3A_497, %dma_start3A_498] : memref<8x8x132xf32, #tpu.memory_space<vmem>> -> memref<8x8x128xf32, #tpu.memory_space<vmem>>
      tpu.enqueue_dma source(%dma_start3A_499 : memref<8x8x128xf32, #tpu.memory_space<vmem>>) target(%dma_start3A_495 : memref<8x8x128xf32, #tpu.memory_space<hbm>>) target_semaphore(%arg13 : memref<!tpu.dma_semaphore, #tpu.memory_space<semaphore_mem>>)
      %dma_wait3A_500 = arith.constant 4 : i32
      %dma_wait3A_501 = arith.constant 0 : i32
      %dma_wait3A_502 = tpu.memref_slice %arg5[%dma_wait3A_500, %dma_wait3A_501] : memref<8x128xi32, #tpu.memory_space<vmem>> -> memref<1x128xi32, #tpu.memory_space<vmem>>
      %dma_wait3A_503 = tpu.memref_squeeze %dma_wait3A_502 : memref<1x128xi32, #tpu.memory_space<vmem>> -> memref<128xi32, #tpu.memory_space<vmem>>
      %dma_wait3A_504 = arith.constant 0 : i32
      %dma_wait3A_505 = arith.constant 0 : i32
      %dma_wait3A_506 = tpu.memref_slice %arg3[%dma_wait3A_504, %dma_wait3A_505] : memref<1000000x64xf32, #tpu.memory_space<hbm>> -> memref<1000000x64xf32, #tpu.memory_space<hbm>>
      tpu.wait_indirect_dma semaphore(%arg10 : memref<!tpu.dma_semaphore, #tpu.memory_space<semaphore_mem>>) src(%dma_wait3A_506 : memref<1000000x64xf32, #tpu.memory_space<hbm>>) dst(%arg6 : memref<128x64xf32, #tpu.memory_space<vmem>>)
      %dma_start3A_507 = arith.constant 5 : i32
      %dma_start3A_508 = arith.constant 0 : i32
      %dma_start3A_509 = tpu.memref_slice %arg5[%dma_start3A_507, %dma_start3A_508] : memref<8x128xi32, #tpu.memory_space<vmem>> -> memref<1x128xi32, #tpu.memory_space<vmem>>
      %dma_start3A_510 = tpu.memref_squeeze %dma_start3A_509 : memref<1x128xi32, #tpu.memory_space<vmem>> -> memref<128xi32, #tpu.memory_space<vmem>>
      %dma_start3A_511 = arith.constant 0 : i32
      %dma_start3A_512 = arith.constant 0 : i32
      %dma_start3A_513 = tpu.memref_slice %arg3[%dma_start3A_511, %dma_start3A_512] : memref<1000000x64xf32, #tpu.memory_space<hbm>> -> memref<1000000x64xf32, #tpu.memory_space<hbm>>
      tpu.enqueue_indirect_dma source(%dma_start3A_513 : memref<1000000x64xf32, #tpu.memory_space<hbm>>) target(%arg7 : memref<128x64xf32, #tpu.memory_space<vmem>>) offsets(%dma_start3A_510 : memref<128xi32, #tpu.memory_space<vmem>>) semaphore(%arg11 : memref<!tpu.dma_semaphore, #tpu.memory_space<semaphore_mem>>)
      %dma_wait3A_514 = arith.constant 0 : i32
      %dma_wait3A_515 = arith.constant 0 : i32
      %dma_wait3A_516 = arith.constant 0 : i32
      %dma_wait3A_517 = tpu.memref_slice %arg8[%dma_wait3A_514, %dma_wait3A_515, %dma_wait3A_516] : memref<8x8x132xf32, #tpu.memory_space<vmem>> -> memref<8x8x128xf32, #tpu.memory_space<vmem>>
      %dma_wait3A_518 = arith.constant 0 : i32
      %dma_wait3A_519 = arith.constant 0 : i32
      %dma_wait3A_520 = arith.constant 0 : i32
      %dma_wait3A_521 = tpu.memref_slice %arg4[%add3A_422, %dma_wait3A_518, %select_n3A_295, %dma_wait3A_519, %dma_wait3A_520] : memref<200x8x8x8x128xf32, #tpu.memory_space<hbm>> -> memref<1x8x1x8x128xf32, #tpu.memory_space<hbm>>
      %dma_wait3A_522 = tpu.memref_squeeze %dma_wait3A_521 : memref<1x8x1x8x128xf32, #tpu.memory_space<hbm>> -> memref<8x8x128xf32, #tpu.memory_space<hbm>>
      %dma_wait3A_523 = arith.constant 0 : i32
      %dma_wait3A_524 = arith.constant 0 : i32
      %dma_wait3A_525 = arith.constant 0 : i32
      %dma_wait3A_526 = tpu.memref_slice %arg4[%add3A_422, %dma_wait3A_523, %select_n3A_295, %dma_wait3A_524, %dma_wait3A_525] : memref<200x8x8x8x128xf32, #tpu.memory_space<hbm>> -> memref<1x8x1x8x128xf32, #tpu.memory_space<hbm>>
      %dma_wait3A_527 = tpu.memref_squeeze %dma_wait3A_526 : memref<1x8x1x8x128xf32, #tpu.memory_space<hbm>> -> memref<8x8x128xf32, #tpu.memory_space<hbm>>
      %dma_wait3A_528 = arith.constant 0 : i32
      %dma_wait3A_529 = arith.constant 0 : i32
      %dma_wait3A_530 = arith.constant 0 : i32
      %dma_wait3A_531 = tpu.memref_slice %arg8[%dma_wait3A_528, %dma_wait3A_529, %dma_wait3A_530] : memref<8x8x132xf32, #tpu.memory_space<vmem>> -> memref<8x8x128xf32, #tpu.memory_space<vmem>>
      tpu.wait_dma2 semaphore(%arg12 : memref<!tpu.dma_semaphore, #tpu.memory_space<semaphore_mem>>) src(%dma_wait3A_531 : memref<8x8x128xf32, #tpu.memory_space<vmem>>) dst(%dma_wait3A_527 : memref<8x8x128xf32, #tpu.memory_space<hbm>>)
      %scan3A_532 = arith.constant 0 : i32
      %scan3A_533 = arith.constant 32 : i32
      %scan3A_534 = arith.addi %scan3A_532, %scan3A_533 : i32
      %scan3A_535 = arith.constant 1 : i32
      scf.for %scan3A_765 = %scan3A_532 to %scan3A_534 step %scan3A_535  : i32 {
        %mul3A_766 = arith.constant 1 : i32
        %mul3A_767 = arith.muli %scan3A_765, %mul3A_766 : i32
        %add3A_768 = arith.constant 0 : i32
        %add3A_769 = arith.addi %add3A_768, %mul3A_767 : i32
        %mul3A_770 = arith.constant 4 : i32
        %mul3A_771 = arith.muli %add3A_769, %mul3A_770 : i32
        %broadcast_in_dim3A = vector.broadcast %mul3A_771 : i32 to vector<16xi32>
        %add3A_772 = arith.constant 0 : i32
        %add3A_773 = arith.addi %mul3A_771, %add3A_772 : i32
        %add3A_774 = arith.constant 0 : i32
        %add3A_775 = vector.broadcast %add3A_774 : i32 to vector<16xi32>
        %add3A_776 = arith.addi %broadcast_in_dim3A, %add3A_775 : vector<16xi32>
        %get3A = arith.index_cast %add3A_773 : i32 to index
        %get3A_777 = arith.constant 0 : index
        %get3A_778 = tpu.vector_load %arg6[%get3A, %get3A_777] {strides = array<i32>} : memref<128x64xf32, #tpu.memory_space<vmem>>, vector<16xf32>,
        %mul3A_779 = arith.constant 8.000000e+00 : f32
        %mul3A_780 = vector.broadcast %mul3A_779 : f32 to vector<16xf32>
        %mul3A_781 = arith.mulf %get3A_778, %mul3A_780 : vector<16xf32>
        tpu.vector_store_idx %arg8[%select_n3A_30, %select_n3A_156, %add3A_776], %mul3A_781 : memref<8x8x132xf32, #tpu.memory_space<vmem>>[vector<16xi32>, vector<16xi32>, vector<16xi32>], vector<16xf32>,
        %get3A_782 = arith.index_cast %add3A_773 : i32 to index
        %get3A_783 = arith.constant 16 : index
        %get3A_784 = tpu.vector_load %arg6[%get3A_782, %get3A_783] {strides = array<i32>} : memref<128x64xf32, #tpu.memory_space<vmem>>, vector<16xf32>,
        %mul3A_785 = arith.constant 8.000000e+00 : f32
        %mul3A_786 = vector.broadcast %mul3A_785 : f32 to vector<16xf32>
        %mul3A_787 = arith.mulf %get3A_784, %mul3A_786 : vector<16xf32>
        tpu.vector_store_idx %arg8[%select_n3A_64, %select_n3A_181, %add3A_776], %mul3A_787 : memref<8x8x132xf32, #tpu.memory_space<vmem>>[vector<16xi32>, vector<16xi32>, vector<16xi32>], vector<16xf32>,
        %get3A_788 = arith.index_cast %add3A_773 : i32 to index
        %get3A_789 = arith.constant 32 : index
        %get3A_790 = tpu.vector_load %arg6[%get3A_788, %get3A_789] {strides = array<i32>} : memref<128x64xf32, #tpu.memory_space<vmem>>, vector<16xf32>,
        %mul3A_791 = arith.constant 8.000000e+00 : f32
        %mul3A_792 = vector.broadcast %mul3A_791 : f32 to vector<16xf32>
        %mul3A_793 = arith.mulf %get3A_790, %mul3A_792 : vector<16xf32>
        tpu.vector_store_idx %arg8[%select_n3A_98, %select_n3A_206, %add3A_776], %mul3A_793 : memref<8x8x132xf32, #tpu.memory_space<vmem>>[vector<16xi32>, vector<16xi32>, vector<16xi32>], vector<16xf32>,
        %get3A_794 = arith.index_cast %add3A_773 : i32 to index
        %get3A_795 = arith.constant 48 : index
        %get3A_796 = tpu.vector_load %arg6[%get3A_794, %get3A_795] {strides = array<i32>} : memref<128x64xf32, #tpu.memory_space<vmem>>, vector<16xf32>,
        %mul3A_797 = arith.constant 8.000000e+00 : f32
        %mul3A_798 = vector.broadcast %mul3A_797 : f32 to vector<16xf32>
        %mul3A_799 = arith.mulf %get3A_796, %mul3A_798 : vector<16xf32>
        tpu.vector_store_idx %arg8[%select_n3A_132, %select_n3A_231, %add3A_776], %mul3A_799 : memref<8x8x132xf32, #tpu.memory_space<vmem>>[vector<16xi32>, vector<16xi32>, vector<16xi32>], vector<16xf32>,
        %add3A_800 = arith.constant 1 : i32
        %add3A_801 = arith.addi %mul3A_771, %add3A_800 : i32
        %add3A_802 = arith.constant 1 : i32
        %add3A_803 = vector.broadcast %add3A_802 : i32 to vector<16xi32>
        %add3A_804 = arith.addi %broadcast_in_dim3A, %add3A_803 : vector<16xi32>
        %get3A_805 = arith.index_cast %add3A_801 : i32 to index
        %get3A_806 = arith.constant 0 : index
        %get3A_807 = tpu.vector_load %arg6[%get3A_805, %get3A_806] {strides = array<i32>} : memref<128x64xf32, #tpu.memory_space<vmem>>, vector<16xf32>,
        %mul3A_808 = arith.constant 8.000000e+00 : f32
        %mul3A_809 = vector.broadcast %mul3A_808 : f32 to vector<16xf32>
        %mul3A_810 = arith.mulf %get3A_807, %mul3A_809 : vector<16xf32>
        tpu.vector_store_idx %arg8[%select_n3A_30, %select_n3A_156, %add3A_804], %mul3A_810 : memref<8x8x132xf32, #tpu.memory_space<vmem>>[vector<16xi32>, vector<16xi32>, vector<16xi32>], vector<16xf32>,
        %get3A_811 = arith.index_cast %add3A_801 : i32 to index
        %get3A_812 = arith.constant 16 : index
        %get3A_813 = tpu.vector_load %arg6[%get3A_811, %get3A_812] {strides = array<i32>} : memref<128x64xf32, #tpu.memory_space<vmem>>, vector<16xf32>,
        %mul3A_814 = arith.constant 8.000000e+00 : f32
        %mul3A_815 = vector.broadcast %mul3A_814 : f32 to vector<16xf32>
        %mul3A_816 = arith.mulf %get3A_813, %mul3A_815 : vector<16xf32>
        tpu.vector_store_idx %arg8[%select_n3A_64, %select_n3A_181, %add3A_804], %mul3A_816 : memref<8x8x132xf32, #tpu.memory_space<vmem>>[vector<16xi32>, vector<16xi32>, vector<16xi32>], vector<16xf32>,
        %get3A_817 = arith.index_cast %add3A_801 : i32 to index
        %get3A_818 = arith.constant 32 : index
        %get3A_819 = tpu.vector_load %arg6[%get3A_817, %get3A_818] {strides = array<i32>} : memref<128x64xf32, #tpu.memory_space<vmem>>, vector<16xf32>,
        %mul3A_820 = arith.constant 8.000000e+00 : f32
        %mul3A_821 = vector.broadcast %mul3A_820 : f32 to vector<16xf32>
        %mul3A_822 = arith.mulf %get3A_819, %mul3A_821 : vector<16xf32>
        tpu.vector_store_idx %arg8[%select_n3A_98, %select_n3A_206, %add3A_804], %mul3A_822 : memref<8x8x132xf32, #tpu.memory_space<vmem>>[vector<16xi32>, vector<16xi32>, vector<16xi32>], vector<16xf32>,
        %get3A_823 = arith.index_cast %add3A_801 : i32 to index
        %get3A_824 = arith.constant 48 : index
        %get3A_825 = tpu.vector_load %arg6[%get3A_823, %get3A_824] {strides = array<i32>} : memref<128x64xf32, #tpu.memory_space<vmem>>, vector<16xf32>,
        %mul3A_826 = arith.constant 8.000000e+00 : f32
        %mul3A_827 = vector.broadcast %mul3A_826 : f32 to vector<16xf32>
        %mul3A_828 = arith.mulf %get3A_825, %mul3A_827 : vector<16xf32>
        tpu.vector_store_idx %arg8[%select_n3A_132, %select_n3A_231, %add3A_804], %mul3A_828 : memref<8x8x132xf32, #tpu.memory_space<vmem>>[vector<16xi32>, vector<16xi32>, vector<16xi32>], vector<16xf32>,
        %add3A_829 = arith.constant 2 : i32
        %add3A_830 = arith.addi %mul3A_771, %add3A_829 : i32
        %add3A_831 = arith.constant 2 : i32
        %add3A_832 = vector.broadcast %add3A_831 : i32 to vector<16xi32>
        %add3A_833 = arith.addi %broadcast_in_dim3A, %add3A_832 : vector<16xi32>
        %get3A_834 = arith.index_cast %add3A_830 : i32 to index
        %get3A_835 = arith.constant 0 : index
        %get3A_836 = tpu.vector_load %arg6[%get3A_834, %get3A_835] {strides = array<i32>} : memref<128x64xf32, #tpu.memory_space<vmem>>, vector<16xf32>,
        %mul3A_837 = arith.constant 8.000000e+00 : f32
        %mul3A_838 = vector.broadcast %mul3A_837 : f32 to vector<16xf32>
        %mul3A_839 = arith.mulf %get3A_836, %mul3A_838 : vector<16xf32>
        tpu.vector_store_idx %arg8[%select_n3A_30, %select_n3A_156, %add3A_833], %mul3A_839 : memref<8x8x132xf32, #tpu.memory_space<vmem>>[vector<16xi32>, vector<16xi32>, vector<16xi32>], vector<16xf32>,
        %get3A_840 = arith.index_cast %add3A_830 : i32 to index
        %get3A_841 = arith.constant 16 : index
        %get3A_842 = tpu.vector_load %arg6[%get3A_840, %get3A_841] {strides = array<i32>} : memref<128x64xf32, #tpu.memory_space<vmem>>, vector<16xf32>,
        %mul3A_843 = arith.constant 8.000000e+00 : f32
        %mul3A_844 = vector.broadcast %mul3A_843 : f32 to vector<16xf32>
        %mul3A_845 = arith.mulf %get3A_842, %mul3A_844 : vector<16xf32>
        tpu.vector_store_idx %arg8[%select_n3A_64, %select_n3A_181, %add3A_833], %mul3A_845 : memref<8x8x132xf32, #tpu.memory_space<vmem>>[vector<16xi32>, vector<16xi32>, vector<16xi32>], vector<16xf32>,
        %get3A_846 = arith.index_cast %add3A_830 : i32 to index
        %get3A_847 = arith.constant 32 : index
        %get3A_848 = tpu.vector_load %arg6[%get3A_846, %get3A_847] {strides = array<i32>} : memref<128x64xf32, #tpu.memory_space<vmem>>, vector<16xf32>,
        %mul3A_849 = arith.constant 8.000000e+00 : f32
        %mul3A_850 = vector.broadcast %mul3A_849 : f32 to vector<16xf32>
        %mul3A_851 = arith.mulf %get3A_848, %mul3A_850 : vector<16xf32>
        tpu.vector_store_idx %arg8[%select_n3A_98, %select_n3A_206, %add3A_833], %mul3A_851 : memref<8x8x132xf32, #tpu.memory_space<vmem>>[vector<16xi32>, vector<16xi32>, vector<16xi32>], vector<16xf32>,
        %get3A_852 = arith.index_cast %add3A_830 : i32 to index
        %get3A_853 = arith.constant 48 : index
        %get3A_854 = tpu.vector_load %arg6[%get3A_852, %get3A_853] {strides = array<i32>} : memref<128x64xf32, #tpu.memory_space<vmem>>, vector<16xf32>,
        %mul3A_855 = arith.constant 8.000000e+00 : f32
        %mul3A_856 = vector.broadcast %mul3A_855 : f32 to vector<16xf32>
        %mul3A_857 = arith.mulf %get3A_854, %mul3A_856 : vector<16xf32>
        tpu.vector_store_idx %arg8[%select_n3A_132, %select_n3A_231, %add3A_833], %mul3A_857 : memref<8x8x132xf32, #tpu.memory_space<vmem>>[vector<16xi32>, vector<16xi32>, vector<16xi32>], vector<16xf32>,
        %add3A_858 = arith.constant 3 : i32
        %add3A_859 = arith.addi %mul3A_771, %add3A_858 : i32
        %add3A_860 = arith.constant 3 : i32
        %add3A_861 = vector.broadcast %add3A_860 : i32 to vector<16xi32>
        %add3A_862 = arith.addi %broadcast_in_dim3A, %add3A_861 : vector<16xi32>
        %get3A_863 = arith.index_cast %add3A_859 : i32 to index
        %get3A_864 = arith.constant 0 : index
        %get3A_865 = tpu.vector_load %arg6[%get3A_863, %get3A_864] {strides = array<i32>} : memref<128x64xf32, #tpu.memory_space<vmem>>, vector<16xf32>,
        %mul3A_866 = arith.constant 8.000000e+00 : f32
        %mul3A_867 = vector.broadcast %mul3A_866 : f32 to vector<16xf32>
        %mul3A_868 = arith.mulf %get3A_865, %mul3A_867 : vector<16xf32>
        tpu.vector_store_idx %arg8[%select_n3A_30, %select_n3A_156, %add3A_862], %mul3A_868 : memref<8x8x132xf32, #tpu.memory_space<vmem>>[vector<16xi32>, vector<16xi32>, vector<16xi32>], vector<16xf32>,
        %get3A_869 = arith.index_cast %add3A_859 : i32 to index
        %get3A_870 = arith.constant 16 : index
        %get3A_871 = tpu.vector_load %arg6[%get3A_869, %get3A_870] {strides = array<i32>} : memref<128x64xf32, #tpu.memory_space<vmem>>, vector<16xf32>,
        %mul3A_872 = arith.constant 8.000000e+00 : f32
        %mul3A_873 = vector.broadcast %mul3A_872 : f32 to vector<16xf32>
        %mul3A_874 = arith.mulf %get3A_871, %mul3A_873 : vector<16xf32>
        tpu.vector_store_idx %arg8[%select_n3A_64, %select_n3A_181, %add3A_862], %mul3A_874 : memref<8x8x132xf32, #tpu.memory_space<vmem>>[vector<16xi32>, vector<16xi32>, vector<16xi32>], vector<16xf32>,
        %get3A_875 = arith.index_cast %add3A_859 : i32 to index
        %get3A_876 = arith.constant 32 : index
        %get3A_877 = tpu.vector_load %arg6[%get3A_875, %get3A_876] {strides = array<i32>} : memref<128x64xf32, #tpu.memory_space<vmem>>, vector<16xf32>,
        %mul3A_878 = arith.constant 8.000000e+00 : f32
        %mul3A_879 = vector.broadcast %mul3A_878 : f32 to vector<16xf32>
        %mul3A_880 = arith.mulf %get3A_877, %mul3A_879 : vector<16xf32>
        tpu.vector_store_idx %arg8[%select_n3A_98, %select_n3A_206, %add3A_862], %mul3A_880 : memref<8x8x132xf32, #tpu.memory_space<vmem>>[vector<16xi32>, vector<16xi32>, vector<16xi32>], vector<16xf32>,
        %get3A_881 = arith.index_cast %add3A_859 : i32 to index
        %get3A_882 = arith.constant 48 : index
        %get3A_883 = tpu.vector_load %arg6[%get3A_881, %get3A_882] {strides = array<i32>} : memref<128x64xf32, #tpu.memory_space<vmem>>, vector<16xf32>,
        %mul3A_884 = arith.constant 8.000000e+00 : f32
        %mul3A_885 = vector.broadcast %mul3A_884 : f32 to vector<16xf32>
        %mul3A_886 = arith.mulf %get3A_883, %mul3A_885 : vector<16xf32>
        tpu.vector_store_idx %arg8[%select_n3A_132, %select_n3A_231, %add3A_862], %mul3A_886 : memref<8x8x132xf32, #tpu.memory_space<vmem>>[vector<16xi32>, vector<16xi32>, vector<16xi32>], vector<16xf32>,
      }
      %scan3A_536 = arith.constant 32 : i32
      %mul3A_537 = arith.constant 8 : i32
      %mul3A_538 = arith.muli %select_n3A_279, %mul3A_537 : i32
      %add3A_539 = arith.constant 4 : i32
      %add3A_540 = arith.addi %mul3A_538, %add3A_539 : i32
      %dma_start3A_541 = arith.constant 0 : i32
      %dma_start3A_542 = arith.constant 0 : i32
      %dma_start3A_543 = arith.constant 0 : i32
      %dma_start3A_544 = tpu.memref_slice %arg8[%dma_start3A_541, %dma_start3A_542, %dma_start3A_543] : memref<8x8x132xf32, #tpu.memory_space<vmem>> -> memref<8x8x128xf32, #tpu.memory_space<vmem>>
      %dma_start3A_545 = arith.constant 0 : i32
      %dma_start3A_546 = arith.constant 0 : i32
      %dma_start3A_547 = arith.constant 0 : i32
      %dma_start3A_548 = tpu.memref_slice %arg4[%add3A_540, %dma_start3A_545, %select_n3A_295, %dma_start3A_546, %dma_start3A_547] : memref<200x8x8x8x128xf32, #tpu.memory_space<hbm>> -> memref<1x8x1x8x128xf32, #tpu.memory_space<hbm>>
      %dma_start3A_549 = tpu.memref_squeeze %dma_start3A_548 : memref<1x8x1x8x128xf32, #tpu.memory_space<hbm>> -> memref<8x8x128xf32, #tpu.memory_space<hbm>>
      %dma_start3A_550 = arith.constant 0 : i32
      %dma_start3A_551 = arith.constant 0 : i32
      %dma_start3A_552 = arith.constant 0 : i32
      %dma_start3A_553 = tpu.memref_slice %arg4[%add3A_540, %dma_start3A_550, %select_n3A_295, %dma_start3A_551, %dma_start3A_552] : memref<200x8x8x8x128xf32, #tpu.memory_space<hbm>> -> memref<1x8x1x8x128xf32, #tpu.memory_space<hbm>>
      %dma_start3A_554 = tpu.memref_squeeze %dma_start3A_553 : memref<1x8x1x8x128xf32, #tpu.memory_space<hbm>> -> memref<8x8x128xf32, #tpu.memory_space<hbm>>
      %dma_start3A_555 = arith.constant 0 : i32
      %dma_start3A_556 = arith.constant 0 : i32
      %dma_start3A_557 = arith.constant 0 : i32
      %dma_start3A_558 = tpu.memref_slice %arg8[%dma_start3A_555, %dma_start3A_556, %dma_start3A_557] : memref<8x8x132xf32, #tpu.memory_space<vmem>> -> memref<8x8x128xf32, #tpu.memory_space<vmem>>
      tpu.enqueue_dma source(%dma_start3A_558 : memref<8x8x128xf32, #tpu.memory_space<vmem>>) target(%dma_start3A_554 : memref<8x8x128xf32, #tpu.memory_space<hbm>>) target_semaphore(%arg12 : memref<!tpu.dma_semaphore, #tpu.memory_space<semaphore_mem>>)
      %dma_wait3A_559 = arith.constant 5 : i32
      %dma_wait3A_560 = arith.constant 0 : i32
      %dma_wait3A_561 = tpu.memref_slice %arg5[%dma_wait3A_559, %dma_wait3A_560] : memref<8x128xi32, #tpu.memory_space<vmem>> -> memref<1x128xi32, #tpu.memory_space<vmem>>
      %dma_wait3A_562 = tpu.memref_squeeze %dma_wait3A_561 : memref<1x128xi32, #tpu.memory_space<vmem>> -> memref<128xi32, #tpu.memory_space<vmem>>
      %dma_wait3A_563 = arith.constant 0 : i32
      %dma_wait3A_564 = arith.constant 0 : i32
      %dma_wait3A_565 = tpu.memref_slice %arg3[%dma_wait3A_563, %dma_wait3A_564] : memref<1000000x64xf32, #tpu.memory_space<hbm>> -> memref<1000000x64xf32, #tpu.memory_space<hbm>>
      tpu.wait_indirect_dma semaphore(%arg11 : memref<!tpu.dma_semaphore, #tpu.memory_space<semaphore_mem>>) src(%dma_wait3A_565 : memref<1000000x64xf32, #tpu.memory_space<hbm>>) dst(%arg7 : memref<128x64xf32, #tpu.memory_space<vmem>>)
      %dma_start3A_566 = arith.constant 6 : i32
      %dma_start3A_567 = arith.constant 0 : i32
      %dma_start3A_568 = tpu.memref_slice %arg5[%dma_start3A_566, %dma_start3A_567] : memref<8x128xi32, #tpu.memory_space<vmem>> -> memref<1x128xi32, #tpu.memory_space<vmem>>
      %dma_start3A_569 = tpu.memref_squeeze %dma_start3A_568 : memref<1x128xi32, #tpu.memory_space<vmem>> -> memref<128xi32, #tpu.memory_space<vmem>>
      %dma_start3A_570 = arith.constant 0 : i32
      %dma_start3A_571 = arith.constant 0 : i32
      %dma_start3A_572 = tpu.memref_slice %arg3[%dma_start3A_570, %dma_start3A_571] : memref<1000000x64xf32, #tpu.memory_space<hbm>> -> memref<1000000x64xf32, #tpu.memory_space<hbm>>
      tpu.enqueue_indirect_dma source(%dma_start3A_572 : memref<1000000x64xf32, #tpu.memory_space<hbm>>) target(%arg6 : memref<128x64xf32, #tpu.memory_space<vmem>>) offsets(%dma_start3A_569 : memref<128xi32, #tpu.memory_space<vmem>>) semaphore(%arg10 : memref<!tpu.dma_semaphore, #tpu.memory_space<semaphore_mem>>)
      %dma_wait3A_573 = arith.constant 0 : i32
      %dma_wait3A_574 = arith.constant 0 : i32
      %dma_wait3A_575 = arith.constant 0 : i32
      %dma_wait3A_576 = tpu.memref_slice %arg9[%dma_wait3A_573, %dma_wait3A_574, %dma_wait3A_575] : memref<8x8x132xf32, #tpu.memory_space<vmem>> -> memref<8x8x128xf32, #tpu.memory_space<vmem>>
      %dma_wait3A_577 = arith.constant 0 : i32
      %dma_wait3A_578 = arith.constant 0 : i32
      %dma_wait3A_579 = arith.constant 0 : i32
      %dma_wait3A_580 = tpu.memref_slice %arg4[%add3A_481, %dma_wait3A_577, %select_n3A_295, %dma_wait3A_578, %dma_wait3A_579] : memref<200x8x8x8x128xf32, #tpu.memory_space<hbm>> -> memref<1x8x1x8x128xf32, #tpu.memory_space<hbm>>
      %dma_wait3A_581 = tpu.memref_squeeze %dma_wait3A_580 : memref<1x8x1x8x128xf32, #tpu.memory_space<hbm>> -> memref<8x8x128xf32, #tpu.memory_space<hbm>>
      %dma_wait3A_582 = arith.constant 0 : i32
      %dma_wait3A_583 = arith.constant 0 : i32
      %dma_wait3A_584 = arith.constant 0 : i32
      %dma_wait3A_585 = tpu.memref_slice %arg4[%add3A_481, %dma_wait3A_582, %select_n3A_295, %dma_wait3A_583, %dma_wait3A_584] : memref<200x8x8x8x128xf32, #tpu.memory_space<hbm>> -> memref<1x8x1x8x128xf32, #tpu.memory_space<hbm>>
      %dma_wait3A_586 = tpu.memref_squeeze %dma_wait3A_585 : memref<1x8x1x8x128xf32, #tpu.memory_space<hbm>> -> memref<8x8x128xf32, #tpu.memory_space<hbm>>
      %dma_wait3A_587 = arith.constant 0 : i32
      %dma_wait3A_588 = arith.constant 0 : i32
      %dma_wait3A_589 = arith.constant 0 : i32
      %dma_wait3A_590 = tpu.memref_slice %arg9[%dma_wait3A_587, %dma_wait3A_588, %dma_wait3A_589] : memref<8x8x132xf32, #tpu.memory_space<vmem>> -> memref<8x8x128xf32, #tpu.memory_space<vmem>>
      tpu.wait_dma2 semaphore(%arg13 : memref<!tpu.dma_semaphore, #tpu.memory_space<semaphore_mem>>) src(%dma_wait3A_590 : memref<8x8x128xf32, #tpu.memory_space<vmem>>) dst(%dma_wait3A_586 : memref<8x8x128xf32, #tpu.memory_space<hbm>>)
      %scan3A_591 = arith.constant 0 : i32
      %scan3A_592 = arith.constant 32 : i32
      %scan3A_593 = arith.addi %scan3A_591, %scan3A_592 : i32
      %scan3A_594 = arith.constant 1 : i32
      scf.for %scan3A_765 = %scan3A_591 to %scan3A_593 step %scan3A_594  : i32 {
        %mul3A_766 = arith.constant 1 : i32
        %mul3A_767 = arith.muli %scan3A_765, %mul3A_766 : i32
        %add3A_768 = arith.constant 0 : i32
        %add3A_769 = arith.addi %add3A_768, %mul3A_767 : i32
        %mul3A_770 = arith.constant 4 : i32
        %mul3A_771 = arith.muli %add3A_769, %mul3A_770 : i32
        %broadcast_in_dim3A = vector.broadcast %mul3A_771 : i32 to vector<16xi32>
        %add3A_772 = arith.constant 0 : i32
        %add3A_773 = arith.addi %mul3A_771, %add3A_772 : i32
        %add3A_774 = arith.constant 0 : i32
        %add3A_775 = vector.broadcast %add3A_774 : i32 to vector<16xi32>
        %add3A_776 = arith.addi %broadcast_in_dim3A, %add3A_775 : vector<16xi32>
        %get3A = arith.index_cast %add3A_773 : i32 to index
        %get3A_777 = arith.constant 0 : index
        %get3A_778 = tpu.vector_load %arg7[%get3A, %get3A_777] {strides = array<i32>} : memref<128x64xf32, #tpu.memory_space<vmem>>, vector<16xf32>,
        %mul3A_779 = arith.constant 8.000000e+00 : f32
        %mul3A_780 = vector.broadcast %mul3A_779 : f32 to vector<16xf32>
        %mul3A_781 = arith.mulf %get3A_778, %mul3A_780 : vector<16xf32>
        tpu.vector_store_idx %arg9[%select_n3A_30, %select_n3A_156, %add3A_776], %mul3A_781 : memref<8x8x132xf32, #tpu.memory_space<vmem>>[vector<16xi32>, vector<16xi32>, vector<16xi32>], vector<16xf32>,
        %get3A_782 = arith.index_cast %add3A_773 : i32 to index
        %get3A_783 = arith.constant 16 : index
        %get3A_784 = tpu.vector_load %arg7[%get3A_782, %get3A_783] {strides = array<i32>} : memref<128x64xf32, #tpu.memory_space<vmem>>, vector<16xf32>,
        %mul3A_785 = arith.constant 8.000000e+00 : f32
        %mul3A_786 = vector.broadcast %mul3A_785 : f32 to vector<16xf32>
        %mul3A_787 = arith.mulf %get3A_784, %mul3A_786 : vector<16xf32>
        tpu.vector_store_idx %arg9[%select_n3A_64, %select_n3A_181, %add3A_776], %mul3A_787 : memref<8x8x132xf32, #tpu.memory_space<vmem>>[vector<16xi32>, vector<16xi32>, vector<16xi32>], vector<16xf32>,
        %get3A_788 = arith.index_cast %add3A_773 : i32 to index
        %get3A_789 = arith.constant 32 : index
        %get3A_790 = tpu.vector_load %arg7[%get3A_788, %get3A_789] {strides = array<i32>} : memref<128x64xf32, #tpu.memory_space<vmem>>, vector<16xf32>,
        %mul3A_791 = arith.constant 8.000000e+00 : f32
        %mul3A_792 = vector.broadcast %mul3A_791 : f32 to vector<16xf32>
        %mul3A_793 = arith.mulf %get3A_790, %mul3A_792 : vector<16xf32>
        tpu.vector_store_idx %arg9[%select_n3A_98, %select_n3A_206, %add3A_776], %mul3A_793 : memref<8x8x132xf32, #tpu.memory_space<vmem>>[vector<16xi32>, vector<16xi32>, vector<16xi32>], vector<16xf32>,
        %get3A_794 = arith.index_cast %add3A_773 : i32 to index
        %get3A_795 = arith.constant 48 : index
        %get3A_796 = tpu.vector_load %arg7[%get3A_794, %get3A_795] {strides = array<i32>} : memref<128x64xf32, #tpu.memory_space<vmem>>, vector<16xf32>,
        %mul3A_797 = arith.constant 8.000000e+00 : f32
        %mul3A_798 = vector.broadcast %mul3A_797 : f32 to vector<16xf32>
        %mul3A_799 = arith.mulf %get3A_796, %mul3A_798 : vector<16xf32>
        tpu.vector_store_idx %arg9[%select_n3A_132, %select_n3A_231, %add3A_776], %mul3A_799 : memref<8x8x132xf32, #tpu.memory_space<vmem>>[vector<16xi32>, vector<16xi32>, vector<16xi32>], vector<16xf32>,
        %add3A_800 = arith.constant 1 : i32
        %add3A_801 = arith.addi %mul3A_771, %add3A_800 : i32
        %add3A_802 = arith.constant 1 : i32
        %add3A_803 = vector.broadcast %add3A_802 : i32 to vector<16xi32>
        %add3A_804 = arith.addi %broadcast_in_dim3A, %add3A_803 : vector<16xi32>
        %get3A_805 = arith.index_cast %add3A_801 : i32 to index
        %get3A_806 = arith.constant 0 : index
        %get3A_807 = tpu.vector_load %arg7[%get3A_805, %get3A_806] {strides = array<i32>} : memref<128x64xf32, #tpu.memory_space<vmem>>, vector<16xf32>,
        %mul3A_808 = arith.constant 8.000000e+00 : f32
        %mul3A_809 = vector.broadcast %mul3A_808 : f32 to vector<16xf32>
        %mul3A_810 = arith.mulf %get3A_807, %mul3A_809 : vector<16xf32>
        tpu.vector_store_idx %arg9[%select_n3A_30, %select_n3A_156, %add3A_804], %mul3A_810 : memref<8x8x132xf32, #tpu.memory_space<vmem>>[vector<16xi32>, vector<16xi32>, vector<16xi32>], vector<16xf32>,
        %get3A_811 = arith.index_cast %add3A_801 : i32 to index
        %get3A_812 = arith.constant 16 : index
        %get3A_813 = tpu.vector_load %arg7[%get3A_811, %get3A_812] {strides = array<i32>} : memref<128x64xf32, #tpu.memory_space<vmem>>, vector<16xf32>,
        %mul3A_814 = arith.constant 8.000000e+00 : f32
        %mul3A_815 = vector.broadcast %mul3A_814 : f32 to vector<16xf32>
        %mul3A_816 = arith.mulf %get3A_813, %mul3A_815 : vector<16xf32>
        tpu.vector_store_idx %arg9[%select_n3A_64, %select_n3A_181, %add3A_804], %mul3A_816 : memref<8x8x132xf32, #tpu.memory_space<vmem>>[vector<16xi32>, vector<16xi32>, vector<16xi32>], vector<16xf32>,
        %get3A_817 = arith.index_cast %add3A_801 : i32 to index
        %get3A_818 = arith.constant 32 : index
        %get3A_819 = tpu.vector_load %arg7[%get3A_817, %get3A_818] {strides = array<i32>} : memref<128x64xf32, #tpu.memory_space<vmem>>, vector<16xf32>,
        %mul3A_820 = arith.constant 8.000000e+00 : f32
        %mul3A_821 = vector.broadcast %mul3A_820 : f32 to vector<16xf32>
        %mul3A_822 = arith.mulf %get3A_819, %mul3A_821 : vector<16xf32>
        tpu.vector_store_idx %arg9[%select_n3A_98, %select_n3A_206, %add3A_804], %mul3A_822 : memref<8x8x132xf32, #tpu.memory_space<vmem>>[vector<16xi32>, vector<16xi32>, vector<16xi32>], vector<16xf32>,
        %get3A_823 = arith.index_cast %add3A_801 : i32 to index
        %get3A_824 = arith.constant 48 : index
        %get3A_825 = tpu.vector_load %arg7[%get3A_823, %get3A_824] {strides = array<i32>} : memref<128x64xf32, #tpu.memory_space<vmem>>, vector<16xf32>,
        %mul3A_826 = arith.constant 8.000000e+00 : f32
        %mul3A_827 = vector.broadcast %mul3A_826 : f32 to vector<16xf32>
        %mul3A_828 = arith.mulf %get3A_825, %mul3A_827 : vector<16xf32>
        tpu.vector_store_idx %arg9[%select_n3A_132, %select_n3A_231, %add3A_804], %mul3A_828 : memref<8x8x132xf32, #tpu.memory_space<vmem>>[vector<16xi32>, vector<16xi32>, vector<16xi32>], vector<16xf32>,
        %add3A_829 = arith.constant 2 : i32
        %add3A_830 = arith.addi %mul3A_771, %add3A_829 : i32
        %add3A_831 = arith.constant 2 : i32
        %add3A_832 = vector.broadcast %add3A_831 : i32 to vector<16xi32>
        %add3A_833 = arith.addi %broadcast_in_dim3A, %add3A_832 : vector<16xi32>
        %get3A_834 = arith.index_cast %add3A_830 : i32 to index
        %get3A_835 = arith.constant 0 : index
        %get3A_836 = tpu.vector_load %arg7[%get3A_834, %get3A_835] {strides = array<i32>} : memref<128x64xf32, #tpu.memory_space<vmem>>, vector<16xf32>,
        %mul3A_837 = arith.constant 8.000000e+00 : f32
        %mul3A_838 = vector.broadcast %mul3A_837 : f32 to vector<16xf32>
        %mul3A_839 = arith.mulf %get3A_836, %mul3A_838 : vector<16xf32>
        tpu.vector_store_idx %arg9[%select_n3A_30, %select_n3A_156, %add3A_833], %mul3A_839 : memref<8x8x132xf32, #tpu.memory_space<vmem>>[vector<16xi32>, vector<16xi32>, vector<16xi32>], vector<16xf32>,
        %get3A_840 = arith.index_cast %add3A_830 : i32 to index
        %get3A_841 = arith.constant 16 : index
        %get3A_842 = tpu.vector_load %arg7[%get3A_840, %get3A_841] {strides = array<i32>} : memref<128x64xf32, #tpu.memory_space<vmem>>, vector<16xf32>,
        %mul3A_843 = arith.constant 8.000000e+00 : f32
        %mul3A_844 = vector.broadcast %mul3A_843 : f32 to vector<16xf32>
        %mul3A_845 = arith.mulf %get3A_842, %mul3A_844 : vector<16xf32>
        tpu.vector_store_idx %arg9[%select_n3A_64, %select_n3A_181, %add3A_833], %mul3A_845 : memref<8x8x132xf32, #tpu.memory_space<vmem>>[vector<16xi32>, vector<16xi32>, vector<16xi32>], vector<16xf32>,
        %get3A_846 = arith.index_cast %add3A_830 : i32 to index
        %get3A_847 = arith.constant 32 : index
        %get3A_848 = tpu.vector_load %arg7[%get3A_846, %get3A_847] {strides = array<i32>} : memref<128x64xf32, #tpu.memory_space<vmem>>, vector<16xf32>,
        %mul3A_849 = arith.constant 8.000000e+00 : f32
        %mul3A_850 = vector.broadcast %mul3A_849 : f32 to vector<16xf32>
        %mul3A_851 = arith.mulf %get3A_848, %mul3A_850 : vector<16xf32>
        tpu.vector_store_idx %arg9[%select_n3A_98, %select_n3A_206, %add3A_833], %mul3A_851 : memref<8x8x132xf32, #tpu.memory_space<vmem>>[vector<16xi32>, vector<16xi32>, vector<16xi32>], vector<16xf32>,
        %get3A_852 = arith.index_cast %add3A_830 : i32 to index
        %get3A_853 = arith.constant 48 : index
        %get3A_854 = tpu.vector_load %arg7[%get3A_852, %get3A_853] {strides = array<i32>} : memref<128x64xf32, #tpu.memory_space<vmem>>, vector<16xf32>,
        %mul3A_855 = arith.constant 8.000000e+00 : f32
        %mul3A_856 = vector.broadcast %mul3A_855 : f32 to vector<16xf32>
        %mul3A_857 = arith.mulf %get3A_854, %mul3A_856 : vector<16xf32>
        tpu.vector_store_idx %arg9[%select_n3A_132, %select_n3A_231, %add3A_833], %mul3A_857 : memref<8x8x132xf32, #tpu.memory_space<vmem>>[vector<16xi32>, vector<16xi32>, vector<16xi32>], vector<16xf32>,
        %add3A_858 = arith.constant 3 : i32
        %add3A_859 = arith.addi %mul3A_771, %add3A_858 : i32
        %add3A_860 = arith.constant 3 : i32
        %add3A_861 = vector.broadcast %add3A_860 : i32 to vector<16xi32>
        %add3A_862 = arith.addi %broadcast_in_dim3A, %add3A_861 : vector<16xi32>
        %get3A_863 = arith.index_cast %add3A_859 : i32 to index
        %get3A_864 = arith.constant 0 : index
        %get3A_865 = tpu.vector_load %arg7[%get3A_863, %get3A_864] {strides = array<i32>} : memref<128x64xf32, #tpu.memory_space<vmem>>, vector<16xf32>,
        %mul3A_866 = arith.constant 8.000000e+00 : f32
        %mul3A_867 = vector.broadcast %mul3A_866 : f32 to vector<16xf32>
        %mul3A_868 = arith.mulf %get3A_865, %mul3A_867 : vector<16xf32>
        tpu.vector_store_idx %arg9[%select_n3A_30, %select_n3A_156, %add3A_862], %mul3A_868 : memref<8x8x132xf32, #tpu.memory_space<vmem>>[vector<16xi32>, vector<16xi32>, vector<16xi32>], vector<16xf32>,
        %get3A_869 = arith.index_cast %add3A_859 : i32 to index
        %get3A_870 = arith.constant 16 : index
        %get3A_871 = tpu.vector_load %arg7[%get3A_869, %get3A_870] {strides = array<i32>} : memref<128x64xf32, #tpu.memory_space<vmem>>, vector<16xf32>,
        %mul3A_872 = arith.constant 8.000000e+00 : f32
        %mul3A_873 = vector.broadcast %mul3A_872 : f32 to vector<16xf32>
        %mul3A_874 = arith.mulf %get3A_871, %mul3A_873 : vector<16xf32>
        tpu.vector_store_idx %arg9[%select_n3A_64, %select_n3A_181, %add3A_862], %mul3A_874 : memref<8x8x132xf32, #tpu.memory_space<vmem>>[vector<16xi32>, vector<16xi32>, vector<16xi32>], vector<16xf32>,
        %get3A_875 = arith.index_cast %add3A_859 : i32 to index
        %get3A_876 = arith.constant 32 : index
        %get3A_877 = tpu.vector_load %arg7[%get3A_875, %get3A_876] {strides = array<i32>} : memref<128x64xf32, #tpu.memory_space<vmem>>, vector<16xf32>,
        %mul3A_878 = arith.constant 8.000000e+00 : f32
        %mul3A_879 = vector.broadcast %mul3A_878 : f32 to vector<16xf32>
        %mul3A_880 = arith.mulf %get3A_877, %mul3A_879 : vector<16xf32>
        tpu.vector_store_idx %arg9[%select_n3A_98, %select_n3A_206, %add3A_862], %mul3A_880 : memref<8x8x132xf32, #tpu.memory_space<vmem>>[vector<16xi32>, vector<16xi32>, vector<16xi32>], vector<16xf32>,
        %get3A_881 = arith.index_cast %add3A_859 : i32 to index
        %get3A_882 = arith.constant 48 : index
        %get3A_883 = tpu.vector_load %arg7[%get3A_881, %get3A_882] {strides = array<i32>} : memref<128x64xf32, #tpu.memory_space<vmem>>, vector<16xf32>,
        %mul3A_884 = arith.constant 8.000000e+00 : f32
        %mul3A_885 = vector.broadcast %mul3A_884 : f32 to vector<16xf32>
        %mul3A_886 = arith.mulf %get3A_883, %mul3A_885 : vector<16xf32>
        tpu.vector_store_idx %arg9[%select_n3A_132, %select_n3A_231, %add3A_862], %mul3A_886 : memref<8x8x132xf32, #tpu.memory_space<vmem>>[vector<16xi32>, vector<16xi32>, vector<16xi32>], vector<16xf32>,
      }
      %scan3A_595 = arith.constant 32 : i32
      %mul3A_596 = arith.constant 8 : i32
      %mul3A_597 = arith.muli %select_n3A_279, %mul3A_596 : i32
      %add3A_598 = arith.constant 5 : i32
      %add3A_599 = arith.addi %mul3A_597, %add3A_598 : i32
      %dma_start3A_600 = arith.constant 0 : i32
      %dma_start3A_601 = arith.constant 0 : i32
      %dma_start3A_602 = arith.constant 0 : i32
      %dma_start3A_603 = tpu.memref_slice %arg9[%dma_start3A_600, %dma_start3A_601, %dma_start3A_602] : memref<8x8x132xf32, #tpu.memory_space<vmem>> -> memref<8x8x128xf32, #tpu.memory_space<vmem>>
      %dma_start3A_604 = arith.constant 0 : i32
      %dma_start3A_605 = arith.constant 0 : i32
      %dma_start3A_606 = arith.constant 0 : i32
      %dma_start3A_607 = tpu.memref_slice %arg4[%add3A_599, %dma_start3A_604, %select_n3A_295, %dma_start3A_605, %dma_start3A_606] : memref<200x8x8x8x128xf32, #tpu.memory_space<hbm>> -> memref<1x8x1x8x128xf32, #tpu.memory_space<hbm>>
      %dma_start3A_608 = tpu.memref_squeeze %dma_start3A_607 : memref<1x8x1x8x128xf32, #tpu.memory_space<hbm>> -> memref<8x8x128xf32, #tpu.memory_space<hbm>>
      %dma_start3A_609 = arith.constant 0 : i32
      %dma_start3A_610 = arith.constant 0 : i32
      %dma_start3A_611 = arith.constant 0 : i32
      %dma_start3A_612 = tpu.memref_slice %arg4[%add3A_599, %dma_start3A_609, %select_n3A_295, %dma_start3A_610, %dma_start3A_611] : memref<200x8x8x8x128xf32, #tpu.memory_space<hbm>> -> memref<1x8x1x8x128xf32, #tpu.memory_space<hbm>>
      %dma_start3A_613 = tpu.memref_squeeze %dma_start3A_612 : memref<1x8x1x8x128xf32, #tpu.memory_space<hbm>> -> memref<8x8x128xf32, #tpu.memory_space<hbm>>
      %dma_start3A_614 = arith.constant 0 : i32
      %dma_start3A_615 = arith.constant 0 : i32
      %dma_start3A_616 = arith.constant 0 : i32
      %dma_start3A_617 = tpu.memref_slice %arg9[%dma_start3A_614, %dma_start3A_615, %dma_start3A_616] : memref<8x8x132xf32, #tpu.memory_space<vmem>> -> memref<8x8x128xf32, #tpu.memory_space<vmem>>
      tpu.enqueue_dma source(%dma_start3A_617 : memref<8x8x128xf32, #tpu.memory_space<vmem>>) target(%dma_start3A_613 : memref<8x8x128xf32, #tpu.memory_space<hbm>>) target_semaphore(%arg13 : memref<!tpu.dma_semaphore, #tpu.memory_space<semaphore_mem>>)
      %dma_wait3A_618 = arith.constant 6 : i32
      %dma_wait3A_619 = arith.constant 0 : i32
      %dma_wait3A_620 = tpu.memref_slice %arg5[%dma_wait3A_618, %dma_wait3A_619] : memref<8x128xi32, #tpu.memory_space<vmem>> -> memref<1x128xi32, #tpu.memory_space<vmem>>
      %dma_wait3A_621 = tpu.memref_squeeze %dma_wait3A_620 : memref<1x128xi32, #tpu.memory_space<vmem>> -> memref<128xi32, #tpu.memory_space<vmem>>
      %dma_wait3A_622 = arith.constant 0 : i32
      %dma_wait3A_623 = arith.constant 0 : i32
      %dma_wait3A_624 = tpu.memref_slice %arg3[%dma_wait3A_622, %dma_wait3A_623] : memref<1000000x64xf32, #tpu.memory_space<hbm>> -> memref<1000000x64xf32, #tpu.memory_space<hbm>>
      tpu.wait_indirect_dma semaphore(%arg10 : memref<!tpu.dma_semaphore, #tpu.memory_space<semaphore_mem>>) src(%dma_wait3A_624 : memref<1000000x64xf32, #tpu.memory_space<hbm>>) dst(%arg6 : memref<128x64xf32, #tpu.memory_space<vmem>>)
      %dma_start3A_625 = arith.constant 7 : i32
      %dma_start3A_626 = arith.constant 0 : i32
      %dma_start3A_627 = tpu.memref_slice %arg5[%dma_start3A_625, %dma_start3A_626] : memref<8x128xi32, #tpu.memory_space<vmem>> -> memref<1x128xi32, #tpu.memory_space<vmem>>
      %dma_start3A_628 = tpu.memref_squeeze %dma_start3A_627 : memref<1x128xi32, #tpu.memory_space<vmem>> -> memref<128xi32, #tpu.memory_space<vmem>>
      %dma_start3A_629 = arith.constant 0 : i32
      %dma_start3A_630 = arith.constant 0 : i32
      %dma_start3A_631 = tpu.memref_slice %arg3[%dma_start3A_629, %dma_start3A_630] : memref<1000000x64xf32, #tpu.memory_space<hbm>> -> memref<1000000x64xf32, #tpu.memory_space<hbm>>
      tpu.enqueue_indirect_dma source(%dma_start3A_631 : memref<1000000x64xf32, #tpu.memory_space<hbm>>) target(%arg7 : memref<128x64xf32, #tpu.memory_space<vmem>>) offsets(%dma_start3A_628 : memref<128xi32, #tpu.memory_space<vmem>>) semaphore(%arg11 : memref<!tpu.dma_semaphore, #tpu.memory_space<semaphore_mem>>)
      %dma_wait3A_632 = arith.constant 0 : i32
      %dma_wait3A_633 = arith.constant 0 : i32
      %dma_wait3A_634 = arith.constant 0 : i32
      %dma_wait3A_635 = tpu.memref_slice %arg8[%dma_wait3A_632, %dma_wait3A_633, %dma_wait3A_634] : memref<8x8x132xf32, #tpu.memory_space<vmem>> -> memref<8x8x128xf32, #tpu.memory_space<vmem>>
      %dma_wait3A_636 = arith.constant 0 : i32
      %dma_wait3A_637 = arith.constant 0 : i32
      %dma_wait3A_638 = arith.constant 0 : i32
      %dma_wait3A_639 = tpu.memref_slice %arg4[%add3A_540, %dma_wait3A_636, %select_n3A_295, %dma_wait3A_637, %dma_wait3A_638] : memref<200x8x8x8x128xf32, #tpu.memory_space<hbm>> -> memref<1x8x1x8x128xf32, #tpu.memory_space<hbm>>
      %dma_wait3A_640 = tpu.memref_squeeze %dma_wait3A_639 : memref<1x8x1x8x128xf32, #tpu.memory_space<hbm>> -> memref<8x8x128xf32, #tpu.memory_space<hbm>>
      %dma_wait3A_641 = arith.constant 0 : i32
      %dma_wait3A_642 = arith.constant 0 : i32
      %dma_wait3A_643 = arith.constant 0 : i32
      %dma_wait3A_644 = tpu.memref_slice %arg4[%add3A_540, %dma_wait3A_641, %select_n3A_295, %dma_wait3A_642, %dma_wait3A_643] : memref<200x8x8x8x128xf32, #tpu.memory_space<hbm>> -> memref<1x8x1x8x128xf32, #tpu.memory_space<hbm>>
      %dma_wait3A_645 = tpu.memref_squeeze %dma_wait3A_644 : memref<1x8x1x8x128xf32, #tpu.memory_space<hbm>> -> memref<8x8x128xf32, #tpu.memory_space<hbm>>
      %dma_wait3A_646 = arith.constant 0 : i32
      %dma_wait3A_647 = arith.constant 0 : i32
      %dma_wait3A_648 = arith.constant 0 : i32
      %dma_wait3A_649 = tpu.memref_slice %arg8[%dma_wait3A_646, %dma_wait3A_647, %dma_wait3A_648] : memref<8x8x132xf32, #tpu.memory_space<vmem>> -> memref<8x8x128xf32, #tpu.memory_space<vmem>>
      tpu.wait_dma2 semaphore(%arg12 : memref<!tpu.dma_semaphore, #tpu.memory_space<semaphore_mem>>) src(%dma_wait3A_649 : memref<8x8x128xf32, #tpu.memory_space<vmem>>) dst(%dma_wait3A_645 : memref<8x8x128xf32, #tpu.memory_space<hbm>>)
      %scan3A_650 = arith.constant 0 : i32
      %scan3A_651 = arith.constant 32 : i32
      %scan3A_652 = arith.addi %scan3A_650, %scan3A_651 : i32
      %scan3A_653 = arith.constant 1 : i32
      scf.for %scan3A_765 = %scan3A_650 to %scan3A_652 step %scan3A_653  : i32 {
        %mul3A_766 = arith.constant 1 : i32
        %mul3A_767 = arith.muli %scan3A_765, %mul3A_766 : i32
        %add3A_768 = arith.constant 0 : i32
        %add3A_769 = arith.addi %add3A_768, %mul3A_767 : i32
        %mul3A_770 = arith.constant 4 : i32
        %mul3A_771 = arith.muli %add3A_769, %mul3A_770 : i32
        %broadcast_in_dim3A = vector.broadcast %mul3A_771 : i32 to vector<16xi32>
        %add3A_772 = arith.constant 0 : i32
        %add3A_773 = arith.addi %mul3A_771, %add3A_772 : i32
        %add3A_774 = arith.constant 0 : i32
        %add3A_775 = vector.broadcast %add3A_774 : i32 to vector<16xi32>
        %add3A_776 = arith.addi %broadcast_in_dim3A, %add3A_775 : vector<16xi32>
        %get3A = arith.index_cast %add3A_773 : i32 to index
        %get3A_777 = arith.constant 0 : index
        %get3A_778 = tpu.vector_load %arg6[%get3A, %get3A_777] {strides = array<i32>} : memref<128x64xf32, #tpu.memory_space<vmem>>, vector<16xf32>,
        %mul3A_779 = arith.constant 8.000000e+00 : f32
        %mul3A_780 = vector.broadcast %mul3A_779 : f32 to vector<16xf32>
        %mul3A_781 = arith.mulf %get3A_778, %mul3A_780 : vector<16xf32>
        tpu.vector_store_idx %arg8[%select_n3A_30, %select_n3A_156, %add3A_776], %mul3A_781 : memref<8x8x132xf32, #tpu.memory_space<vmem>>[vector<16xi32>, vector<16xi32>, vector<16xi32>], vector<16xf32>,
        %get3A_782 = arith.index_cast %add3A_773 : i32 to index
        %get3A_783 = arith.constant 16 : index
        %get3A_784 = tpu.vector_load %arg6[%get3A_782, %get3A_783] {strides = array<i32>} : memref<128x64xf32, #tpu.memory_space<vmem>>, vector<16xf32>,
        %mul3A_785 = arith.constant 8.000000e+00 : f32
        %mul3A_786 = vector.broadcast %mul3A_785 : f32 to vector<16xf32>
        %mul3A_787 = arith.mulf %get3A_784, %mul3A_786 : vector<16xf32>
        tpu.vector_store_idx %arg8[%select_n3A_64, %select_n3A_181, %add3A_776], %mul3A_787 : memref<8x8x132xf32, #tpu.memory_space<vmem>>[vector<16xi32>, vector<16xi32>, vector<16xi32>], vector<16xf32>,
        %get3A_788 = arith.index_cast %add3A_773 : i32 to index
        %get3A_789 = arith.constant 32 : index
        %get3A_790 = tpu.vector_load %arg6[%get3A_788, %get3A_789] {strides = array<i32>} : memref<128x64xf32, #tpu.memory_space<vmem>>, vector<16xf32>,
        %mul3A_791 = arith.constant 8.000000e+00 : f32
        %mul3A_792 = vector.broadcast %mul3A_791 : f32 to vector<16xf32>
        %mul3A_793 = arith.mulf %get3A_790, %mul3A_792 : vector<16xf32>
        tpu.vector_store_idx %arg8[%select_n3A_98, %select_n3A_206, %add3A_776], %mul3A_793 : memref<8x8x132xf32, #tpu.memory_space<vmem>>[vector<16xi32>, vector<16xi32>, vector<16xi32>], vector<16xf32>,
        %get3A_794 = arith.index_cast %add3A_773 : i32 to index
        %get3A_795 = arith.constant 48 : index
        %get3A_796 = tpu.vector_load %arg6[%get3A_794, %get3A_795] {strides = array<i32>} : memref<128x64xf32, #tpu.memory_space<vmem>>, vector<16xf32>,
        %mul3A_797 = arith.constant 8.000000e+00 : f32
        %mul3A_798 = vector.broadcast %mul3A_797 : f32 to vector<16xf32>
        %mul3A_799 = arith.mulf %get3A_796, %mul3A_798 : vector<16xf32>
        tpu.vector_store_idx %arg8[%select_n3A_132, %select_n3A_231, %add3A_776], %mul3A_799 : memref<8x8x132xf32, #tpu.memory_space<vmem>>[vector<16xi32>, vector<16xi32>, vector<16xi32>], vector<16xf32>,
        %add3A_800 = arith.constant 1 : i32
        %add3A_801 = arith.addi %mul3A_771, %add3A_800 : i32
        %add3A_802 = arith.constant 1 : i32
        %add3A_803 = vector.broadcast %add3A_802 : i32 to vector<16xi32>
        %add3A_804 = arith.addi %broadcast_in_dim3A, %add3A_803 : vector<16xi32>
        %get3A_805 = arith.index_cast %add3A_801 : i32 to index
        %get3A_806 = arith.constant 0 : index
        %get3A_807 = tpu.vector_load %arg6[%get3A_805, %get3A_806] {strides = array<i32>} : memref<128x64xf32, #tpu.memory_space<vmem>>, vector<16xf32>,
        %mul3A_808 = arith.constant 8.000000e+00 : f32
        %mul3A_809 = vector.broadcast %mul3A_808 : f32 to vector<16xf32>
        %mul3A_810 = arith.mulf %get3A_807, %mul3A_809 : vector<16xf32>
        tpu.vector_store_idx %arg8[%select_n3A_30, %select_n3A_156, %add3A_804], %mul3A_810 : memref<8x8x132xf32, #tpu.memory_space<vmem>>[vector<16xi32>, vector<16xi32>, vector<16xi32>], vector<16xf32>,
        %get3A_811 = arith.index_cast %add3A_801 : i32 to index
        %get3A_812 = arith.constant 16 : index
        %get3A_813 = tpu.vector_load %arg6[%get3A_811, %get3A_812] {strides = array<i32>} : memref<128x64xf32, #tpu.memory_space<vmem>>, vector<16xf32>,
        %mul3A_814 = arith.constant 8.000000e+00 : f32
        %mul3A_815 = vector.broadcast %mul3A_814 : f32 to vector<16xf32>
        %mul3A_816 = arith.mulf %get3A_813, %mul3A_815 : vector<16xf32>
        tpu.vector_store_idx %arg8[%select_n3A_64, %select_n3A_181, %add3A_804], %mul3A_816 : memref<8x8x132xf32, #tpu.memory_space<vmem>>[vector<16xi32>, vector<16xi32>, vector<16xi32>], vector<16xf32>,
        %get3A_817 = arith.index_cast %add3A_801 : i32 to index
        %get3A_818 = arith.constant 32 : index
        %get3A_819 = tpu.vector_load %arg6[%get3A_817, %get3A_818] {strides = array<i32>} : memref<128x64xf32, #tpu.memory_space<vmem>>, vector<16xf32>,
        %mul3A_820 = arith.constant 8.000000e+00 : f32
        %mul3A_821 = vector.broadcast %mul3A_820 : f32 to vector<16xf32>
        %mul3A_822 = arith.mulf %get3A_819, %mul3A_821 : vector<16xf32>
        tpu.vector_store_idx %arg8[%select_n3A_98, %select_n3A_206, %add3A_804], %mul3A_822 : memref<8x8x132xf32, #tpu.memory_space<vmem>>[vector<16xi32>, vector<16xi32>, vector<16xi32>], vector<16xf32>,
        %get3A_823 = arith.index_cast %add3A_801 : i32 to index
        %get3A_824 = arith.constant 48 : index
        %get3A_825 = tpu.vector_load %arg6[%get3A_823, %get3A_824] {strides = array<i32>} : memref<128x64xf32, #tpu.memory_space<vmem>>, vector<16xf32>,
        %mul3A_826 = arith.constant 8.000000e+00 : f32
        %mul3A_827 = vector.broadcast %mul3A_826 : f32 to vector<16xf32>
        %mul3A_828 = arith.mulf %get3A_825, %mul3A_827 : vector<16xf32>
        tpu.vector_store_idx %arg8[%select_n3A_132, %select_n3A_231, %add3A_804], %mul3A_828 : memref<8x8x132xf32, #tpu.memory_space<vmem>>[vector<16xi32>, vector<16xi32>, vector<16xi32>], vector<16xf32>,
        %add3A_829 = arith.constant 2 : i32
        %add3A_830 = arith.addi %mul3A_771, %add3A_829 : i32
        %add3A_831 = arith.constant 2 : i32
        %add3A_832 = vector.broadcast %add3A_831 : i32 to vector<16xi32>
        %add3A_833 = arith.addi %broadcast_in_dim3A, %add3A_832 : vector<16xi32>
        %get3A_834 = arith.index_cast %add3A_830 : i32 to index
        %get3A_835 = arith.constant 0 : index
        %get3A_836 = tpu.vector_load %arg6[%get3A_834, %get3A_835] {strides = array<i32>} : memref<128x64xf32, #tpu.memory_space<vmem>>, vector<16xf32>,
        %mul3A_837 = arith.constant 8.000000e+00 : f32
        %mul3A_838 = vector.broadcast %mul3A_837 : f32 to vector<16xf32>
        %mul3A_839 = arith.mulf %get3A_836, %mul3A_838 : vector<16xf32>
        tpu.vector_store_idx %arg8[%select_n3A_30, %select_n3A_156, %add3A_833], %mul3A_839 : memref<8x8x132xf32, #tpu.memory_space<vmem>>[vector<16xi32>, vector<16xi32>, vector<16xi32>], vector<16xf32>,
        %get3A_840 = arith.index_cast %add3A_830 : i32 to index
        %get3A_841 = arith.constant 16 : index
        %get3A_842 = tpu.vector_load %arg6[%get3A_840, %get3A_841] {strides = array<i32>} : memref<128x64xf32, #tpu.memory_space<vmem>>, vector<16xf32>,
        %mul3A_843 = arith.constant 8.000000e+00 : f32
        %mul3A_844 = vector.broadcast %mul3A_843 : f32 to vector<16xf32>
        %mul3A_845 = arith.mulf %get3A_842, %mul3A_844 : vector<16xf32>
        tpu.vector_store_idx %arg8[%select_n3A_64, %select_n3A_181, %add3A_833], %mul3A_845 : memref<8x8x132xf32, #tpu.memory_space<vmem>>[vector<16xi32>, vector<16xi32>, vector<16xi32>], vector<16xf32>,
        %get3A_846 = arith.index_cast %add3A_830 : i32 to index
        %get3A_847 = arith.constant 32 : index
        %get3A_848 = tpu.vector_load %arg6[%get3A_846, %get3A_847] {strides = array<i32>} : memref<128x64xf32, #tpu.memory_space<vmem>>, vector<16xf32>,
        %mul3A_849 = arith.constant 8.000000e+00 : f32
        %mul3A_850 = vector.broadcast %mul3A_849 : f32 to vector<16xf32>
        %mul3A_851 = arith.mulf %get3A_848, %mul3A_850 : vector<16xf32>
        tpu.vector_store_idx %arg8[%select_n3A_98, %select_n3A_206, %add3A_833], %mul3A_851 : memref<8x8x132xf32, #tpu.memory_space<vmem>>[vector<16xi32>, vector<16xi32>, vector<16xi32>], vector<16xf32>,
        %get3A_852 = arith.index_cast %add3A_830 : i32 to index
        %get3A_853 = arith.constant 48 : index
        %get3A_854 = tpu.vector_load %arg6[%get3A_852, %get3A_853] {strides = array<i32>} : memref<128x64xf32, #tpu.memory_space<vmem>>, vector<16xf32>,
        %mul3A_855 = arith.constant 8.000000e+00 : f32
        %mul3A_856 = vector.broadcast %mul3A_855 : f32 to vector<16xf32>
        %mul3A_857 = arith.mulf %get3A_854, %mul3A_856 : vector<16xf32>
        tpu.vector_store_idx %arg8[%select_n3A_132, %select_n3A_231, %add3A_833], %mul3A_857 : memref<8x8x132xf32, #tpu.memory_space<vmem>>[vector<16xi32>, vector<16xi32>, vector<16xi32>], vector<16xf32>,
        %add3A_858 = arith.constant 3 : i32
        %add3A_859 = arith.addi %mul3A_771, %add3A_858 : i32
        %add3A_860 = arith.constant 3 : i32
        %add3A_861 = vector.broadcast %add3A_860 : i32 to vector<16xi32>
        %add3A_862 = arith.addi %broadcast_in_dim3A, %add3A_861 : vector<16xi32>
        %get3A_863 = arith.index_cast %add3A_859 : i32 to index
        %get3A_864 = arith.constant 0 : index
        %get3A_865 = tpu.vector_load %arg6[%get3A_863, %get3A_864] {strides = array<i32>} : memref<128x64xf32, #tpu.memory_space<vmem>>, vector<16xf32>,
        %mul3A_866 = arith.constant 8.000000e+00 : f32
        %mul3A_867 = vector.broadcast %mul3A_866 : f32 to vector<16xf32>
        %mul3A_868 = arith.mulf %get3A_865, %mul3A_867 : vector<16xf32>
        tpu.vector_store_idx %arg8[%select_n3A_30, %select_n3A_156, %add3A_862], %mul3A_868 : memref<8x8x132xf32, #tpu.memory_space<vmem>>[vector<16xi32>, vector<16xi32>, vector<16xi32>], vector<16xf32>,
        %get3A_869 = arith.index_cast %add3A_859 : i32 to index
        %get3A_870 = arith.constant 16 : index
        %get3A_871 = tpu.vector_load %arg6[%get3A_869, %get3A_870] {strides = array<i32>} : memref<128x64xf32, #tpu.memory_space<vmem>>, vector<16xf32>,
        %mul3A_872 = arith.constant 8.000000e+00 : f32
        %mul3A_873 = vector.broadcast %mul3A_872 : f32 to vector<16xf32>
        %mul3A_874 = arith.mulf %get3A_871, %mul3A_873 : vector<16xf32>
        tpu.vector_store_idx %arg8[%select_n3A_64, %select_n3A_181, %add3A_862], %mul3A_874 : memref<8x8x132xf32, #tpu.memory_space<vmem>>[vector<16xi32>, vector<16xi32>, vector<16xi32>], vector<16xf32>,
        %get3A_875 = arith.index_cast %add3A_859 : i32 to index
        %get3A_876 = arith.constant 32 : index
        %get3A_877 = tpu.vector_load %arg6[%get3A_875, %get3A_876] {strides = array<i32>} : memref<128x64xf32, #tpu.memory_space<vmem>>, vector<16xf32>,
        %mul3A_878 = arith.constant 8.000000e+00 : f32
        %mul3A_879 = vector.broadcast %mul3A_878 : f32 to vector<16xf32>
        %mul3A_880 = arith.mulf %get3A_877, %mul3A_879 : vector<16xf32>
        tpu.vector_store_idx %arg8[%select_n3A_98, %select_n3A_206, %add3A_862], %mul3A_880 : memref<8x8x132xf32, #tpu.memory_space<vmem>>[vector<16xi32>, vector<16xi32>, vector<16xi32>], vector<16xf32>,
        %get3A_881 = arith.index_cast %add3A_859 : i32 to index
        %get3A_882 = arith.constant 48 : index
        %get3A_883 = tpu.vector_load %arg6[%get3A_881, %get3A_882] {strides = array<i32>} : memref<128x64xf32, #tpu.memory_space<vmem>>, vector<16xf32>,
        %mul3A_884 = arith.constant 8.000000e+00 : f32
        %mul3A_885 = vector.broadcast %mul3A_884 : f32 to vector<16xf32>
        %mul3A_886 = arith.mulf %get3A_883, %mul3A_885 : vector<16xf32>
        tpu.vector_store_idx %arg8[%select_n3A_132, %select_n3A_231, %add3A_862], %mul3A_886 : memref<8x8x132xf32, #tpu.memory_space<vmem>>[vector<16xi32>, vector<16xi32>, vector<16xi32>], vector<16xf32>,
      }
      %scan3A_654 = arith.constant 32 : i32
      %mul3A_655 = arith.constant 8 : i32
      %mul3A_656 = arith.muli %select_n3A_279, %mul3A_655 : i32
      %add3A_657 = arith.constant 6 : i32
      %add3A_658 = arith.addi %mul3A_656, %add3A_657 : i32
      %dma_start3A_659 = arith.constant 0 : i32
      %dma_start3A_660 = arith.constant 0 : i32
      %dma_start3A_661 = arith.constant 0 : i32
      %dma_start3A_662 = tpu.memref_slice %arg8[%dma_start3A_659, %dma_start3A_660, %dma_start3A_661] : memref<8x8x132xf32, #tpu.memory_space<vmem>> -> memref<8x8x128xf32, #tpu.memory_space<vmem>>
      %dma_start3A_663 = arith.constant 0 : i32
      %dma_start3A_664 = arith.constant 0 : i32
      %dma_start3A_665 = arith.constant 0 : i32
      %dma_start3A_666 = tpu.memref_slice %arg4[%add3A_658, %dma_start3A_663, %select_n3A_295, %dma_start3A_664, %dma_start3A_665] : memref<200x8x8x8x128xf32, #tpu.memory_space<hbm>> -> memref<1x8x1x8x128xf32, #tpu.memory_space<hbm>>
      %dma_start3A_667 = tpu.memref_squeeze %dma_start3A_666 : memref<1x8x1x8x128xf32, #tpu.memory_space<hbm>> -> memref<8x8x128xf32, #tpu.memory_space<hbm>>
      %dma_start3A_668 = arith.constant 0 : i32
      %dma_start3A_669 = arith.constant 0 : i32
      %dma_start3A_670 = arith.constant 0 : i32
      %dma_start3A_671 = tpu.memref_slice %arg4[%add3A_658, %dma_start3A_668, %select_n3A_295, %dma_start3A_669, %dma_start3A_670] : memref<200x8x8x8x128xf32, #tpu.memory_space<hbm>> -> memref<1x8x1x8x128xf32, #tpu.memory_space<hbm>>
      %dma_start3A_672 = tpu.memref_squeeze %dma_start3A_671 : memref<1x8x1x8x128xf32, #tpu.memory_space<hbm>> -> memref<8x8x128xf32, #tpu.memory_space<hbm>>
      %dma_start3A_673 = arith.constant 0 : i32
      %dma_start3A_674 = arith.constant 0 : i32
      %dma_start3A_675 = arith.constant 0 : i32
      %dma_start3A_676 = tpu.memref_slice %arg8[%dma_start3A_673, %dma_start3A_674, %dma_start3A_675] : memref<8x8x132xf32, #tpu.memory_space<vmem>> -> memref<8x8x128xf32, #tpu.memory_space<vmem>>
      tpu.enqueue_dma source(%dma_start3A_676 : memref<8x8x128xf32, #tpu.memory_space<vmem>>) target(%dma_start3A_672 : memref<8x8x128xf32, #tpu.memory_space<hbm>>) target_semaphore(%arg12 : memref<!tpu.dma_semaphore, #tpu.memory_space<semaphore_mem>>)
      %dma_wait3A_677 = arith.constant 7 : i32
      %dma_wait3A_678 = arith.constant 0 : i32
      %dma_wait3A_679 = tpu.memref_slice %arg5[%dma_wait3A_677, %dma_wait3A_678] : memref<8x128xi32, #tpu.memory_space<vmem>> -> memref<1x128xi32, #tpu.memory_space<vmem>>
      %dma_wait3A_680 = tpu.memref_squeeze %dma_wait3A_679 : memref<1x128xi32, #tpu.memory_space<vmem>> -> memref<128xi32, #tpu.memory_space<vmem>>
      %dma_wait3A_681 = arith.constant 0 : i32
      %dma_wait3A_682 = arith.constant 0 : i32
      %dma_wait3A_683 = tpu.memref_slice %arg3[%dma_wait3A_681, %dma_wait3A_682] : memref<1000000x64xf32, #tpu.memory_space<hbm>> -> memref<1000000x64xf32, #tpu.memory_space<hbm>>
      tpu.wait_indirect_dma semaphore(%arg11 : memref<!tpu.dma_semaphore, #tpu.memory_space<semaphore_mem>>) src(%dma_wait3A_683 : memref<1000000x64xf32, #tpu.memory_space<hbm>>) dst(%arg7 : memref<128x64xf32, #tpu.memory_space<vmem>>)
      %dma_wait3A_684 = arith.constant 0 : i32
      %dma_wait3A_685 = arith.constant 0 : i32
      %dma_wait3A_686 = arith.constant 0 : i32
      %dma_wait3A_687 = tpu.memref_slice %arg9[%dma_wait3A_684, %dma_wait3A_685, %dma_wait3A_686] : memref<8x8x132xf32, #tpu.memory_space<vmem>> -> memref<8x8x128xf32, #tpu.memory_space<vmem>>
      %dma_wait3A_688 = arith.constant 0 : i32
      %dma_wait3A_689 = arith.constant 0 : i32
      %dma_wait3A_690 = arith.constant 0 : i32
      %dma_wait3A_691 = tpu.memref_slice %arg4[%add3A_599, %dma_wait3A_688, %select_n3A_295, %dma_wait3A_689, %dma_wait3A_690] : memref<200x8x8x8x128xf32, #tpu.memory_space<hbm>> -> memref<1x8x1x8x128xf32, #tpu.memory_space<hbm>>
      %dma_wait3A_692 = tpu.memref_squeeze %dma_wait3A_691 : memref<1x8x1x8x128xf32, #tpu.memory_space<hbm>> -> memref<8x8x128xf32, #tpu.memory_space<hbm>>
      %dma_wait3A_693 = arith.constant 0 : i32
      %dma_wait3A_694 = arith.constant 0 : i32
      %dma_wait3A_695 = arith.constant 0 : i32
      %dma_wait3A_696 = tpu.memref_slice %arg4[%add3A_599, %dma_wait3A_693, %select_n3A_295, %dma_wait3A_694, %dma_wait3A_695] : memref<200x8x8x8x128xf32, #tpu.memory_space<hbm>> -> memref<1x8x1x8x128xf32, #tpu.memory_space<hbm>>
      %dma_wait3A_697 = tpu.memref_squeeze %dma_wait3A_696 : memref<1x8x1x8x128xf32, #tpu.memory_space<hbm>> -> memref<8x8x128xf32, #tpu.memory_space<hbm>>
      %dma_wait3A_698 = arith.constant 0 : i32
      %dma_wait3A_699 = arith.constant 0 : i32
      %dma_wait3A_700 = arith.constant 0 : i32
      %dma_wait3A_701 = tpu.memref_slice %arg9[%dma_wait3A_698, %dma_wait3A_699, %dma_wait3A_700] : memref<8x8x132xf32, #tpu.memory_space<vmem>> -> memref<8x8x128xf32, #tpu.memory_space<vmem>>
      tpu.wait_dma2 semaphore(%arg13 : memref<!tpu.dma_semaphore, #tpu.memory_space<semaphore_mem>>) src(%dma_wait3A_701 : memref<8x8x128xf32, #tpu.memory_space<vmem>>) dst(%dma_wait3A_697 : memref<8x8x128xf32, #tpu.memory_space<hbm>>)
      %scan3A_702 = arith.constant 0 : i32
      %scan3A_703 = arith.constant 32 : i32
      %scan3A_704 = arith.addi %scan3A_702, %scan3A_703 : i32
      %scan3A_705 = arith.constant 1 : i32
      scf.for %scan3A_765 = %scan3A_702 to %scan3A_704 step %scan3A_705  : i32 {
        %mul3A_766 = arith.constant 1 : i32
        %mul3A_767 = arith.muli %scan3A_765, %mul3A_766 : i32
        %add3A_768 = arith.constant 0 : i32
        %add3A_769 = arith.addi %add3A_768, %mul3A_767 : i32
        %mul3A_770 = arith.constant 4 : i32
        %mul3A_771 = arith.muli %add3A_769, %mul3A_770 : i32
        %broadcast_in_dim3A = vector.broadcast %mul3A_771 : i32 to vector<16xi32>
        %add3A_772 = arith.constant 0 : i32
        %add3A_773 = arith.addi %mul3A_771, %add3A_772 : i32
        %add3A_774 = arith.constant 0 : i32
        %add3A_775 = vector.broadcast %add3A_774 : i32 to vector<16xi32>
        %add3A_776 = arith.addi %broadcast_in_dim3A, %add3A_775 : vector<16xi32>
        %get3A = arith.index_cast %add3A_773 : i32 to index
        %get3A_777 = arith.constant 0 : index
        %get3A_778 = tpu.vector_load %arg7[%get3A, %get3A_777] {strides = array<i32>} : memref<128x64xf32, #tpu.memory_space<vmem>>, vector<16xf32>,
        %mul3A_779 = arith.constant 8.000000e+00 : f32
        %mul3A_780 = vector.broadcast %mul3A_779 : f32 to vector<16xf32>
        %mul3A_781 = arith.mulf %get3A_778, %mul3A_780 : vector<16xf32>
        tpu.vector_store_idx %arg9[%select_n3A_30, %select_n3A_156, %add3A_776], %mul3A_781 : memref<8x8x132xf32, #tpu.memory_space<vmem>>[vector<16xi32>, vector<16xi32>, vector<16xi32>], vector<16xf32>,
        %get3A_782 = arith.index_cast %add3A_773 : i32 to index
        %get3A_783 = arith.constant 16 : index
        %get3A_784 = tpu.vector_load %arg7[%get3A_782, %get3A_783] {strides = array<i32>} : memref<128x64xf32, #tpu.memory_space<vmem>>, vector<16xf32>,
        %mul3A_785 = arith.constant 8.000000e+00 : f32
        %mul3A_786 = vector.broadcast %mul3A_785 : f32 to vector<16xf32>
        %mul3A_787 = arith.mulf %get3A_784, %mul3A_786 : vector<16xf32>
        tpu.vector_store_idx %arg9[%select_n3A_64, %select_n3A_181, %add3A_776], %mul3A_787 : memref<8x8x132xf32, #tpu.memory_space<vmem>>[vector<16xi32>, vector<16xi32>, vector<16xi32>], vector<16xf32>,
        %get3A_788 = arith.index_cast %add3A_773 : i32 to index
        %get3A_789 = arith.constant 32 : index
        %get3A_790 = tpu.vector_load %arg7[%get3A_788, %get3A_789] {strides = array<i32>} : memref<128x64xf32, #tpu.memory_space<vmem>>, vector<16xf32>,
        %mul3A_791 = arith.constant 8.000000e+00 : f32
        %mul3A_792 = vector.broadcast %mul3A_791 : f32 to vector<16xf32>
        %mul3A_793 = arith.mulf %get3A_790, %mul3A_792 : vector<16xf32>
        tpu.vector_store_idx %arg9[%select_n3A_98, %select_n3A_206, %add3A_776], %mul3A_793 : memref<8x8x132xf32, #tpu.memory_space<vmem>>[vector<16xi32>, vector<16xi32>, vector<16xi32>], vector<16xf32>,
        %get3A_794 = arith.index_cast %add3A_773 : i32 to index
        %get3A_795 = arith.constant 48 : index
        %get3A_796 = tpu.vector_load %arg7[%get3A_794, %get3A_795] {strides = array<i32>} : memref<128x64xf32, #tpu.memory_space<vmem>>, vector<16xf32>,
        %mul3A_797 = arith.constant 8.000000e+00 : f32
        %mul3A_798 = vector.broadcast %mul3A_797 : f32 to vector<16xf32>
        %mul3A_799 = arith.mulf %get3A_796, %mul3A_798 : vector<16xf32>
        tpu.vector_store_idx %arg9[%select_n3A_132, %select_n3A_231, %add3A_776], %mul3A_799 : memref<8x8x132xf32, #tpu.memory_space<vmem>>[vector<16xi32>, vector<16xi32>, vector<16xi32>], vector<16xf32>,
        %add3A_800 = arith.constant 1 : i32
        %add3A_801 = arith.addi %mul3A_771, %add3A_800 : i32
        %add3A_802 = arith.constant 1 : i32
        %add3A_803 = vector.broadcast %add3A_802 : i32 to vector<16xi32>
        %add3A_804 = arith.addi %broadcast_in_dim3A, %add3A_803 : vector<16xi32>
        %get3A_805 = arith.index_cast %add3A_801 : i32 to index
        %get3A_806 = arith.constant 0 : index
        %get3A_807 = tpu.vector_load %arg7[%get3A_805, %get3A_806] {strides = array<i32>} : memref<128x64xf32, #tpu.memory_space<vmem>>, vector<16xf32>,
        %mul3A_808 = arith.constant 8.000000e+00 : f32
        %mul3A_809 = vector.broadcast %mul3A_808 : f32 to vector<16xf32>
        %mul3A_810 = arith.mulf %get3A_807, %mul3A_809 : vector<16xf32>
        tpu.vector_store_idx %arg9[%select_n3A_30, %select_n3A_156, %add3A_804], %mul3A_810 : memref<8x8x132xf32, #tpu.memory_space<vmem>>[vector<16xi32>, vector<16xi32>, vector<16xi32>], vector<16xf32>,
        %get3A_811 = arith.index_cast %add3A_801 : i32 to index
        %get3A_812 = arith.constant 16 : index
        %get3A_813 = tpu.vector_load %arg7[%get3A_811, %get3A_812] {strides = array<i32>} : memref<128x64xf32, #tpu.memory_space<vmem>>, vector<16xf32>,
        %mul3A_814 = arith.constant 8.000000e+00 : f32
        %mul3A_815 = vector.broadcast %mul3A_814 : f32 to vector<16xf32>
        %mul3A_816 = arith.mulf %get3A_813, %mul3A_815 : vector<16xf32>
        tpu.vector_store_idx %arg9[%select_n3A_64, %select_n3A_181, %add3A_804], %mul3A_816 : memref<8x8x132xf32, #tpu.memory_space<vmem>>[vector<16xi32>, vector<16xi32>, vector<16xi32>], vector<16xf32>,
        %get3A_817 = arith.index_cast %add3A_801 : i32 to index
        %get3A_818 = arith.constant 32 : index
        %get3A_819 = tpu.vector_load %arg7[%get3A_817, %get3A_818] {strides = array<i32>} : memref<128x64xf32, #tpu.memory_space<vmem>>, vector<16xf32>,
        %mul3A_820 = arith.constant 8.000000e+00 : f32
        %mul3A_821 = vector.broadcast %mul3A_820 : f32 to vector<16xf32>
        %mul3A_822 = arith.mulf %get3A_819, %mul3A_821 : vector<16xf32>
        tpu.vector_store_idx %arg9[%select_n3A_98, %select_n3A_206, %add3A_804], %mul3A_822 : memref<8x8x132xf32, #tpu.memory_space<vmem>>[vector<16xi32>, vector<16xi32>, vector<16xi32>], vector<16xf32>,
        %get3A_823 = arith.index_cast %add3A_801 : i32 to index
        %get3A_824 = arith.constant 48 : index
        %get3A_825 = tpu.vector_load %arg7[%get3A_823, %get3A_824] {strides = array<i32>} : memref<128x64xf32, #tpu.memory_space<vmem>>, vector<16xf32>,
        %mul3A_826 = arith.constant 8.000000e+00 : f32
        %mul3A_827 = vector.broadcast %mul3A_826 : f32 to vector<16xf32>
        %mul3A_828 = arith.mulf %get3A_825, %mul3A_827 : vector<16xf32>
        tpu.vector_store_idx %arg9[%select_n3A_132, %select_n3A_231, %add3A_804], %mul3A_828 : memref<8x8x132xf32, #tpu.memory_space<vmem>>[vector<16xi32>, vector<16xi32>, vector<16xi32>], vector<16xf32>,
        %add3A_829 = arith.constant 2 : i32
        %add3A_830 = arith.addi %mul3A_771, %add3A_829 : i32
        %add3A_831 = arith.constant 2 : i32
        %add3A_832 = vector.broadcast %add3A_831 : i32 to vector<16xi32>
        %add3A_833 = arith.addi %broadcast_in_dim3A, %add3A_832 : vector<16xi32>
        %get3A_834 = arith.index_cast %add3A_830 : i32 to index
        %get3A_835 = arith.constant 0 : index
        %get3A_836 = tpu.vector_load %arg7[%get3A_834, %get3A_835] {strides = array<i32>} : memref<128x64xf32, #tpu.memory_space<vmem>>, vector<16xf32>,
        %mul3A_837 = arith.constant 8.000000e+00 : f32
        %mul3A_838 = vector.broadcast %mul3A_837 : f32 to vector<16xf32>
        %mul3A_839 = arith.mulf %get3A_836, %mul3A_838 : vector<16xf32>
        tpu.vector_store_idx %arg9[%select_n3A_30, %select_n3A_156, %add3A_833], %mul3A_839 : memref<8x8x132xf32, #tpu.memory_space<vmem>>[vector<16xi32>, vector<16xi32>, vector<16xi32>], vector<16xf32>,
        %get3A_840 = arith.index_cast %add3A_830 : i32 to index
        %get3A_841 = arith.constant 16 : index
        %get3A_842 = tpu.vector_load %arg7[%get3A_840, %get3A_841] {strides = array<i32>} : memref<128x64xf32, #tpu.memory_space<vmem>>, vector<16xf32>,
        %mul3A_843 = arith.constant 8.000000e+00 : f32
        %mul3A_844 = vector.broadcast %mul3A_843 : f32 to vector<16xf32>
        %mul3A_845 = arith.mulf %get3A_842, %mul3A_844 : vector<16xf32>
        tpu.vector_store_idx %arg9[%select_n3A_64, %select_n3A_181, %add3A_833], %mul3A_845 : memref<8x8x132xf32, #tpu.memory_space<vmem>>[vector<16xi32>, vector<16xi32>, vector<16xi32>], vector<16xf32>,
        %get3A_846 = arith.index_cast %add3A_830 : i32 to index
        %get3A_847 = arith.constant 32 : index
        %get3A_848 = tpu.vector_load %arg7[%get3A_846, %get3A_847] {strides = array<i32>} : memref<128x64xf32, #tpu.memory_space<vmem>>, vector<16xf32>,
        %mul3A_849 = arith.constant 8.000000e+00 : f32
        %mul3A_850 = vector.broadcast %mul3A_849 : f32 to vector<16xf32>
        %mul3A_851 = arith.mulf %get3A_848, %mul3A_850 : vector<16xf32>
        tpu.vector_store_idx %arg9[%select_n3A_98, %select_n3A_206, %add3A_833], %mul3A_851 : memref<8x8x132xf32, #tpu.memory_space<vmem>>[vector<16xi32>, vector<16xi32>, vector<16xi32>], vector<16xf32>,
        %get3A_852 = arith.index_cast %add3A_830 : i32 to index
        %get3A_853 = arith.constant 48 : index
        %get3A_854 = tpu.vector_load %arg7[%get3A_852, %get3A_853] {strides = array<i32>} : memref<128x64xf32, #tpu.memory_space<vmem>>, vector<16xf32>,
        %mul3A_855 = arith.constant 8.000000e+00 : f32
        %mul3A_856 = vector.broadcast %mul3A_855 : f32 to vector<16xf32>
        %mul3A_857 = arith.mulf %get3A_854, %mul3A_856 : vector<16xf32>
        tpu.vector_store_idx %arg9[%select_n3A_132, %select_n3A_231, %add3A_833], %mul3A_857 : memref<8x8x132xf32, #tpu.memory_space<vmem>>[vector<16xi32>, vector<16xi32>, vector<16xi32>], vector<16xf32>,
        %add3A_858 = arith.constant 3 : i32
        %add3A_859 = arith.addi %mul3A_771, %add3A_858 : i32
        %add3A_860 = arith.constant 3 : i32
        %add3A_861 = vector.broadcast %add3A_860 : i32 to vector<16xi32>
        %add3A_862 = arith.addi %broadcast_in_dim3A, %add3A_861 : vector<16xi32>
        %get3A_863 = arith.index_cast %add3A_859 : i32 to index
        %get3A_864 = arith.constant 0 : index
        %get3A_865 = tpu.vector_load %arg7[%get3A_863, %get3A_864] {strides = array<i32>} : memref<128x64xf32, #tpu.memory_space<vmem>>, vector<16xf32>,
        %mul3A_866 = arith.constant 8.000000e+00 : f32
        %mul3A_867 = vector.broadcast %mul3A_866 : f32 to vector<16xf32>
        %mul3A_868 = arith.mulf %get3A_865, %mul3A_867 : vector<16xf32>
        tpu.vector_store_idx %arg9[%select_n3A_30, %select_n3A_156, %add3A_862], %mul3A_868 : memref<8x8x132xf32, #tpu.memory_space<vmem>>[vector<16xi32>, vector<16xi32>, vector<16xi32>], vector<16xf32>,
        %get3A_869 = arith.index_cast %add3A_859 : i32 to index
        %get3A_870 = arith.constant 16 : index
        %get3A_871 = tpu.vector_load %arg7[%get3A_869, %get3A_870] {strides = array<i32>} : memref<128x64xf32, #tpu.memory_space<vmem>>, vector<16xf32>,
        %mul3A_872 = arith.constant 8.000000e+00 : f32
        %mul3A_873 = vector.broadcast %mul3A_872 : f32 to vector<16xf32>
        %mul3A_874 = arith.mulf %get3A_871, %mul3A_873 : vector<16xf32>
        tpu.vector_store_idx %arg9[%select_n3A_64, %select_n3A_181, %add3A_862], %mul3A_874 : memref<8x8x132xf32, #tpu.memory_space<vmem>>[vector<16xi32>, vector<16xi32>, vector<16xi32>], vector<16xf32>,
        %get3A_875 = arith.index_cast %add3A_859 : i32 to index
        %get3A_876 = arith.constant 32 : index
        %get3A_877 = tpu.vector_load %arg7[%get3A_875, %get3A_876] {strides = array<i32>} : memref<128x64xf32, #tpu.memory_space<vmem>>, vector<16xf32>,
        %mul3A_878 = arith.constant 8.000000e+00 : f32
        %mul3A_879 = vector.broadcast %mul3A_878 : f32 to vector<16xf32>
        %mul3A_880 = arith.mulf %get3A_877, %mul3A_879 : vector<16xf32>
        tpu.vector_store_idx %arg9[%select_n3A_98, %select_n3A_206, %add3A_862], %mul3A_880 : memref<8x8x132xf32, #tpu.memory_space<vmem>>[vector<16xi32>, vector<16xi32>, vector<16xi32>], vector<16xf32>,
        %get3A_881 = arith.index_cast %add3A_859 : i32 to index
        %get3A_882 = arith.constant 48 : index
        %get3A_883 = tpu.vector_load %arg7[%get3A_881, %get3A_882] {strides = array<i32>} : memref<128x64xf32, #tpu.memory_space<vmem>>, vector<16xf32>,
        %mul3A_884 = arith.constant 8.000000e+00 : f32
        %mul3A_885 = vector.broadcast %mul3A_884 : f32 to vector<16xf32>
        %mul3A_886 = arith.mulf %get3A_883, %mul3A_885 : vector<16xf32>
        tpu.vector_store_idx %arg9[%select_n3A_132, %select_n3A_231, %add3A_862], %mul3A_886 : memref<8x8x132xf32, #tpu.memory_space<vmem>>[vector<16xi32>, vector<16xi32>, vector<16xi32>], vector<16xf32>,
      }
      %scan3A_706 = arith.constant 32 : i32
      %mul3A_707 = arith.constant 8 : i32
      %mul3A_708 = arith.muli %select_n3A_279, %mul3A_707 : i32
      %add3A_709 = arith.constant 7 : i32
      %add3A_710 = arith.addi %mul3A_708, %add3A_709 : i32
      %dma_start3A_711 = arith.constant 0 : i32
      %dma_start3A_712 = arith.constant 0 : i32
      %dma_start3A_713 = arith.constant 0 : i32
      %dma_start3A_714 = tpu.memref_slice %arg9[%dma_start3A_711, %dma_start3A_712, %dma_start3A_713] : memref<8x8x132xf32, #tpu.memory_space<vmem>> -> memref<8x8x128xf32, #tpu.memory_space<vmem>>
      %dma_start3A_715 = arith.constant 0 : i32
      %dma_start3A_716 = arith.constant 0 : i32
      %dma_start3A_717 = arith.constant 0 : i32
      %dma_start3A_718 = tpu.memref_slice %arg4[%add3A_710, %dma_start3A_715, %select_n3A_295, %dma_start3A_716, %dma_start3A_717] : memref<200x8x8x8x128xf32, #tpu.memory_space<hbm>> -> memref<1x8x1x8x128xf32, #tpu.memory_space<hbm>>
      %dma_start3A_719 = tpu.memref_squeeze %dma_start3A_718 : memref<1x8x1x8x128xf32, #tpu.memory_space<hbm>> -> memref<8x8x128xf32, #tpu.memory_space<hbm>>
      %dma_start3A_720 = arith.constant 0 : i32
      %dma_start3A_721 = arith.constant 0 : i32
      %dma_start3A_722 = arith.constant 0 : i32
      %dma_start3A_723 = tpu.memref_slice %arg4[%add3A_710, %dma_start3A_720, %select_n3A_295, %dma_start3A_721, %dma_start3A_722] : memref<200x8x8x8x128xf32, #tpu.memory_space<hbm>> -> memref<1x8x1x8x128xf32, #tpu.memory_space<hbm>>
      %dma_start3A_724 = tpu.memref_squeeze %dma_start3A_723 : memref<1x8x1x8x128xf32, #tpu.memory_space<hbm>> -> memref<8x8x128xf32, #tpu.memory_space<hbm>>
      %dma_start3A_725 = arith.constant 0 : i32
      %dma_start3A_726 = arith.constant 0 : i32
      %dma_start3A_727 = arith.constant 0 : i32
      %dma_start3A_728 = tpu.memref_slice %arg9[%dma_start3A_725, %dma_start3A_726, %dma_start3A_727] : memref<8x8x132xf32, #tpu.memory_space<vmem>> -> memref<8x8x128xf32, #tpu.memory_space<vmem>>
      tpu.enqueue_dma source(%dma_start3A_728 : memref<8x8x128xf32, #tpu.memory_space<vmem>>) target(%dma_start3A_724 : memref<8x8x128xf32, #tpu.memory_space<hbm>>) target_semaphore(%arg13 : memref<!tpu.dma_semaphore, #tpu.memory_space<semaphore_mem>>)
      %dma_wait3A_729 = arith.constant 0 : i32
      %dma_wait3A_730 = arith.constant 0 : i32
      %dma_wait3A_731 = arith.constant 0 : i32
      %dma_wait3A_732 = tpu.memref_slice %arg8[%dma_wait3A_729, %dma_wait3A_730, %dma_wait3A_731] : memref<8x8x132xf32, #tpu.memory_space<vmem>> -> memref<8x8x128xf32, #tpu.memory_space<vmem>>
      %dma_wait3A_733 = arith.constant 0 : i32
      %dma_wait3A_734 = arith.constant 0 : i32
      %dma_wait3A_735 = arith.constant 0 : i32
      %dma_wait3A_736 = tpu.memref_slice %arg4[%add3A_658, %dma_wait3A_733, %select_n3A_295, %dma_wait3A_734, %dma_wait3A_735] : memref<200x8x8x8x128xf32, #tpu.memory_space<hbm>> -> memref<1x8x1x8x128xf32, #tpu.memory_space<hbm>>
      %dma_wait3A_737 = tpu.memref_squeeze %dma_wait3A_736 : memref<1x8x1x8x128xf32, #tpu.memory_space<hbm>> -> memref<8x8x128xf32, #tpu.memory_space<hbm>>
      %dma_wait3A_738 = arith.constant 0 : i32
      %dma_wait3A_739 = arith.constant 0 : i32
      %dma_wait3A_740 = arith.constant 0 : i32
      %dma_wait3A_741 = tpu.memref_slice %arg4[%add3A_658, %dma_wait3A_738, %select_n3A_295, %dma_wait3A_739, %dma_wait3A_740] : memref<200x8x8x8x128xf32, #tpu.memory_space<hbm>> -> memref<1x8x1x8x128xf32, #tpu.memory_space<hbm>>
      %dma_wait3A_742 = tpu.memref_squeeze %dma_wait3A_741 : memref<1x8x1x8x128xf32, #tpu.memory_space<hbm>> -> memref<8x8x128xf32, #tpu.memory_space<hbm>>
      %dma_wait3A_743 = arith.constant 0 : i32
      %dma_wait3A_744 = arith.constant 0 : i32
      %dma_wait3A_745 = arith.constant 0 : i32
      %dma_wait3A_746 = tpu.memref_slice %arg8[%dma_wait3A_743, %dma_wait3A_744, %dma_wait3A_745] : memref<8x8x132xf32, #tpu.memory_space<vmem>> -> memref<8x8x128xf32, #tpu.memory_space<vmem>>
      tpu.wait_dma2 semaphore(%arg12 : memref<!tpu.dma_semaphore, #tpu.memory_space<semaphore_mem>>) src(%dma_wait3A_746 : memref<8x8x128xf32, #tpu.memory_space<vmem>>) dst(%dma_wait3A_742 : memref<8x8x128xf32, #tpu.memory_space<hbm>>)
      %dma_wait3A_747 = arith.constant 0 : i32
      %dma_wait3A_748 = arith.constant 0 : i32
      %dma_wait3A_749 = arith.constant 0 : i32
      %dma_wait3A_750 = tpu.memref_slice %arg9[%dma_wait3A_747, %dma_wait3A_748, %dma_wait3A_749] : memref<8x8x132xf32, #tpu.memory_space<vmem>> -> memref<8x8x128xf32, #tpu.memory_space<vmem>>
      %dma_wait3A_751 = arith.constant 0 : i32
      %dma_wait3A_752 = arith.constant 0 : i32
      %dma_wait3A_753 = arith.constant 0 : i32
      %dma_wait3A_754 = tpu.memref_slice %arg4[%add3A_710, %dma_wait3A_751, %select_n3A_295, %dma_wait3A_752, %dma_wait3A_753] : memref<200x8x8x8x128xf32, #tpu.memory_space<hbm>> -> memref<1x8x1x8x128xf32, #tpu.memory_space<hbm>>
      %dma_wait3A_755 = tpu.memref_squeeze %dma_wait3A_754 : memref<1x8x1x8x128xf32, #tpu.memory_space<hbm>> -> memref<8x8x128xf32, #tpu.memory_space<hbm>>
      %dma_wait3A_756 = arith.constant 0 : i32
      %dma_wait3A_757 = arith.constant 0 : i32
      %dma_wait3A_758 = arith.constant 0 : i32
      %dma_wait3A_759 = tpu.memref_slice %arg4[%add3A_710, %dma_wait3A_756, %select_n3A_295, %dma_wait3A_757, %dma_wait3A_758] : memref<200x8x8x8x128xf32, #tpu.memory_space<hbm>> -> memref<1x8x1x8x128xf32, #tpu.memory_space<hbm>>
      %dma_wait3A_760 = tpu.memref_squeeze %dma_wait3A_759 : memref<1x8x1x8x128xf32, #tpu.memory_space<hbm>> -> memref<8x8x128xf32, #tpu.memory_space<hbm>>
      %dma_wait3A_761 = arith.constant 0 : i32
      %dma_wait3A_762 = arith.constant 0 : i32
      %dma_wait3A_763 = arith.constant 0 : i32
      %dma_wait3A_764 = tpu.memref_slice %arg9[%dma_wait3A_761, %dma_wait3A_762, %dma_wait3A_763] : memref<8x8x132xf32, #tpu.memory_space<vmem>> -> memref<8x8x128xf32, #tpu.memory_space<vmem>>
      tpu.wait_dma2 semaphore(%arg13 : memref<!tpu.dma_semaphore, #tpu.memory_space<semaphore_mem>>) src(%dma_wait3A_764 : memref<8x8x128xf32, #tpu.memory_space<vmem>>) dst(%dma_wait3A_760 : memref<8x8x128xf32, #tpu.memory_space<hbm>>)
    }
    %while3A_249 = arith.constant 1 : i32
    scf.for %while3A_250 = %while3A_247 to %while3A_243 step %while3A_249  : i32 {
      %mul3A_251 = arith.muli %while3A_250, %while3A : i32
      %add3A_252 = arith.addi %while3A_240, %mul3A_251 : i32
      %mul3A_253 = arith.constant 32 : i32
      %mul3A_254 = arith.muli %mul3A_253, %add3A_252 : i32
      %add3A_255 = arith.addi %add3A, %mul3A_254 : i32
      %jit3A_256 = arith.constant 8 : i32
      %div3A_257 = arith.divsi %add3A_255, %jit3A_256 : i32
      %sign3A_258 = arith.constant 0 : i32
      %sign3A_259 = arith.cmpi sgt, %add3A_255, %sign3A_258 : i32
      %sign3A_260 = arith.extui %sign3A_259 : i1 to i32
      %sign3A_261 = arith.constant 0 : i32
      %sign3A_262 = arith.cmpi slt, %add3A_255, %sign3A_261 : i32
      %sign3A_263 = arith.extui %sign3A_262 : i1 to i32
      %sign3A_264 = arith.subi %sign3A_260, %sign3A_263 : i32
      %sign3A_265 = arith.constant 0 : i32
      %sign3A_266 = arith.cmpi sgt, %jit3A_256, %sign3A_265 : i32
      %sign3A_267 = arith.extui %sign3A_266 : i1 to i32
      %sign3A_268 = arith.constant 0 : i32
      %sign3A_269 = arith.cmpi slt, %jit3A_256, %sign3A_268 : i32
      %sign3A_270 = arith.extui %sign3A_269 : i1 to i32
      %sign3A_271 = arith.subi %sign3A_267, %sign3A_270 : i32
      %ne3A_272 = arith.cmpi ne, %sign3A_264, %sign3A_271 : i32
      %rem3A_273 = arith.remsi %add3A_255, %jit3A_256 : i32
      %ne3A_274 = arith.constant 0 : i32
      %ne3A_275 = arith.cmpi ne, %rem3A_273, %ne3A_274 : i32
      %and3A_276 = arith.andi %ne3A_272, %ne3A_275 : i1
      %sub3A_277 = arith.constant 1 : i32
      %sub3A_278 = arith.subi %div3A_257, %sub3A_277 : i32
      %select_n3A_279 = arith.select %and3A_276, %sub3A_278, %div3A_257 : i32
      %jit3A_280 = arith.constant 8 : i32
      %eq3A_281 = arith.constant 0 : i32
      %eq3A_282 = arith.cmpi eq, %jit3A_280, %eq3A_281 : i32
      %jit3A_283 = arith.constant 1 : i32
      %select_n3A_284 = arith.select %eq3A_282, %jit3A_283, %jit3A_280 : i32
      %rem3A_285 = arith.remsi %add3A_255, %select_n3A_284 : i32
      %ne3A_286 = arith.constant 0 : i32
      %ne3A_287 = arith.cmpi ne, %rem3A_285, %ne3A_286 : i32
      %lt3A_288 = arith.constant 0 : i32
      %lt3A_289 = arith.cmpi slt, %rem3A_285, %lt3A_288 : i32
      %lt3A_290 = arith.constant 0 : i32
      %lt3A_291 = arith.cmpi slt, %select_n3A_284, %lt3A_290 : i32
      %ne3A_292 = arith.xori %lt3A_289, %lt3A_291 : i1
      %and3A_293 = arith.andi %ne3A_292, %ne3A_287 : i1
      %add3A_294 = arith.addi %rem3A_285, %select_n3A_284 : i32
      %select_n3A_295 = arith.select %and3A_293, %add3A_294, %rem3A_285 : i32
      "tpu.region"() ({
        %run_scoped3A = tpu.sem_alloc : memref<!tpu.dma_semaphore, #tpu.memory_space<semaphore_mem>>
        %dma_start3A_765 = arith.constant 0 : i32
        %dma_start3A_766 = arith.constant 0 : i32
        %dma_start3A_767 = tpu.memref_slice %arg2[%select_n3A_279, %select_n3A_295, %dma_start3A_765, %dma_start3A_766] : memref<25x8x8x128xi32, #tpu.memory_space<hbm>> -> memref<1x1x8x128xi32, #tpu.memory_space<hbm>>
        %dma_start3A_768 = tpu.memref_squeeze %dma_start3A_767 : memref<1x1x8x128xi32, #tpu.memory_space<hbm>> -> memref<8x128xi32, #tpu.memory_space<hbm>>
        %dma_start3A_769 = arith.constant 0 : i32
        %dma_start3A_770 = arith.constant 0 : i32
        %dma_start3A_771 = tpu.memref_slice %arg2[%select_n3A_279, %select_n3A_295, %dma_start3A_769, %dma_start3A_770] : memref<25x8x8x128xi32, #tpu.memory_space<hbm>> -> memref<1x1x8x128xi32, #tpu.memory_space<hbm>>
        %dma_start3A_772 = tpu.memref_squeeze %dma_start3A_771 : memref<1x1x8x128xi32, #tpu.memory_space<hbm>> -> memref<8x128xi32, #tpu.memory_space<hbm>>
        tpu.enqueue_dma source(%dma_start3A_772 : memref<8x128xi32, #tpu.memory_space<hbm>>) target(%arg5 : memref<8x128xi32, #tpu.memory_space<vmem>>) target_semaphore(%run_scoped3A : memref<!tpu.dma_semaphore, #tpu.memory_space<semaphore_mem>>)
        %dma_wait3A_773 = arith.constant 0 : i32
        %dma_wait3A_774 = arith.constant 0 : i32
        %dma_wait3A_775 = tpu.memref_slice %arg2[%select_n3A_279, %select_n3A_295, %dma_wait3A_773, %dma_wait3A_774] : memref<25x8x8x128xi32, #tpu.memory_space<hbm>> -> memref<1x1x8x128xi32, #tpu.memory_space<hbm>>
        %dma_wait3A_776 = tpu.memref_squeeze %dma_wait3A_775 : memref<1x1x8x128xi32, #tpu.memory_space<hbm>> -> memref<8x128xi32, #tpu.memory_space<hbm>>
        %dma_wait3A_777 = arith.constant 0 : i32
        %dma_wait3A_778 = arith.constant 0 : i32
        %dma_wait3A_779 = tpu.memref_slice %arg2[%select_n3A_279, %select_n3A_295, %dma_wait3A_777, %dma_wait3A_778] : memref<25x8x8x128xi32, #tpu.memory_space<hbm>> -> memref<1x1x8x128xi32, #tpu.memory_space<hbm>>
        %dma_wait3A_780 = tpu.memref_squeeze %dma_wait3A_779 : memref<1x1x8x128xi32, #tpu.memory_space<hbm>> -> memref<8x128xi32, #tpu.memory_space<hbm>>
        tpu.wait_dma2 semaphore(%run_scoped3A : memref<!tpu.dma_semaphore, #tpu.memory_space<semaphore_mem>>) src(%dma_wait3A_780 : memref<8x128xi32, #tpu.memory_space<hbm>>) dst(%arg5 : memref<8x128xi32, #tpu.memory_space<vmem>>)
        tpu.yield
      }) : () -> ()
      %dma_start3A = arith.constant 0 : i32
      %dma_start3A_296 = arith.constant 0 : i32
      %dma_start3A_297 = tpu.memref_slice %arg5[%dma_start3A, %dma_start3A_296] : memref<8x128xi32, #tpu.memory_space<vmem>> -> memref<1x128xi32, #tpu.memory_space<vmem>>
      %dma_start3A_298 = tpu.memref_squeeze %dma_start3A_297 : memref<1x128xi32, #tpu.memory_space<vmem>> -> memref<128xi32, #tpu.memory_space<vmem>>
      %dma_start3A_299 = arith.constant 0 : i32
      %dma_start3A_300 = arith.constant 0 : i32
      %dma_start3A_301 = tpu.memref_slice %arg3[%dma_start3A_299, %dma_start3A_300] : memref<1000000x64xf32, #tpu.memory_space<hbm>> -> memref<1000000x64xf32, #tpu.memory_space<hbm>>
      tpu.enqueue_indirect_dma source(%dma_start3A_301 : memref<1000000x64xf32, #tpu.memory_space<hbm>>) target(%arg6 : memref<128x64xf32, #tpu.memory_space<vmem>>) offsets(%dma_start3A_298 : memref<128xi32, #tpu.memory_space<vmem>>) semaphore(%arg10 : memref<!tpu.dma_semaphore, #tpu.memory_space<semaphore_mem>>)
      %dma_wait3A = arith.constant 0 : i32
      %dma_wait3A_302 = arith.constant 0 : i32
      %dma_wait3A_303 = tpu.memref_slice %arg5[%dma_wait3A, %dma_wait3A_302] : memref<8x128xi32, #tpu.memory_space<vmem>> -> memref<1x128xi32, #tpu.memory_space<vmem>>
      %dma_wait3A_304 = tpu.memref_squeeze %dma_wait3A_303 : memref<1x128xi32, #tpu.memory_space<vmem>> -> memref<128xi32, #tpu.memory_space<vmem>>
      %dma_wait3A_305 = arith.constant 0 : i32
      %dma_wait3A_306 = arith.constant 0 : i32
      %dma_wait3A_307 = tpu.memref_slice %arg3[%dma_wait3A_305, %dma_wait3A_306] : memref<1000000x64xf32, #tpu.memory_space<hbm>> -> memref<1000000x64xf32, #tpu.memory_space<hbm>>
      tpu.wait_indirect_dma semaphore(%arg10 : memref<!tpu.dma_semaphore, #tpu.memory_space<semaphore_mem>>) src(%dma_wait3A_307 : memref<1000000x64xf32, #tpu.memory_space<hbm>>) dst(%arg6 : memref<128x64xf32, #tpu.memory_space<vmem>>)
      %dma_start3A_308 = arith.constant 1 : i32
      %dma_start3A_309 = arith.constant 0 : i32
      %dma_start3A_310 = tpu.memref_slice %arg5[%dma_start3A_308, %dma_start3A_309] : memref<8x128xi32, #tpu.memory_space<vmem>> -> memref<1x128xi32, #tpu.memory_space<vmem>>
      %dma_start3A_311 = tpu.memref_squeeze %dma_start3A_310 : memref<1x128xi32, #tpu.memory_space<vmem>> -> memref<128xi32, #tpu.memory_space<vmem>>
      %dma_start3A_312 = arith.constant 0 : i32
      %dma_start3A_313 = arith.constant 0 : i32
      %dma_start3A_314 = tpu.memref_slice %arg3[%dma_start3A_312, %dma_start3A_313] : memref<1000000x64xf32, #tpu.memory_space<hbm>> -> memref<1000000x64xf32, #tpu.memory_space<hbm>>
      tpu.enqueue_indirect_dma source(%dma_start3A_314 : memref<1000000x64xf32, #tpu.memory_space<hbm>>) target(%arg7 : memref<128x64xf32, #tpu.memory_space<vmem>>) offsets(%dma_start3A_311 : memref<128xi32, #tpu.memory_space<vmem>>) semaphore(%arg11 : memref<!tpu.dma_semaphore, #tpu.memory_space<semaphore_mem>>)
      %scan3A = arith.constant 0 : i32
      %scan3A_315 = arith.constant 32 : i32
      %scan3A_316 = arith.addi %scan3A, %scan3A_315 : i32
      %scan3A_317 = arith.constant 1 : i32
      scf.for %scan3A_765 = %scan3A to %scan3A_316 step %scan3A_317  : i32 {
        %mul3A_766 = arith.constant 1 : i32
        %mul3A_767 = arith.muli %scan3A_765, %mul3A_766 : i32
        %add3A_768 = arith.constant 0 : i32
        %add3A_769 = arith.addi %add3A_768, %mul3A_767 : i32
        %mul3A_770 = arith.constant 4 : i32
        %mul3A_771 = arith.muli %add3A_769, %mul3A_770 : i32
        %broadcast_in_dim3A = vector.broadcast %mul3A_771 : i32 to vector<16xi32>
        %add3A_772 = arith.constant 0 : i32
        %add3A_773 = arith.addi %mul3A_771, %add3A_772 : i32
        %add3A_774 = arith.constant 0 : i32
        %add3A_775 = vector.broadcast %add3A_774 : i32 to vector<16xi32>
        %add3A_776 = arith.addi %broadcast_in_dim3A, %add3A_775 : vector<16xi32>
        %get3A = arith.index_cast %add3A_773 : i32 to index
        %get3A_777 = arith.constant 0 : index
        %get3A_778 = tpu.vector_load %arg6[%get3A, %get3A_777] {strides = array<i32>} : memref<128x64xf32, #tpu.memory_space<vmem>>, vector<16xf32>,
        %mul3A_779 = arith.constant 8.000000e+00 : f32
        %mul3A_780 = vector.broadcast %mul3A_779 : f32 to vector<16xf32>
        %mul3A_781 = arith.mulf %get3A_778, %mul3A_780 : vector<16xf32>
        tpu.vector_store_idx %arg8[%select_n3A_30, %select_n3A_156, %add3A_776], %mul3A_781 : memref<8x8x132xf32, #tpu.memory_space<vmem>>[vector<16xi32>, vector<16xi32>, vector<16xi32>], vector<16xf32>,
        %get3A_782 = arith.index_cast %add3A_773 : i32 to index
        %get3A_783 = arith.constant 16 : index
        %get3A_784 = tpu.vector_load %arg6[%get3A_782, %get3A_783] {strides = array<i32>} : memref<128x64xf32, #tpu.memory_space<vmem>>, vector<16xf32>,
        %mul3A_785 = arith.constant 8.000000e+00 : f32
        %mul3A_786 = vector.broadcast %mul3A_785 : f32 to vector<16xf32>
        %mul3A_787 = arith.mulf %get3A_784, %mul3A_786 : vector<16xf32>
        tpu.vector_store_idx %arg8[%select_n3A_64, %select_n3A_181, %add3A_776], %mul3A_787 : memref<8x8x132xf32, #tpu.memory_space<vmem>>[vector<16xi32>, vector<16xi32>, vector<16xi32>], vector<16xf32>,
        %get3A_788 = arith.index_cast %add3A_773 : i32 to index
        %get3A_789 = arith.constant 32 : index
        %get3A_790 = tpu.vector_load %arg6[%get3A_788, %get3A_789] {strides = array<i32>} : memref<128x64xf32, #tpu.memory_space<vmem>>, vector<16xf32>,
        %mul3A_791 = arith.constant 8.000000e+00 : f32
        %mul3A_792 = vector.broadcast %mul3A_791 : f32 to vector<16xf32>
        %mul3A_793 = arith.mulf %get3A_790, %mul3A_792 : vector<16xf32>
        tpu.vector_store_idx %arg8[%select_n3A_98, %select_n3A_206, %add3A_776], %mul3A_793 : memref<8x8x132xf32, #tpu.memory_space<vmem>>[vector<16xi32>, vector<16xi32>, vector<16xi32>], vector<16xf32>,
        %get3A_794 = arith.index_cast %add3A_773 : i32 to index
        %get3A_795 = arith.constant 48 : index
        %get3A_796 = tpu.vector_load %arg6[%get3A_794, %get3A_795] {strides = array<i32>} : memref<128x64xf32, #tpu.memory_space<vmem>>, vector<16xf32>,
        %mul3A_797 = arith.constant 8.000000e+00 : f32
        %mul3A_798 = vector.broadcast %mul3A_797 : f32 to vector<16xf32>
        %mul3A_799 = arith.mulf %get3A_796, %mul3A_798 : vector<16xf32>
        tpu.vector_store_idx %arg8[%select_n3A_132, %select_n3A_231, %add3A_776], %mul3A_799 : memref<8x8x132xf32, #tpu.memory_space<vmem>>[vector<16xi32>, vector<16xi32>, vector<16xi32>], vector<16xf32>,
        %add3A_800 = arith.constant 1 : i32
        %add3A_801 = arith.addi %mul3A_771, %add3A_800 : i32
        %add3A_802 = arith.constant 1 : i32
        %add3A_803 = vector.broadcast %add3A_802 : i32 to vector<16xi32>
        %add3A_804 = arith.addi %broadcast_in_dim3A, %add3A_803 : vector<16xi32>
        %get3A_805 = arith.index_cast %add3A_801 : i32 to index
        %get3A_806 = arith.constant 0 : index
        %get3A_807 = tpu.vector_load %arg6[%get3A_805, %get3A_806] {strides = array<i32>} : memref<128x64xf32, #tpu.memory_space<vmem>>, vector<16xf32>,
        %mul3A_808 = arith.constant 8.000000e+00 : f32
        %mul3A_809 = vector.broadcast %mul3A_808 : f32 to vector<16xf32>
        %mul3A_810 = arith.mulf %get3A_807, %mul3A_809 : vector<16xf32>
        tpu.vector_store_idx %arg8[%select_n3A_30, %select_n3A_156, %add3A_804], %mul3A_810 : memref<8x8x132xf32, #tpu.memory_space<vmem>>[vector<16xi32>, vector<16xi32>, vector<16xi32>], vector<16xf32>,
        %get3A_811 = arith.index_cast %add3A_801 : i32 to index
        %get3A_812 = arith.constant 16 : index
        %get3A_813 = tpu.vector_load %arg6[%get3A_811, %get3A_812] {strides = array<i32>} : memref<128x64xf32, #tpu.memory_space<vmem>>, vector<16xf32>,
        %mul3A_814 = arith.constant 8.000000e+00 : f32
        %mul3A_815 = vector.broadcast %mul3A_814 : f32 to vector<16xf32>
        %mul3A_816 = arith.mulf %get3A_813, %mul3A_815 : vector<16xf32>
        tpu.vector_store_idx %arg8[%select_n3A_64, %select_n3A_181, %add3A_804], %mul3A_816 : memref<8x8x132xf32, #tpu.memory_space<vmem>>[vector<16xi32>, vector<16xi32>, vector<16xi32>], vector<16xf32>,
        %get3A_817 = arith.index_cast %add3A_801 : i32 to index
        %get3A_818 = arith.constant 32 : index
        %get3A_819 = tpu.vector_load %arg6[%get3A_817, %get3A_818] {strides = array<i32>} : memref<128x64xf32, #tpu.memory_space<vmem>>, vector<16xf32>,
        %mul3A_820 = arith.constant 8.000000e+00 : f32
        %mul3A_821 = vector.broadcast %mul3A_820 : f32 to vector<16xf32>
        %mul3A_822 = arith.mulf %get3A_819, %mul3A_821 : vector<16xf32>
        tpu.vector_store_idx %arg8[%select_n3A_98, %select_n3A_206, %add3A_804], %mul3A_822 : memref<8x8x132xf32, #tpu.memory_space<vmem>>[vector<16xi32>, vector<16xi32>, vector<16xi32>], vector<16xf32>,
        %get3A_823 = arith.index_cast %add3A_801 : i32 to index
        %get3A_824 = arith.constant 48 : index
        %get3A_825 = tpu.vector_load %arg6[%get3A_823, %get3A_824] {strides = array<i32>} : memref<128x64xf32, #tpu.memory_space<vmem>>, vector<16xf32>,
        %mul3A_826 = arith.constant 8.000000e+00 : f32
        %mul3A_827 = vector.broadcast %mul3A_826 : f32 to vector<16xf32>
        %mul3A_828 = arith.mulf %get3A_825, %mul3A_827 : vector<16xf32>
        tpu.vector_store_idx %arg8[%select_n3A_132, %select_n3A_231, %add3A_804], %mul3A_828 : memref<8x8x132xf32, #tpu.memory_space<vmem>>[vector<16xi32>, vector<16xi32>, vector<16xi32>], vector<16xf32>,
        %add3A_829 = arith.constant 2 : i32
        %add3A_830 = arith.addi %mul3A_771, %add3A_829 : i32
        %add3A_831 = arith.constant 2 : i32
        %add3A_832 = vector.broadcast %add3A_831 : i32 to vector<16xi32>
        %add3A_833 = arith.addi %broadcast_in_dim3A, %add3A_832 : vector<16xi32>
        %get3A_834 = arith.index_cast %add3A_830 : i32 to index
        %get3A_835 = arith.constant 0 : index
        %get3A_836 = tpu.vector_load %arg6[%get3A_834, %get3A_835] {strides = array<i32>} : memref<128x64xf32, #tpu.memory_space<vmem>>, vector<16xf32>,
        %mul3A_837 = arith.constant 8.000000e+00 : f32
        %mul3A_838 = vector.broadcast %mul3A_837 : f32 to vector<16xf32>
        %mul3A_839 = arith.mulf %get3A_836, %mul3A_838 : vector<16xf32>
        tpu.vector_store_idx %arg8[%select_n3A_30, %select_n3A_156, %add3A_833], %mul3A_839 : memref<8x8x132xf32, #tpu.memory_space<vmem>>[vector<16xi32>, vector<16xi32>, vector<16xi32>], vector<16xf32>,
        %get3A_840 = arith.index_cast %add3A_830 : i32 to index
        %get3A_841 = arith.constant 16 : index
        %get3A_842 = tpu.vector_load %arg6[%get3A_840, %get3A_841] {strides = array<i32>} : memref<128x64xf32, #tpu.memory_space<vmem>>, vector<16xf32>,
        %mul3A_843 = arith.constant 8.000000e+00 : f32
        %mul3A_844 = vector.broadcast %mul3A_843 : f32 to vector<16xf32>
        %mul3A_845 = arith.mulf %get3A_842, %mul3A_844 : vector<16xf32>
        tpu.vector_store_idx %arg8[%select_n3A_64, %select_n3A_181, %add3A_833], %mul3A_845 : memref<8x8x132xf32, #tpu.memory_space<vmem>>[vector<16xi32>, vector<16xi32>, vector<16xi32>], vector<16xf32>,
        %get3A_846 = arith.index_cast %add3A_830 : i32 to index
        %get3A_847 = arith.constant 32 : index
        %get3A_848 = tpu.vector_load %arg6[%get3A_846, %get3A_847] {strides = array<i32>} : memref<128x64xf32, #tpu.memory_space<vmem>>, vector<16xf32>,
        %mul3A_849 = arith.constant 8.000000e+00 : f32
        %mul3A_850 = vector.broadcast %mul3A_849 : f32 to vector<16xf32>
        %mul3A_851 = arith.mulf %get3A_848, %mul3A_850 : vector<16xf32>
        tpu.vector_store_idx %arg8[%select_n3A_98, %select_n3A_206, %add3A_833], %mul3A_851 : memref<8x8x132xf32, #tpu.memory_space<vmem>>[vector<16xi32>, vector<16xi32>, vector<16xi32>], vector<16xf32>,
        %get3A_852 = arith.index_cast %add3A_830 : i32 to index
        %get3A_853 = arith.constant 48 : index
        %get3A_854 = tpu.vector_load %arg6[%get3A_852, %get3A_853] {strides = array<i32>} : memref<128x64xf32, #tpu.memory_space<vmem>>, vector<16xf32>,
        %mul3A_855 = arith.constant 8.000000e+00 : f32
        %mul3A_856 = vector.broadcast %mul3A_855 : f32 to vector<16xf32>
        %mul3A_857 = arith.mulf %get3A_854, %mul3A_856 : vector<16xf32>
        tpu.vector_store_idx %arg8[%select_n3A_132, %select_n3A_231, %add3A_833], %mul3A_857 : memref<8x8x132xf32, #tpu.memory_space<vmem>>[vector<16xi32>, vector<16xi32>, vector<16xi32>], vector<16xf32>,
        %add3A_858 = arith.constant 3 : i32
        %add3A_859 = arith.addi %mul3A_771, %add3A_858 : i32
        %add3A_860 = arith.constant 3 : i32
        %add3A_861 = vector.broadcast %add3A_860 : i32 to vector<16xi32>
        %add3A_862 = arith.addi %broadcast_in_dim3A, %add3A_861 : vector<16xi32>
        %get3A_863 = arith.index_cast %add3A_859 : i32 to index
        %get3A_864 = arith.constant 0 : index
        %get3A_865 = tpu.vector_load %arg6[%get3A_863, %get3A_864] {strides = array<i32>} : memref<128x64xf32, #tpu.memory_space<vmem>>, vector<16xf32>,
        %mul3A_866 = arith.constant 8.000000e+00 : f32
        %mul3A_867 = vector.broadcast %mul3A_866 : f32 to vector<16xf32>
        %mul3A_868 = arith.mulf %get3A_865, %mul3A_867 : vector<16xf32>
        tpu.vector_store_idx %arg8[%select_n3A_30, %select_n3A_156, %add3A_862], %mul3A_868 : memref<8x8x132xf32, #tpu.memory_space<vmem>>[vector<16xi32>, vector<16xi32>, vector<16xi32>], vector<16xf32>,
        %get3A_869 = arith.index_cast %add3A_859 : i32 to index
        %get3A_870 = arith.constant 16 : index
        %get3A_871 = tpu.vector_load %arg6[%get3A_869, %get3A_870] {strides = array<i32>} : memref<128x64xf32, #tpu.memory_space<vmem>>, vector<16xf32>,
        %mul3A_872 = arith.constant 8.000000e+00 : f32
        %mul3A_873 = vector.broadcast %mul3A_872 : f32 to vector<16xf32>
        %mul3A_874 = arith.mulf %get3A_871, %mul3A_873 : vector<16xf32>
        tpu.vector_store_idx %arg8[%select_n3A_64, %select_n3A_181, %add3A_862], %mul3A_874 : memref<8x8x132xf32, #tpu.memory_space<vmem>>[vector<16xi32>, vector<16xi32>, vector<16xi32>], vector<16xf32>,
        %get3A_875 = arith.index_cast %add3A_859 : i32 to index
        %get3A_876 = arith.constant 32 : index
        %get3A_877 = tpu.vector_load %arg6[%get3A_875, %get3A_876] {strides = array<i32>} : memref<128x64xf32, #tpu.memory_space<vmem>>, vector<16xf32>,
        %mul3A_878 = arith.constant 8.000000e+00 : f32
        %mul3A_879 = vector.broadcast %mul3A_878 : f32 to vector<16xf32>
        %mul3A_880 = arith.mulf %get3A_877, %mul3A_879 : vector<16xf32>
        tpu.vector_store_idx %arg8[%select_n3A_98, %select_n3A_206, %add3A_862], %mul3A_880 : memref<8x8x132xf32, #tpu.memory_space<vmem>>[vector<16xi32>, vector<16xi32>, vector<16xi32>], vector<16xf32>,
        %get3A_881 = arith.index_cast %add3A_859 : i32 to index
        %get3A_882 = arith.constant 48 : index
        %get3A_883 = tpu.vector_load %arg6[%get3A_881, %get3A_882] {strides = array<i32>} : memref<128x64xf32, #tpu.memory_space<vmem>>, vector<16xf32>,
        %mul3A_884 = arith.constant 8.000000e+00 : f32
        %mul3A_885 = vector.broadcast %mul3A_884 : f32 to vector<16xf32>
        %mul3A_886 = arith.mulf %get3A_883, %mul3A_885 : vector<16xf32>
        tpu.vector_store_idx %arg8[%select_n3A_132, %select_n3A_231, %add3A_862], %mul3A_886 : memref<8x8x132xf32, #tpu.memory_space<vmem>>[vector<16xi32>, vector<16xi32>, vector<16xi32>], vector<16xf32>,
      }
      %scan3A_318 = arith.constant 32 : i32
      %mul3A_319 = arith.constant 8 : i32
      %mul3A_320 = arith.muli %select_n3A_279, %mul3A_319 : i32
      %add3A_321 = arith.constant 0 : i32
      %add3A_322 = arith.addi %mul3A_320, %add3A_321 : i32
      %dma_start3A_323 = arith.constant 0 : i32
      %dma_start3A_324 = arith.constant 0 : i32
      %dma_start3A_325 = arith.constant 0 : i32
      %dma_start3A_326 = tpu.memref_slice %arg8[%dma_start3A_323, %dma_start3A_324, %dma_start3A_325] : memref<8x8x132xf32, #tpu.memory_space<vmem>> -> memref<8x8x128xf32, #tpu.memory_space<vmem>>
      %dma_start3A_327 = arith.constant 0 : i32
      %dma_start3A_328 = arith.constant 0 : i32
      %dma_start3A_329 = arith.constant 0 : i32
      %dma_start3A_330 = tpu.memref_slice %arg4[%add3A_322, %dma_start3A_327, %select_n3A_295, %dma_start3A_328, %dma_start3A_329] : memref<200x8x8x8x128xf32, #tpu.memory_space<hbm>> -> memref<1x8x1x8x128xf32, #tpu.memory_space<hbm>>
      %dma_start3A_331 = tpu.memref_squeeze %dma_start3A_330 : memref<1x8x1x8x128xf32, #tpu.memory_space<hbm>> -> memref<8x8x128xf32, #tpu.memory_space<hbm>>
      %dma_start3A_332 = arith.constant 0 : i32
      %dma_start3A_333 = arith.constant 0 : i32
      %dma_start3A_334 = arith.constant 0 : i32
      %dma_start3A_335 = tpu.memref_slice %arg4[%add3A_322, %dma_start3A_332, %select_n3A_295, %dma_start3A_333, %dma_start3A_334] : memref<200x8x8x8x128xf32, #tpu.memory_space<hbm>> -> memref<1x8x1x8x128xf32, #tpu.memory_space<hbm>>
      %dma_start3A_336 = tpu.memref_squeeze %dma_start3A_335 : memref<1x8x1x8x128xf32, #tpu.memory_space<hbm>> -> memref<8x8x128xf32, #tpu.memory_space<hbm>>
      %dma_start3A_337 = arith.constant 0 : i32
      %dma_start3A_338 = arith.constant 0 : i32
      %dma_start3A_339 = arith.constant 0 : i32
      %dma_start3A_340 = tpu.memref_slice %arg8[%dma_start3A_337, %dma_start3A_338, %dma_start3A_339] : memref<8x8x132xf32, #tpu.memory_space<vmem>> -> memref<8x8x128xf32, #tpu.memory_space<vmem>>
      tpu.enqueue_dma source(%dma_start3A_340 : memref<8x8x128xf32, #tpu.memory_space<vmem>>) target(%dma_start3A_336 : memref<8x8x128xf32, #tpu.memory_space<hbm>>) target_semaphore(%arg12 : memref<!tpu.dma_semaphore, #tpu.memory_space<semaphore_mem>>)
      %dma_wait3A_341 = arith.constant 1 : i32
      %dma_wait3A_342 = arith.constant 0 : i32
      %dma_wait3A_343 = tpu.memref_slice %arg5[%dma_wait3A_341, %dma_wait3A_342] : memref<8x128xi32, #tpu.memory_space<vmem>> -> memref<1x128xi32, #tpu.memory_space<vmem>>
      %dma_wait3A_344 = tpu.memref_squeeze %dma_wait3A_343 : memref<1x128xi32, #tpu.memory_space<vmem>> -> memref<128xi32, #tpu.memory_space<vmem>>
      %dma_wait3A_345 = arith.constant 0 : i32
      %dma_wait3A_346 = arith.constant 0 : i32
      %dma_wait3A_347 = tpu.memref_slice %arg3[%dma_wait3A_345, %dma_wait3A_346] : memref<1000000x64xf32, #tpu.memory_space<hbm>> -> memref<1000000x64xf32, #tpu.memory_space<hbm>>
      tpu.wait_indirect_dma semaphore(%arg11 : memref<!tpu.dma_semaphore, #tpu.memory_space<semaphore_mem>>) src(%dma_wait3A_347 : memref<1000000x64xf32, #tpu.memory_space<hbm>>) dst(%arg7 : memref<128x64xf32, #tpu.memory_space<vmem>>)
      %dma_start3A_348 = arith.constant 2 : i32
      %dma_start3A_349 = arith.constant 0 : i32
      %dma_start3A_350 = tpu.memref_slice %arg5[%dma_start3A_348, %dma_start3A_349] : memref<8x128xi32, #tpu.memory_space<vmem>> -> memref<1x128xi32, #tpu.memory_space<vmem>>
      %dma_start3A_351 = tpu.memref_squeeze %dma_start3A_350 : memref<1x128xi32, #tpu.memory_space<vmem>> -> memref<128xi32, #tpu.memory_space<vmem>>
      %dma_start3A_352 = arith.constant 0 : i32
      %dma_start3A_353 = arith.constant 0 : i32
      %dma_start3A_354 = tpu.memref_slice %arg3[%dma_start3A_352, %dma_start3A_353] : memref<1000000x64xf32, #tpu.memory_space<hbm>> -> memref<1000000x64xf32, #tpu.memory_space<hbm>>
      tpu.enqueue_indirect_dma source(%dma_start3A_354 : memref<1000000x64xf32, #tpu.memory_space<hbm>>) target(%arg6 : memref<128x64xf32, #tpu.memory_space<vmem>>) offsets(%dma_start3A_351 : memref<128xi32, #tpu.memory_space<vmem>>) semaphore(%arg10 : memref<!tpu.dma_semaphore, #tpu.memory_space<semaphore_mem>>)
      %scan3A_355 = arith.constant 0 : i32
      %scan3A_356 = arith.constant 32 : i32
      %scan3A_357 = arith.addi %scan3A_355, %scan3A_356 : i32
      %scan3A_358 = arith.constant 1 : i32
      scf.for %scan3A_765 = %scan3A_355 to %scan3A_357 step %scan3A_358  : i32 {
        %mul3A_766 = arith.constant 1 : i32
        %mul3A_767 = arith.muli %scan3A_765, %mul3A_766 : i32
        %add3A_768 = arith.constant 0 : i32
        %add3A_769 = arith.addi %add3A_768, %mul3A_767 : i32
        %mul3A_770 = arith.constant 4 : i32
        %mul3A_771 = arith.muli %add3A_769, %mul3A_770 : i32
        %broadcast_in_dim3A = vector.broadcast %mul3A_771 : i32 to vector<16xi32>
        %add3A_772 = arith.constant 0 : i32
        %add3A_773 = arith.addi %mul3A_771, %add3A_772 : i32
        %add3A_774 = arith.constant 0 : i32
        %add3A_775 = vector.broadcast %add3A_774 : i32 to vector<16xi32>
        %add3A_776 = arith.addi %broadcast_in_dim3A, %add3A_775 : vector<16xi32>
        %get3A = arith.index_cast %add3A_773 : i32 to index
        %get3A_777 = arith.constant 0 : index
        %get3A_778 = tpu.vector_load %arg7[%get3A, %get3A_777] {strides = array<i32>} : memref<128x64xf32, #tpu.memory_space<vmem>>, vector<16xf32>,
        %mul3A_779 = arith.constant 8.000000e+00 : f32
        %mul3A_780 = vector.broadcast %mul3A_779 : f32 to vector<16xf32>
        %mul3A_781 = arith.mulf %get3A_778, %mul3A_780 : vector<16xf32>
        tpu.vector_store_idx %arg9[%select_n3A_30, %select_n3A_156, %add3A_776], %mul3A_781 : memref<8x8x132xf32, #tpu.memory_space<vmem>>[vector<16xi32>, vector<16xi32>, vector<16xi32>], vector<16xf32>,
        %get3A_782 = arith.index_cast %add3A_773 : i32 to index
        %get3A_783 = arith.constant 16 : index
        %get3A_784 = tpu.vector_load %arg7[%get3A_782, %get3A_783] {strides = array<i32>} : memref<128x64xf32, #tpu.memory_space<vmem>>, vector<16xf32>,
        %mul3A_785 = arith.constant 8.000000e+00 : f32
        %mul3A_786 = vector.broadcast %mul3A_785 : f32 to vector<16xf32>
        %mul3A_787 = arith.mulf %get3A_784, %mul3A_786 : vector<16xf32>
        tpu.vector_store_idx %arg9[%select_n3A_64, %select_n3A_181, %add3A_776], %mul3A_787 : memref<8x8x132xf32, #tpu.memory_space<vmem>>[vector<16xi32>, vector<16xi32>, vector<16xi32>], vector<16xf32>,
        %get3A_788 = arith.index_cast %add3A_773 : i32 to index
        %get3A_789 = arith.constant 32 : index
        %get3A_790 = tpu.vector_load %arg7[%get3A_788, %get3A_789] {strides = array<i32>} : memref<128x64xf32, #tpu.memory_space<vmem>>, vector<16xf32>,
        %mul3A_791 = arith.constant 8.000000e+00 : f32
        %mul3A_792 = vector.broadcast %mul3A_791 : f32 to vector<16xf32>
        %mul3A_793 = arith.mulf %get3A_790, %mul3A_792 : vector<16xf32>
        tpu.vector_store_idx %arg9[%select_n3A_98, %select_n3A_206, %add3A_776], %mul3A_793 : memref<8x8x132xf32, #tpu.memory_space<vmem>>[vector<16xi32>, vector<16xi32>, vector<16xi32>], vector<16xf32>,
        %get3A_794 = arith.index_cast %add3A_773 : i32 to index
        %get3A_795 = arith.constant 48 : index
        %get3A_796 = tpu.vector_load %arg7[%get3A_794, %get3A_795] {strides = array<i32>} : memref<128x64xf32, #tpu.memory_space<vmem>>, vector<16xf32>,
        %mul3A_797 = arith.constant 8.000000e+00 : f32
        %mul3A_798 = vector.broadcast %mul3A_797 : f32 to vector<16xf32>
        %mul3A_799 = arith.mulf %get3A_796, %mul3A_798 : vector<16xf32>
        tpu.vector_store_idx %arg9[%select_n3A_132, %select_n3A_231, %add3A_776], %mul3A_799 : memref<8x8x132xf32, #tpu.memory_space<vmem>>[vector<16xi32>, vector<16xi32>, vector<16xi32>], vector<16xf32>,
        %add3A_800 = arith.constant 1 : i32
        %add3A_801 = arith.addi %mul3A_771, %add3A_800 : i32
        %add3A_802 = arith.constant 1 : i32
        %add3A_803 = vector.broadcast %add3A_802 : i32 to vector<16xi32>
        %add3A_804 = arith.addi %broadcast_in_dim3A, %add3A_803 : vector<16xi32>
        %get3A_805 = arith.index_cast %add3A_801 : i32 to index
        %get3A_806 = arith.constant 0 : index
        %get3A_807 = tpu.vector_load %arg7[%get3A_805, %get3A_806] {strides = array<i32>} : memref<128x64xf32, #tpu.memory_space<vmem>>, vector<16xf32>,
        %mul3A_808 = arith.constant 8.000000e+00 : f32
        %mul3A_809 = vector.broadcast %mul3A_808 : f32 to vector<16xf32>
        %mul3A_810 = arith.mulf %get3A_807, %mul3A_809 : vector<16xf32>
        tpu.vector_store_idx %arg9[%select_n3A_30, %select_n3A_156, %add3A_804], %mul3A_810 : memref<8x8x132xf32, #tpu.memory_space<vmem>>[vector<16xi32>, vector<16xi32>, vector<16xi32>], vector<16xf32>,
        %get3A_811 = arith.index_cast %add3A_801 : i32 to index
        %get3A_812 = arith.constant 16 : index
        %get3A_813 = tpu.vector_load %arg7[%get3A_811, %get3A_812] {strides = array<i32>} : memref<128x64xf32, #tpu.memory_space<vmem>>, vector<16xf32>,
        %mul3A_814 = arith.constant 8.000000e+00 : f32
        %mul3A_815 = vector.broadcast %mul3A_814 : f32 to vector<16xf32>
        %mul3A_816 = arith.mulf %get3A_813, %mul3A_815 : vector<16xf32>
        tpu.vector_store_idx %arg9[%select_n3A_64, %select_n3A_181, %add3A_804], %mul3A_816 : memref<8x8x132xf32, #tpu.memory_space<vmem>>[vector<16xi32>, vector<16xi32>, vector<16xi32>], vector<16xf32>,
        %get3A_817 = arith.index_cast %add3A_801 : i32 to index
        %get3A_818 = arith.constant 32 : index
        %get3A_819 = tpu.vector_load %arg7[%get3A_817, %get3A_818] {strides = array<i32>} : memref<128x64xf32, #tpu.memory_space<vmem>>, vector<16xf32>,
        %mul3A_820 = arith.constant 8.000000e+00 : f32
        %mul3A_821 = vector.broadcast %mul3A_820 : f32 to vector<16xf32>
        %mul3A_822 = arith.mulf %get3A_819, %mul3A_821 : vector<16xf32>
        tpu.vector_store_idx %arg9[%select_n3A_98, %select_n3A_206, %add3A_804], %mul3A_822 : memref<8x8x132xf32, #tpu.memory_space<vmem>>[vector<16xi32>, vector<16xi32>, vector<16xi32>], vector<16xf32>,
        %get3A_823 = arith.index_cast %add3A_801 : i32 to index
        %get3A_824 = arith.constant 48 : index
        %get3A_825 = tpu.vector_load %arg7[%get3A_823, %get3A_824] {strides = array<i32>} : memref<128x64xf32, #tpu.memory_space<vmem>>, vector<16xf32>,
        %mul3A_826 = arith.constant 8.000000e+00 : f32
        %mul3A_827 = vector.broadcast %mul3A_826 : f32 to vector<16xf32>
        %mul3A_828 = arith.mulf %get3A_825, %mul3A_827 : vector<16xf32>
        tpu.vector_store_idx %arg9[%select_n3A_132, %select_n3A_231, %add3A_804], %mul3A_828 : memref<8x8x132xf32, #tpu.memory_space<vmem>>[vector<16xi32>, vector<16xi32>, vector<16xi32>], vector<16xf32>,
        %add3A_829 = arith.constant 2 : i32
        %add3A_830 = arith.addi %mul3A_771, %add3A_829 : i32
        %add3A_831 = arith.constant 2 : i32
        %add3A_832 = vector.broadcast %add3A_831 : i32 to vector<16xi32>
        %add3A_833 = arith.addi %broadcast_in_dim3A, %add3A_832 : vector<16xi32>
        %get3A_834 = arith.index_cast %add3A_830 : i32 to index
        %get3A_835 = arith.constant 0 : index
        %get3A_836 = tpu.vector_load %arg7[%get3A_834, %get3A_835] {strides = array<i32>} : memref<128x64xf32, #tpu.memory_space<vmem>>, vector<16xf32>,
        %mul3A_837 = arith.constant 8.000000e+00 : f32
        %mul3A_838 = vector.broadcast %mul3A_837 : f32 to vector<16xf32>
        %mul3A_839 = arith.mulf %get3A_836, %mul3A_838 : vector<16xf32>
        tpu.vector_store_idx %arg9[%select_n3A_30, %select_n3A_156, %add3A_833], %mul3A_839 : memref<8x8x132xf32, #tpu.memory_space<vmem>>[vector<16xi32>, vector<16xi32>, vector<16xi32>], vector<16xf32>,
        %get3A_840 = arith.index_cast %add3A_830 : i32 to index
        %get3A_841 = arith.constant 16 : index
        %get3A_842 = tpu.vector_load %arg7[%get3A_840, %get3A_841] {strides = array<i32>} : memref<128x64xf32, #tpu.memory_space<vmem>>, vector<16xf32>,
        %mul3A_843 = arith.constant 8.000000e+00 : f32
        %mul3A_844 = vector.broadcast %mul3A_843 : f32 to vector<16xf32>
        %mul3A_845 = arith.mulf %get3A_842, %mul3A_844 : vector<16xf32>
        tpu.vector_store_idx %arg9[%select_n3A_64, %select_n3A_181, %add3A_833], %mul3A_845 : memref<8x8x132xf32, #tpu.memory_space<vmem>>[vector<16xi32>, vector<16xi32>, vector<16xi32>], vector<16xf32>,
        %get3A_846 = arith.index_cast %add3A_830 : i32 to index
        %get3A_847 = arith.constant 32 : index
        %get3A_848 = tpu.vector_load %arg7[%get3A_846, %get3A_847] {strides = array<i32>} : memref<128x64xf32, #tpu.memory_space<vmem>>, vector<16xf32>,
        %mul3A_849 = arith.constant 8.000000e+00 : f32
        %mul3A_850 = vector.broadcast %mul3A_849 : f32 to vector<16xf32>
        %mul3A_851 = arith.mulf %get3A_848, %mul3A_850 : vector<16xf32>
        tpu.vector_store_idx %arg9[%select_n3A_98, %select_n3A_206, %add3A_833], %mul3A_851 : memref<8x8x132xf32, #tpu.memory_space<vmem>>[vector<16xi32>, vector<16xi32>, vector<16xi32>], vector<16xf32>,
        %get3A_852 = arith.index_cast %add3A_830 : i32 to index
        %get3A_853 = arith.constant 48 : index
        %get3A_854 = tpu.vector_load %arg7[%get3A_852, %get3A_853] {strides = array<i32>} : memref<128x64xf32, #tpu.memory_space<vmem>>, vector<16xf32>,
        %mul3A_855 = arith.constant 8.000000e+00 : f32
        %mul3A_856 = vector.broadcast %mul3A_855 : f32 to vector<16xf32>
        %mul3A_857 = arith.mulf %get3A_854, %mul3A_856 : vector<16xf32>
        tpu.vector_store_idx %arg9[%select_n3A_132, %select_n3A_231, %add3A_833], %mul3A_857 : memref<8x8x132xf32, #tpu.memory_space<vmem>>[vector<16xi32>, vector<16xi32>, vector<16xi32>], vector<16xf32>,
        %add3A_858 = arith.constant 3 : i32
        %add3A_859 = arith.addi %mul3A_771, %add3A_858 : i32
        %add3A_860 = arith.constant 3 : i32
        %add3A_861 = vector.broadcast %add3A_860 : i32 to vector<16xi32>
        %add3A_862 = arith.addi %broadcast_in_dim3A, %add3A_861 : vector<16xi32>
        %get3A_863 = arith.index_cast %add3A_859 : i32 to index
        %get3A_864 = arith.constant 0 : index
        %get3A_865 = tpu.vector_load %arg7[%get3A_863, %get3A_864] {strides = array<i32>} : memref<128x64xf32, #tpu.memory_space<vmem>>, vector<16xf32>,
        %mul3A_866 = arith.constant 8.000000e+00 : f32
        %mul3A_867 = vector.broadcast %mul3A_866 : f32 to vector<16xf32>
        %mul3A_868 = arith.mulf %get3A_865, %mul3A_867 : vector<16xf32>
        tpu.vector_store_idx %arg9[%select_n3A_30, %select_n3A_156, %add3A_862], %mul3A_868 : memref<8x8x132xf32, #tpu.memory_space<vmem>>[vector<16xi32>, vector<16xi32>, vector<16xi32>], vector<16xf32>,
        %get3A_869 = arith.index_cast %add3A_859 : i32 to index
        %get3A_870 = arith.constant 16 : index
        %get3A_871 = tpu.vector_load %arg7[%get3A_869, %get3A_870] {strides = array<i32>} : memref<128x64xf32, #tpu.memory_space<vmem>>, vector<16xf32>,
        %mul3A_872 = arith.constant 8.000000e+00 : f32
        %mul3A_873 = vector.broadcast %mul3A_872 : f32 to vector<16xf32>
        %mul3A_874 = arith.mulf %get3A_871, %mul3A_873 : vector<16xf32>
        tpu.vector_store_idx %arg9[%select_n3A_64, %select_n3A_181, %add3A_862], %mul3A_874 : memref<8x8x132xf32, #tpu.memory_space<vmem>>[vector<16xi32>, vector<16xi32>, vector<16xi32>], vector<16xf32>,
        %get3A_875 = arith.index_cast %add3A_859 : i32 to index
        %get3A_876 = arith.constant 32 : index
        %get3A_877 = tpu.vector_load %arg7[%get3A_875, %get3A_876] {strides = array<i32>} : memref<128x64xf32, #tpu.memory_space<vmem>>, vector<16xf32>,
        %mul3A_878 = arith.constant 8.000000e+00 : f32
        %mul3A_879 = vector.broadcast %mul3A_878 : f32 to vector<16xf32>
        %mul3A_880 = arith.mulf %get3A_877, %mul3A_879 : vector<16xf32>
        tpu.vector_store_idx %arg9[%select_n3A_98, %select_n3A_206, %add3A_862], %mul3A_880 : memref<8x8x132xf32, #tpu.memory_space<vmem>>[vector<16xi32>, vector<16xi32>, vector<16xi32>], vector<16xf32>,
        %get3A_881 = arith.index_cast %add3A_859 : i32 to index
        %get3A_882 = arith.constant 48 : index
        %get3A_883 = tpu.vector_load %arg7[%get3A_881, %get3A_882] {strides = array<i32>} : memref<128x64xf32, #tpu.memory_space<vmem>>, vector<16xf32>,
        %mul3A_884 = arith.constant 8.000000e+00 : f32
        %mul3A_885 = vector.broadcast %mul3A_884 : f32 to vector<16xf32>
        %mul3A_886 = arith.mulf %get3A_883, %mul3A_885 : vector<16xf32>
        tpu.vector_store_idx %arg9[%select_n3A_132, %select_n3A_231, %add3A_862], %mul3A_886 : memref<8x8x132xf32, #tpu.memory_space<vmem>>[vector<16xi32>, vector<16xi32>, vector<16xi32>], vector<16xf32>,
      }
      %scan3A_359 = arith.constant 32 : i32
      %mul3A_360 = arith.constant 8 : i32
      %mul3A_361 = arith.muli %select_n3A_279, %mul3A_360 : i32
      %add3A_362 = arith.constant 1 : i32
      %add3A_363 = arith.addi %mul3A_361, %add3A_362 : i32
      %dma_start3A_364 = arith.constant 0 : i32
      %dma_start3A_365 = arith.constant 0 : i32
      %dma_start3A_366 = arith.constant 0 : i32
      %dma_start3A_367 = tpu.memref_slice %arg9[%dma_start3A_364, %dma_start3A_365, %dma_start3A_366] : memref<8x8x132xf32, #tpu.memory_space<vmem>> -> memref<8x8x128xf32, #tpu.memory_space<vmem>>
      %dma_start3A_368 = arith.constant 0 : i32
      %dma_start3A_369 = arith.constant 0 : i32
      %dma_start3A_370 = arith.constant 0 : i32
      %dma_start3A_371 = tpu.memref_slice %arg4[%add3A_363, %dma_start3A_368, %select_n3A_295, %dma_start3A_369, %dma_start3A_370] : memref<200x8x8x8x128xf32, #tpu.memory_space<hbm>> -> memref<1x8x1x8x128xf32, #tpu.memory_space<hbm>>
      %dma_start3A_372 = tpu.memref_squeeze %dma_start3A_371 : memref<1x8x1x8x128xf32, #tpu.memory_space<hbm>> -> memref<8x8x128xf32, #tpu.memory_space<hbm>>
      %dma_start3A_373 = arith.constant 0 : i32
      %dma_start3A_374 = arith.constant 0 : i32
      %dma_start3A_375 = arith.constant 0 : i32
      %dma_start3A_376 = tpu.memref_slice %arg4[%add3A_363, %dma_start3A_373, %select_n3A_295, %dma_start3A_374, %dma_start3A_375] : memref<200x8x8x8x128xf32, #tpu.memory_space<hbm>> -> memref<1x8x1x8x128xf32, #tpu.memory_space<hbm>>
      %dma_start3A_377 = tpu.memref_squeeze %dma_start3A_376 : memref<1x8x1x8x128xf32, #tpu.memory_space<hbm>> -> memref<8x8x128xf32, #tpu.memory_space<hbm>>
      %dma_start3A_378 = arith.constant 0 : i32
      %dma_start3A_379 = arith.constant 0 : i32
      %dma_start3A_380 = arith.constant 0 : i32
      %dma_start3A_381 = tpu.memref_slice %arg9[%dma_start3A_378, %dma_start3A_379, %dma_start3A_380] : memref<8x8x132xf32, #tpu.memory_space<vmem>> -> memref<8x8x128xf32, #tpu.memory_space<vmem>>
      tpu.enqueue_dma source(%dma_start3A_381 : memref<8x8x128xf32, #tpu.memory_space<vmem>>) target(%dma_start3A_377 : memref<8x8x128xf32, #tpu.memory_space<hbm>>) target_semaphore(%arg13 : memref<!tpu.dma_semaphore, #tpu.memory_space<semaphore_mem>>)
      %dma_wait3A_382 = arith.constant 2 : i32
      %dma_wait3A_383 = arith.constant 0 : i32
      %dma_wait3A_384 = tpu.memref_slice %arg5[%dma_wait3A_382, %dma_wait3A_383] : memref<8x128xi32, #tpu.memory_space<vmem>> -> memref<1x128xi32, #tpu.memory_space<vmem>>
      %dma_wait3A_385 = tpu.memref_squeeze %dma_wait3A_384 : memref<1x128xi32, #tpu.memory_space<vmem>> -> memref<128xi32, #tpu.memory_space<vmem>>
      %dma_wait3A_386 = arith.constant 0 : i32
      %dma_wait3A_387 = arith.constant 0 : i32
      %dma_wait3A_388 = tpu.memref_slice %arg3[%dma_wait3A_386, %dma_wait3A_387] : memref<1000000x64xf32, #tpu.memory_space<hbm>> -> memref<1000000x64xf32, #tpu.memory_space<hbm>>
      tpu.wait_indirect_dma semaphore(%arg10 : memref<!tpu.dma_semaphore, #tpu.memory_space<semaphore_mem>>) src(%dma_wait3A_388 : memref<1000000x64xf32, #tpu.memory_space<hbm>>) dst(%arg6 : memref<128x64xf32, #tpu.memory_space<vmem>>)
      %dma_start3A_389 = arith.constant 3 : i32
      %dma_start3A_390 = arith.constant 0 : i32
      %dma_start3A_391 = tpu.memref_slice %arg5[%dma_start3A_389, %dma_start3A_390] : memref<8x128xi32, #tpu.memory_space<vmem>> -> memref<1x128xi32, #tpu.memory_space<vmem>>
      %dma_start3A_392 = tpu.memref_squeeze %dma_start3A_391 : memref<1x128xi32, #tpu.memory_space<vmem>> -> memref<128xi32, #tpu.memory_space<vmem>>
      %dma_start3A_393 = arith.constant 0 : i32
      %dma_start3A_394 = arith.constant 0 : i32
      %dma_start3A_395 = tpu.memref_slice %arg3[%dma_start3A_393, %dma_start3A_394] : memref<1000000x64xf32, #tpu.memory_space<hbm>> -> memref<1000000x64xf32, #tpu.memory_space<hbm>>
      tpu.enqueue_indirect_dma source(%dma_start3A_395 : memref<1000000x64xf32, #tpu.memory_space<hbm>>) target(%arg7 : memref<128x64xf32, #tpu.memory_space<vmem>>) offsets(%dma_start3A_392 : memref<128xi32, #tpu.memory_space<vmem>>) semaphore(%arg11 : memref<!tpu.dma_semaphore, #tpu.memory_space<semaphore_mem>>)
      %dma_wait3A_396 = arith.constant 0 : i32
      %dma_wait3A_397 = arith.constant 0 : i32
      %dma_wait3A_398 = arith.constant 0 : i32
      %dma_wait3A_399 = tpu.memref_slice %arg8[%dma_wait3A_396, %dma_wait3A_397, %dma_wait3A_398] : memref<8x8x132xf32, #tpu.memory_space<vmem>> -> memref<8x8x128xf32, #tpu.memory_space<vmem>>
      %dma_wait3A_400 = arith.constant 0 : i32
      %dma_wait3A_401 = arith.constant 0 : i32
      %dma_wait3A_402 = arith.constant 0 : i32
      %dma_wait3A_403 = tpu.memref_slice %arg4[%add3A_322, %dma_wait3A_400, %select_n3A_295, %dma_wait3A_401, %dma_wait3A_402] : memref<200x8x8x8x128xf32, #tpu.memory_space<hbm>> -> memref<1x8x1x8x128xf32, #tpu.memory_space<hbm>>
      %dma_wait3A_404 = tpu.memref_squeeze %dma_wait3A_403 : memref<1x8x1x8x128xf32, #tpu.memory_space<hbm>> -> memref<8x8x128xf32, #tpu.memory_space<hbm>>
      %dma_wait3A_405 = arith.constant 0 : i32
      %dma_wait3A_406 = arith.constant 0 : i32
      %dma_wait3A_407 = arith.constant 0 : i32
      %dma_wait3A_408 = tpu.memref_slice %arg4[%add3A_322, %dma_wait3A_405, %select_n3A_295, %dma_wait3A_406, %dma_wait3A_407] : memref<200x8x8x8x128xf32, #tpu.memory_space<hbm>> -> memref<1x8x1x8x128xf32, #tpu.memory_space<hbm>>
      %dma_wait3A_409 = tpu.memref_squeeze %dma_wait3A_408 : memref<1x8x1x8x128xf32, #tpu.memory_space<hbm>> -> memref<8x8x128xf32, #tpu.memory_space<hbm>>
      %dma_wait3A_410 = arith.constant 0 : i32
      %dma_wait3A_411 = arith.constant 0 : i32
      %dma_wait3A_412 = arith.constant 0 : i32
      %dma_wait3A_413 = tpu.memref_slice %arg8[%dma_wait3A_410, %dma_wait3A_411, %dma_wait3A_412] : memref<8x8x132xf32, #tpu.memory_space<vmem>> -> memref<8x8x128xf32, #tpu.memory_space<vmem>>
      tpu.wait_dma2 semaphore(%arg12 : memref<!tpu.dma_semaphore, #tpu.memory_space<semaphore_mem>>) src(%dma_wait3A_413 : memref<8x8x128xf32, #tpu.memory_space<vmem>>) dst(%dma_wait3A_409 : memref<8x8x128xf32, #tpu.memory_space<hbm>>)
      %scan3A_414 = arith.constant 0 : i32
      %scan3A_415 = arith.constant 32 : i32
      %scan3A_416 = arith.addi %scan3A_414, %scan3A_415 : i32
      %scan3A_417 = arith.constant 1 : i32
      scf.for %scan3A_765 = %scan3A_414 to %scan3A_416 step %scan3A_417  : i32 {
        %mul3A_766 = arith.constant 1 : i32
        %mul3A_767 = arith.muli %scan3A_765, %mul3A_766 : i32
        %add3A_768 = arith.constant 0 : i32
        %add3A_769 = arith.addi %add3A_768, %mul3A_767 : i32
        %mul3A_770 = arith.constant 4 : i32
        %mul3A_771 = arith.muli %add3A_769, %mul3A_770 : i32
        %broadcast_in_dim3A = vector.broadcast %mul3A_771 : i32 to vector<16xi32>
        %add3A_772 = arith.constant 0 : i32
        %add3A_773 = arith.addi %mul3A_771, %add3A_772 : i32
        %add3A_774 = arith.constant 0 : i32
        %add3A_775 = vector.broadcast %add3A_774 : i32 to vector<16xi32>
        %add3A_776 = arith.addi %broadcast_in_dim3A, %add3A_775 : vector<16xi32>
        %get3A = arith.index_cast %add3A_773 : i32 to index
        %get3A_777 = arith.constant 0 : index
        %get3A_778 = tpu.vector_load %arg6[%get3A, %get3A_777] {strides = array<i32>} : memref<128x64xf32, #tpu.memory_space<vmem>>, vector<16xf32>,
        %mul3A_779 = arith.constant 8.000000e+00 : f32
        %mul3A_780 = vector.broadcast %mul3A_779 : f32 to vector<16xf32>
        %mul3A_781 = arith.mulf %get3A_778, %mul3A_780 : vector<16xf32>
        tpu.vector_store_idx %arg8[%select_n3A_30, %select_n3A_156, %add3A_776], %mul3A_781 : memref<8x8x132xf32, #tpu.memory_space<vmem>>[vector<16xi32>, vector<16xi32>, vector<16xi32>], vector<16xf32>,
        %get3A_782 = arith.index_cast %add3A_773 : i32 to index
        %get3A_783 = arith.constant 16 : index
        %get3A_784 = tpu.vector_load %arg6[%get3A_782, %get3A_783] {strides = array<i32>} : memref<128x64xf32, #tpu.memory_space<vmem>>, vector<16xf32>,
        %mul3A_785 = arith.constant 8.000000e+00 : f32
        %mul3A_786 = vector.broadcast %mul3A_785 : f32 to vector<16xf32>
        %mul3A_787 = arith.mulf %get3A_784, %mul3A_786 : vector<16xf32>
        tpu.vector_store_idx %arg8[%select_n3A_64, %select_n3A_181, %add3A_776], %mul3A_787 : memref<8x8x132xf32, #tpu.memory_space<vmem>>[vector<16xi32>, vector<16xi32>, vector<16xi32>], vector<16xf32>,
        %get3A_788 = arith.index_cast %add3A_773 : i32 to index
        %get3A_789 = arith.constant 32 : index
        %get3A_790 = tpu.vector_load %arg6[%get3A_788, %get3A_789] {strides = array<i32>} : memref<128x64xf32, #tpu.memory_space<vmem>>, vector<16xf32>,
        %mul3A_791 = arith.constant 8.000000e+00 : f32
        %mul3A_792 = vector.broadcast %mul3A_791 : f32 to vector<16xf32>
        %mul3A_793 = arith.mulf %get3A_790, %mul3A_792 : vector<16xf32>
        tpu.vector_store_idx %arg8[%select_n3A_98, %select_n3A_206, %add3A_776], %mul3A_793 : memref<8x8x132xf32, #tpu.memory_space<vmem>>[vector<16xi32>, vector<16xi32>, vector<16xi32>], vector<16xf32>,
        %get3A_794 = arith.index_cast %add3A_773 : i32 to index
        %get3A_795 = arith.constant 48 : index
        %get3A_796 = tpu.vector_load %arg6[%get3A_794, %get3A_795] {strides = array<i32>} : memref<128x64xf32, #tpu.memory_space<vmem>>, vector<16xf32>,
        %mul3A_797 = arith.constant 8.000000e+00 : f32
        %mul3A_798 = vector.broadcast %mul3A_797 : f32 to vector<16xf32>
        %mul3A_799 = arith.mulf %get3A_796, %mul3A_798 : vector<16xf32>
        tpu.vector_store_idx %arg8[%select_n3A_132, %select_n3A_231, %add3A_776], %mul3A_799 : memref<8x8x132xf32, #tpu.memory_space<vmem>>[vector<16xi32>, vector<16xi32>, vector<16xi32>], vector<16xf32>,
        %add3A_800 = arith.constant 1 : i32
        %add3A_801 = arith.addi %mul3A_771, %add3A_800 : i32
        %add3A_802 = arith.constant 1 : i32
        %add3A_803 = vector.broadcast %add3A_802 : i32 to vector<16xi32>
        %add3A_804 = arith.addi %broadcast_in_dim3A, %add3A_803 : vector<16xi32>
        %get3A_805 = arith.index_cast %add3A_801 : i32 to index
        %get3A_806 = arith.constant 0 : index
        %get3A_807 = tpu.vector_load %arg6[%get3A_805, %get3A_806] {strides = array<i32>} : memref<128x64xf32, #tpu.memory_space<vmem>>, vector<16xf32>,
        %mul3A_808 = arith.constant 8.000000e+00 : f32
        %mul3A_809 = vector.broadcast %mul3A_808 : f32 to vector<16xf32>
        %mul3A_810 = arith.mulf %get3A_807, %mul3A_809 : vector<16xf32>
        tpu.vector_store_idx %arg8[%select_n3A_30, %select_n3A_156, %add3A_804], %mul3A_810 : memref<8x8x132xf32, #tpu.memory_space<vmem>>[vector<16xi32>, vector<16xi32>, vector<16xi32>], vector<16xf32>,
        %get3A_811 = arith.index_cast %add3A_801 : i32 to index
        %get3A_812 = arith.constant 16 : index
        %get3A_813 = tpu.vector_load %arg6[%get3A_811, %get3A_812] {strides = array<i32>} : memref<128x64xf32, #tpu.memory_space<vmem>>, vector<16xf32>,
        %mul3A_814 = arith.constant 8.000000e+00 : f32
        %mul3A_815 = vector.broadcast %mul3A_814 : f32 to vector<16xf32>
        %mul3A_816 = arith.mulf %get3A_813, %mul3A_815 : vector<16xf32>
        tpu.vector_store_idx %arg8[%select_n3A_64, %select_n3A_181, %add3A_804], %mul3A_816 : memref<8x8x132xf32, #tpu.memory_space<vmem>>[vector<16xi32>, vector<16xi32>, vector<16xi32>], vector<16xf32>,
        %get3A_817 = arith.index_cast %add3A_801 : i32 to index
        %get3A_818 = arith.constant 32 : index
        %get3A_819 = tpu.vector_load %arg6[%get3A_817, %get3A_818] {strides = array<i32>} : memref<128x64xf32, #tpu.memory_space<vmem>>, vector<16xf32>,
        %mul3A_820 = arith.constant 8.000000e+00 : f32
        %mul3A_821 = vector.broadcast %mul3A_820 : f32 to vector<16xf32>
        %mul3A_822 = arith.mulf %get3A_819, %mul3A_821 : vector<16xf32>
        tpu.vector_store_idx %arg8[%select_n3A_98, %select_n3A_206, %add3A_804], %mul3A_822 : memref<8x8x132xf32, #tpu.memory_space<vmem>>[vector<16xi32>, vector<16xi32>, vector<16xi32>], vector<16xf32>,
        %get3A_823 = arith.index_cast %add3A_801 : i32 to index
        %get3A_824 = arith.constant 48 : index
        %get3A_825 = tpu.vector_load %arg6[%get3A_823, %get3A_824] {strides = array<i32>} : memref<128x64xf32, #tpu.memory_space<vmem>>, vector<16xf32>,
        %mul3A_826 = arith.constant 8.000000e+00 : f32
        %mul3A_827 = vector.broadcast %mul3A_826 : f32 to vector<16xf32>
        %mul3A_828 = arith.mulf %get3A_825, %mul3A_827 : vector<16xf32>
        tpu.vector_store_idx %arg8[%select_n3A_132, %select_n3A_231, %add3A_804], %mul3A_828 : memref<8x8x132xf32, #tpu.memory_space<vmem>>[vector<16xi32>, vector<16xi32>, vector<16xi32>], vector<16xf32>,
        %add3A_829 = arith.constant 2 : i32
        %add3A_830 = arith.addi %mul3A_771, %add3A_829 : i32
        %add3A_831 = arith.constant 2 : i32
        %add3A_832 = vector.broadcast %add3A_831 : i32 to vector<16xi32>
        %add3A_833 = arith.addi %broadcast_in_dim3A, %add3A_832 : vector<16xi32>
        %get3A_834 = arith.index_cast %add3A_830 : i32 to index
        %get3A_835 = arith.constant 0 : index
        %get3A_836 = tpu.vector_load %arg6[%get3A_834, %get3A_835] {strides = array<i32>} : memref<128x64xf32, #tpu.memory_space<vmem>>, vector<16xf32>,
        %mul3A_837 = arith.constant 8.000000e+00 : f32
        %mul3A_838 = vector.broadcast %mul3A_837 : f32 to vector<16xf32>
        %mul3A_839 = arith.mulf %get3A_836, %mul3A_838 : vector<16xf32>
        tpu.vector_store_idx %arg8[%select_n3A_30, %select_n3A_156, %add3A_833], %mul3A_839 : memref<8x8x132xf32, #tpu.memory_space<vmem>>[vector<16xi32>, vector<16xi32>, vector<16xi32>], vector<16xf32>,
        %get3A_840 = arith.index_cast %add3A_830 : i32 to index
        %get3A_841 = arith.constant 16 : index
        %get3A_842 = tpu.vector_load %arg6[%get3A_840, %get3A_841] {strides = array<i32>} : memref<128x64xf32, #tpu.memory_space<vmem>>, vector<16xf32>,
        %mul3A_843 = arith.constant 8.000000e+00 : f32
        %mul3A_844 = vector.broadcast %mul3A_843 : f32 to vector<16xf32>
        %mul3A_845 = arith.mulf %get3A_842, %mul3A_844 : vector<16xf32>
        tpu.vector_store_idx %arg8[%select_n3A_64, %select_n3A_181, %add3A_833], %mul3A_845 : memref<8x8x132xf32, #tpu.memory_space<vmem>>[vector<16xi32>, vector<16xi32>, vector<16xi32>], vector<16xf32>,
        %get3A_846 = arith.index_cast %add3A_830 : i32 to index
        %get3A_847 = arith.constant 32 : index
        %get3A_848 = tpu.vector_load %arg6[%get3A_846, %get3A_847] {strides = array<i32>} : memref<128x64xf32, #tpu.memory_space<vmem>>, vector<16xf32>,
        %mul3A_849 = arith.constant 8.000000e+00 : f32
        %mul3A_850 = vector.broadcast %mul3A_849 : f32 to vector<16xf32>
        %mul3A_851 = arith.mulf %get3A_848, %mul3A_850 : vector<16xf32>
        tpu.vector_store_idx %arg8[%select_n3A_98, %select_n3A_206, %add3A_833], %mul3A_851 : memref<8x8x132xf32, #tpu.memory_space<vmem>>[vector<16xi32>, vector<16xi32>, vector<16xi32>], vector<16xf32>,
        %get3A_852 = arith.index_cast %add3A_830 : i32 to index
        %get3A_853 = arith.constant 48 : index
        %get3A_854 = tpu.vector_load %arg6[%get3A_852, %get3A_853] {strides = array<i32>} : memref<128x64xf32, #tpu.memory_space<vmem>>, vector<16xf32>,
        %mul3A_855 = arith.constant 8.000000e+00 : f32
        %mul3A_856 = vector.broadcast %mul3A_855 : f32 to vector<16xf32>
        %mul3A_857 = arith.mulf %get3A_854, %mul3A_856 : vector<16xf32>
        tpu.vector_store_idx %arg8[%select_n3A_132, %select_n3A_231, %add3A_833], %mul3A_857 : memref<8x8x132xf32, #tpu.memory_space<vmem>>[vector<16xi32>, vector<16xi32>, vector<16xi32>], vector<16xf32>,
        %add3A_858 = arith.constant 3 : i32
        %add3A_859 = arith.addi %mul3A_771, %add3A_858 : i32
        %add3A_860 = arith.constant 3 : i32
        %add3A_861 = vector.broadcast %add3A_860 : i32 to vector<16xi32>
        %add3A_862 = arith.addi %broadcast_in_dim3A, %add3A_861 : vector<16xi32>
        %get3A_863 = arith.index_cast %add3A_859 : i32 to index
        %get3A_864 = arith.constant 0 : index
        %get3A_865 = tpu.vector_load %arg6[%get3A_863, %get3A_864] {strides = array<i32>} : memref<128x64xf32, #tpu.memory_space<vmem>>, vector<16xf32>,
        %mul3A_866 = arith.constant 8.000000e+00 : f32
        %mul3A_867 = vector.broadcast %mul3A_866 : f32 to vector<16xf32>
        %mul3A_868 = arith.mulf %get3A_865, %mul3A_867 : vector<16xf32>
        tpu.vector_store_idx %arg8[%select_n3A_30, %select_n3A_156, %add3A_862], %mul3A_868 : memref<8x8x132xf32, #tpu.memory_space<vmem>>[vector<16xi32>, vector<16xi32>, vector<16xi32>], vector<16xf32>,
        %get3A_869 = arith.index_cast %add3A_859 : i32 to index
        %get3A_870 = arith.constant 16 : index
        %get3A_871 = tpu.vector_load %arg6[%get3A_869, %get3A_870] {strides = array<i32>} : memref<128x64xf32, #tpu.memory_space<vmem>>, vector<16xf32>,
        %mul3A_872 = arith.constant 8.000000e+00 : f32
        %mul3A_873 = vector.broadcast %mul3A_872 : f32 to vector<16xf32>
        %mul3A_874 = arith.mulf %get3A_871, %mul3A_873 : vector<16xf32>
        tpu.vector_store_idx %arg8[%select_n3A_64, %select_n3A_181, %add3A_862], %mul3A_874 : memref<8x8x132xf32, #tpu.memory_space<vmem>>[vector<16xi32>, vector<16xi32>, vector<16xi32>], vector<16xf32>,
        %get3A_875 = arith.index_cast %add3A_859 : i32 to index
        %get3A_876 = arith.constant 32 : index
        %get3A_877 = tpu.vector_load %arg6[%get3A_875, %get3A_876] {strides = array<i32>} : memref<128x64xf32, #tpu.memory_space<vmem>>, vector<16xf32>,
        %mul3A_878 = arith.constant 8.000000e+00 : f32
        %mul3A_879 = vector.broadcast %mul3A_878 : f32 to vector<16xf32>
        %mul3A_880 = arith.mulf %get3A_877, %mul3A_879 : vector<16xf32>
        tpu.vector_store_idx %arg8[%select_n3A_98, %select_n3A_206, %add3A_862], %mul3A_880 : memref<8x8x132xf32, #tpu.memory_space<vmem>>[vector<16xi32>, vector<16xi32>, vector<16xi32>], vector<16xf32>,
        %get3A_881 = arith.index_cast %add3A_859 : i32 to index
        %get3A_882 = arith.constant 48 : index
        %get3A_883 = tpu.vector_load %arg6[%get3A_881, %get3A_882] {strides = array<i32>} : memref<128x64xf32, #tpu.memory_space<vmem>>, vector<16xf32>,
        %mul3A_884 = arith.constant 8.000000e+00 : f32
        %mul3A_885 = vector.broadcast %mul3A_884 : f32 to vector<16xf32>
        %mul3A_886 = arith.mulf %get3A_883, %mul3A_885 : vector<16xf32>
        tpu.vector_store_idx %arg8[%select_n3A_132, %select_n3A_231, %add3A_862], %mul3A_886 : memref<8x8x132xf32, #tpu.memory_space<vmem>>[vector<16xi32>, vector<16xi32>, vector<16xi32>], vector<16xf32>,
      }
      %scan3A_418 = arith.constant 32 : i32
      %mul3A_419 = arith.constant 8 : i32
      %mul3A_420 = arith.muli %select_n3A_279, %mul3A_419 : i32
      %add3A_421 = arith.constant 2 : i32
      %add3A_422 = arith.addi %mul3A_420, %add3A_421 : i32
      %dma_start3A_423 = arith.constant 0 : i32
      %dma_start3A_424 = arith.constant 0 : i32
      %dma_start3A_425 = arith.constant 0 : i32
      %dma_start3A_426 = tpu.memref_slice %arg8[%dma_start3A_423, %dma_start3A_424, %dma_start3A_425] : memref<8x8x132xf32, #tpu.memory_space<vmem>> -> memref<8x8x128xf32, #tpu.memory_space<vmem>>
      %dma_start3A_427 = arith.constant 0 : i32
      %dma_start3A_428 = arith.constant 0 : i32
      %dma_start3A_429 = arith.constant 0 : i32
      %dma_start3A_430 = tpu.memref_slice %arg4[%add3A_422, %dma_start3A_427, %select_n3A_295, %dma_start3A_428, %dma_start3A_429] : memref<200x8x8x8x128xf32, #tpu.memory_space<hbm>> -> memref<1x8x1x8x128xf32, #tpu.memory_space<hbm>>
      %dma_start3A_431 = tpu.memref_squeeze %dma_start3A_430 : memref<1x8x1x8x128xf32, #tpu.memory_space<hbm>> -> memref<8x8x128xf32, #tpu.memory_space<hbm>>
      %dma_start3A_432 = arith.constant 0 : i32
      %dma_start3A_433 = arith.constant 0 : i32
      %dma_start3A_434 = arith.constant 0 : i32
      %dma_start3A_435 = tpu.memref_slice %arg4[%add3A_422, %dma_start3A_432, %select_n3A_295, %dma_start3A_433, %dma_start3A_434] : memref<200x8x8x8x128xf32, #tpu.memory_space<hbm>> -> memref<1x8x1x8x128xf32, #tpu.memory_space<hbm>>
      %dma_start3A_436 = tpu.memref_squeeze %dma_start3A_435 : memref<1x8x1x8x128xf32, #tpu.memory_space<hbm>> -> memref<8x8x128xf32, #tpu.memory_space<hbm>>
      %dma_start3A_437 = arith.constant 0 : i32
      %dma_start3A_438 = arith.constant 0 : i32
      %dma_start3A_439 = arith.constant 0 : i32
      %dma_start3A_440 = tpu.memref_slice %arg8[%dma_start3A_437, %dma_start3A_438, %dma_start3A_439] : memref<8x8x132xf32, #tpu.memory_space<vmem>> -> memref<8x8x128xf32, #tpu.memory_space<vmem>>
      tpu.enqueue_dma source(%dma_start3A_440 : memref<8x8x128xf32, #tpu.memory_space<vmem>>) target(%dma_start3A_436 : memref<8x8x128xf32, #tpu.memory_space<hbm>>) target_semaphore(%arg12 : memref<!tpu.dma_semaphore, #tpu.memory_space<semaphore_mem>>)
      %dma_wait3A_441 = arith.constant 3 : i32
      %dma_wait3A_442 = arith.constant 0 : i32
      %dma_wait3A_443 = tpu.memref_slice %arg5[%dma_wait3A_441, %dma_wait3A_442] : memref<8x128xi32, #tpu.memory_space<vmem>> -> memref<1x128xi32, #tpu.memory_space<vmem>>
      %dma_wait3A_444 = tpu.memref_squeeze %dma_wait3A_443 : memref<1x128xi32, #tpu.memory_space<vmem>> -> memref<128xi32, #tpu.memory_space<vmem>>
      %dma_wait3A_445 = arith.constant 0 : i32
      %dma_wait3A_446 = arith.constant 0 : i32
      %dma_wait3A_447 = tpu.memref_slice %arg3[%dma_wait3A_445, %dma_wait3A_446] : memref<1000000x64xf32, #tpu.memory_space<hbm>> -> memref<1000000x64xf32, #tpu.memory_space<hbm>>
      tpu.wait_indirect_dma semaphore(%arg11 : memref<!tpu.dma_semaphore, #tpu.memory_space<semaphore_mem>>) src(%dma_wait3A_447 : memref<1000000x64xf32, #tpu.memory_space<hbm>>) dst(%arg7 : memref<128x64xf32, #tpu.memory_space<vmem>>)
      %dma_start3A_448 = arith.constant 4 : i32
      %dma_start3A_449 = arith.constant 0 : i32
      %dma_start3A_450 = tpu.memref_slice %arg5[%dma_start3A_448, %dma_start3A_449] : memref<8x128xi32, #tpu.memory_space<vmem>> -> memref<1x128xi32, #tpu.memory_space<vmem>>
      %dma_start3A_451 = tpu.memref_squeeze %dma_start3A_450 : memref<1x128xi32, #tpu.memory_space<vmem>> -> memref<128xi32, #tpu.memory_space<vmem>>
      %dma_start3A_452 = arith.constant 0 : i32
      %dma_start3A_453 = arith.constant 0 : i32
      %dma_start3A_454 = tpu.memref_slice %arg3[%dma_start3A_452, %dma_start3A_453] : memref<1000000x64xf32, #tpu.memory_space<hbm>> -> memref<1000000x64xf32, #tpu.memory_space<hbm>>
      tpu.enqueue_indirect_dma source(%dma_start3A_454 : memref<1000000x64xf32, #tpu.memory_space<hbm>>) target(%arg6 : memref<128x64xf32, #tpu.memory_space<vmem>>) offsets(%dma_start3A_451 : memref<128xi32, #tpu.memory_space<vmem>>) semaphore(%arg10 : memref<!tpu.dma_semaphore, #tpu.memory_space<semaphore_mem>>)
      %dma_wait3A_455 = arith.constant 0 : i32
      %dma_wait3A_456 = arith.constant 0 : i32
      %dma_wait3A_457 = arith.constant 0 : i32
      %dma_wait3A_458 = tpu.memref_slice %arg9[%dma_wait3A_455, %dma_wait3A_456, %dma_wait3A_457] : memref<8x8x132xf32, #tpu.memory_space<vmem>> -> memref<8x8x128xf32, #tpu.memory_space<vmem>>
      %dma_wait3A_459 = arith.constant 0 : i32
      %dma_wait3A_460 = arith.constant 0 : i32
      %dma_wait3A_461 = arith.constant 0 : i32
      %dma_wait3A_462 = tpu.memref_slice %arg4[%add3A_363, %dma_wait3A_459, %select_n3A_295, %dma_wait3A_460, %dma_wait3A_461] : memref<200x8x8x8x128xf32, #tpu.memory_space<hbm>> -> memref<1x8x1x8x128xf32, #tpu.memory_space<hbm>>
      %dma_wait3A_463 = tpu.memref_squeeze %dma_wait3A_462 : memref<1x8x1x8x128xf32, #tpu.memory_space<hbm>> -> memref<8x8x128xf32, #tpu.memory_space<hbm>>
      %dma_wait3A_464 = arith.constant 0 : i32
      %dma_wait3A_465 = arith.constant 0 : i32
      %dma_wait3A_466 = arith.constant 0 : i32
      %dma_wait3A_467 = tpu.memref_slice %arg4[%add3A_363, %dma_wait3A_464, %select_n3A_295, %dma_wait3A_465, %dma_wait3A_466] : memref<200x8x8x8x128xf32, #tpu.memory_space<hbm>> -> memref<1x8x1x8x128xf32, #tpu.memory_space<hbm>>
      %dma_wait3A_468 = tpu.memref_squeeze %dma_wait3A_467 : memref<1x8x1x8x128xf32, #tpu.memory_space<hbm>> -> memref<8x8x128xf32, #tpu.memory_space<hbm>>
      %dma_wait3A_469 = arith.constant 0 : i32
      %dma_wait3A_470 = arith.constant 0 : i32
      %dma_wait3A_471 = arith.constant 0 : i32
      %dma_wait3A_472 = tpu.memref_slice %arg9[%dma_wait3A_469, %dma_wait3A_470, %dma_wait3A_471] : memref<8x8x132xf32, #tpu.memory_space<vmem>> -> memref<8x8x128xf32, #tpu.memory_space<vmem>>
      tpu.wait_dma2 semaphore(%arg13 : memref<!tpu.dma_semaphore, #tpu.memory_space<semaphore_mem>>) src(%dma_wait3A_472 : memref<8x8x128xf32, #tpu.memory_space<vmem>>) dst(%dma_wait3A_468 : memref<8x8x128xf32, #tpu.memory_space<hbm>>)
      %scan3A_473 = arith.constant 0 : i32
      %scan3A_474 = arith.constant 32 : i32
      %scan3A_475 = arith.addi %scan3A_473, %scan3A_474 : i32
      %scan3A_476 = arith.constant 1 : i32
      scf.for %scan3A_765 = %scan3A_473 to %scan3A_475 step %scan3A_476  : i32 {
        %mul3A_766 = arith.constant 1 : i32
        %mul3A_767 = arith.muli %scan3A_765, %mul3A_766 : i32
        %add3A_768 = arith.constant 0 : i32
        %add3A_769 = arith.addi %add3A_768, %mul3A_767 : i32
        %mul3A_770 = arith.constant 4 : i32
        %mul3A_771 = arith.muli %add3A_769, %mul3A_770 : i32
        %broadcast_in_dim3A = vector.broadcast %mul3A_771 : i32 to vector<16xi32>
        %add3A_772 = arith.constant 0 : i32
        %add3A_773 = arith.addi %mul3A_771, %add3A_772 : i32
        %add3A_774 = arith.constant 0 : i32
        %add3A_775 = vector.broadcast %add3A_774 : i32 to vector<16xi32>
        %add3A_776 = arith.addi %broadcast_in_dim3A, %add3A_775 : vector<16xi32>
        %get3A = arith.index_cast %add3A_773 : i32 to index
        %get3A_777 = arith.constant 0 : index
        %get3A_778 = tpu.vector_load %arg7[%get3A, %get3A_777] {strides = array<i32>} : memref<128x64xf32, #tpu.memory_space<vmem>>, vector<16xf32>,
        %mul3A_779 = arith.constant 8.000000e+00 : f32
        %mul3A_780 = vector.broadcast %mul3A_779 : f32 to vector<16xf32>
        %mul3A_781 = arith.mulf %get3A_778, %mul3A_780 : vector<16xf32>
        tpu.vector_store_idx %arg9[%select_n3A_30, %select_n3A_156, %add3A_776], %mul3A_781 : memref<8x8x132xf32, #tpu.memory_space<vmem>>[vector<16xi32>, vector<16xi32>, vector<16xi32>], vector<16xf32>,
        %get3A_782 = arith.index_cast %add3A_773 : i32 to index
        %get3A_783 = arith.constant 16 : index
        %get3A_784 = tpu.vector_load %arg7[%get3A_782, %get3A_783] {strides = array<i32>} : memref<128x64xf32, #tpu.memory_space<vmem>>, vector<16xf32>,
        %mul3A_785 = arith.constant 8.000000e+00 : f32
        %mul3A_786 = vector.broadcast %mul3A_785 : f32 to vector<16xf32>
        %mul3A_787 = arith.mulf %get3A_784, %mul3A_786 : vector<16xf32>
        tpu.vector_store_idx %arg9[%select_n3A_64, %select_n3A_181, %add3A_776], %mul3A_787 : memref<8x8x132xf32, #tpu.memory_space<vmem>>[vector<16xi32>, vector<16xi32>, vector<16xi32>], vector<16xf32>,
        %get3A_788 = arith.index_cast %add3A_773 : i32 to index
        %get3A_789 = arith.constant 32 : index
        %get3A_790 = tpu.vector_load %arg7[%get3A_788, %get3A_789] {strides = array<i32>} : memref<128x64xf32, #tpu.memory_space<vmem>>, vector<16xf32>,
        %mul3A_791 = arith.constant 8.000000e+00 : f32
        %mul3A_792 = vector.broadcast %mul3A_791 : f32 to vector<16xf32>
        %mul3A_793 = arith.mulf %get3A_790, %mul3A_792 : vector<16xf32>
        tpu.vector_store_idx %arg9[%select_n3A_98, %select_n3A_206, %add3A_776], %mul3A_793 : memref<8x8x132xf32, #tpu.memory_space<vmem>>[vector<16xi32>, vector<16xi32>, vector<16xi32>], vector<16xf32>,
        %get3A_794 = arith.index_cast %add3A_773 : i32 to index
        %get3A_795 = arith.constant 48 : index
        %get3A_796 = tpu.vector_load %arg7[%get3A_794, %get3A_795] {strides = array<i32>} : memref<128x64xf32, #tpu.memory_space<vmem>>, vector<16xf32>,
        %mul3A_797 = arith.constant 8.000000e+00 : f32
        %mul3A_798 = vector.broadcast %mul3A_797 : f32 to vector<16xf32>
        %mul3A_799 = arith.mulf %get3A_796, %mul3A_798 : vector<16xf32>
        tpu.vector_store_idx %arg9[%select_n3A_132, %select_n3A_231, %add3A_776], %mul3A_799 : memref<8x8x132xf32, #tpu.memory_space<vmem>>[vector<16xi32>, vector<16xi32>, vector<16xi32>], vector<16xf32>,
        %add3A_800 = arith.constant 1 : i32
        %add3A_801 = arith.addi %mul3A_771, %add3A_800 : i32
        %add3A_802 = arith.constant 1 : i32
        %add3A_803 = vector.broadcast %add3A_802 : i32 to vector<16xi32>
        %add3A_804 = arith.addi %broadcast_in_dim3A, %add3A_803 : vector<16xi32>
        %get3A_805 = arith.index_cast %add3A_801 : i32 to index
        %get3A_806 = arith.constant 0 : index
        %get3A_807 = tpu.vector_load %arg7[%get3A_805, %get3A_806] {strides = array<i32>} : memref<128x64xf32, #tpu.memory_space<vmem>>, vector<16xf32>,
        %mul3A_808 = arith.constant 8.000000e+00 : f32
        %mul3A_809 = vector.broadcast %mul3A_808 : f32 to vector<16xf32>
        %mul3A_810 = arith.mulf %get3A_807, %mul3A_809 : vector<16xf32>
        tpu.vector_store_idx %arg9[%select_n3A_30, %select_n3A_156, %add3A_804], %mul3A_810 : memref<8x8x132xf32, #tpu.memory_space<vmem>>[vector<16xi32>, vector<16xi32>, vector<16xi32>], vector<16xf32>,
        %get3A_811 = arith.index_cast %add3A_801 : i32 to index
        %get3A_812 = arith.constant 16 : index
        %get3A_813 = tpu.vector_load %arg7[%get3A_811, %get3A_812] {strides = array<i32>} : memref<128x64xf32, #tpu.memory_space<vmem>>, vector<16xf32>,
        %mul3A_814 = arith.constant 8.000000e+00 : f32
        %mul3A_815 = vector.broadcast %mul3A_814 : f32 to vector<16xf32>
        %mul3A_816 = arith.mulf %get3A_813, %mul3A_815 : vector<16xf32>
        tpu.vector_store_idx %arg9[%select_n3A_64, %select_n3A_181, %add3A_804], %mul3A_816 : memref<8x8x132xf32, #tpu.memory_space<vmem>>[vector<16xi32>, vector<16xi32>, vector<16xi32>], vector<16xf32>,
        %get3A_817 = arith.index_cast %add3A_801 : i32 to index
        %get3A_818 = arith.constant 32 : index
        %get3A_819 = tpu.vector_load %arg7[%get3A_817, %get3A_818] {strides = array<i32>} : memref<128x64xf32, #tpu.memory_space<vmem>>, vector<16xf32>,
        %mul3A_820 = arith.constant 8.000000e+00 : f32
        %mul3A_821 = vector.broadcast %mul3A_820 : f32 to vector<16xf32>
        %mul3A_822 = arith.mulf %get3A_819, %mul3A_821 : vector<16xf32>
        tpu.vector_store_idx %arg9[%select_n3A_98, %select_n3A_206, %add3A_804], %mul3A_822 : memref<8x8x132xf32, #tpu.memory_space<vmem>>[vector<16xi32>, vector<16xi32>, vector<16xi32>], vector<16xf32>,
        %get3A_823 = arith.index_cast %add3A_801 : i32 to index
        %get3A_824 = arith.constant 48 : index
        %get3A_825 = tpu.vector_load %arg7[%get3A_823, %get3A_824] {strides = array<i32>} : memref<128x64xf32, #tpu.memory_space<vmem>>, vector<16xf32>,
        %mul3A_826 = arith.constant 8.000000e+00 : f32
        %mul3A_827 = vector.broadcast %mul3A_826 : f32 to vector<16xf32>
        %mul3A_828 = arith.mulf %get3A_825, %mul3A_827 : vector<16xf32>
        tpu.vector_store_idx %arg9[%select_n3A_132, %select_n3A_231, %add3A_804], %mul3A_828 : memref<8x8x132xf32, #tpu.memory_space<vmem>>[vector<16xi32>, vector<16xi32>, vector<16xi32>], vector<16xf32>,
        %add3A_829 = arith.constant 2 : i32
        %add3A_830 = arith.addi %mul3A_771, %add3A_829 : i32
        %add3A_831 = arith.constant 2 : i32
        %add3A_832 = vector.broadcast %add3A_831 : i32 to vector<16xi32>
        %add3A_833 = arith.addi %broadcast_in_dim3A, %add3A_832 : vector<16xi32>
        %get3A_834 = arith.index_cast %add3A_830 : i32 to index
        %get3A_835 = arith.constant 0 : index
        %get3A_836 = tpu.vector_load %arg7[%get3A_834, %get3A_835] {strides = array<i32>} : memref<128x64xf32, #tpu.memory_space<vmem>>, vector<16xf32>,
        %mul3A_837 = arith.constant 8.000000e+00 : f32
        %mul3A_838 = vector.broadcast %mul3A_837 : f32 to vector<16xf32>
        %mul3A_839 = arith.mulf %get3A_836, %mul3A_838 : vector<16xf32>
        tpu.vector_store_idx %arg9[%select_n3A_30, %select_n3A_156, %add3A_833], %mul3A_839 : memref<8x8x132xf32, #tpu.memory_space<vmem>>[vector<16xi32>, vector<16xi32>, vector<16xi32>], vector<16xf32>,
        %get3A_840 = arith.index_cast %add3A_830 : i32 to index
        %get3A_841 = arith.constant 16 : index
        %get3A_842 = tpu.vector_load %arg7[%get3A_840, %get3A_841] {strides = array<i32>} : memref<128x64xf32, #tpu.memory_space<vmem>>, vector<16xf32>,
        %mul3A_843 = arith.constant 8.000000e+00 : f32
        %mul3A_844 = vector.broadcast %mul3A_843 : f32 to vector<16xf32>
        %mul3A_845 = arith.mulf %get3A_842, %mul3A_844 : vector<16xf32>
        tpu.vector_store_idx %arg9[%select_n3A_64, %select_n3A_181, %add3A_833], %mul3A_845 : memref<8x8x132xf32, #tpu.memory_space<vmem>>[vector<16xi32>, vector<16xi32>, vector<16xi32>], vector<16xf32>,
        %get3A_846 = arith.index_cast %add3A_830 : i32 to index
        %get3A_847 = arith.constant 32 : index
        %get3A_848 = tpu.vector_load %arg7[%get3A_846, %get3A_847] {strides = array<i32>} : memref<128x64xf32, #tpu.memory_space<vmem>>, vector<16xf32>,
        %mul3A_849 = arith.constant 8.000000e+00 : f32
        %mul3A_850 = vector.broadcast %mul3A_849 : f32 to vector<16xf32>
        %mul3A_851 = arith.mulf %get3A_848, %mul3A_850 : vector<16xf32>
        tpu.vector_store_idx %arg9[%select_n3A_98, %select_n3A_206, %add3A_833], %mul3A_851 : memref<8x8x132xf32, #tpu.memory_space<vmem>>[vector<16xi32>, vector<16xi32>, vector<16xi32>], vector<16xf32>,
        %get3A_852 = arith.index_cast %add3A_830 : i32 to index
        %get3A_853 = arith.constant 48 : index
        %get3A_854 = tpu.vector_load %arg7[%get3A_852, %get3A_853] {strides = array<i32>} : memref<128x64xf32, #tpu.memory_space<vmem>>, vector<16xf32>,
        %mul3A_855 = arith.constant 8.000000e+00 : f32
        %mul3A_856 = vector.broadcast %mul3A_855 : f32 to vector<16xf32>
        %mul3A_857 = arith.mulf %get3A_854, %mul3A_856 : vector<16xf32>
        tpu.vector_store_idx %arg9[%select_n3A_132, %select_n3A_231, %add3A_833], %mul3A_857 : memref<8x8x132xf32, #tpu.memory_space<vmem>>[vector<16xi32>, vector<16xi32>, vector<16xi32>], vector<16xf32>,
        %add3A_858 = arith.constant 3 : i32
        %add3A_859 = arith.addi %mul3A_771, %add3A_858 : i32
        %add3A_860 = arith.constant 3 : i32
        %add3A_861 = vector.broadcast %add3A_860 : i32 to vector<16xi32>
        %add3A_862 = arith.addi %broadcast_in_dim3A, %add3A_861 : vector<16xi32>
        %get3A_863 = arith.index_cast %add3A_859 : i32 to index
        %get3A_864 = arith.constant 0 : index
        %get3A_865 = tpu.vector_load %arg7[%get3A_863, %get3A_864] {strides = array<i32>} : memref<128x64xf32, #tpu.memory_space<vmem>>, vector<16xf32>,
        %mul3A_866 = arith.constant 8.000000e+00 : f32
        %mul3A_867 = vector.broadcast %mul3A_866 : f32 to vector<16xf32>
        %mul3A_868 = arith.mulf %get3A_865, %mul3A_867 : vector<16xf32>
        tpu.vector_store_idx %arg9[%select_n3A_30, %select_n3A_156, %add3A_862], %mul3A_868 : memref<8x8x132xf32, #tpu.memory_space<vmem>>[vector<16xi32>, vector<16xi32>, vector<16xi32>], vector<16xf32>,
        %get3A_869 = arith.index_cast %add3A_859 : i32 to index
        %get3A_870 = arith.constant 16 : index
        %get3A_871 = tpu.vector_load %arg7[%get3A_869, %get3A_870] {strides = array<i32>} : memref<128x64xf32, #tpu.memory_space<vmem>>, vector<16xf32>,
        %mul3A_872 = arith.constant 8.000000e+00 : f32
        %mul3A_873 = vector.broadcast %mul3A_872 : f32 to vector<16xf32>
        %mul3A_874 = arith.mulf %get3A_871, %mul3A_873 : vector<16xf32>
        tpu.vector_store_idx %arg9[%select_n3A_64, %select_n3A_181, %add3A_862], %mul3A_874 : memref<8x8x132xf32, #tpu.memory_space<vmem>>[vector<16xi32>, vector<16xi32>, vector<16xi32>], vector<16xf32>,
        %get3A_875 = arith.index_cast %add3A_859 : i32 to index
        %get3A_876 = arith.constant 32 : index
        %get3A_877 = tpu.vector_load %arg7[%get3A_875, %get3A_876] {strides = array<i32>} : memref<128x64xf32, #tpu.memory_space<vmem>>, vector<16xf32>,
        %mul3A_878 = arith.constant 8.000000e+00 : f32
        %mul3A_879 = vector.broadcast %mul3A_878 : f32 to vector<16xf32>
        %mul3A_880 = arith.mulf %get3A_877, %mul3A_879 : vector<16xf32>
        tpu.vector_store_idx %arg9[%select_n3A_98, %select_n3A_206, %add3A_862], %mul3A_880 : memref<8x8x132xf32, #tpu.memory_space<vmem>>[vector<16xi32>, vector<16xi32>, vector<16xi32>], vector<16xf32>,
        %get3A_881 = arith.index_cast %add3A_859 : i32 to index
        %get3A_882 = arith.constant 48 : index
        %get3A_883 = tpu.vector_load %arg7[%get3A_881, %get3A_882] {strides = array<i32>} : memref<128x64xf32, #tpu.memory_space<vmem>>, vector<16xf32>,
        %mul3A_884 = arith.constant 8.000000e+00 : f32
        %mul3A_885 = vector.broadcast %mul3A_884 : f32 to vector<16xf32>
        %mul3A_886 = arith.mulf %get3A_883, %mul3A_885 : vector<16xf32>
        tpu.vector_store_idx %arg9[%select_n3A_132, %select_n3A_231, %add3A_862], %mul3A_886 : memref<8x8x132xf32, #tpu.memory_space<vmem>>[vector<16xi32>, vector<16xi32>, vector<16xi32>], vector<16xf32>,
      }
      %scan3A_477 = arith.constant 32 : i32
      %mul3A_478 = arith.constant 8 : i32
      %mul3A_479 = arith.muli %select_n3A_279, %mul3A_478 : i32
      %add3A_480 = arith.constant 3 : i32
      %add3A_481 = arith.addi %mul3A_479, %add3A_480 : i32
      %dma_start3A_482 = arith.constant 0 : i32
      %dma_start3A_483 = arith.constant 0 : i32
      %dma_start3A_484 = arith.constant 0 : i32
      %dma_start3A_485 = tpu.memref_slice %arg9[%dma_start3A_482, %dma_start3A_483, %dma_start3A_484] : memref<8x8x132xf32, #tpu.memory_space<vmem>> -> memref<8x8x128xf32, #tpu.memory_space<vmem>>
      %dma_start3A_486 = arith.constant 0 : i32
      %dma_start3A_487 = arith.constant 0 : i32
      %dma_start3A_488 = arith.constant 0 : i32
      %dma_start3A_489 = tpu.memref_slice %arg4[%add3A_481, %dma_start3A_486, %select_n3A_295, %dma_start3A_487, %dma_start3A_488] : memref<200x8x8x8x128xf32, #tpu.memory_space<hbm>> -> memref<1x8x1x8x128xf32, #tpu.memory_space<hbm>>
      %dma_start3A_490 = tpu.memref_squeeze %dma_start3A_489 : memref<1x8x1x8x128xf32, #tpu.memory_space<hbm>> -> memref<8x8x128xf32, #tpu.memory_space<hbm>>
      %dma_start3A_491 = arith.constant 0 : i32
      %dma_start3A_492 = arith.constant 0 : i32
      %dma_start3A_493 = arith.constant 0 : i32
      %dma_start3A_494 = tpu.memref_slice %arg4[%add3A_481, %dma_start3A_491, %select_n3A_295, %dma_start3A_492, %dma_start3A_493] : memref<200x8x8x8x128xf32, #tpu.memory_space<hbm>> -> memref<1x8x1x8x128xf32, #tpu.memory_space<hbm>>
      %dma_start3A_495 = tpu.memref_squeeze %dma_start3A_494 : memref<1x8x1x8x128xf32, #tpu.memory_space<hbm>> -> memref<8x8x128xf32, #tpu.memory_space<hbm>>
      %dma_start3A_496 = arith.constant 0 : i32
      %dma_start3A_497 = arith.constant 0 : i32
      %dma_start3A_498 = arith.constant 0 : i32
      %dma_start3A_499 = tpu.memref_slice %arg9[%dma_start3A_496, %dma_start3A_497, %dma_start3A_498] : memref<8x8x132xf32, #tpu.memory_space<vmem>> -> memref<8x8x128xf32, #tpu.memory_space<vmem>>
      tpu.enqueue_dma source(%dma_start3A_499 : memref<8x8x128xf32, #tpu.memory_space<vmem>>) target(%dma_start3A_495 : memref<8x8x128xf32, #tpu.memory_space<hbm>>) target_semaphore(%arg13 : memref<!tpu.dma_semaphore, #tpu.memory_space<semaphore_mem>>)
      %dma_wait3A_500 = arith.constant 4 : i32
      %dma_wait3A_501 = arith.constant 0 : i32
      %dma_wait3A_502 = tpu.memref_slice %arg5[%dma_wait3A_500, %dma_wait3A_501] : memref<8x128xi32, #tpu.memory_space<vmem>> -> memref<1x128xi32, #tpu.memory_space<vmem>>
      %dma_wait3A_503 = tpu.memref_squeeze %dma_wait3A_502 : memref<1x128xi32, #tpu.memory_space<vmem>> -> memref<128xi32, #tpu.memory_space<vmem>>
      %dma_wait3A_504 = arith.constant 0 : i32
      %dma_wait3A_505 = arith.constant 0 : i32
      %dma_wait3A_506 = tpu.memref_slice %arg3[%dma_wait3A_504, %dma_wait3A_505] : memref<1000000x64xf32, #tpu.memory_space<hbm>> -> memref<1000000x64xf32, #tpu.memory_space<hbm>>
      tpu.wait_indirect_dma semaphore(%arg10 : memref<!tpu.dma_semaphore, #tpu.memory_space<semaphore_mem>>) src(%dma_wait3A_506 : memref<1000000x64xf32, #tpu.memory_space<hbm>>) dst(%arg6 : memref<128x64xf32, #tpu.memory_space<vmem>>)
      %dma_start3A_507 = arith.constant 5 : i32
      %dma_start3A_508 = arith.constant 0 : i32
      %dma_start3A_509 = tpu.memref_slice %arg5[%dma_start3A_507, %dma_start3A_508] : memref<8x128xi32, #tpu.memory_space<vmem>> -> memref<1x128xi32, #tpu.memory_space<vmem>>
      %dma_start3A_510 = tpu.memref_squeeze %dma_start3A_509 : memref<1x128xi32, #tpu.memory_space<vmem>> -> memref<128xi32, #tpu.memory_space<vmem>>
      %dma_start3A_511 = arith.constant 0 : i32
      %dma_start3A_512 = arith.constant 0 : i32
      %dma_start3A_513 = tpu.memref_slice %arg3[%dma_start3A_511, %dma_start3A_512] : memref<1000000x64xf32, #tpu.memory_space<hbm>> -> memref<1000000x64xf32, #tpu.memory_space<hbm>>
      tpu.enqueue_indirect_dma source(%dma_start3A_513 : memref<1000000x64xf32, #tpu.memory_space<hbm>>) target(%arg7 : memref<128x64xf32, #tpu.memory_space<vmem>>) offsets(%dma_start3A_510 : memref<128xi32, #tpu.memory_space<vmem>>) semaphore(%arg11 : memref<!tpu.dma_semaphore, #tpu.memory_space<semaphore_mem>>)
      %dma_wait3A_514 = arith.constant 0 : i32
      %dma_wait3A_515 = arith.constant 0 : i32
      %dma_wait3A_516 = arith.constant 0 : i32
      %dma_wait3A_517 = tpu.memref_slice %arg8[%dma_wait3A_514, %dma_wait3A_515, %dma_wait3A_516] : memref<8x8x132xf32, #tpu.memory_space<vmem>> -> memref<8x8x128xf32, #tpu.memory_space<vmem>>
      %dma_wait3A_518 = arith.constant 0 : i32
      %dma_wait3A_519 = arith.constant 0 : i32
      %dma_wait3A_520 = arith.constant 0 : i32
      %dma_wait3A_521 = tpu.memref_slice %arg4[%add3A_422, %dma_wait3A_518, %select_n3A_295, %dma_wait3A_519, %dma_wait3A_520] : memref<200x8x8x8x128xf32, #tpu.memory_space<hbm>> -> memref<1x8x1x8x128xf32, #tpu.memory_space<hbm>>
      %dma_wait3A_522 = tpu.memref_squeeze %dma_wait3A_521 : memref<1x8x1x8x128xf32, #tpu.memory_space<hbm>> -> memref<8x8x128xf32, #tpu.memory_space<hbm>>
      %dma_wait3A_523 = arith.constant 0 : i32
      %dma_wait3A_524 = arith.constant 0 : i32
      %dma_wait3A_525 = arith.constant 0 : i32
      %dma_wait3A_526 = tpu.memref_slice %arg4[%add3A_422, %dma_wait3A_523, %select_n3A_295, %dma_wait3A_524, %dma_wait3A_525] : memref<200x8x8x8x128xf32, #tpu.memory_space<hbm>> -> memref<1x8x1x8x128xf32, #tpu.memory_space<hbm>>
      %dma_wait3A_527 = tpu.memref_squeeze %dma_wait3A_526 : memref<1x8x1x8x128xf32, #tpu.memory_space<hbm>> -> memref<8x8x128xf32, #tpu.memory_space<hbm>>
      %dma_wait3A_528 = arith.constant 0 : i32
      %dma_wait3A_529 = arith.constant 0 : i32
      %dma_wait3A_530 = arith.constant 0 : i32
      %dma_wait3A_531 = tpu.memref_slice %arg8[%dma_wait3A_528, %dma_wait3A_529, %dma_wait3A_530] : memref<8x8x132xf32, #tpu.memory_space<vmem>> -> memref<8x8x128xf32, #tpu.memory_space<vmem>>
      tpu.wait_dma2 semaphore(%arg12 : memref<!tpu.dma_semaphore, #tpu.memory_space<semaphore_mem>>) src(%dma_wait3A_531 : memref<8x8x128xf32, #tpu.memory_space<vmem>>) dst(%dma_wait3A_527 : memref<8x8x128xf32, #tpu.memory_space<hbm>>)
      %scan3A_532 = arith.constant 0 : i32
      %scan3A_533 = arith.constant 32 : i32
      %scan3A_534 = arith.addi %scan3A_532, %scan3A_533 : i32
      %scan3A_535 = arith.constant 1 : i32
      scf.for %scan3A_765 = %scan3A_532 to %scan3A_534 step %scan3A_535  : i32 {
        %mul3A_766 = arith.constant 1 : i32
        %mul3A_767 = arith.muli %scan3A_765, %mul3A_766 : i32
        %add3A_768 = arith.constant 0 : i32
        %add3A_769 = arith.addi %add3A_768, %mul3A_767 : i32
        %mul3A_770 = arith.constant 4 : i32
        %mul3A_771 = arith.muli %add3A_769, %mul3A_770 : i32
        %broadcast_in_dim3A = vector.broadcast %mul3A_771 : i32 to vector<16xi32>
        %add3A_772 = arith.constant 0 : i32
        %add3A_773 = arith.addi %mul3A_771, %add3A_772 : i32
        %add3A_774 = arith.constant 0 : i32
        %add3A_775 = vector.broadcast %add3A_774 : i32 to vector<16xi32>
        %add3A_776 = arith.addi %broadcast_in_dim3A, %add3A_775 : vector<16xi32>
        %get3A = arith.index_cast %add3A_773 : i32 to index
        %get3A_777 = arith.constant 0 : index
        %get3A_778 = tpu.vector_load %arg6[%get3A, %get3A_777] {strides = array<i32>} : memref<128x64xf32, #tpu.memory_space<vmem>>, vector<16xf32>,
        %mul3A_779 = arith.constant 8.000000e+00 : f32
        %mul3A_780 = vector.broadcast %mul3A_779 : f32 to vector<16xf32>
        %mul3A_781 = arith.mulf %get3A_778, %mul3A_780 : vector<16xf32>
        tpu.vector_store_idx %arg8[%select_n3A_30, %select_n3A_156, %add3A_776], %mul3A_781 : memref<8x8x132xf32, #tpu.memory_space<vmem>>[vector<16xi32>, vector<16xi32>, vector<16xi32>], vector<16xf32>,
        %get3A_782 = arith.index_cast %add3A_773 : i32 to index
        %get3A_783 = arith.constant 16 : index
        %get3A_784 = tpu.vector_load %arg6[%get3A_782, %get3A_783] {strides = array<i32>} : memref<128x64xf32, #tpu.memory_space<vmem>>, vector<16xf32>,
        %mul3A_785 = arith.constant 8.000000e+00 : f32
        %mul3A_786 = vector.broadcast %mul3A_785 : f32 to vector<16xf32>
        %mul3A_787 = arith.mulf %get3A_784, %mul3A_786 : vector<16xf32>
        tpu.vector_store_idx %arg8[%select_n3A_64, %select_n3A_181, %add3A_776], %mul3A_787 : memref<8x8x132xf32, #tpu.memory_space<vmem>>[vector<16xi32>, vector<16xi32>, vector<16xi32>], vector<16xf32>,
        %get3A_788 = arith.index_cast %add3A_773 : i32 to index
        %get3A_789 = arith.constant 32 : index
        %get3A_790 = tpu.vector_load %arg6[%get3A_788, %get3A_789] {strides = array<i32>} : memref<128x64xf32, #tpu.memory_space<vmem>>, vector<16xf32>,
        %mul3A_791 = arith.constant 8.000000e+00 : f32
        %mul3A_792 = vector.broadcast %mul3A_791 : f32 to vector<16xf32>
        %mul3A_793 = arith.mulf %get3A_790, %mul3A_792 : vector<16xf32>
        tpu.vector_store_idx %arg8[%select_n3A_98, %select_n3A_206, %add3A_776], %mul3A_793 : memref<8x8x132xf32, #tpu.memory_space<vmem>>[vector<16xi32>, vector<16xi32>, vector<16xi32>], vector<16xf32>,
        %get3A_794 = arith.index_cast %add3A_773 : i32 to index
        %get3A_795 = arith.constant 48 : index
        %get3A_796 = tpu.vector_load %arg6[%get3A_794, %get3A_795] {strides = array<i32>} : memref<128x64xf32, #tpu.memory_space<vmem>>, vector<16xf32>,
        %mul3A_797 = arith.constant 8.000000e+00 : f32
        %mul3A_798 = vector.broadcast %mul3A_797 : f32 to vector<16xf32>
        %mul3A_799 = arith.mulf %get3A_796, %mul3A_798 : vector<16xf32>
        tpu.vector_store_idx %arg8[%select_n3A_132, %select_n3A_231, %add3A_776], %mul3A_799 : memref<8x8x132xf32, #tpu.memory_space<vmem>>[vector<16xi32>, vector<16xi32>, vector<16xi32>], vector<16xf32>,
        %add3A_800 = arith.constant 1 : i32
        %add3A_801 = arith.addi %mul3A_771, %add3A_800 : i32
        %add3A_802 = arith.constant 1 : i32
        %add3A_803 = vector.broadcast %add3A_802 : i32 to vector<16xi32>
        %add3A_804 = arith.addi %broadcast_in_dim3A, %add3A_803 : vector<16xi32>
        %get3A_805 = arith.index_cast %add3A_801 : i32 to index
        %get3A_806 = arith.constant 0 : index
        %get3A_807 = tpu.vector_load %arg6[%get3A_805, %get3A_806] {strides = array<i32>} : memref<128x64xf32, #tpu.memory_space<vmem>>, vector<16xf32>,
        %mul3A_808 = arith.constant 8.000000e+00 : f32
        %mul3A_809 = vector.broadcast %mul3A_808 : f32 to vector<16xf32>
        %mul3A_810 = arith.mulf %get3A_807, %mul3A_809 : vector<16xf32>
        tpu.vector_store_idx %arg8[%select_n3A_30, %select_n3A_156, %add3A_804], %mul3A_810 : memref<8x8x132xf32, #tpu.memory_space<vmem>>[vector<16xi32>, vector<16xi32>, vector<16xi32>], vector<16xf32>,
        %get3A_811 = arith.index_cast %add3A_801 : i32 to index
        %get3A_812 = arith.constant 16 : index
        %get3A_813 = tpu.vector_load %arg6[%get3A_811, %get3A_812] {strides = array<i32>} : memref<128x64xf32, #tpu.memory_space<vmem>>, vector<16xf32>,
        %mul3A_814 = arith.constant 8.000000e+00 : f32
        %mul3A_815 = vector.broadcast %mul3A_814 : f32 to vector<16xf32>
        %mul3A_816 = arith.mulf %get3A_813, %mul3A_815 : vector<16xf32>
        tpu.vector_store_idx %arg8[%select_n3A_64, %select_n3A_181, %add3A_804], %mul3A_816 : memref<8x8x132xf32, #tpu.memory_space<vmem>>[vector<16xi32>, vector<16xi32>, vector<16xi32>], vector<16xf32>,
        %get3A_817 = arith.index_cast %add3A_801 : i32 to index
        %get3A_818 = arith.constant 32 : index
        %get3A_819 = tpu.vector_load %arg6[%get3A_817, %get3A_818] {strides = array<i32>} : memref<128x64xf32, #tpu.memory_space<vmem>>, vector<16xf32>,
        %mul3A_820 = arith.constant 8.000000e+00 : f32
        %mul3A_821 = vector.broadcast %mul3A_820 : f32 to vector<16xf32>
        %mul3A_822 = arith.mulf %get3A_819, %mul3A_821 : vector<16xf32>
        tpu.vector_store_idx %arg8[%select_n3A_98, %select_n3A_206, %add3A_804], %mul3A_822 : memref<8x8x132xf32, #tpu.memory_space<vmem>>[vector<16xi32>, vector<16xi32>, vector<16xi32>], vector<16xf32>,
        %get3A_823 = arith.index_cast %add3A_801 : i32 to index
        %get3A_824 = arith.constant 48 : index
        %get3A_825 = tpu.vector_load %arg6[%get3A_823, %get3A_824] {strides = array<i32>} : memref<128x64xf32, #tpu.memory_space<vmem>>, vector<16xf32>,
        %mul3A_826 = arith.constant 8.000000e+00 : f32
        %mul3A_827 = vector.broadcast %mul3A_826 : f32 to vector<16xf32>
        %mul3A_828 = arith.mulf %get3A_825, %mul3A_827 : vector<16xf32>
        tpu.vector_store_idx %arg8[%select_n3A_132, %select_n3A_231, %add3A_804], %mul3A_828 : memref<8x8x132xf32, #tpu.memory_space<vmem>>[vector<16xi32>, vector<16xi32>, vector<16xi32>], vector<16xf32>,
        %add3A_829 = arith.constant 2 : i32
        %add3A_830 = arith.addi %mul3A_771, %add3A_829 : i32
        %add3A_831 = arith.constant 2 : i32
        %add3A_832 = vector.broadcast %add3A_831 : i32 to vector<16xi32>
        %add3A_833 = arith.addi %broadcast_in_dim3A, %add3A_832 : vector<16xi32>
        %get3A_834 = arith.index_cast %add3A_830 : i32 to index
        %get3A_835 = arith.constant 0 : index
        %get3A_836 = tpu.vector_load %arg6[%get3A_834, %get3A_835] {strides = array<i32>} : memref<128x64xf32, #tpu.memory_space<vmem>>, vector<16xf32>,
        %mul3A_837 = arith.constant 8.000000e+00 : f32
        %mul3A_838 = vector.broadcast %mul3A_837 : f32 to vector<16xf32>
        %mul3A_839 = arith.mulf %get3A_836, %mul3A_838 : vector<16xf32>
        tpu.vector_store_idx %arg8[%select_n3A_30, %select_n3A_156, %add3A_833], %mul3A_839 : memref<8x8x132xf32, #tpu.memory_space<vmem>>[vector<16xi32>, vector<16xi32>, vector<16xi32>], vector<16xf32>,
        %get3A_840 = arith.index_cast %add3A_830 : i32 to index
        %get3A_841 = arith.constant 16 : index
        %get3A_842 = tpu.vector_load %arg6[%get3A_840, %get3A_841] {strides = array<i32>} : memref<128x64xf32, #tpu.memory_space<vmem>>, vector<16xf32>,
        %mul3A_843 = arith.constant 8.000000e+00 : f32
        %mul3A_844 = vector.broadcast %mul3A_843 : f32 to vector<16xf32>
        %mul3A_845 = arith.mulf %get3A_842, %mul3A_844 : vector<16xf32>
        tpu.vector_store_idx %arg8[%select_n3A_64, %select_n3A_181, %add3A_833], %mul3A_845 : memref<8x8x132xf32, #tpu.memory_space<vmem>>[vector<16xi32>, vector<16xi32>, vector<16xi32>], vector<16xf32>,
        %get3A_846 = arith.index_cast %add3A_830 : i32 to index
        %get3A_847 = arith.constant 32 : index
        %get3A_848 = tpu.vector_load %arg6[%get3A_846, %get3A_847] {strides = array<i32>} : memref<128x64xf32, #tpu.memory_space<vmem>>, vector<16xf32>,
        %mul3A_849 = arith.constant 8.000000e+00 : f32
        %mul3A_850 = vector.broadcast %mul3A_849 : f32 to vector<16xf32>
        %mul3A_851 = arith.mulf %get3A_848, %mul3A_850 : vector<16xf32>
        tpu.vector_store_idx %arg8[%select_n3A_98, %select_n3A_206, %add3A_833], %mul3A_851 : memref<8x8x132xf32, #tpu.memory_space<vmem>>[vector<16xi32>, vector<16xi32>, vector<16xi32>], vector<16xf32>,
        %get3A_852 = arith.index_cast %add3A_830 : i32 to index
        %get3A_853 = arith.constant 48 : index
        %get3A_854 = tpu.vector_load %arg6[%get3A_852, %get3A_853] {strides = array<i32>} : memref<128x64xf32, #tpu.memory_space<vmem>>, vector<16xf32>,
        %mul3A_855 = arith.constant 8.000000e+00 : f32
        %mul3A_856 = vector.broadcast %mul3A_855 : f32 to vector<16xf32>
        %mul3A_857 = arith.mulf %get3A_854, %mul3A_856 : vector<16xf32>
        tpu.vector_store_idx %arg8[%select_n3A_132, %select_n3A_231, %add3A_833], %mul3A_857 : memref<8x8x132xf32, #tpu.memory_space<vmem>>[vector<16xi32>, vector<16xi32>, vector<16xi32>], vector<16xf32>,
        %add3A_858 = arith.constant 3 : i32
        %add3A_859 = arith.addi %mul3A_771, %add3A_858 : i32
        %add3A_860 = arith.constant 3 : i32
        %add3A_861 = vector.broadcast %add3A_860 : i32 to vector<16xi32>
        %add3A_862 = arith.addi %broadcast_in_dim3A, %add3A_861 : vector<16xi32>
        %get3A_863 = arith.index_cast %add3A_859 : i32 to index
        %get3A_864 = arith.constant 0 : index
        %get3A_865 = tpu.vector_load %arg6[%get3A_863, %get3A_864] {strides = array<i32>} : memref<128x64xf32, #tpu.memory_space<vmem>>, vector<16xf32>,
        %mul3A_866 = arith.constant 8.000000e+00 : f32
        %mul3A_867 = vector.broadcast %mul3A_866 : f32 to vector<16xf32>
        %mul3A_868 = arith.mulf %get3A_865, %mul3A_867 : vector<16xf32>
        tpu.vector_store_idx %arg8[%select_n3A_30, %select_n3A_156, %add3A_862], %mul3A_868 : memref<8x8x132xf32, #tpu.memory_space<vmem>>[vector<16xi32>, vector<16xi32>, vector<16xi32>], vector<16xf32>,
        %get3A_869 = arith.index_cast %add3A_859 : i32 to index
        %get3A_870 = arith.constant 16 : index
        %get3A_871 = tpu.vector_load %arg6[%get3A_869, %get3A_870] {strides = array<i32>} : memref<128x64xf32, #tpu.memory_space<vmem>>, vector<16xf32>,
        %mul3A_872 = arith.constant 8.000000e+00 : f32
        %mul3A_873 = vector.broadcast %mul3A_872 : f32 to vector<16xf32>
        %mul3A_874 = arith.mulf %get3A_871, %mul3A_873 : vector<16xf32>
        tpu.vector_store_idx %arg8[%select_n3A_64, %select_n3A_181, %add3A_862], %mul3A_874 : memref<8x8x132xf32, #tpu.memory_space<vmem>>[vector<16xi32>, vector<16xi32>, vector<16xi32>], vector<16xf32>,
        %get3A_875 = arith.index_cast %add3A_859 : i32 to index
        %get3A_876 = arith.constant 32 : index
        %get3A_877 = tpu.vector_load %arg6[%get3A_875, %get3A_876] {strides = array<i32>} : memref<128x64xf32, #tpu.memory_space<vmem>>, vector<16xf32>,
        %mul3A_878 = arith.constant 8.000000e+00 : f32
        %mul3A_879 = vector.broadcast %mul3A_878 : f32 to vector<16xf32>
        %mul3A_880 = arith.mulf %get3A_877, %mul3A_879 : vector<16xf32>
        tpu.vector_store_idx %arg8[%select_n3A_98, %select_n3A_206, %add3A_862], %mul3A_880 : memref<8x8x132xf32, #tpu.memory_space<vmem>>[vector<16xi32>, vector<16xi32>, vector<16xi32>], vector<16xf32>,
        %get3A_881 = arith.index_cast %add3A_859 : i32 to index
        %get3A_882 = arith.constant 48 : index
        %get3A_883 = tpu.vector_load %arg6[%get3A_881, %get3A_882] {strides = array<i32>} : memref<128x64xf32, #tpu.memory_space<vmem>>, vector<16xf32>,
        %mul3A_884 = arith.constant 8.000000e+00 : f32
        %mul3A_885 = vector.broadcast %mul3A_884 : f32 to vector<16xf32>
        %mul3A_886 = arith.mulf %get3A_883, %mul3A_885 : vector<16xf32>
        tpu.vector_store_idx %arg8[%select_n3A_132, %select_n3A_231, %add3A_862], %mul3A_886 : memref<8x8x132xf32, #tpu.memory_space<vmem>>[vector<16xi32>, vector<16xi32>, vector<16xi32>], vector<16xf32>,
      }
      %scan3A_536 = arith.constant 32 : i32
      %mul3A_537 = arith.constant 8 : i32
      %mul3A_538 = arith.muli %select_n3A_279, %mul3A_537 : i32
      %add3A_539 = arith.constant 4 : i32
      %add3A_540 = arith.addi %mul3A_538, %add3A_539 : i32
      %dma_start3A_541 = arith.constant 0 : i32
      %dma_start3A_542 = arith.constant 0 : i32
      %dma_start3A_543 = arith.constant 0 : i32
      %dma_start3A_544 = tpu.memref_slice %arg8[%dma_start3A_541, %dma_start3A_542, %dma_start3A_543] : memref<8x8x132xf32, #tpu.memory_space<vmem>> -> memref<8x8x128xf32, #tpu.memory_space<vmem>>
      %dma_start3A_545 = arith.constant 0 : i32
      %dma_start3A_546 = arith.constant 0 : i32
      %dma_start3A_547 = arith.constant 0 : i32
      %dma_start3A_548 = tpu.memref_slice %arg4[%add3A_540, %dma_start3A_545, %select_n3A_295, %dma_start3A_546, %dma_start3A_547] : memref<200x8x8x8x128xf32, #tpu.memory_space<hbm>> -> memref<1x8x1x8x128xf32, #tpu.memory_space<hbm>>
      %dma_start3A_549 = tpu.memref_squeeze %dma_start3A_548 : memref<1x8x1x8x128xf32, #tpu.memory_space<hbm>> -> memref<8x8x128xf32, #tpu.memory_space<hbm>>
      %dma_start3A_550 = arith.constant 0 : i32
      %dma_start3A_551 = arith.constant 0 : i32
      %dma_start3A_552 = arith.constant 0 : i32
      %dma_start3A_553 = tpu.memref_slice %arg4[%add3A_540, %dma_start3A_550, %select_n3A_295, %dma_start3A_551, %dma_start3A_552] : memref<200x8x8x8x128xf32, #tpu.memory_space<hbm>> -> memref<1x8x1x8x128xf32, #tpu.memory_space<hbm>>
      %dma_start3A_554 = tpu.memref_squeeze %dma_start3A_553 : memref<1x8x1x8x128xf32, #tpu.memory_space<hbm>> -> memref<8x8x128xf32, #tpu.memory_space<hbm>>
      %dma_start3A_555 = arith.constant 0 : i32
      %dma_start3A_556 = arith.constant 0 : i32
      %dma_start3A_557 = arith.constant 0 : i32
      %dma_start3A_558 = tpu.memref_slice %arg8[%dma_start3A_555, %dma_start3A_556, %dma_start3A_557] : memref<8x8x132xf32, #tpu.memory_space<vmem>> -> memref<8x8x128xf32, #tpu.memory_space<vmem>>
      tpu.enqueue_dma source(%dma_start3A_558 : memref<8x8x128xf32, #tpu.memory_space<vmem>>) target(%dma_start3A_554 : memref<8x8x128xf32, #tpu.memory_space<hbm>>) target_semaphore(%arg12 : memref<!tpu.dma_semaphore, #tpu.memory_space<semaphore_mem>>)
      %dma_wait3A_559 = arith.constant 5 : i32
      %dma_wait3A_560 = arith.constant 0 : i32
      %dma_wait3A_561 = tpu.memref_slice %arg5[%dma_wait3A_559, %dma_wait3A_560] : memref<8x128xi32, #tpu.memory_space<vmem>> -> memref<1x128xi32, #tpu.memory_space<vmem>>
      %dma_wait3A_562 = tpu.memref_squeeze %dma_wait3A_561 : memref<1x128xi32, #tpu.memory_space<vmem>> -> memref<128xi32, #tpu.memory_space<vmem>>
      %dma_wait3A_563 = arith.constant 0 : i32
      %dma_wait3A_564 = arith.constant 0 : i32
      %dma_wait3A_565 = tpu.memref_slice %arg3[%dma_wait3A_563, %dma_wait3A_564] : memref<1000000x64xf32, #tpu.memory_space<hbm>> -> memref<1000000x64xf32, #tpu.memory_space<hbm>>
      tpu.wait_indirect_dma semaphore(%arg11 : memref<!tpu.dma_semaphore, #tpu.memory_space<semaphore_mem>>) src(%dma_wait3A_565 : memref<1000000x64xf32, #tpu.memory_space<hbm>>) dst(%arg7 : memref<128x64xf32, #tpu.memory_space<vmem>>)
      %dma_start3A_566 = arith.constant 6 : i32
      %dma_start3A_567 = arith.constant 0 : i32
      %dma_start3A_568 = tpu.memref_slice %arg5[%dma_start3A_566, %dma_start3A_567] : memref<8x128xi32, #tpu.memory_space<vmem>> -> memref<1x128xi32, #tpu.memory_space<vmem>>
      %dma_start3A_569 = tpu.memref_squeeze %dma_start3A_568 : memref<1x128xi32, #tpu.memory_space<vmem>> -> memref<128xi32, #tpu.memory_space<vmem>>
      %dma_start3A_570 = arith.constant 0 : i32
      %dma_start3A_571 = arith.constant 0 : i32
      %dma_start3A_572 = tpu.memref_slice %arg3[%dma_start3A_570, %dma_start3A_571] : memref<1000000x64xf32, #tpu.memory_space<hbm>> -> memref<1000000x64xf32, #tpu.memory_space<hbm>>
      tpu.enqueue_indirect_dma source(%dma_start3A_572 : memref<1000000x64xf32, #tpu.memory_space<hbm>>) target(%arg6 : memref<128x64xf32, #tpu.memory_space<vmem>>) offsets(%dma_start3A_569 : memref<128xi32, #tpu.memory_space<vmem>>) semaphore(%arg10 : memref<!tpu.dma_semaphore, #tpu.memory_space<semaphore_mem>>)
      %dma_wait3A_573 = arith.constant 0 : i32
      %dma_wait3A_574 = arith.constant 0 : i32
      %dma_wait3A_575 = arith.constant 0 : i32
      %dma_wait3A_576 = tpu.memref_slice %arg9[%dma_wait3A_573, %dma_wait3A_574, %dma_wait3A_575] : memref<8x8x132xf32, #tpu.memory_space<vmem>> -> memref<8x8x128xf32, #tpu.memory_space<vmem>>
      %dma_wait3A_577 = arith.constant 0 : i32
      %dma_wait3A_578 = arith.constant 0 : i32
      %dma_wait3A_579 = arith.constant 0 : i32
      %dma_wait3A_580 = tpu.memref_slice %arg4[%add3A_481, %dma_wait3A_577, %select_n3A_295, %dma_wait3A_578, %dma_wait3A_579] : memref<200x8x8x8x128xf32, #tpu.memory_space<hbm>> -> memref<1x8x1x8x128xf32, #tpu.memory_space<hbm>>
      %dma_wait3A_581 = tpu.memref_squeeze %dma_wait3A_580 : memref<1x8x1x8x128xf32, #tpu.memory_space<hbm>> -> memref<8x8x128xf32, #tpu.memory_space<hbm>>
      %dma_wait3A_582 = arith.constant 0 : i32
      %dma_wait3A_583 = arith.constant 0 : i32
      %dma_wait3A_584 = arith.constant 0 : i32
      %dma_wait3A_585 = tpu.memref_slice %arg4[%add3A_481, %dma_wait3A_582, %select_n3A_295, %dma_wait3A_583, %dma_wait3A_584] : memref<200x8x8x8x128xf32, #tpu.memory_space<hbm>> -> memref<1x8x1x8x128xf32, #tpu.memory_space<hbm>>
      %dma_wait3A_586 = tpu.memref_squeeze %dma_wait3A_585 : memref<1x8x1x8x128xf32, #tpu.memory_space<hbm>> -> memref<8x8x128xf32, #tpu.memory_space<hbm>>
      %dma_wait3A_587 = arith.constant 0 : i32
      %dma_wait3A_588 = arith.constant 0 : i32
      %dma_wait3A_589 = arith.constant 0 : i32
      %dma_wait3A_590 = tpu.memref_slice %arg9[%dma_wait3A_587, %dma_wait3A_588, %dma_wait3A_589] : memref<8x8x132xf32, #tpu.memory_space<vmem>> -> memref<8x8x128xf32, #tpu.memory_space<vmem>>
      tpu.wait_dma2 semaphore(%arg13 : memref<!tpu.dma_semaphore, #tpu.memory_space<semaphore_mem>>) src(%dma_wait3A_590 : memref<8x8x128xf32, #tpu.memory_space<vmem>>) dst(%dma_wait3A_586 : memref<8x8x128xf32, #tpu.memory_space<hbm>>)
      %scan3A_591 = arith.constant 0 : i32
      %scan3A_592 = arith.constant 32 : i32
      %scan3A_593 = arith.addi %scan3A_591, %scan3A_592 : i32
      %scan3A_594 = arith.constant 1 : i32
      scf.for %scan3A_765 = %scan3A_591 to %scan3A_593 step %scan3A_594  : i32 {
        %mul3A_766 = arith.constant 1 : i32
        %mul3A_767 = arith.muli %scan3A_765, %mul3A_766 : i32
        %add3A_768 = arith.constant 0 : i32
        %add3A_769 = arith.addi %add3A_768, %mul3A_767 : i32
        %mul3A_770 = arith.constant 4 : i32
        %mul3A_771 = arith.muli %add3A_769, %mul3A_770 : i32
        %broadcast_in_dim3A = vector.broadcast %mul3A_771 : i32 to vector<16xi32>
        %add3A_772 = arith.constant 0 : i32
        %add3A_773 = arith.addi %mul3A_771, %add3A_772 : i32
        %add3A_774 = arith.constant 0 : i32
        %add3A_775 = vector.broadcast %add3A_774 : i32 to vector<16xi32>
        %add3A_776 = arith.addi %broadcast_in_dim3A, %add3A_775 : vector<16xi32>
        %get3A = arith.index_cast %add3A_773 : i32 to index
        %get3A_777 = arith.constant 0 : index
        %get3A_778 = tpu.vector_load %arg7[%get3A, %get3A_777] {strides = array<i32>} : memref<128x64xf32, #tpu.memory_space<vmem>>, vector<16xf32>,
        %mul3A_779 = arith.constant 8.000000e+00 : f32
        %mul3A_780 = vector.broadcast %mul3A_779 : f32 to vector<16xf32>
        %mul3A_781 = arith.mulf %get3A_778, %mul3A_780 : vector<16xf32>
        tpu.vector_store_idx %arg9[%select_n3A_30, %select_n3A_156, %add3A_776], %mul3A_781 : memref<8x8x132xf32, #tpu.memory_space<vmem>>[vector<16xi32>, vector<16xi32>, vector<16xi32>], vector<16xf32>,
        %get3A_782 = arith.index_cast %add3A_773 : i32 to index
        %get3A_783 = arith.constant 16 : index
        %get3A_784 = tpu.vector_load %arg7[%get3A_782, %get3A_783] {strides = array<i32>} : memref<128x64xf32, #tpu.memory_space<vmem>>, vector<16xf32>,
        %mul3A_785 = arith.constant 8.000000e+00 : f32
        %mul3A_786 = vector.broadcast %mul3A_785 : f32 to vector<16xf32>
        %mul3A_787 = arith.mulf %get3A_784, %mul3A_786 : vector<16xf32>
        tpu.vector_store_idx %arg9[%select_n3A_64, %select_n3A_181, %add3A_776], %mul3A_787 : memref<8x8x132xf32, #tpu.memory_space<vmem>>[vector<16xi32>, vector<16xi32>, vector<16xi32>], vector<16xf32>,
        %get3A_788 = arith.index_cast %add3A_773 : i32 to index
        %get3A_789 = arith.constant 32 : index
        %get3A_790 = tpu.vector_load %arg7[%get3A_788, %get3A_789] {strides = array<i32>} : memref<128x64xf32, #tpu.memory_space<vmem>>, vector<16xf32>,
        %mul3A_791 = arith.constant 8.000000e+00 : f32
        %mul3A_792 = vector.broadcast %mul3A_791 : f32 to vector<16xf32>
        %mul3A_793 = arith.mulf %get3A_790, %mul3A_792 : vector<16xf32>
        tpu.vector_store_idx %arg9[%select_n3A_98, %select_n3A_206, %add3A_776], %mul3A_793 : memref<8x8x132xf32, #tpu.memory_space<vmem>>[vector<16xi32>, vector<16xi32>, vector<16xi32>], vector<16xf32>,
        %get3A_794 = arith.index_cast %add3A_773 : i32 to index
        %get3A_795 = arith.constant 48 : index
        %get3A_796 = tpu.vector_load %arg7[%get3A_794, %get3A_795] {strides = array<i32>} : memref<128x64xf32, #tpu.memory_space<vmem>>, vector<16xf32>,
        %mul3A_797 = arith.constant 8.000000e+00 : f32
        %mul3A_798 = vector.broadcast %mul3A_797 : f32 to vector<16xf32>
        %mul3A_799 = arith.mulf %get3A_796, %mul3A_798 : vector<16xf32>
        tpu.vector_store_idx %arg9[%select_n3A_132, %select_n3A_231, %add3A_776], %mul3A_799 : memref<8x8x132xf32, #tpu.memory_space<vmem>>[vector<16xi32>, vector<16xi32>, vector<16xi32>], vector<16xf32>,
        %add3A_800 = arith.constant 1 : i32
        %add3A_801 = arith.addi %mul3A_771, %add3A_800 : i32
        %add3A_802 = arith.constant 1 : i32
        %add3A_803 = vector.broadcast %add3A_802 : i32 to vector<16xi32>
        %add3A_804 = arith.addi %broadcast_in_dim3A, %add3A_803 : vector<16xi32>
        %get3A_805 = arith.index_cast %add3A_801 : i32 to index
        %get3A_806 = arith.constant 0 : index
        %get3A_807 = tpu.vector_load %arg7[%get3A_805, %get3A_806] {strides = array<i32>} : memref<128x64xf32, #tpu.memory_space<vmem>>, vector<16xf32>,
        %mul3A_808 = arith.constant 8.000000e+00 : f32
        %mul3A_809 = vector.broadcast %mul3A_808 : f32 to vector<16xf32>
        %mul3A_810 = arith.mulf %get3A_807, %mul3A_809 : vector<16xf32>
        tpu.vector_store_idx %arg9[%select_n3A_30, %select_n3A_156, %add3A_804], %mul3A_810 : memref<8x8x132xf32, #tpu.memory_space<vmem>>[vector<16xi32>, vector<16xi32>, vector<16xi32>], vector<16xf32>,
        %get3A_811 = arith.index_cast %add3A_801 : i32 to index
        %get3A_812 = arith.constant 16 : index
        %get3A_813 = tpu.vector_load %arg7[%get3A_811, %get3A_812] {strides = array<i32>} : memref<128x64xf32, #tpu.memory_space<vmem>>, vector<16xf32>,
        %mul3A_814 = arith.constant 8.000000e+00 : f32
        %mul3A_815 = vector.broadcast %mul3A_814 : f32 to vector<16xf32>
        %mul3A_816 = arith.mulf %get3A_813, %mul3A_815 : vector<16xf32>
        tpu.vector_store_idx %arg9[%select_n3A_64, %select_n3A_181, %add3A_804], %mul3A_816 : memref<8x8x132xf32, #tpu.memory_space<vmem>>[vector<16xi32>, vector<16xi32>, vector<16xi32>], vector<16xf32>,
        %get3A_817 = arith.index_cast %add3A_801 : i32 to index
        %get3A_818 = arith.constant 32 : index
        %get3A_819 = tpu.vector_load %arg7[%get3A_817, %get3A_818] {strides = array<i32>} : memref<128x64xf32, #tpu.memory_space<vmem>>, vector<16xf32>,
        %mul3A_820 = arith.constant 8.000000e+00 : f32
        %mul3A_821 = vector.broadcast %mul3A_820 : f32 to vector<16xf32>
        %mul3A_822 = arith.mulf %get3A_819, %mul3A_821 : vector<16xf32>
        tpu.vector_store_idx %arg9[%select_n3A_98, %select_n3A_206, %add3A_804], %mul3A_822 : memref<8x8x132xf32, #tpu.memory_space<vmem>>[vector<16xi32>, vector<16xi32>, vector<16xi32>], vector<16xf32>,
        %get3A_823 = arith.index_cast %add3A_801 : i32 to index
        %get3A_824 = arith.constant 48 : index
        %get3A_825 = tpu.vector_load %arg7[%get3A_823, %get3A_824] {strides = array<i32>} : memref<128x64xf32, #tpu.memory_space<vmem>>, vector<16xf32>,
        %mul3A_826 = arith.constant 8.000000e+00 : f32
        %mul3A_827 = vector.broadcast %mul3A_826 : f32 to vector<16xf32>
        %mul3A_828 = arith.mulf %get3A_825, %mul3A_827 : vector<16xf32>
        tpu.vector_store_idx %arg9[%select_n3A_132, %select_n3A_231, %add3A_804], %mul3A_828 : memref<8x8x132xf32, #tpu.memory_space<vmem>>[vector<16xi32>, vector<16xi32>, vector<16xi32>], vector<16xf32>,
        %add3A_829 = arith.constant 2 : i32
        %add3A_830 = arith.addi %mul3A_771, %add3A_829 : i32
        %add3A_831 = arith.constant 2 : i32
        %add3A_832 = vector.broadcast %add3A_831 : i32 to vector<16xi32>
        %add3A_833 = arith.addi %broadcast_in_dim3A, %add3A_832 : vector<16xi32>
        %get3A_834 = arith.index_cast %add3A_830 : i32 to index
        %get3A_835 = arith.constant 0 : index
        %get3A_836 = tpu.vector_load %arg7[%get3A_834, %get3A_835] {strides = array<i32>} : memref<128x64xf32, #tpu.memory_space<vmem>>, vector<16xf32>,
        %mul3A_837 = arith.constant 8.000000e+00 : f32
        %mul3A_838 = vector.broadcast %mul3A_837 : f32 to vector<16xf32>
        %mul3A_839 = arith.mulf %get3A_836, %mul3A_838 : vector<16xf32>
        tpu.vector_store_idx %arg9[%select_n3A_30, %select_n3A_156, %add3A_833], %mul3A_839 : memref<8x8x132xf32, #tpu.memory_space<vmem>>[vector<16xi32>, vector<16xi32>, vector<16xi32>], vector<16xf32>,
        %get3A_840 = arith.index_cast %add3A_830 : i32 to index
        %get3A_841 = arith.constant 16 : index
        %get3A_842 = tpu.vector_load %arg7[%get3A_840, %get3A_841] {strides = array<i32>} : memref<128x64xf32, #tpu.memory_space<vmem>>, vector<16xf32>,
        %mul3A_843 = arith.constant 8.000000e+00 : f32
        %mul3A_844 = vector.broadcast %mul3A_843 : f32 to vector<16xf32>
        %mul3A_845 = arith.mulf %get3A_842, %mul3A_844 : vector<16xf32>
        tpu.vector_store_idx %arg9[%select_n3A_64, %select_n3A_181, %add3A_833], %mul3A_845 : memref<8x8x132xf32, #tpu.memory_space<vmem>>[vector<16xi32>, vector<16xi32>, vector<16xi32>], vector<16xf32>,
        %get3A_846 = arith.index_cast %add3A_830 : i32 to index
        %get3A_847 = arith.constant 32 : index
        %get3A_848 = tpu.vector_load %arg7[%get3A_846, %get3A_847] {strides = array<i32>} : memref<128x64xf32, #tpu.memory_space<vmem>>, vector<16xf32>,
        %mul3A_849 = arith.constant 8.000000e+00 : f32
        %mul3A_850 = vector.broadcast %mul3A_849 : f32 to vector<16xf32>
        %mul3A_851 = arith.mulf %get3A_848, %mul3A_850 : vector<16xf32>
        tpu.vector_store_idx %arg9[%select_n3A_98, %select_n3A_206, %add3A_833], %mul3A_851 : memref<8x8x132xf32, #tpu.memory_space<vmem>>[vector<16xi32>, vector<16xi32>, vector<16xi32>], vector<16xf32>,
        %get3A_852 = arith.index_cast %add3A_830 : i32 to index
        %get3A_853 = arith.constant 48 : index
        %get3A_854 = tpu.vector_load %arg7[%get3A_852, %get3A_853] {strides = array<i32>} : memref<128x64xf32, #tpu.memory_space<vmem>>, vector<16xf32>,
        %mul3A_855 = arith.constant 8.000000e+00 : f32
        %mul3A_856 = vector.broadcast %mul3A_855 : f32 to vector<16xf32>
        %mul3A_857 = arith.mulf %get3A_854, %mul3A_856 : vector<16xf32>
        tpu.vector_store_idx %arg9[%select_n3A_132, %select_n3A_231, %add3A_833], %mul3A_857 : memref<8x8x132xf32, #tpu.memory_space<vmem>>[vector<16xi32>, vector<16xi32>, vector<16xi32>], vector<16xf32>,
        %add3A_858 = arith.constant 3 : i32
        %add3A_859 = arith.addi %mul3A_771, %add3A_858 : i32
        %add3A_860 = arith.constant 3 : i32
        %add3A_861 = vector.broadcast %add3A_860 : i32 to vector<16xi32>
        %add3A_862 = arith.addi %broadcast_in_dim3A, %add3A_861 : vector<16xi32>
        %get3A_863 = arith.index_cast %add3A_859 : i32 to index
        %get3A_864 = arith.constant 0 : index
        %get3A_865 = tpu.vector_load %arg7[%get3A_863, %get3A_864] {strides = array<i32>} : memref<128x64xf32, #tpu.memory_space<vmem>>, vector<16xf32>,
        %mul3A_866 = arith.constant 8.000000e+00 : f32
        %mul3A_867 = vector.broadcast %mul3A_866 : f32 to vector<16xf32>
        %mul3A_868 = arith.mulf %get3A_865, %mul3A_867 : vector<16xf32>
        tpu.vector_store_idx %arg9[%select_n3A_30, %select_n3A_156, %add3A_862], %mul3A_868 : memref<8x8x132xf32, #tpu.memory_space<vmem>>[vector<16xi32>, vector<16xi32>, vector<16xi32>], vector<16xf32>,
        %get3A_869 = arith.index_cast %add3A_859 : i32 to index
        %get3A_870 = arith.constant 16 : index
        %get3A_871 = tpu.vector_load %arg7[%get3A_869, %get3A_870] {strides = array<i32>} : memref<128x64xf32, #tpu.memory_space<vmem>>, vector<16xf32>,
        %mul3A_872 = arith.constant 8.000000e+00 : f32
        %mul3A_873 = vector.broadcast %mul3A_872 : f32 to vector<16xf32>
        %mul3A_874 = arith.mulf %get3A_871, %mul3A_873 : vector<16xf32>
        tpu.vector_store_idx %arg9[%select_n3A_64, %select_n3A_181, %add3A_862], %mul3A_874 : memref<8x8x132xf32, #tpu.memory_space<vmem>>[vector<16xi32>, vector<16xi32>, vector<16xi32>], vector<16xf32>,
        %get3A_875 = arith.index_cast %add3A_859 : i32 to index
        %get3A_876 = arith.constant 32 : index
        %get3A_877 = tpu.vector_load %arg7[%get3A_875, %get3A_876] {strides = array<i32>} : memref<128x64xf32, #tpu.memory_space<vmem>>, vector<16xf32>,
        %mul3A_878 = arith.constant 8.000000e+00 : f32
        %mul3A_879 = vector.broadcast %mul3A_878 : f32 to vector<16xf32>
        %mul3A_880 = arith.mulf %get3A_877, %mul3A_879 : vector<16xf32>
        tpu.vector_store_idx %arg9[%select_n3A_98, %select_n3A_206, %add3A_862], %mul3A_880 : memref<8x8x132xf32, #tpu.memory_space<vmem>>[vector<16xi32>, vector<16xi32>, vector<16xi32>], vector<16xf32>,
        %get3A_881 = arith.index_cast %add3A_859 : i32 to index
        %get3A_882 = arith.constant 48 : index
        %get3A_883 = tpu.vector_load %arg7[%get3A_881, %get3A_882] {strides = array<i32>} : memref<128x64xf32, #tpu.memory_space<vmem>>, vector<16xf32>,
        %mul3A_884 = arith.constant 8.000000e+00 : f32
        %mul3A_885 = vector.broadcast %mul3A_884 : f32 to vector<16xf32>
        %mul3A_886 = arith.mulf %get3A_883, %mul3A_885 : vector<16xf32>
        tpu.vector_store_idx %arg9[%select_n3A_132, %select_n3A_231, %add3A_862], %mul3A_886 : memref<8x8x132xf32, #tpu.memory_space<vmem>>[vector<16xi32>, vector<16xi32>, vector<16xi32>], vector<16xf32>,
      }
      %scan3A_595 = arith.constant 32 : i32
      %mul3A_596 = arith.constant 8 : i32
      %mul3A_597 = arith.muli %select_n3A_279, %mul3A_596 : i32
      %add3A_598 = arith.constant 5 : i32
      %add3A_599 = arith.addi %mul3A_597, %add3A_598 : i32
      %dma_start3A_600 = arith.constant 0 : i32
      %dma_start3A_601 = arith.constant 0 : i32
      %dma_start3A_602 = arith.constant 0 : i32
      %dma_start3A_603 = tpu.memref_slice %arg9[%dma_start3A_600, %dma_start3A_601, %dma_start3A_602] : memref<8x8x132xf32, #tpu.memory_space<vmem>> -> memref<8x8x128xf32, #tpu.memory_space<vmem>>
      %dma_start3A_604 = arith.constant 0 : i32
      %dma_start3A_605 = arith.constant 0 : i32
      %dma_start3A_606 = arith.constant 0 : i32
      %dma_start3A_607 = tpu.memref_slice %arg4[%add3A_599, %dma_start3A_604, %select_n3A_295, %dma_start3A_605, %dma_start3A_606] : memref<200x8x8x8x128xf32, #tpu.memory_space<hbm>> -> memref<1x8x1x8x128xf32, #tpu.memory_space<hbm>>
      %dma_start3A_608 = tpu.memref_squeeze %dma_start3A_607 : memref<1x8x1x8x128xf32, #tpu.memory_space<hbm>> -> memref<8x8x128xf32, #tpu.memory_space<hbm>>
      %dma_start3A_609 = arith.constant 0 : i32
      %dma_start3A_610 = arith.constant 0 : i32
      %dma_start3A_611 = arith.constant 0 : i32
      %dma_start3A_612 = tpu.memref_slice %arg4[%add3A_599, %dma_start3A_609, %select_n3A_295, %dma_start3A_610, %dma_start3A_611] : memref<200x8x8x8x128xf32, #tpu.memory_space<hbm>> -> memref<1x8x1x8x128xf32, #tpu.memory_space<hbm>>
      %dma_start3A_613 = tpu.memref_squeeze %dma_start3A_612 : memref<1x8x1x8x128xf32, #tpu.memory_space<hbm>> -> memref<8x8x128xf32, #tpu.memory_space<hbm>>
      %dma_start3A_614 = arith.constant 0 : i32
      %dma_start3A_615 = arith.constant 0 : i32
      %dma_start3A_616 = arith.constant 0 : i32
      %dma_start3A_617 = tpu.memref_slice %arg9[%dma_start3A_614, %dma_start3A_615, %dma_start3A_616] : memref<8x8x132xf32, #tpu.memory_space<vmem>> -> memref<8x8x128xf32, #tpu.memory_space<vmem>>
      tpu.enqueue_dma source(%dma_start3A_617 : memref<8x8x128xf32, #tpu.memory_space<vmem>>) target(%dma_start3A_613 : memref<8x8x128xf32, #tpu.memory_space<hbm>>) target_semaphore(%arg13 : memref<!tpu.dma_semaphore, #tpu.memory_space<semaphore_mem>>)
      %dma_wait3A_618 = arith.constant 6 : i32
      %dma_wait3A_619 = arith.constant 0 : i32
      %dma_wait3A_620 = tpu.memref_slice %arg5[%dma_wait3A_618, %dma_wait3A_619] : memref<8x128xi32, #tpu.memory_space<vmem>> -> memref<1x128xi32, #tpu.memory_space<vmem>>
      %dma_wait3A_621 = tpu.memref_squeeze %dma_wait3A_620 : memref<1x128xi32, #tpu.memory_space<vmem>> -> memref<128xi32, #tpu.memory_space<vmem>>
      %dma_wait3A_622 = arith.constant 0 : i32
      %dma_wait3A_623 = arith.constant 0 : i32
      %dma_wait3A_624 = tpu.memref_slice %arg3[%dma_wait3A_622, %dma_wait3A_623] : memref<1000000x64xf32, #tpu.memory_space<hbm>> -> memref<1000000x64xf32, #tpu.memory_space<hbm>>
      tpu.wait_indirect_dma semaphore(%arg10 : memref<!tpu.dma_semaphore, #tpu.memory_space<semaphore_mem>>) src(%dma_wait3A_624 : memref<1000000x64xf32, #tpu.memory_space<hbm>>) dst(%arg6 : memref<128x64xf32, #tpu.memory_space<vmem>>)
      %dma_start3A_625 = arith.constant 7 : i32
      %dma_start3A_626 = arith.constant 0 : i32
      %dma_start3A_627 = tpu.memref_slice %arg5[%dma_start3A_625, %dma_start3A_626] : memref<8x128xi32, #tpu.memory_space<vmem>> -> memref<1x128xi32, #tpu.memory_space<vmem>>
      %dma_start3A_628 = tpu.memref_squeeze %dma_start3A_627 : memref<1x128xi32, #tpu.memory_space<vmem>> -> memref<128xi32, #tpu.memory_space<vmem>>
      %dma_start3A_629 = arith.constant 0 : i32
      %dma_start3A_630 = arith.constant 0 : i32
      %dma_start3A_631 = tpu.memref_slice %arg3[%dma_start3A_629, %dma_start3A_630] : memref<1000000x64xf32, #tpu.memory_space<hbm>> -> memref<1000000x64xf32, #tpu.memory_space<hbm>>
      tpu.enqueue_indirect_dma source(%dma_start3A_631 : memref<1000000x64xf32, #tpu.memory_space<hbm>>) target(%arg7 : memref<128x64xf32, #tpu.memory_space<vmem>>) offsets(%dma_start3A_628 : memref<128xi32, #tpu.memory_space<vmem>>) semaphore(%arg11 : memref<!tpu.dma_semaphore, #tpu.memory_space<semaphore_mem>>)
      %dma_wait3A_632 = arith.constant 0 : i32
      %dma_wait3A_633 = arith.constant 0 : i32
      %dma_wait3A_634 = arith.constant 0 : i32
      %dma_wait3A_635 = tpu.memref_slice %arg8[%dma_wait3A_632, %dma_wait3A_633, %dma_wait3A_634] : memref<8x8x132xf32, #tpu.memory_space<vmem>> -> memref<8x8x128xf32, #tpu.memory_space<vmem>>
      %dma_wait3A_636 = arith.constant 0 : i32
      %dma_wait3A_637 = arith.constant 0 : i32
      %dma_wait3A_638 = arith.constant 0 : i32
      %dma_wait3A_639 = tpu.memref_slice %arg4[%add3A_540, %dma_wait3A_636, %select_n3A_295, %dma_wait3A_637, %dma_wait3A_638] : memref<200x8x8x8x128xf32, #tpu.memory_space<hbm>> -> memref<1x8x1x8x128xf32, #tpu.memory_space<hbm>>
      %dma_wait3A_640 = tpu.memref_squeeze %dma_wait3A_639 : memref<1x8x1x8x128xf32, #tpu.memory_space<hbm>> -> memref<8x8x128xf32, #tpu.memory_space<hbm>>
      %dma_wait3A_641 = arith.constant 0 : i32
      %dma_wait3A_642 = arith.constant 0 : i32
      %dma_wait3A_643 = arith.constant 0 : i32
      %dma_wait3A_644 = tpu.memref_slice %arg4[%add3A_540, %dma_wait3A_641, %select_n3A_295, %dma_wait3A_642, %dma_wait3A_643] : memref<200x8x8x8x128xf32, #tpu.memory_space<hbm>> -> memref<1x8x1x8x128xf32, #tpu.memory_space<hbm>>
      %dma_wait3A_645 = tpu.memref_squeeze %dma_wait3A_644 : memref<1x8x1x8x128xf32, #tpu.memory_space<hbm>> -> memref<8x8x128xf32, #tpu.memory_space<hbm>>
      %dma_wait3A_646 = arith.constant 0 : i32
      %dma_wait3A_647 = arith.constant 0 : i32
      %dma_wait3A_648 = arith.constant 0 : i32
      %dma_wait3A_649 = tpu.memref_slice %arg8[%dma_wait3A_646, %dma_wait3A_647, %dma_wait3A_648] : memref<8x8x132xf32, #tpu.memory_space<vmem>> -> memref<8x8x128xf32, #tpu.memory_space<vmem>>
      tpu.wait_dma2 semaphore(%arg12 : memref<!tpu.dma_semaphore, #tpu.memory_space<semaphore_mem>>) src(%dma_wait3A_649 : memref<8x8x128xf32, #tpu.memory_space<vmem>>) dst(%dma_wait3A_645 : memref<8x8x128xf32, #tpu.memory_space<hbm>>)
      %scan3A_650 = arith.constant 0 : i32
      %scan3A_651 = arith.constant 32 : i32
      %scan3A_652 = arith.addi %scan3A_650, %scan3A_651 : i32
      %scan3A_653 = arith.constant 1 : i32
      scf.for %scan3A_765 = %scan3A_650 to %scan3A_652 step %scan3A_653  : i32 {
        %mul3A_766 = arith.constant 1 : i32
        %mul3A_767 = arith.muli %scan3A_765, %mul3A_766 : i32
        %add3A_768 = arith.constant 0 : i32
        %add3A_769 = arith.addi %add3A_768, %mul3A_767 : i32
        %mul3A_770 = arith.constant 4 : i32
        %mul3A_771 = arith.muli %add3A_769, %mul3A_770 : i32
        %broadcast_in_dim3A = vector.broadcast %mul3A_771 : i32 to vector<16xi32>
        %add3A_772 = arith.constant 0 : i32
        %add3A_773 = arith.addi %mul3A_771, %add3A_772 : i32
        %add3A_774 = arith.constant 0 : i32
        %add3A_775 = vector.broadcast %add3A_774 : i32 to vector<16xi32>
        %add3A_776 = arith.addi %broadcast_in_dim3A, %add3A_775 : vector<16xi32>
        %get3A = arith.index_cast %add3A_773 : i32 to index
        %get3A_777 = arith.constant 0 : index
        %get3A_778 = tpu.vector_load %arg6[%get3A, %get3A_777] {strides = array<i32>} : memref<128x64xf32, #tpu.memory_space<vmem>>, vector<16xf32>,
        %mul3A_779 = arith.constant 8.000000e+00 : f32
        %mul3A_780 = vector.broadcast %mul3A_779 : f32 to vector<16xf32>
        %mul3A_781 = arith.mulf %get3A_778, %mul3A_780 : vector<16xf32>
        tpu.vector_store_idx %arg8[%select_n3A_30, %select_n3A_156, %add3A_776], %mul3A_781 : memref<8x8x132xf32, #tpu.memory_space<vmem>>[vector<16xi32>, vector<16xi32>, vector<16xi32>], vector<16xf32>,
        %get3A_782 = arith.index_cast %add3A_773 : i32 to index
        %get3A_783 = arith.constant 16 : index
        %get3A_784 = tpu.vector_load %arg6[%get3A_782, %get3A_783] {strides = array<i32>} : memref<128x64xf32, #tpu.memory_space<vmem>>, vector<16xf32>,
        %mul3A_785 = arith.constant 8.000000e+00 : f32
        %mul3A_786 = vector.broadcast %mul3A_785 : f32 to vector<16xf32>
        %mul3A_787 = arith.mulf %get3A_784, %mul3A_786 : vector<16xf32>
        tpu.vector_store_idx %arg8[%select_n3A_64, %select_n3A_181, %add3A_776], %mul3A_787 : memref<8x8x132xf32, #tpu.memory_space<vmem>>[vector<16xi32>, vector<16xi32>, vector<16xi32>], vector<16xf32>,
        %get3A_788 = arith.index_cast %add3A_773 : i32 to index
        %get3A_789 = arith.constant 32 : index
        %get3A_790 = tpu.vector_load %arg6[%get3A_788, %get3A_789] {strides = array<i32>} : memref<128x64xf32, #tpu.memory_space<vmem>>, vector<16xf32>,
        %mul3A_791 = arith.constant 8.000000e+00 : f32
        %mul3A_792 = vector.broadcast %mul3A_791 : f32 to vector<16xf32>
        %mul3A_793 = arith.mulf %get3A_790, %mul3A_792 : vector<16xf32>
        tpu.vector_store_idx %arg8[%select_n3A_98, %select_n3A_206, %add3A_776], %mul3A_793 : memref<8x8x132xf32, #tpu.memory_space<vmem>>[vector<16xi32>, vector<16xi32>, vector<16xi32>], vector<16xf32>,
        %get3A_794 = arith.index_cast %add3A_773 : i32 to index
        %get3A_795 = arith.constant 48 : index
        %get3A_796 = tpu.vector_load %arg6[%get3A_794, %get3A_795] {strides = array<i32>} : memref<128x64xf32, #tpu.memory_space<vmem>>, vector<16xf32>,
        %mul3A_797 = arith.constant 8.000000e+00 : f32
        %mul3A_798 = vector.broadcast %mul3A_797 : f32 to vector<16xf32>
        %mul3A_799 = arith.mulf %get3A_796, %mul3A_798 : vector<16xf32>
        tpu.vector_store_idx %arg8[%select_n3A_132, %select_n3A_231, %add3A_776], %mul3A_799 : memref<8x8x132xf32, #tpu.memory_space<vmem>>[vector<16xi32>, vector<16xi32>, vector<16xi32>], vector<16xf32>,
        %add3A_800 = arith.constant 1 : i32
        %add3A_801 = arith.addi %mul3A_771, %add3A_800 : i32
        %add3A_802 = arith.constant 1 : i32
        %add3A_803 = vector.broadcast %add3A_802 : i32 to vector<16xi32>
        %add3A_804 = arith.addi %broadcast_in_dim3A, %add3A_803 : vector<16xi32>
        %get3A_805 = arith.index_cast %add3A_801 : i32 to index
        %get3A_806 = arith.constant 0 : index
        %get3A_807 = tpu.vector_load %arg6[%get3A_805, %get3A_806] {strides = array<i32>} : memref<128x64xf32, #tpu.memory_space<vmem>>, vector<16xf32>,
        %mul3A_808 = arith.constant 8.000000e+00 : f32
        %mul3A_809 = vector.broadcast %mul3A_808 : f32 to vector<16xf32>
        %mul3A_810 = arith.mulf %get3A_807, %mul3A_809 : vector<16xf32>
        tpu.vector_store_idx %arg8[%select_n3A_30, %select_n3A_156, %add3A_804], %mul3A_810 : memref<8x8x132xf32, #tpu.memory_space<vmem>>[vector<16xi32>, vector<16xi32>, vector<16xi32>], vector<16xf32>,
        %get3A_811 = arith.index_cast %add3A_801 : i32 to index
        %get3A_812 = arith.constant 16 : index
        %get3A_813 = tpu.vector_load %arg6[%get3A_811, %get3A_812] {strides = array<i32>} : memref<128x64xf32, #tpu.memory_space<vmem>>, vector<16xf32>,
        %mul3A_814 = arith.constant 8.000000e+00 : f32
        %mul3A_815 = vector.broadcast %mul3A_814 : f32 to vector<16xf32>
        %mul3A_816 = arith.mulf %get3A_813, %mul3A_815 : vector<16xf32>
        tpu.vector_store_idx %arg8[%select_n3A_64, %select_n3A_181, %add3A_804], %mul3A_816 : memref<8x8x132xf32, #tpu.memory_space<vmem>>[vector<16xi32>, vector<16xi32>, vector<16xi32>], vector<16xf32>,
        %get3A_817 = arith.index_cast %add3A_801 : i32 to index
        %get3A_818 = arith.constant 32 : index
        %get3A_819 = tpu.vector_load %arg6[%get3A_817, %get3A_818] {strides = array<i32>} : memref<128x64xf32, #tpu.memory_space<vmem>>, vector<16xf32>,
        %mul3A_820 = arith.constant 8.000000e+00 : f32
        %mul3A_821 = vector.broadcast %mul3A_820 : f32 to vector<16xf32>
        %mul3A_822 = arith.mulf %get3A_819, %mul3A_821 : vector<16xf32>
        tpu.vector_store_idx %arg8[%select_n3A_98, %select_n3A_206, %add3A_804], %mul3A_822 : memref<8x8x132xf32, #tpu.memory_space<vmem>>[vector<16xi32>, vector<16xi32>, vector<16xi32>], vector<16xf32>,
        %get3A_823 = arith.index_cast %add3A_801 : i32 to index
        %get3A_824 = arith.constant 48 : index
        %get3A_825 = tpu.vector_load %arg6[%get3A_823, %get3A_824] {strides = array<i32>} : memref<128x64xf32, #tpu.memory_space<vmem>>, vector<16xf32>,
        %mul3A_826 = arith.constant 8.000000e+00 : f32
        %mul3A_827 = vector.broadcast %mul3A_826 : f32 to vector<16xf32>
        %mul3A_828 = arith.mulf %get3A_825, %mul3A_827 : vector<16xf32>
        tpu.vector_store_idx %arg8[%select_n3A_132, %select_n3A_231, %add3A_804], %mul3A_828 : memref<8x8x132xf32, #tpu.memory_space<vmem>>[vector<16xi32>, vector<16xi32>, vector<16xi32>], vector<16xf32>,
        %add3A_829 = arith.constant 2 : i32
        %add3A_830 = arith.addi %mul3A_771, %add3A_829 : i32
        %add3A_831 = arith.constant 2 : i32
        %add3A_832 = vector.broadcast %add3A_831 : i32 to vector<16xi32>
        %add3A_833 = arith.addi %broadcast_in_dim3A, %add3A_832 : vector<16xi32>
        %get3A_834 = arith.index_cast %add3A_830 : i32 to index
        %get3A_835 = arith.constant 0 : index
        %get3A_836 = tpu.vector_load %arg6[%get3A_834, %get3A_835] {strides = array<i32>} : memref<128x64xf32, #tpu.memory_space<vmem>>, vector<16xf32>,
        %mul3A_837 = arith.constant 8.000000e+00 : f32
        %mul3A_838 = vector.broadcast %mul3A_837 : f32 to vector<16xf32>
        %mul3A_839 = arith.mulf %get3A_836, %mul3A_838 : vector<16xf32>
        tpu.vector_store_idx %arg8[%select_n3A_30, %select_n3A_156, %add3A_833], %mul3A_839 : memref<8x8x132xf32, #tpu.memory_space<vmem>>[vector<16xi32>, vector<16xi32>, vector<16xi32>], vector<16xf32>,
        %get3A_840 = arith.index_cast %add3A_830 : i32 to index
        %get3A_841 = arith.constant 16 : index
        %get3A_842 = tpu.vector_load %arg6[%get3A_840, %get3A_841] {strides = array<i32>} : memref<128x64xf32, #tpu.memory_space<vmem>>, vector<16xf32>,
        %mul3A_843 = arith.constant 8.000000e+00 : f32
        %mul3A_844 = vector.broadcast %mul3A_843 : f32 to vector<16xf32>
        %mul3A_845 = arith.mulf %get3A_842, %mul3A_844 : vector<16xf32>
        tpu.vector_store_idx %arg8[%select_n3A_64, %select_n3A_181, %add3A_833], %mul3A_845 : memref<8x8x132xf32, #tpu.memory_space<vmem>>[vector<16xi32>, vector<16xi32>, vector<16xi32>], vector<16xf32>,
        %get3A_846 = arith.index_cast %add3A_830 : i32 to index
        %get3A_847 = arith.constant 32 : index
        %get3A_848 = tpu.vector_load %arg6[%get3A_846, %get3A_847] {strides = array<i32>} : memref<128x64xf32, #tpu.memory_space<vmem>>, vector<16xf32>,
        %mul3A_849 = arith.constant 8.000000e+00 : f32
        %mul3A_850 = vector.broadcast %mul3A_849 : f32 to vector<16xf32>
        %mul3A_851 = arith.mulf %get3A_848, %mul3A_850 : vector<16xf32>
        tpu.vector_store_idx %arg8[%select_n3A_98, %select_n3A_206, %add3A_833], %mul3A_851 : memref<8x8x132xf32, #tpu.memory_space<vmem>>[vector<16xi32>, vector<16xi32>, vector<16xi32>], vector<16xf32>,
        %get3A_852 = arith.index_cast %add3A_830 : i32 to index
        %get3A_853 = arith.constant 48 : index
        %get3A_854 = tpu.vector_load %arg6[%get3A_852, %get3A_853] {strides = array<i32>} : memref<128x64xf32, #tpu.memory_space<vmem>>, vector<16xf32>,
        %mul3A_855 = arith.constant 8.000000e+00 : f32
        %mul3A_856 = vector.broadcast %mul3A_855 : f32 to vector<16xf32>
        %mul3A_857 = arith.mulf %get3A_854, %mul3A_856 : vector<16xf32>
        tpu.vector_store_idx %arg8[%select_n3A_132, %select_n3A_231, %add3A_833], %mul3A_857 : memref<8x8x132xf32, #tpu.memory_space<vmem>>[vector<16xi32>, vector<16xi32>, vector<16xi32>], vector<16xf32>,
        %add3A_858 = arith.constant 3 : i32
        %add3A_859 = arith.addi %mul3A_771, %add3A_858 : i32
        %add3A_860 = arith.constant 3 : i32
        %add3A_861 = vector.broadcast %add3A_860 : i32 to vector<16xi32>
        %add3A_862 = arith.addi %broadcast_in_dim3A, %add3A_861 : vector<16xi32>
        %get3A_863 = arith.index_cast %add3A_859 : i32 to index
        %get3A_864 = arith.constant 0 : index
        %get3A_865 = tpu.vector_load %arg6[%get3A_863, %get3A_864] {strides = array<i32>} : memref<128x64xf32, #tpu.memory_space<vmem>>, vector<16xf32>,
        %mul3A_866 = arith.constant 8.000000e+00 : f32
        %mul3A_867 = vector.broadcast %mul3A_866 : f32 to vector<16xf32>
        %mul3A_868 = arith.mulf %get3A_865, %mul3A_867 : vector<16xf32>
        tpu.vector_store_idx %arg8[%select_n3A_30, %select_n3A_156, %add3A_862], %mul3A_868 : memref<8x8x132xf32, #tpu.memory_space<vmem>>[vector<16xi32>, vector<16xi32>, vector<16xi32>], vector<16xf32>,
        %get3A_869 = arith.index_cast %add3A_859 : i32 to index
        %get3A_870 = arith.constant 16 : index
        %get3A_871 = tpu.vector_load %arg6[%get3A_869, %get3A_870] {strides = array<i32>} : memref<128x64xf32, #tpu.memory_space<vmem>>, vector<16xf32>,
        %mul3A_872 = arith.constant 8.000000e+00 : f32
        %mul3A_873 = vector.broadcast %mul3A_872 : f32 to vector<16xf32>
        %mul3A_874 = arith.mulf %get3A_871, %mul3A_873 : vector<16xf32>
        tpu.vector_store_idx %arg8[%select_n3A_64, %select_n3A_181, %add3A_862], %mul3A_874 : memref<8x8x132xf32, #tpu.memory_space<vmem>>[vector<16xi32>, vector<16xi32>, vector<16xi32>], vector<16xf32>,
        %get3A_875 = arith.index_cast %add3A_859 : i32 to index
        %get3A_876 = arith.constant 32 : index
        %get3A_877 = tpu.vector_load %arg6[%get3A_875, %get3A_876] {strides = array<i32>} : memref<128x64xf32, #tpu.memory_space<vmem>>, vector<16xf32>,
        %mul3A_878 = arith.constant 8.000000e+00 : f32
        %mul3A_879 = vector.broadcast %mul3A_878 : f32 to vector<16xf32>
        %mul3A_880 = arith.mulf %get3A_877, %mul3A_879 : vector<16xf32>
        tpu.vector_store_idx %arg8[%select_n3A_98, %select_n3A_206, %add3A_862], %mul3A_880 : memref<8x8x132xf32, #tpu.memory_space<vmem>>[vector<16xi32>, vector<16xi32>, vector<16xi32>], vector<16xf32>,
        %get3A_881 = arith.index_cast %add3A_859 : i32 to index
        %get3A_882 = arith.constant 48 : index
        %get3A_883 = tpu.vector_load %arg6[%get3A_881, %get3A_882] {strides = array<i32>} : memref<128x64xf32, #tpu.memory_space<vmem>>, vector<16xf32>,
        %mul3A_884 = arith.constant 8.000000e+00 : f32
        %mul3A_885 = vector.broadcast %mul3A_884 : f32 to vector<16xf32>
        %mul3A_886 = arith.mulf %get3A_883, %mul3A_885 : vector<16xf32>
        tpu.vector_store_idx %arg8[%select_n3A_132, %select_n3A_231, %add3A_862], %mul3A_886 : memref<8x8x132xf32, #tpu.memory_space<vmem>>[vector<16xi32>, vector<16xi32>, vector<16xi32>], vector<16xf32>,
      }
      %scan3A_654 = arith.constant 32 : i32
      %mul3A_655 = arith.constant 8 : i32
      %mul3A_656 = arith.muli %select_n3A_279, %mul3A_655 : i32
      %add3A_657 = arith.constant 6 : i32
      %add3A_658 = arith.addi %mul3A_656, %add3A_657 : i32
      %dma_start3A_659 = arith.constant 0 : i32
      %dma_start3A_660 = arith.constant 0 : i32
      %dma_start3A_661 = arith.constant 0 : i32
      %dma_start3A_662 = tpu.memref_slice %arg8[%dma_start3A_659, %dma_start3A_660, %dma_start3A_661] : memref<8x8x132xf32, #tpu.memory_space<vmem>> -> memref<8x8x128xf32, #tpu.memory_space<vmem>>
      %dma_start3A_663 = arith.constant 0 : i32
      %dma_start3A_664 = arith.constant 0 : i32
      %dma_start3A_665 = arith.constant 0 : i32
      %dma_start3A_666 = tpu.memref_slice %arg4[%add3A_658, %dma_start3A_663, %select_n3A_295, %dma_start3A_664, %dma_start3A_665] : memref<200x8x8x8x128xf32, #tpu.memory_space<hbm>> -> memref<1x8x1x8x128xf32, #tpu.memory_space<hbm>>
      %dma_start3A_667 = tpu.memref_squeeze %dma_start3A_666 : memref<1x8x1x8x128xf32, #tpu.memory_space<hbm>> -> memref<8x8x128xf32, #tpu.memory_space<hbm>>
      %dma_start3A_668 = arith.constant 0 : i32
      %dma_start3A_669 = arith.constant 0 : i32
      %dma_start3A_670 = arith.constant 0 : i32
      %dma_start3A_671 = tpu.memref_slice %arg4[%add3A_658, %dma_start3A_668, %select_n3A_295, %dma_start3A_669, %dma_start3A_670] : memref<200x8x8x8x128xf32, #tpu.memory_space<hbm>> -> memref<1x8x1x8x128xf32, #tpu.memory_space<hbm>>
      %dma_start3A_672 = tpu.memref_squeeze %dma_start3A_671 : memref<1x8x1x8x128xf32, #tpu.memory_space<hbm>> -> memref<8x8x128xf32, #tpu.memory_space<hbm>>
      %dma_start3A_673 = arith.constant 0 : i32
      %dma_start3A_674 = arith.constant 0 : i32
      %dma_start3A_675 = arith.constant 0 : i32
      %dma_start3A_676 = tpu.memref_slice %arg8[%dma_start3A_673, %dma_start3A_674, %dma_start3A_675] : memref<8x8x132xf32, #tpu.memory_space<vmem>> -> memref<8x8x128xf32, #tpu.memory_space<vmem>>
      tpu.enqueue_dma source(%dma_start3A_676 : memref<8x8x128xf32, #tpu.memory_space<vmem>>) target(%dma_start3A_672 : memref<8x8x128xf32, #tpu.memory_space<hbm>>) target_semaphore(%arg12 : memref<!tpu.dma_semaphore, #tpu.memory_space<semaphore_mem>>)
      %dma_wait3A_677 = arith.constant 7 : i32
      %dma_wait3A_678 = arith.constant 0 : i32
      %dma_wait3A_679 = tpu.memref_slice %arg5[%dma_wait3A_677, %dma_wait3A_678] : memref<8x128xi32, #tpu.memory_space<vmem>> -> memref<1x128xi32, #tpu.memory_space<vmem>>
      %dma_wait3A_680 = tpu.memref_squeeze %dma_wait3A_679 : memref<1x128xi32, #tpu.memory_space<vmem>> -> memref<128xi32, #tpu.memory_space<vmem>>
      %dma_wait3A_681 = arith.constant 0 : i32
      %dma_wait3A_682 = arith.constant 0 : i32
      %dma_wait3A_683 = tpu.memref_slice %arg3[%dma_wait3A_681, %dma_wait3A_682] : memref<1000000x64xf32, #tpu.memory_space<hbm>> -> memref<1000000x64xf32, #tpu.memory_space<hbm>>
      tpu.wait_indirect_dma semaphore(%arg11 : memref<!tpu.dma_semaphore, #tpu.memory_space<semaphore_mem>>) src(%dma_wait3A_683 : memref<1000000x64xf32, #tpu.memory_space<hbm>>) dst(%arg7 : memref<128x64xf32, #tpu.memory_space<vmem>>)
      %dma_wait3A_684 = arith.constant 0 : i32
      %dma_wait3A_685 = arith.constant 0 : i32
      %dma_wait3A_686 = arith.constant 0 : i32
      %dma_wait3A_687 = tpu.memref_slice %arg9[%dma_wait3A_684, %dma_wait3A_685, %dma_wait3A_686] : memref<8x8x132xf32, #tpu.memory_space<vmem>> -> memref<8x8x128xf32, #tpu.memory_space<vmem>>
      %dma_wait3A_688 = arith.constant 0 : i32
      %dma_wait3A_689 = arith.constant 0 : i32
      %dma_wait3A_690 = arith.constant 0 : i32
      %dma_wait3A_691 = tpu.memref_slice %arg4[%add3A_599, %dma_wait3A_688, %select_n3A_295, %dma_wait3A_689, %dma_wait3A_690] : memref<200x8x8x8x128xf32, #tpu.memory_space<hbm>> -> memref<1x8x1x8x128xf32, #tpu.memory_space<hbm>>
      %dma_wait3A_692 = tpu.memref_squeeze %dma_wait3A_691 : memref<1x8x1x8x128xf32, #tpu.memory_space<hbm>> -> memref<8x8x128xf32, #tpu.memory_space<hbm>>
      %dma_wait3A_693 = arith.constant 0 : i32
      %dma_wait3A_694 = arith.constant 0 : i32
      %dma_wait3A_695 = arith.constant 0 : i32
      %dma_wait3A_696 = tpu.memref_slice %arg4[%add3A_599, %dma_wait3A_693, %select_n3A_295, %dma_wait3A_694, %dma_wait3A_695] : memref<200x8x8x8x128xf32, #tpu.memory_space<hbm>> -> memref<1x8x1x8x128xf32, #tpu.memory_space<hbm>>
      %dma_wait3A_697 = tpu.memref_squeeze %dma_wait3A_696 : memref<1x8x1x8x128xf32, #tpu.memory_space<hbm>> -> memref<8x8x128xf32, #tpu.memory_space<hbm>>
      %dma_wait3A_698 = arith.constant 0 : i32
      %dma_wait3A_699 = arith.constant 0 : i32
      %dma_wait3A_700 = arith.constant 0 : i32
      %dma_wait3A_701 = tpu.memref_slice %arg9[%dma_wait3A_698, %dma_wait3A_699, %dma_wait3A_700] : memref<8x8x132xf32, #tpu.memory_space<vmem>> -> memref<8x8x128xf32, #tpu.memory_space<vmem>>
      tpu.wait_dma2 semaphore(%arg13 : memref<!tpu.dma_semaphore, #tpu.memory_space<semaphore_mem>>) src(%dma_wait3A_701 : memref<8x8x128xf32, #tpu.memory_space<vmem>>) dst(%dma_wait3A_697 : memref<8x8x128xf32, #tpu.memory_space<hbm>>)
      %scan3A_702 = arith.constant 0 : i32
      %scan3A_703 = arith.constant 32 : i32
      %scan3A_704 = arith.addi %scan3A_702, %scan3A_703 : i32
      %scan3A_705 = arith.constant 1 : i32
      scf.for %scan3A_765 = %scan3A_702 to %scan3A_704 step %scan3A_705  : i32 {
        %mul3A_766 = arith.constant 1 : i32
        %mul3A_767 = arith.muli %scan3A_765, %mul3A_766 : i32
        %add3A_768 = arith.constant 0 : i32
        %add3A_769 = arith.addi %add3A_768, %mul3A_767 : i32
        %mul3A_770 = arith.constant 4 : i32
        %mul3A_771 = arith.muli %add3A_769, %mul3A_770 : i32
        %broadcast_in_dim3A = vector.broadcast %mul3A_771 : i32 to vector<16xi32>
        %add3A_772 = arith.constant 0 : i32
        %add3A_773 = arith.addi %mul3A_771, %add3A_772 : i32
        %add3A_774 = arith.constant 0 : i32
        %add3A_775 = vector.broadcast %add3A_774 : i32 to vector<16xi32>
        %add3A_776 = arith.addi %broadcast_in_dim3A, %add3A_775 : vector<16xi32>
        %get3A = arith.index_cast %add3A_773 : i32 to index
        %get3A_777 = arith.constant 0 : index
        %get3A_778 = tpu.vector_load %arg7[%get3A, %get3A_777] {strides = array<i32>} : memref<128x64xf32, #tpu.memory_space<vmem>>, vector<16xf32>,
        %mul3A_779 = arith.constant 8.000000e+00 : f32
        %mul3A_780 = vector.broadcast %mul3A_779 : f32 to vector<16xf32>
        %mul3A_781 = arith.mulf %get3A_778, %mul3A_780 : vector<16xf32>
        tpu.vector_store_idx %arg9[%select_n3A_30, %select_n3A_156, %add3A_776], %mul3A_781 : memref<8x8x132xf32, #tpu.memory_space<vmem>>[vector<16xi32>, vector<16xi32>, vector<16xi32>], vector<16xf32>,
        %get3A_782 = arith.index_cast %add3A_773 : i32 to index
        %get3A_783 = arith.constant 16 : index
        %get3A_784 = tpu.vector_load %arg7[%get3A_782, %get3A_783] {strides = array<i32>} : memref<128x64xf32, #tpu.memory_space<vmem>>, vector<16xf32>,
        %mul3A_785 = arith.constant 8.000000e+00 : f32
        %mul3A_786 = vector.broadcast %mul3A_785 : f32 to vector<16xf32>
        %mul3A_787 = arith.mulf %get3A_784, %mul3A_786 : vector<16xf32>
        tpu.vector_store_idx %arg9[%select_n3A_64, %select_n3A_181, %add3A_776], %mul3A_787 : memref<8x8x132xf32, #tpu.memory_space<vmem>>[vector<16xi32>, vector<16xi32>, vector<16xi32>], vector<16xf32>,
        %get3A_788 = arith.index_cast %add3A_773 : i32 to index
        %get3A_789 = arith.constant 32 : index
        %get3A_790 = tpu.vector_load %arg7[%get3A_788, %get3A_789] {strides = array<i32>} : memref<128x64xf32, #tpu.memory_space<vmem>>, vector<16xf32>,
        %mul3A_791 = arith.constant 8.000000e+00 : f32
        %mul3A_792 = vector.broadcast %mul3A_791 : f32 to vector<16xf32>
        %mul3A_793 = arith.mulf %get3A_790, %mul3A_792 : vector<16xf32>
        tpu.vector_store_idx %arg9[%select_n3A_98, %select_n3A_206, %add3A_776], %mul3A_793 : memref<8x8x132xf32, #tpu.memory_space<vmem>>[vector<16xi32>, vector<16xi32>, vector<16xi32>], vector<16xf32>,
        %get3A_794 = arith.index_cast %add3A_773 : i32 to index
        %get3A_795 = arith.constant 48 : index
        %get3A_796 = tpu.vector_load %arg7[%get3A_794, %get3A_795] {strides = array<i32>} : memref<128x64xf32, #tpu.memory_space<vmem>>, vector<16xf32>,
        %mul3A_797 = arith.constant 8.000000e+00 : f32
        %mul3A_798 = vector.broadcast %mul3A_797 : f32 to vector<16xf32>
        %mul3A_799 = arith.mulf %get3A_796, %mul3A_798 : vector<16xf32>
        tpu.vector_store_idx %arg9[%select_n3A_132, %select_n3A_231, %add3A_776], %mul3A_799 : memref<8x8x132xf32, #tpu.memory_space<vmem>>[vector<16xi32>, vector<16xi32>, vector<16xi32>], vector<16xf32>,
        %add3A_800 = arith.constant 1 : i32
        %add3A_801 = arith.addi %mul3A_771, %add3A_800 : i32
        %add3A_802 = arith.constant 1 : i32
        %add3A_803 = vector.broadcast %add3A_802 : i32 to vector<16xi32>
        %add3A_804 = arith.addi %broadcast_in_dim3A, %add3A_803 : vector<16xi32>
        %get3A_805 = arith.index_cast %add3A_801 : i32 to index
        %get3A_806 = arith.constant 0 : index
        %get3A_807 = tpu.vector_load %arg7[%get3A_805, %get3A_806] {strides = array<i32>} : memref<128x64xf32, #tpu.memory_space<vmem>>, vector<16xf32>,
        %mul3A_808 = arith.constant 8.000000e+00 : f32
        %mul3A_809 = vector.broadcast %mul3A_808 : f32 to vector<16xf32>
        %mul3A_810 = arith.mulf %get3A_807, %mul3A_809 : vector<16xf32>
        tpu.vector_store_idx %arg9[%select_n3A_30, %select_n3A_156, %add3A_804], %mul3A_810 : memref<8x8x132xf32, #tpu.memory_space<vmem>>[vector<16xi32>, vector<16xi32>, vector<16xi32>], vector<16xf32>,
        %get3A_811 = arith.index_cast %add3A_801 : i32 to index
        %get3A_812 = arith.constant 16 : index
        %get3A_813 = tpu.vector_load %arg7[%get3A_811, %get3A_812] {strides = array<i32>} : memref<128x64xf32, #tpu.memory_space<vmem>>, vector<16xf32>,
        %mul3A_814 = arith.constant 8.000000e+00 : f32
        %mul3A_815 = vector.broadcast %mul3A_814 : f32 to vector<16xf32>
        %mul3A_816 = arith.mulf %get3A_813, %mul3A_815 : vector<16xf32>
        tpu.vector_store_idx %arg9[%select_n3A_64, %select_n3A_181, %add3A_804], %mul3A_816 : memref<8x8x132xf32, #tpu.memory_space<vmem>>[vector<16xi32>, vector<16xi32>, vector<16xi32>], vector<16xf32>,
        %get3A_817 = arith.index_cast %add3A_801 : i32 to index
        %get3A_818 = arith.constant 32 : index
        %get3A_819 = tpu.vector_load %arg7[%get3A_817, %get3A_818] {strides = array<i32>} : memref<128x64xf32, #tpu.memory_space<vmem>>, vector<16xf32>,
        %mul3A_820 = arith.constant 8.000000e+00 : f32
        %mul3A_821 = vector.broadcast %mul3A_820 : f32 to vector<16xf32>
        %mul3A_822 = arith.mulf %get3A_819, %mul3A_821 : vector<16xf32>
        tpu.vector_store_idx %arg9[%select_n3A_98, %select_n3A_206, %add3A_804], %mul3A_822 : memref<8x8x132xf32, #tpu.memory_space<vmem>>[vector<16xi32>, vector<16xi32>, vector<16xi32>], vector<16xf32>,
        %get3A_823 = arith.index_cast %add3A_801 : i32 to index
        %get3A_824 = arith.constant 48 : index
        %get3A_825 = tpu.vector_load %arg7[%get3A_823, %get3A_824] {strides = array<i32>} : memref<128x64xf32, #tpu.memory_space<vmem>>, vector<16xf32>,
        %mul3A_826 = arith.constant 8.000000e+00 : f32
        %mul3A_827 = vector.broadcast %mul3A_826 : f32 to vector<16xf32>
        %mul3A_828 = arith.mulf %get3A_825, %mul3A_827 : vector<16xf32>
        tpu.vector_store_idx %arg9[%select_n3A_132, %select_n3A_231, %add3A_804], %mul3A_828 : memref<8x8x132xf32, #tpu.memory_space<vmem>>[vector<16xi32>, vector<16xi32>, vector<16xi32>], vector<16xf32>,
        %add3A_829 = arith.constant 2 : i32
        %add3A_830 = arith.addi %mul3A_771, %add3A_829 : i32
        %add3A_831 = arith.constant 2 : i32
        %add3A_832 = vector.broadcast %add3A_831 : i32 to vector<16xi32>
        %add3A_833 = arith.addi %broadcast_in_dim3A, %add3A_832 : vector<16xi32>
        %get3A_834 = arith.index_cast %add3A_830 : i32 to index
        %get3A_835 = arith.constant 0 : index
        %get3A_836 = tpu.vector_load %arg7[%get3A_834, %get3A_835] {strides = array<i32>} : memref<128x64xf32, #tpu.memory_space<vmem>>, vector<16xf32>,
        %mul3A_837 = arith.constant 8.000000e+00 : f32
        %mul3A_838 = vector.broadcast %mul3A_837 : f32 to vector<16xf32>
        %mul3A_839 = arith.mulf %get3A_836, %mul3A_838 : vector<16xf32>
        tpu.vector_store_idx %arg9[%select_n3A_30, %select_n3A_156, %add3A_833], %mul3A_839 : memref<8x8x132xf32, #tpu.memory_space<vmem>>[vector<16xi32>, vector<16xi32>, vector<16xi32>], vector<16xf32>,
        %get3A_840 = arith.index_cast %add3A_830 : i32 to index
        %get3A_841 = arith.constant 16 : index
        %get3A_842 = tpu.vector_load %arg7[%get3A_840, %get3A_841] {strides = array<i32>} : memref<128x64xf32, #tpu.memory_space<vmem>>, vector<16xf32>,
        %mul3A_843 = arith.constant 8.000000e+00 : f32
        %mul3A_844 = vector.broadcast %mul3A_843 : f32 to vector<16xf32>
        %mul3A_845 = arith.mulf %get3A_842, %mul3A_844 : vector<16xf32>
        tpu.vector_store_idx %arg9[%select_n3A_64, %select_n3A_181, %add3A_833], %mul3A_845 : memref<8x8x132xf32, #tpu.memory_space<vmem>>[vector<16xi32>, vector<16xi32>, vector<16xi32>], vector<16xf32>,
        %get3A_846 = arith.index_cast %add3A_830 : i32 to index
        %get3A_847 = arith.constant 32 : index
        %get3A_848 = tpu.vector_load %arg7[%get3A_846, %get3A_847] {strides = array<i32>} : memref<128x64xf32, #tpu.memory_space<vmem>>, vector<16xf32>,
        %mul3A_849 = arith.constant 8.000000e+00 : f32
        %mul3A_850 = vector.broadcast %mul3A_849 : f32 to vector<16xf32>
        %mul3A_851 = arith.mulf %get3A_848, %mul3A_850 : vector<16xf32>
        tpu.vector_store_idx %arg9[%select_n3A_98, %select_n3A_206, %add3A_833], %mul3A_851 : memref<8x8x132xf32, #tpu.memory_space<vmem>>[vector<16xi32>, vector<16xi32>, vector<16xi32>], vector<16xf32>,
        %get3A_852 = arith.index_cast %add3A_830 : i32 to index
        %get3A_853 = arith.constant 48 : index
        %get3A_854 = tpu.vector_load %arg7[%get3A_852, %get3A_853] {strides = array<i32>} : memref<128x64xf32, #tpu.memory_space<vmem>>, vector<16xf32>,
        %mul3A_855 = arith.constant 8.000000e+00 : f32
        %mul3A_856 = vector.broadcast %mul3A_855 : f32 to vector<16xf32>
        %mul3A_857 = arith.mulf %get3A_854, %mul3A_856 : vector<16xf32>
        tpu.vector_store_idx %arg9[%select_n3A_132, %select_n3A_231, %add3A_833], %mul3A_857 : memref<8x8x132xf32, #tpu.memory_space<vmem>>[vector<16xi32>, vector<16xi32>, vector<16xi32>], vector<16xf32>,
        %add3A_858 = arith.constant 3 : i32
        %add3A_859 = arith.addi %mul3A_771, %add3A_858 : i32
        %add3A_860 = arith.constant 3 : i32
        %add3A_861 = vector.broadcast %add3A_860 : i32 to vector<16xi32>
        %add3A_862 = arith.addi %broadcast_in_dim3A, %add3A_861 : vector<16xi32>
        %get3A_863 = arith.index_cast %add3A_859 : i32 to index
        %get3A_864 = arith.constant 0 : index
        %get3A_865 = tpu.vector_load %arg7[%get3A_863, %get3A_864] {strides = array<i32>} : memref<128x64xf32, #tpu.memory_space<vmem>>, vector<16xf32>,
        %mul3A_866 = arith.constant 8.000000e+00 : f32
        %mul3A_867 = vector.broadcast %mul3A_866 : f32 to vector<16xf32>
        %mul3A_868 = arith.mulf %get3A_865, %mul3A_867 : vector<16xf32>
        tpu.vector_store_idx %arg9[%select_n3A_30, %select_n3A_156, %add3A_862], %mul3A_868 : memref<8x8x132xf32, #tpu.memory_space<vmem>>[vector<16xi32>, vector<16xi32>, vector<16xi32>], vector<16xf32>,
        %get3A_869 = arith.index_cast %add3A_859 : i32 to index
        %get3A_870 = arith.constant 16 : index
        %get3A_871 = tpu.vector_load %arg7[%get3A_869, %get3A_870] {strides = array<i32>} : memref<128x64xf32, #tpu.memory_space<vmem>>, vector<16xf32>,
        %mul3A_872 = arith.constant 8.000000e+00 : f32
        %mul3A_873 = vector.broadcast %mul3A_872 : f32 to vector<16xf32>
        %mul3A_874 = arith.mulf %get3A_871, %mul3A_873 : vector<16xf32>
        tpu.vector_store_idx %arg9[%select_n3A_64, %select_n3A_181, %add3A_862], %mul3A_874 : memref<8x8x132xf32, #tpu.memory_space<vmem>>[vector<16xi32>, vector<16xi32>, vector<16xi32>], vector<16xf32>,
        %get3A_875 = arith.index_cast %add3A_859 : i32 to index
        %get3A_876 = arith.constant 32 : index
        %get3A_877 = tpu.vector_load %arg7[%get3A_875, %get3A_876] {strides = array<i32>} : memref<128x64xf32, #tpu.memory_space<vmem>>, vector<16xf32>,
        %mul3A_878 = arith.constant 8.000000e+00 : f32
        %mul3A_879 = vector.broadcast %mul3A_878 : f32 to vector<16xf32>
        %mul3A_880 = arith.mulf %get3A_877, %mul3A_879 : vector<16xf32>
        tpu.vector_store_idx %arg9[%select_n3A_98, %select_n3A_206, %add3A_862], %mul3A_880 : memref<8x8x132xf32, #tpu.memory_space<vmem>>[vector<16xi32>, vector<16xi32>, vector<16xi32>], vector<16xf32>,
        %get3A_881 = arith.index_cast %add3A_859 : i32 to index
        %get3A_882 = arith.constant 48 : index
        %get3A_883 = tpu.vector_load %arg7[%get3A_881, %get3A_882] {strides = array<i32>} : memref<128x64xf32, #tpu.memory_space<vmem>>, vector<16xf32>,
        %mul3A_884 = arith.constant 8.000000e+00 : f32
        %mul3A_885 = vector.broadcast %mul3A_884 : f32 to vector<16xf32>
        %mul3A_886 = arith.mulf %get3A_883, %mul3A_885 : vector<16xf32>
        tpu.vector_store_idx %arg9[%select_n3A_132, %select_n3A_231, %add3A_862], %mul3A_886 : memref<8x8x132xf32, #tpu.memory_space<vmem>>[vector<16xi32>, vector<16xi32>, vector<16xi32>], vector<16xf32>,
      }
      %scan3A_706 = arith.constant 32 : i32
      %mul3A_707 = arith.constant 8 : i32
      %mul3A_708 = arith.muli %select_n3A_279, %mul3A_707 : i32
      %add3A_709 = arith.constant 7 : i32
      %add3A_710 = arith.addi %mul3A_708, %add3A_709 : i32
      %dma_start3A_711 = arith.constant 0 : i32
      %dma_start3A_712 = arith.constant 0 : i32
      %dma_start3A_713 = arith.constant 0 : i32
      %dma_start3A_714 = tpu.memref_slice %arg9[%dma_start3A_711, %dma_start3A_712, %dma_start3A_713] : memref<8x8x132xf32, #tpu.memory_space<vmem>> -> memref<8x8x128xf32, #tpu.memory_space<vmem>>
      %dma_start3A_715 = arith.constant 0 : i32
      %dma_start3A_716 = arith.constant 0 : i32
      %dma_start3A_717 = arith.constant 0 : i32
      %dma_start3A_718 = tpu.memref_slice %arg4[%add3A_710, %dma_start3A_715, %select_n3A_295, %dma_start3A_716, %dma_start3A_717] : memref<200x8x8x8x128xf32, #tpu.memory_space<hbm>> -> memref<1x8x1x8x128xf32, #tpu.memory_space<hbm>>
      %dma_start3A_719 = tpu.memref_squeeze %dma_start3A_718 : memref<1x8x1x8x128xf32, #tpu.memory_space<hbm>> -> memref<8x8x128xf32, #tpu.memory_space<hbm>>
      %dma_start3A_720 = arith.constant 0 : i32
      %dma_start3A_721 = arith.constant 0 : i32
      %dma_start3A_722 = arith.constant 0 : i32
      %dma_start3A_723 = tpu.memref_slice %arg4[%add3A_710, %dma_start3A_720, %select_n3A_295, %dma_start3A_721, %dma_start3A_722] : memref<200x8x8x8x128xf32, #tpu.memory_space<hbm>> -> memref<1x8x1x8x128xf32, #tpu.memory_space<hbm>>
      %dma_start3A_724 = tpu.memref_squeeze %dma_start3A_723 : memref<1x8x1x8x128xf32, #tpu.memory_space<hbm>> -> memref<8x8x128xf32, #tpu.memory_space<hbm>>
      %dma_start3A_725 = arith.constant 0 : i32
      %dma_start3A_726 = arith.constant 0 : i32
      %dma_start3A_727 = arith.constant 0 : i32
      %dma_start3A_728 = tpu.memref_slice %arg9[%dma_start3A_725, %dma_start3A_726, %dma_start3A_727] : memref<8x8x132xf32, #tpu.memory_space<vmem>> -> memref<8x8x128xf32, #tpu.memory_space<vmem>>
      tpu.enqueue_dma source(%dma_start3A_728 : memref<8x8x128xf32, #tpu.memory_space<vmem>>) target(%dma_start3A_724 : memref<8x8x128xf32, #tpu.memory_space<hbm>>) target_semaphore(%arg13 : memref<!tpu.dma_semaphore, #tpu.memory_space<semaphore_mem>>)
      %dma_wait3A_729 = arith.constant 0 : i32
      %dma_wait3A_730 = arith.constant 0 : i32
      %dma_wait3A_731 = arith.constant 0 : i32
      %dma_wait3A_732 = tpu.memref_slice %arg8[%dma_wait3A_729, %dma_wait3A_730, %dma_wait3A_731] : memref<8x8x132xf32, #tpu.memory_space<vmem>> -> memref<8x8x128xf32, #tpu.memory_space<vmem>>
      %dma_wait3A_733 = arith.constant 0 : i32
      %dma_wait3A_734 = arith.constant 0 : i32
      %dma_wait3A_735 = arith.constant 0 : i32
      %dma_wait3A_736 = tpu.memref_slice %arg4[%add3A_658, %dma_wait3A_733, %select_n3A_295, %dma_wait3A_734, %dma_wait3A_735] : memref<200x8x8x8x128xf32, #tpu.memory_space<hbm>> -> memref<1x8x1x8x128xf32, #tpu.memory_space<hbm>>
      %dma_wait3A_737 = tpu.memref_squeeze %dma_wait3A_736 : memref<1x8x1x8x128xf32, #tpu.memory_space<hbm>> -> memref<8x8x128xf32, #tpu.memory_space<hbm>>
      %dma_wait3A_738 = arith.constant 0 : i32
      %dma_wait3A_739 = arith.constant 0 : i32
      %dma_wait3A_740 = arith.constant 0 : i32
      %dma_wait3A_741 = tpu.memref_slice %arg4[%add3A_658, %dma_wait3A_738, %select_n3A_295, %dma_wait3A_739, %dma_wait3A_740] : memref<200x8x8x8x128xf32, #tpu.memory_space<hbm>> -> memref<1x8x1x8x128xf32, #tpu.memory_space<hbm>>
      %dma_wait3A_742 = tpu.memref_squeeze %dma_wait3A_741 : memref<1x8x1x8x128xf32, #tpu.memory_space<hbm>> -> memref<8x8x128xf32, #tpu.memory_space<hbm>>
      %dma_wait3A_743 = arith.constant 0 : i32
      %dma_wait3A_744 = arith.constant 0 : i32
      %dma_wait3A_745 = arith.constant 0 : i32
      %dma_wait3A_746 = tpu.memref_slice %arg8[%dma_wait3A_743, %dma_wait3A_744, %dma_wait3A_745] : memref<8x8x132xf32, #tpu.memory_space<vmem>> -> memref<8x8x128xf32, #tpu.memory_space<vmem>>
      tpu.wait_dma2 semaphore(%arg12 : memref<!tpu.dma_semaphore, #tpu.memory_space<semaphore_mem>>) src(%dma_wait3A_746 : memref<8x8x128xf32, #tpu.memory_space<vmem>>) dst(%dma_wait3A_742 : memref<8x8x128xf32, #tpu.memory_space<hbm>>)
      %dma_wait3A_747 = arith.constant 0 : i32
      %dma_wait3A_748 = arith.constant 0 : i32
      %dma_wait3A_749 = arith.constant 0 : i32
      %dma_wait3A_750 = tpu.memref_slice %arg9[%dma_wait3A_747, %dma_wait3A_748, %dma_wait3A_749] : memref<8x8x132xf32, #tpu.memory_space<vmem>> -> memref<8x8x128xf32, #tpu.memory_space<vmem>>
      %dma_wait3A_751 = arith.constant 0 : i32
      %dma_wait3A_752 = arith.constant 0 : i32
      %dma_wait3A_753 = arith.constant 0 : i32
      %dma_wait3A_754 = tpu.memref_slice %arg4[%add3A_710, %dma_wait3A_751, %select_n3A_295, %dma_wait3A_752, %dma_wait3A_753] : memref<200x8x8x8x128xf32, #tpu.memory_space<hbm>> -> memref<1x8x1x8x128xf32, #tpu.memory_space<hbm>>
      %dma_wait3A_755 = tpu.memref_squeeze %dma_wait3A_754 : memref<1x8x1x8x128xf32, #tpu.memory_space<hbm>> -> memref<8x8x128xf32, #tpu.memory_space<hbm>>
      %dma_wait3A_756 = arith.constant 0 : i32
      %dma_wait3A_757 = arith.constant 0 : i32
      %dma_wait3A_758 = arith.constant 0 : i32
      %dma_wait3A_759 = tpu.memref_slice %arg4[%add3A_710, %dma_wait3A_756, %select_n3A_295, %dma_wait3A_757, %dma_wait3A_758] : memref<200x8x8x8x128xf32, #tpu.memory_space<hbm>> -> memref<1x8x1x8x128xf32, #tpu.memory_space<hbm>>
      %dma_wait3A_760 = tpu.memref_squeeze %dma_wait3A_759 : memref<1x8x1x8x128xf32, #tpu.memory_space<hbm>> -> memref<8x8x128xf32, #tpu.memory_space<hbm>>
      %dma_wait3A_761 = arith.constant 0 : i32
      %dma_wait3A_762 = arith.constant 0 : i32
      %dma_wait3A_763 = arith.constant 0 : i32
      %dma_wait3A_764 = tpu.memref_slice %arg9[%dma_wait3A_761, %dma_wait3A_762, %dma_wait3A_763] : memref<8x8x132xf32, #tpu.memory_space<vmem>> -> memref<8x8x128xf32, #tpu.memory_space<vmem>>
      tpu.wait_dma2 semaphore(%arg13 : memref<!tpu.dma_semaphore, #tpu.memory_space<semaphore_mem>>) src(%dma_wait3A_764 : memref<8x8x128xf32, #tpu.memory_space<vmem>>) dst(%dma_wait3A_760 : memref<8x8x128xf32, #tpu.memory_space<hbm>>)
    }
    return
  }
}

</mosaic_0001>

<sc_bundles>
// kernel: kernel.3.cloned.1.call-start
scs
__scs_entry_jumppad:
0x0: {  	(pc) =	sbr.rel $0x88, $3  }
0x1: {  	(tag) =	ssettag $0x0;
	lr =	simm.s32 $0x1  }
0x2: {  	[smem:$0x3F9F] =	sst lr;
	_ =	strace $0xD0000000  }
0x3: {  	_ = 	snop  }
0x4: {  	_ = 	snop  }
0x5: {  	_ = 	snop  }
0x6: {  	_ = 	snop  }
0x7: {  	_ = 	snop  }
__scs_overlays_trampoline_lowered:
0x8: {  	[smem:$0x3FAE] =	sst s0  }
0x9: {  	[smem:$0x3FAF] =	sst s1  }
0xa: {  	[smem:$0x3FB0] =	sst s2  }
0xb: {  	[smem:$0x3FB1] =	sst s3  }
0xc: {  	[smem:$0x3FB2] =	sst s4  }
0xd: {  	[smem:$0x3FB3] =	sst s5  }
0xe: {  	[smem:$0x3FB4] =	sst s6  }
0xf: {  	[smem:$0x3FB5] =	sst s7  }
0x10: {  	[smem:$0x3FB6] =	sst s8  }
0x11: {  	[smem:$0x3FB7] =	sst s9;
	s0 =	simm.s32 @!p0 $0x0  }
0x12: {  	s1 =	sld [smem:$0x3F9D];
	s0 =	simm.s32 @p0 $0x1  }
0x13: {  	[smem:$0x3FB8] =	sst s0;
	s0 =	simm.s32 @!p1 $0x0  }
0x14: {  	s2 =	sld [smem:$0x3F9C];
	s0 =	simm.s32 @p1 $0x1  }
0x15: {  	[smem:$0x3FB9] =	sst s0;
	s0 =	simm.s32 @!p2 $0x0  }
0x16: {  	s3 =	sld [smem:$0x3FDB];
	s0 =	simm.s32 @p2 $0x1  }
0x17: {  	s4 =	simm.s32 $0x1BF5;
	[smem:$0x3FBB] =	sst s0  }
0x18: {  	s0 =	sld [smem:$0x3F9E];
	_ =	swait.ge [sflag:s4], $0x0  }
0x19: {  	s7 =	sld [smem:$0x3F9F]  }
0x1a: {  	s8 =	sadd.s32 $0xFFFFE003, lr  }
0x1b: {  	s9 =	sadd.s32 $0xFFFFFEF7, lr;
	s5 =	simm.s32 $0xFFFFFFFF;
	p2 =	slt.u32 s8, $0xFFFFF086  }
0x1c: {  	p1 =	slt.u32 s9, $0xF7A;
	s5 =	simm.s32 @!p2 $0x0  }
0x1d: {  	s5 =	simm.s32 @p1 $0x1;
	p0 =	seq.s32 s7, s2  }
0x1e: {  	s7 =	smul.u32 @!p0 $0xF7A, s2;
	p2 =	seq.s32 @!p0 s5, $0x0  }
0x1f: {  	s9 =	smul.u32 $0xF7A, s1;
	s8 =	simm.s32 @!p0 $0x1BF5;
	p2 =	por !p2, p0  }
0x20: {  	[sflag:s8] =	ssyncset.s32 @!p0 $0xFFFFF086;
	s6 =	sadd.s32 @!p0 s3, s7;
	s7 =	simm.s32 @!p0 $0x108  }
0x21: {  	s3 =	sadd.s32 s3, s9;
	s6 =	sadd.s32 @!p0 $0x88, s6;
	s7 =	simm.s32 @p2 $0x1082  }
0x22: {  	[simem:s7], [sflag:s8] =	dma.local @!p0 [hbm:s6], $0xF7A  }
0x23: {  	s9 =	sor.u32 $0xD0000000, s2;
	s6 =	simm.s32 $0x108;
	_ =	swait.ge @!p0 [sflag:s8], $0x0  }
0x24: {  	s3 =	sadd.s32 $0x88, s3;
	s6 =	simm.s32 @!p1 $0x1082;
	[sflag:s4] =	ssyncset.s32 $0xFFFFF086  }
0x25: {  	[simem:s6], [sflag:s4] =	dma.local [hbm:s3], $0xF7A  }
0x26: {  	[smem:$0x3F9F] =	sst s1;
	(tag) =	ssettag s2;
	_ =	strace s9  }
0x27: {  	s1 =	sld [smem:$0x3FAF]  }
0x28: {  	s2 =	sld [smem:$0x3FB0]  }
0x29: {  	s4 =	sld [smem:$0x3FB2]  }
0x2a: {  	p0 =	seq.s32 s5, $0x0;
	s5 =	sld [smem:$0x3FB3]  }
0x2b: {  	s6 =	sld [smem:$0x3FB4]  }
0x2c: {  	s7 =	sld [smem:$0x3FB5]  }
0x2d: {  	s3 =	simm.s32 $0x108;
	s8 =	sld [smem:$0x3FB6]  }
0x2e: {  	s3 =	simm.s32 @!p0 $0x1082;
	s9 =	sld [smem:$0x3FB7]  }
0x2f: {  	lr =	sadd.s32 s0, s3;
	s0 =	sld [smem:$0x3FAE]  }
0x30: {  	s3 =	sld [smem:$0x3FB1]  }
0x31: {  	[smem:$0x3FBA] =	sst s10  }
0x32: {  	s10 =	sld [smem:$0x3FB8];
	_ =	sdelay $0x3  }
0x33: {  	p0 =	seq.s32 s10, $0x1;
	s10 =	sld [smem:$0x3FBA];
	_ =	sdelay $0x3  }
0x34: {  	[smem:$0x3FBA] =	sst s10  }
0x35: {  	s10 =	sld [smem:$0x3FB9];
	_ =	sdelay $0x3  }
0x36: {  	p1 =	seq.s32 s10, $0x1;
	s10 =	sld [smem:$0x3FBA];
	_ =	sdelay $0x3  }
0x37: {  	[smem:$0x3FBA] =	sst s10  }
0x38: {  	s10 =	sld [smem:$0x3FBB]  }
0x39: {  	_ = 	snop;
	(pc) =	sbr.ind lr, $3  }
0x3a: {  	_ = 	snop  }
0x3b: {  	_ = 	snop  }
0x3c: {  	p2 =	seq.s32 s10, $0x1;
	s10 =	sld [smem:$0x3FBA]  }
0x3d: {  	_ =	shalt  }
0x3e: {  	_ =	shalt  }
0x3f: {  	_ =	shalt  }
0x40: {  	_ =	shalt  }
0x41: {  	_ =	shalt  }
0x42: {  	_ =	shalt  }
0x43: {  	_ =	shalt  }
0x44: {  	_ =	shalt  }
0x45: {  	_ =	shalt  }
0x46: {  	_ =	shalt  }
0x47: {  	_ =	shalt  }
0x48: {  	_ =	shalt  }
0x49: {  	_ =	shalt  }
0x4a: {  	_ =	shalt  }
0x4b: {  	_ =	shalt  }
0x4c: {  	_ =	shalt  }
0x4d: {  	_ =	shalt  }
0x4e: {  	_ =	shalt  }
0x4f: {  	_ =	shalt  }
0x50: {  	_ =	shalt  }
0x51: {  	_ =	shalt  }
0x52: {  	_ =	shalt  }
0x53: {  	_ =	shalt  }
0x54: {  	_ =	shalt  }
0x55: {  	_ =	shalt  }
0x56: {  	_ =	shalt  }
0x57: {  	_ =	shalt  }
0x58: {  	_ =	shalt  }
0x59: {  	_ =	shalt  }
0x5a: {  	_ =	shalt  }
0x5b: {  	_ =	shalt  }
0x5c: {  	_ =	shalt  }
0x5d: {  	_ =	shalt  }
0x5e: {  	_ =	shalt  }
0x5f: {  	_ =	shalt  }
0x60: {  	_ =	shalt  }
0x61: {  	_ =	shalt  }
0x62: {  	_ =	shalt  }
0x63: {  	_ =	shalt  }
0x64: {  	_ =	shalt  }
0x65: {  	_ =	shalt  }
0x66: {  	_ =	shalt  }
0x67: {  	_ =	shalt  }
0x68: {  	_ =	shalt  }
0x69: {  	_ =	shalt  }
0x6a: {  	_ =	shalt  }
0x6b: {  	_ =	shalt  }
0x6c: {  	_ =	shalt  }
0x6d: {  	_ =	shalt  }
0x6e: {  	_ =	shalt  }
0x6f: {  	_ =	shalt  }
0x70: {  	_ =	shalt  }
0x71: {  	_ =	shalt  }
0x72: {  	_ =	shalt  }
0x73: {  	_ =	shalt  }
0x74: {  	_ =	shalt  }
0x75: {  	_ =	shalt  }
0x76: {  	_ =	shalt  }
0x77: {  	_ =	shalt  }
0x78: {  	_ =	shalt  }
0x79: {  	_ =	shalt  }
0x7a: {  	_ =	shalt  }
0x7b: {  	_ =	shalt  }
0x7c: {  	_ =	shalt  }
0x7d: {  	_ =	shalt  }
0x7e: {  	_ =	shalt  }
0x7f: {  	_ =	shalt  }
0x80: {  	_ =	shalt  }
0x81: {  	_ =	shalt  }
0x82: {  	_ =	shalt  }
0x83: {  	_ =	shalt  }
0x84: {  	_ =	shalt  }
0x85: {  	_ =	shalt  }
0x86: {  	_ =	shalt  }
0x87: {  	_ =	shalt  }
.Lfunc_end0:
.L_simem_size_0:
called_computation_lowered:
.L_overlay_start_0:
0x88: {  	s2 =	sld [smem:$0x3FD9]  }
0x89: {  	s3 =	sld [smem:$0x3FFE];
	_ =	sdelay $0x1  }
0x8a: {  	s1 =	srdreg.scid  }
0x8b: {  	s0 =	sand.u32 $0x1, s1  }
0x8c: {  	s17 =	sshll.u32 s0, $0xA;
	s2 =	sadd.s32 s3, s2  }
0x8d: {  	s2 =	sadd.s32 s2, s17  }
0x8e: {  	[smem:$0x3FC6] =	sst s2  }
0x8f: {  	_ = 	snop  }
0x90: {  	s2 =	sld [smem:$0x3FC9]  }
0x91: {  	s18 =	sld [smem:$0x3FD0];
	(tm) =	ssettm $0x1  }
0x92: {  	s4 =	sld [smem:$0x3FFB];
	_ =	sdelay $0x3  }
0x93: {  	_ =	strace s4  }
0x94: {  	s4 =	sld [smem:$0x3FFC];
	_ =	sdelay $0x3  }
0x95: {  	_ =	strace s4  }
0x96: {  	s4 =	sld [smem:$0x3FFD];
	_ =	sdelay $0x3  }
0x97: {  	_ =	strace s4  }
0x98: {  	_ =	strace $0x8FFFFFFF  }
0x99: {  	s19 =	sld [smem:$0x3FDB];
	_ =	sdelay $0x1  }
0x9a: {  	s5 =	simm.s32 $_scs_section_size  }
0x9b: {  	s6 =	simm.s32 $_size__tile_overlayer_lowered;
	s7 =	simm.s32 $_tile_overlayer_lowered  }
0x9c: {  	s22 =	simm.s32 $0x1BFF;
	s21 =	sshll.u32 s7, $0x1;
	s4 =	sadd.s32 s5, s19  }
0x9d: {  	s8 =	simm.s32 $0x0;
	s20 =	sshll.u32 s6, $0x1;
	s6 =	sadd.s32 s21, s4  }
0x9e: {  	[timem:s8], [sflag:s22] =	dma.local [hbm:s6], s20  }
0x9f: {  	_ =	swait.ge [sflag:s22], s20  }
0xa0: {  	s5 =	ssub.s32 $0x0, s20;
	[sflag:s22] =	ssyncset.done $0x0  }
0xa1: {  	[sflag:s22] =	ssyncadd.s32 s5;
	_ =	sdelay $0x1  }
0xa2: {  	s23 =	simm.s32 $0x1B8B  }
0xa3: {  	_ =	swait.ge [sflag:s23], $0x1  }
0xa4: {  	[sflag:s23] =	ssyncset.done $0x0  }
0xa5: {  	s25 =	simm.s32 $0x1B8E;
	s24 =	sld [smem:$0x3FFE];
	[sflag:s23] =	ssyncadd.s32 $0xFFFFFFFF  }
0xa6: {  	s26 =	simm.s32 $execute0_lowered;
	[smem:$0x3FD2] =	sst s25  }
0xa7: {  	s6 =	sshll.u32 s26, $0x1;
	_ =	strace $0x80000046;
	[dreg:$0x1] =	wrdreg $0xFFFFFFFF  }
0xa8: {  	s28 =	simm.s32 $_size_execute0_lowered;
	s4 =	sadd.s32 s4, s6;
	[dreg:$0x0] =	wrdreg $0x0  }
0xa9: {  	s6 =	sshll.u32 s28, $0x1;
	[dreg:$0x2] =	wrdreg s4  }
0xaa: {  	[dreg:$0x3] =	wrdreg s6  }
0xab: {  	[dreg:$0x4] =	wrdreg $0xC0  }
0xac: {  	_ =	task [dreg:s8], $0x5FFFF  }
0xad: {  	[dreg:$0x1] =	wrdreg $0xFFFFFFFF  }
0xae: {  	[dreg:$0x0] =	wrdreg $0x60  }
0xaf: {  	[dreg:$0x2] =	wrdreg s2  }
0xb0: {  	[dreg:$0x3] =	wrdreg s24  }
0xb1: {  	[dreg:$0x4] =	wrdreg s18  }
0xb2: {  	[dreg:$0x5] =	wrdreg $0x9  }
0xb3: {  	_ =	task.clear_ibuf [dreg:s8], $0x6FFFF;
	_ =	strace $0x90000046  }
0xb4: {  	s29 =	simm.s32 $0x9;
	_ =	strace $0x80000048  }
0xb5: {  	_ =	swait.ge [sflag:s29], $0x1  }
0xb6: {  	[sflag:s29] =	ssyncadd.s32 $0xFFFFFFFF  }
0xb7: {  	_ =	strace $0x90000048  }
0xb8: {  	_ =	sfence  }
0xb9: {  	s30 =	sld [smem:$0x0];
	_ =	sdelay $0x2  }
0xba: {  	s31 =	sshll.u32 s1, $0xD;
	s1 =	sshrl.u32 s1, $0x2  }
0xbb: {  	s3 =	sand.u32 $0x4000, s31;
	s1 =	sadd.s32 s1, s30  }
0xbc: {  	s0 =	sor.u32 s3, s0;
	s1 =	sshll.u32 s1, $0x11  }
0xbd: {  	s0 =	sor.u32 s1, s0  }
0xbe: {  	s0 =	sadd.s32 $0x8F2B, s0  }
0xbf: {  	[sflag:s0] =	ssyncadd.remote.s32 $0x1  }
0xc0: {  	_ =	sfence.sel $0xFFFF  }
0xc1: {  	[dreg:$0x0] =	wrdreg $0xFFFFFFFF;
	(pc) =	sbr.abs _section_cstart, $3  }
0xc2: {  	[dreg:$0x1] =	wrdreg $0xFFFFFFFF  }
0xc3: {  	_ =	task.clear_ibuf [dreg:s8], $0x2FFFF;
	_ =	strace $0x9FFFFFFF  }
0xc4: {  	(tm) =	ssettm $0x7FFFFFFF  }
0xc5: {  	_ =	shalt  }
tec
execute0_lowered:
.L_overlay_start_1:
0x0: {  	(tag) =	ssettag $0x1  }
0x1: {  	s0 =	rddreg [dreg:$0x1]  }
0x2: {  	s4 =	rddreg [dreg:$0x2];
	s3 =	simm.s32 $0x0  }
0x3: {  	s1 =	srdreg.scid;
	s7 =	stileid.u32;
	s6 =	simm.s32 $0x6  }
0x4: {  	s17 =	simm.s32 $0x5;
	s18 =	simm.s32 $0x80;
	s19 =	simm.s32 $0x400  }
0x5: {  	s20 =	simm.s32 $0x1;
	s21 =	simm.s32 $0x2400;
	s22 =	simm.s32 $0x4400  }
0x6: {  	s23 =	simm.s32 $0x2;
	s25 =	simm.s32 $0x6600;
	s28 =	simm.s32 $0x3  }
0x7: {  	s30 =	simm.s32 $0x4;
	[smem:$0x7FF] =	sst s3;
	s1 =	sand.u32 $0x1, s1  }
0x8: {  	s5 =	sadd.s32 $0xF42800, s0;
	p0 =	sgt.u32 s7, $0x3;
	s7 =	sshll.u32 s7, $0x1  }
0x9: {  	s8 =	sadd.s32 $0x2000, s4;
	s9 =	sadd.s32 $0x4000, s4;
	s10 =	sadd.s32 $0x6000, s4  }
0xa: {  	s11 =	sadd.s32 $0x8000, s4;
	s12 =	sadd.s32 $0xA000, s4;
	s2 =	ssub.s32 $0x2, s1  }
0xb: {  	v0 =	vlaneseq.u32;
	s13 =	sadd.s32 $0xC000, s4;
	s14 =	sadd.s32 $0xE000, s4;
	s29 =	sshrl.u32 s2, $0x1  }
0xc: {  	v0 =	vmul.u32 $0x88, v0;
	_ =	strace $0x80000047;
	s1 =	sor.u32 s1, s7;
	s0 =	ssub.s32 s2, s29  }
0xd: {  	s6 =	simm.s32 @!p0 $0x7;
	s31 =	sshll.u32 s1, $0xA;
	s0 =	smax.u32 s0, $0x1  }
0xe: {  	v1 =	vadd.s32 $0x880, v0;
	v2 =	vadd.s32 $0x1100, v0;
	v3 =	vadd.s32 $0x1980, v0;
	s1 =	simm.s32 $0x0;
	s16 =	sand.u32 $0x1C00, s31;
	[dreg:$0x4] =	wrdreg s0  }
.LBB2_1:
0xf: {  	[dreg:$0x5] =	wrdreg s1;
	s15 =	simm.s32 $0x0  }
.LBB2_2:
0x10: {  	s1 =	sshll.u32 s15, $0x5  }
0x11: {  	s1 =	sor.u32 s1, s7  }
0x12: {  	s1 =	sshrl.u32 s1, $0x3  }
0x13: {  	s2 =	sshll.u32 s1, $0xD  }
0x14: {  	s2 =	sor.u32 s16, s2  }
0x15: {  	s0 =	rddreg [dreg:$0x0];
	s2 =	sshrl.u32 s2, $0x3  }
0x16: {  	s24 =	simm.s32 $0x0;
	s2 =	sadd.s32 s0, s2  }
0x17: {  	[tilespmem:s24], [sflag:$0x5] =	stream.linear.gather [hbm4b:s2+s24], $0x400, $0x38;
	[tilespmem:$0x8800] =	vst v63  }
0x18: {  	_ =	swait.ge [sflag:s17], $0x400  }
0x19: {  	[sflag:s17] =	ssyncset.done $0x0  }
0x1a: {  	[sflag:s17] =	ssyncadd.s32 $0xFFFFFC00  }
0x1b: {  	[tilespmem:s19], [sflag:$0x1] =	stream.indirect.gather [hbm4b:s5+s18], $0x40, s24, s18, $0xb8;
	[tilespmem:$0x8800] =	vst v63  }
0x1c: {  	_ =	swait.ge [sflag:s20], $0x2000  }
0x1d: {  	[sflag:s20] =	ssyncset.done $0x0  }
0x1e: {  	s2 =	simm.s32 $0x480;
	[sflag:s20] =	ssyncadd.s32 $0xFFFFE000  }
0x1f: {  	v4 =	vmov s24;
	[tilespmem:s21], [sflag:$0x2] =	stream.indirect.gather [hbm4b:s5+s18], $0x40, s18, s18, $0xb8;
	[tilespmem:$0x8800] =	vst v63  }
0x20: {  	v6 =	vand.u32 $0x78, v4;
	v5 =	vld [tilespmem:s2+$0xFFFFFF80]  }
0x21: {  	v4 =	vand.u32 $0x4, v4;
	v7 =	vadd.s32 v0, v6  }
0x22: {  	v8 =	vor.u32 v4, v7;
	_ =	sdelay $0x2  }
0x23: {  	v5 =	vmul.f32 $8.000000000e+00, v5;
	_ =	sdelay $0x1  }
0x24: {  	[tilespmem:v8+s22+$0x0] =	vst.idx.msk $0xffff, v5  }
0x25: {  	v5 =	vld [tilespmem:s2+$0xFFFFFF90]  }
0x26: {  	v54 =	vadd.s32 v1, v6  }
0x27: {  	v9 =	vor.u32 v4, v54;
	_ =	sdelay $0x2  }
0x28: {  	v5 =	vmul.f32 $8.000000000e+00, v5;
	_ =	sdelay $0x1  }
0x29: {  	[tilespmem:v9+s22+$0x0] =	vst.idx.msk $0xffff, v5  }
0x2a: {  	v5 =	vld [tilespmem:s2+$0xFFFFFFA0]  }
0x2b: {  	v55 =	vadd.s32 v2, v6  }
0x2c: {  	v10 =	vor.u32 v4, v55;
	_ =	sdelay $0x2  }
0x2d: {  	v5 =	vmul.f32 $8.000000000e+00, v5;
	_ =	sdelay $0x1  }
0x2e: {  	[tilespmem:v10+s22+$0x0] =	vst.idx.msk $0xffff, v5  }
0x2f: {  	v5 =	vld [tilespmem:s2+$0xFFFFFFB0]  }
0x30: {  	v6 =	vadd.s32 v3, v6  }
0x31: {  	v56 =	vor.u32 v4, v6;
	_ =	sdelay $0x2  }
0x32: {  	v5 =	vmul.f32 $8.000000000e+00, v5;
	_ =	sdelay $0x1  }
0x33: {  	[tilespmem:v56+s22+$0x0] =	vst.idx.msk $0xffff, v5  }
0x34: {  	v5 =	vld [tilespmem:s2+$0xFFFFFFC0]  }
0x35: {  	v57 =	vor.u32 $0x1, v4  }
0x36: {  	v11 =	vor.u32 v57, v7;
	_ =	sdelay $0x2  }
0x37: {  	v5 =	vmul.f32 $8.000000000e+00, v5;
	_ =	sdelay $0x1  }
0x38: {  	[tilespmem:v11+s22+$0x0] =	vst.idx.msk $0xffff, v5  }
0x39: {  	v5 =	vld [tilespmem:s2+$0xFFFFFFD0];
	_ =	sdelay $0x1  }
0x3a: {  	v58 =	vor.u32 v57, v54;
	_ =	sdelay $0x2  }
0x3b: {  	v5 =	vmul.f32 $8.000000000e+00, v5;
	_ =	sdelay $0x1  }
0x3c: {  	[tilespmem:v58+s22+$0x0] =	vst.idx.msk $0xffff, v5  }
0x3d: {  	v5 =	vld [tilespmem:s2+$0xFFFFFFE0];
	_ =	sdelay $0x1  }
0x3e: {  	v59 =	vor.u32 v57, v55;
	_ =	sdelay $0x2  }
0x3f: {  	v5 =	vmul.f32 $8.000000000e+00, v5;
	_ =	sdelay $0x1  }
0x40: {  	[tilespmem:v59+s22+$0x0] =	vst.idx.msk $0xffff, v5  }
0x41: {  	v5 =	vld [tilespmem:s2+$0xFFFFFFF0];
	_ =	sdelay $0x1  }
0x42: {  	v10 =	vor.u32 v57, v6;
	_ =	sdelay $0x2  }
0x43: {  	v5 =	vmul.f32 $8.000000000e+00, v5;
	_ =	sdelay $0x1  }
0x44: {  	[tilespmem:v10+s22+$0x0] =	vst.idx.msk $0xffff, v5  }
0x45: {  	v5 =	vld [tilespmem:s2+$0x0]  }
0x46: {  	v60 =	vor.u32 $0x2, v4  }
0x47: {  	v61 =	vor.u32 v60, v7;
	_ =	sdelay $0x2  }
0x48: {  	v5 =	vmul.f32 $8.000000000e+00, v5;
	_ =	sdelay $0x1  }
0x49: {  	[tilespmem:v61+s22+$0x0] =	vst.idx.msk $0xffff, v5  }
0x4a: {  	v5 =	vld [tilespmem:s2+$0x10];
	_ =	sdelay $0x1  }
0x4b: {  	v62 =	vor.u32 v60, v54;
	_ =	sdelay $0x2  }
0x4c: {  	v5 =	vmul.f32 $8.000000000e+00, v5;
	_ =	sdelay $0x1  }
0x4d: {  	[tilespmem:v62+s22+$0x0] =	vst.idx.msk $0xffff, v5  }
0x4e: {  	v5 =	vld [tilespmem:s2+$0x20];
	_ =	sdelay $0x1  }
0x4f: {  	v63 =	vor.u32 v60, v55;
	_ =	sdelay $0x2  }
0x50: {  	v5 =	vmul.f32 $8.000000000e+00, v5;
	_ =	sdelay $0x1  }
0x51: {  	[tilespmem:v63+s22+$0x0] =	vst.idx.msk $0xffff, v5  }
0x52: {  	v5 =	vld [tilespmem:s2+$0x30];
	_ =	sdelay $0x1  }
0x53: {  	v10 =	vor.u32 v60, v6;
	_ =	sdelay $0x2  }
0x54: {  	v5 =	vmul.f32 $8.000000000e+00, v5;
	_ =	sdelay $0x1  }
0x55: {  	[tilespmem:v10+s22+$0x0] =	vst.idx.msk $0xffff, v5  }
0x56: {  	v5 =	vld [tilespmem:s2+$0x40]  }
0x57: {  	v4 =	vor.u32 $0x3, v4  }
0x58: {  	v7 =	vor.u32 v4, v7;
	_ =	sdelay $0x2  }
0x59: {  	v5 =	vmul.f32 $8.000000000e+00, v5;
	_ =	sdelay $0x1  }
0x5a: {  	[tilespmem:v7+s22+$0x0] =	vst.idx.msk $0xffff, v5  }
0x5b: {  	v5 =	vld [tilespmem:s2+$0x50];
	_ =	sdelay $0x1  }
0x5c: {  	v7 =	vor.u32 v4, v54;
	_ =	sdelay $0x2  }
0x5d: {  	v5 =	vmul.f32 $8.000000000e+00, v5;
	_ =	sdelay $0x1  }
0x5e: {  	[tilespmem:v7+s22+$0x0] =	vst.idx.msk $0xffff, v5  }
0x5f: {  	v5 =	vld [tilespmem:s2+$0x60];
	_ =	sdelay $0x1  }
0x60: {  	v7 =	vor.u32 v4, v55;
	_ =	sdelay $0x2  }
0x61: {  	v5 =	vmul.f32 $8.000000000e+00, v5;
	_ =	sdelay $0x1  }
0x62: {  	[tilespmem:v7+s22+$0x0] =	vst.idx.msk $0xffff, v5  }
0x63: {  	v5 =	vld [tilespmem:s2+$0x70];
	_ =	sdelay $0x1  }
0x64: {  	v4 =	vor.u32 v4, v6;
	_ =	sdelay $0x2  }
0x65: {  	s26 =	simm.s32 $0x4;
	s24 =	simm.s32 $0x8;
	v5 =	vmul.f32 $8.000000000e+00, v5  }
.LBB2_3:
0x66: {  	p0 =	sne.s32 s24, $0x7C  }
0x67: {  	v6 =	vmov s26;
	s2 =	sadd.s32 $0x100, s2;
	s26 =	smov.u32 s24;
	s24 =	sadd.s32 $0x4, s24;
	[tilespmem:v4+s22+$0x0] =	vst.idx.msk $0xffff, v5  }
0x68: {  	v5 =	vand.u32 $0x78, v6;
	v4 =	vld [tilespmem:s2+$0xFFFFFF80]  }
0x69: {  	v6 =	vand.u32 $0x4, v6;
	v7 =	vadd.s32 v0, v5;
	v8 =	vadd.s32 v1, v5  }
0x6a: {  	v11 =	vadd.s32 v2, v5;
	v9 =	vor.u32 v6, v7;
	v10 =	vor.u32 v6, v8  }
0x6b: {  	v13 =	vadd.s32 v3, v5;
	v5 =	vor.u32 $0x1, v6;
	v12 =	vor.u32 v6, v11  }
0x6c: {  	v14 =	vor.u32 v6, v13;
	v15 =	vor.u32 v5, v7;
	v16 =	vor.u32 v5, v8  }
0x6d: {  	v17 =	vor.u32 v5, v11;
	v18 =	vor.u32 v5, v13;
	v4 =	vmul.f32 $8.000000000e+00, v4  }
0x6e: {  	v19 =	vor.u32 $0x3, v6;
	v5 =	vor.u32 $0x2, v6  }
0x6f: {  	v20 =	vor.u32 v5, v8;
	[tilespmem:v9+s22+$0x0] =	vst.idx.msk $0xffff, v4;
	v9 =	vor.u32 v5, v7  }
0x70: {  	v22 =	vor.u32 v5, v11;
	v23 =	vor.u32 v5, v13;
	v7 =	vor.u32 v19, v7;
	v21 =	vld [tilespmem:s2+$0xFFFFFF90]  }
0x71: {  	v6 =	vor.u32 v19, v8;
	v5 =	vor.u32 v19, v11;
	v4 =	vor.u32 v19, v13;
	_ =	sdelay $0x3  }
0x72: {  	v8 =	vmul.f32 $8.000000000e+00, v21;
	_ =	sdelay $0x1  }
0x73: {  	[tilespmem:v10+s22+$0x0] =	vst.idx.msk $0xffff, v8  }
0x74: {  	v8 =	vld [tilespmem:s2+$0xFFFFFFA0];
	_ =	sdelay $0x4  }
0x75: {  	v8 =	vmul.f32 $8.000000000e+00, v8;
	_ =	sdelay $0x1  }
0x76: {  	[tilespmem:v12+s22+$0x0] =	vst.idx.msk $0xffff, v8  }
0x77: {  	v8 =	vld [tilespmem:s2+$0xFFFFFFB0];
	_ =	sdelay $0x4  }
0x78: {  	v8 =	vmul.f32 $8.000000000e+00, v8;
	_ =	sdelay $0x1  }
0x79: {  	[tilespmem:v14+s22+$0x0] =	vst.idx.msk $0xffff, v8  }
0x7a: {  	v8 =	vld [tilespmem:s2+$0xFFFFFFC0];
	_ =	sdelay $0x4  }
0x7b: {  	v8 =	vmul.f32 $8.000000000e+00, v8;
	_ =	sdelay $0x1  }
0x7c: {  	[tilespmem:v15+s22+$0x0] =	vst.idx.msk $0xffff, v8  }
0x7d: {  	v8 =	vld [tilespmem:s2+$0xFFFFFFD0];
	_ =	sdelay $0x4  }
0x7e: {  	v8 =	vmul.f32 $8.000000000e+00, v8;
	_ =	sdelay $0x1  }
0x7f: {  	[tilespmem:v16+s22+$0x0] =	vst.idx.msk $0xffff, v8  }
0x80: {  	v8 =	vld [tilespmem:s2+$0xFFFFFFE0];
	_ =	sdelay $0x4  }
0x81: {  	v8 =	vmul.f32 $8.000000000e+00, v8;
	_ =	sdelay $0x1  }
0x82: {  	[tilespmem:v17+s22+$0x0] =	vst.idx.msk $0xffff, v8  }
0x83: {  	v8 =	vld [tilespmem:s2+$0xFFFFFFF0];
	_ =	sdelay $0x4  }
0x84: {  	v8 =	vmul.f32 $8.000000000e+00, v8;
	_ =	sdelay $0x1  }
0x85: {  	[tilespmem:v18+s22+$0x0] =	vst.idx.msk $0xffff, v8  }
0x86: {  	v8 =	vld [tilespmem:s2+$0x0];
	_ =	sdelay $0x4  }
0x87: {  	v8 =	vmul.f32 $8.000000000e+00, v8;
	_ =	sdelay $0x1  }
0x88: {  	[tilespmem:v9+s22+$0x0] =	vst.idx.msk $0xffff, v8  }
0x89: {  	v8 =	vld [tilespmem:s2+$0x10];
	_ =	sdelay $0x4  }
0x8a: {  	v8 =	vmul.f32 $8.000000000e+00, v8;
	_ =	sdelay $0x1  }
0x8b: {  	[tilespmem:v20+s22+$0x0] =	vst.idx.msk $0xffff, v8  }
0x8c: {  	v8 =	vld [tilespmem:s2+$0x20];
	_ =	sdelay $0x4  }
0x8d: {  	v8 =	vmul.f32 $8.000000000e+00, v8;
	_ =	sdelay $0x1  }
0x8e: {  	[tilespmem:v22+s22+$0x0] =	vst.idx.msk $0xffff, v8  }
0x8f: {  	v8 =	vld [tilespmem:s2+$0x30];
	_ =	sdelay $0x4  }
0x90: {  	v8 =	vmul.f32 $8.000000000e+00, v8;
	_ =	sdelay $0x1  }
0x91: {  	[tilespmem:v23+s22+$0x0] =	vst.idx.msk $0xffff, v8  }
0x92: {  	v8 =	vld [tilespmem:s2+$0x40];
	_ =	sdelay $0x4  }
0x93: {  	v8 =	vmul.f32 $8.000000000e+00, v8;
	_ =	sdelay $0x1  }
0x94: {  	[tilespmem:v7+s22+$0x0] =	vst.idx.msk $0xffff, v8  }
0x95: {  	v7 =	vld [tilespmem:s2+$0x50];
	_ =	sdelay $0x4  }
0x96: {  	v7 =	vmul.f32 $8.000000000e+00, v7;
	_ =	sdelay $0x1  }
0x97: {  	[tilespmem:v6+s22+$0x0] =	vst.idx.msk $0xffff, v7  }
0x98: {  	v6 =	vld [tilespmem:s2+$0x60];
	_ =	sdelay $0x4  }
0x99: {  	v6 =	vmul.f32 $8.000000000e+00, v6;
	_ =	sdelay $0x1  }
0x9a: {  	[tilespmem:v5+s22+$0x0] =	vst.idx.msk $0xffff, v6  }
0x9b: {  	v5 =	vld [tilespmem:s2+$0x70]  }
.Ltmp0:
0x9c: {  	(pc) =	sbr.rel @p0 .LBB2_3-.Ltmp0, $2  }
0x9d: {  	_ =	sdelay $0x2  }
0x9e: {  	v5 =	vmul.f32 $8.000000000e+00, v5  }
0x9f: {  	_ =	sdelay $0x3  }
0xa0: {  	v6 =	vmov s26;
	s2 =	sadd.s32 $0x100, s2;
	[tilespmem:v4+s22+$0x0] =	vst.idx.msk $0xffff, v5  }
0xa1: {  	v5 =	vand.u32 $0x78, v6;
	v4 =	vld [tilespmem:s2+$0xFFFFFF80]  }
0xa2: {  	v6 =	vand.u32 $0x4, v6;
	v7 =	vadd.s32 v0, v5  }
0xa3: {  	v8 =	vor.u32 v6, v7;
	_ =	sdelay $0x2  }
0xa4: {  	v4 =	vmul.f32 $8.000000000e+00, v4;
	_ =	sdelay $0x1  }
0xa5: {  	[tilespmem:v8+s22+$0x0] =	vst.idx.msk $0xffff, v4  }
0xa6: {  	v4 =	vld [tilespmem:s2+$0xFFFFFF90]  }
0xa7: {  	v52 =	vadd.s32 v1, v5  }
0xa8: {  	v9 =	vor.u32 v6, v52;
	_ =	sdelay $0x2  }
0xa9: {  	v4 =	vmul.f32 $8.000000000e+00, v4;
	_ =	sdelay $0x1  }
0xaa: {  	[tilespmem:v9+s22+$0x0] =	vst.idx.msk $0xffff, v4  }
0xab: {  	v4 =	vld [tilespmem:s2+$0xFFFFFFA0]  }
0xac: {  	v53 =	vadd.s32 v2, v5  }
0xad: {  	v10 =	vor.u32 v6, v53;
	_ =	sdelay $0x2  }
0xae: {  	v4 =	vmul.f32 $8.000000000e+00, v4;
	_ =	sdelay $0x1  }
0xaf: {  	[tilespmem:v10+s22+$0x0] =	vst.idx.msk $0xffff, v4  }
0xb0: {  	v4 =	vld [tilespmem:s2+$0xFFFFFFB0]  }
0xb1: {  	v5 =	vadd.s32 v3, v5  }
0xb2: {  	v54 =	vor.u32 v6, v5;
	_ =	sdelay $0x2  }
0xb3: {  	v4 =	vmul.f32 $8.000000000e+00, v4;
	_ =	sdelay $0x1  }
0xb4: {  	[tilespmem:v54+s22+$0x0] =	vst.idx.msk $0xffff, v4  }
0xb5: {  	v4 =	vld [tilespmem:s2+$0xFFFFFFC0]  }
0xb6: {  	v55 =	vor.u32 $0x1, v6  }
0xb7: {  	v11 =	vor.u32 v55, v7;
	_ =	sdelay $0x2  }
0xb8: {  	v4 =	vmul.f32 $8.000000000e+00, v4;
	_ =	sdelay $0x1  }
0xb9: {  	[tilespmem:v11+s22+$0x0] =	vst.idx.msk $0xffff, v4  }
0xba: {  	v4 =	vld [tilespmem:s2+$0xFFFFFFD0];
	_ =	sdelay $0x1  }
0xbb: {  	v56 =	vor.u32 v55, v52;
	_ =	sdelay $0x2  }
0xbc: {  	v4 =	vmul.f32 $8.000000000e+00, v4;
	_ =	sdelay $0x1  }
0xbd: {  	[tilespmem:v56+s22+$0x0] =	vst.idx.msk $0xffff, v4  }
0xbe: {  	v4 =	vld [tilespmem:s2+$0xFFFFFFE0];
	_ =	sdelay $0x1  }
0xbf: {  	v57 =	vor.u32 v55, v53;
	_ =	sdelay $0x2  }
0xc0: {  	v4 =	vmul.f32 $8.000000000e+00, v4;
	_ =	sdelay $0x1  }
0xc1: {  	[tilespmem:v57+s22+$0x0] =	vst.idx.msk $0xffff, v4  }
0xc2: {  	v4 =	vld [tilespmem:s2+$0xFFFFFFF0];
	_ =	sdelay $0x1  }
0xc3: {  	v10 =	vor.u32 v55, v5;
	_ =	sdelay $0x2  }
0xc4: {  	v4 =	vmul.f32 $8.000000000e+00, v4;
	_ =	sdelay $0x1  }
0xc5: {  	[tilespmem:v10+s22+$0x0] =	vst.idx.msk $0xffff, v4  }
0xc6: {  	v4 =	vld [tilespmem:s2+$0x0]  }
0xc7: {  	v58 =	vor.u32 $0x2, v6  }
0xc8: {  	v59 =	vor.u32 v58, v7;
	_ =	sdelay $0x2  }
0xc9: {  	v4 =	vmul.f32 $8.000000000e+00, v4;
	_ =	sdelay $0x1  }
0xca: {  	[tilespmem:v59+s22+$0x0] =	vst.idx.msk $0xffff, v4  }
0xcb: {  	v4 =	vld [tilespmem:s2+$0x10];
	_ =	sdelay $0x1  }
0xcc: {  	v60 =	vor.u32 v58, v52;
	_ =	sdelay $0x2  }
0xcd: {  	v4 =	vmul.f32 $8.000000000e+00, v4;
	_ =	sdelay $0x1  }
0xce: {  	[tilespmem:v60+s22+$0x0] =	vst.idx.msk $0xffff, v4  }
0xcf: {  	v4 =	vld [tilespmem:s2+$0x20];
	_ =	sdelay $0x1  }
0xd0: {  	v61 =	vor.u32 v58, v53;
	_ =	sdelay $0x2  }
0xd1: {  	v4 =	vmul.f32 $8.000000000e+00, v4;
	_ =	sdelay $0x1  }
0xd2: {  	[tilespmem:v61+s22+$0x0] =	vst.idx.msk $0xffff, v4  }
0xd3: {  	v4 =	vld [tilespmem:s2+$0x30];
	_ =	sdelay $0x1  }
0xd4: {  	v10 =	vor.u32 v58, v5;
	_ =	sdelay $0x2  }
0xd5: {  	v4 =	vmul.f32 $8.000000000e+00, v4;
	_ =	sdelay $0x1  }
0xd6: {  	[tilespmem:v10+s22+$0x0] =	vst.idx.msk $0xffff, v4  }
0xd7: {  	v4 =	vld [tilespmem:s2+$0x40]  }
0xd8: {  	v6 =	vor.u32 $0x3, v6  }
0xd9: {  	v7 =	vor.u32 v6, v7;
	_ =	sdelay $0x2  }
0xda: {  	v4 =	vmul.f32 $8.000000000e+00, v4;
	_ =	sdelay $0x1  }
0xdb: {  	[tilespmem:v7+s22+$0x0] =	vst.idx.msk $0xffff, v4  }
0xdc: {  	v4 =	vld [tilespmem:s2+$0x50];
	_ =	sdelay $0x1  }
0xdd: {  	v62 =	vor.u32 v6, v52;
	_ =	sdelay $0x2  }
0xde: {  	v4 =	vmul.f32 $8.000000000e+00, v4;
	_ =	sdelay $0x1  }
0xdf: {  	[tilespmem:v62+s22+$0x0] =	vst.idx.msk $0xffff, v4  }
0xe0: {  	v4 =	vld [tilespmem:s2+$0x60];
	_ =	sdelay $0x1  }
0xe1: {  	v63 =	vor.u32 v6, v53;
	_ =	sdelay $0x2  }
0xe2: {  	v4 =	vmul.f32 $8.000000000e+00, v4;
	_ =	sdelay $0x1  }
0xe3: {  	[tilespmem:v63+s22+$0x0] =	vst.idx.msk $0xffff, v4  }
0xe4: {  	v4 =	vld [tilespmem:s2+$0x70];
	_ =	sdelay $0x1  }
0xe5: {  	v5 =	vor.u32 v6, v5;
	_ =	sdelay $0x1  }
0xe6: {  	s1 =	sshll.u32 s1, $0x13  }
0xe7: {  	s1 =	sor.u32 s16, s1;
	v4 =	vmul.f32 $8.000000000e+00, v4  }
0xe8: {  	s0 =	rddreg [dreg:$0x2];
	s1 =	sshrl.u32 s1, $0x3  }
0xe9: {  	s26 =	simm.s32 $0x4400;
	s24 =	sadd.s32 s0, s1;
	[tilespmem:v5+s22+$0x0] =	vst.idx.msk $0xffff, v4  }
0xea: {  	[hbm4b:s24+s3] =	stream.linear.scatter [tilespmem:s26], [sflag:$0x3], $0x80, $0x38;
	[tilespmem:$0x8800] =	vst v63  }
0xeb: {  	s0 =	simm.s32 $0x4488;
	s4 =	sadd.s32 $0x10, s24  }
0xec: {  	[hbm4b:s4+s3] =	stream.linear.scatter [tilespmem:s0], [sflag:$0x3], $0x80, $0x38;
	[tilespmem:$0x8800] =	vst v63  }
0xed: {  	s29 =	simm.s32 $0x47B8;
	s0 =	simm.s32 $0x4510;
	s4 =	sadd.s32 $0x20, s24  }
0xee: {  	[hbm4b:s4+s3] =	stream.linear.scatter [tilespmem:s0], [sflag:$0x3], $0x80, $0x38;
	[tilespmem:$0x8800] =	vst v63  }
0xef: {  	s31 =	sadd.s32 $0x70, s24;
	s0 =	simm.s32 $0x4598;
	s4 =	sadd.s32 $0x30, s24  }
0xf0: {  	[hbm4b:s4+s3] =	stream.linear.scatter [tilespmem:s0], [sflag:$0x3], $0x80, $0x38;
	[tilespmem:$0x8800] =	vst v63  }
0xf1: {  	s2 =	simm.s32 $0x440;
	s0 =	simm.s32 $0x4620;
	s4 =	sadd.s32 $0x40, s24  }
0xf2: {  	[hbm4b:s4+s3] =	stream.linear.scatter [tilespmem:s0], [sflag:$0x3], $0x80, $0x38;
	[tilespmem:$0x8800] =	vst v63  }
0xf3: {  	s26 =	simm.s32 $0x2200;
	s0 =	simm.s32 $0x46A8;
	s4 =	sadd.s32 $0x50, s24  }
0xf4: {  	[hbm4b:s4+s3] =	stream.linear.scatter [tilespmem:s0], [sflag:$0x3], $0x80, $0x38;
	[tilespmem:$0x8800] =	vst v63  }
0xf5: {  	s0 =	simm.s32 $0x4730;
	s4 =	sadd.s32 $0x60, s24;
	s24 =	sadd.s32 $0x400, s24  }
0xf6: {  	[hbm4b:s4+s3] =	stream.linear.scatter [tilespmem:s0], [sflag:$0x3], $0x80, $0x38;
	[tilespmem:$0x8800] =	vst v63  }
.LBB2_5:
0xf7: {  	[hbm4b:s31+s3] =	stream.linear.scatter [tilespmem:s29], [sflag:$0x3], $0x80, $0x38;
	[tilespmem:$0x8800] =	vst v63  }
0xf8: {  	s29 =	smov.u32 s2;
	s2 =	smov.u32 s26  }
0xf9: {  	s0 =	sadd.s32 $0x1100, s26;
	s2 =	sshra.s32 s2, $0x2;
	s31 =	sadd.s32 $0x4400, s29  }
0xfa: {  	[hbm4b:s24+s3] =	stream.linear.scatter [tilespmem:s31], [sflag:$0x3], $0x80, $0x38;
	[tilespmem:$0x8800] =	vst v63  }
0xfb: {  	p0 =	sne.s32 s26, $0x7700;
	s26 =	sadd.s32 $0x4488, s29;
	s31 =	sadd.s32 $0x10, s24  }
0xfc: {  	[hbm4b:s31+s3] =	stream.linear.scatter [tilespmem:s26], [sflag:$0x3], $0x80, $0x38;
	[tilespmem:$0x8800] =	vst v63  }
0xfd: {  	s26 =	sadd.s32 $0x4510, s29;
	s31 =	sadd.s32 $0x20, s24  }
0xfe: {  	[hbm4b:s31+s3] =	stream.linear.scatter [tilespmem:s26], [sflag:$0x3], $0x80, $0x38;
	[tilespmem:$0x8800] =	vst v63  }
0xff: {  	s26 =	sadd.s32 $0x4598, s29;
	s31 =	sadd.s32 $0x30, s24  }
0x100: {  	[hbm4b:s31+s3] =	stream.linear.scatter [tilespmem:s26], [sflag:$0x3], $0x80, $0x38;
	[tilespmem:$0x8800] =	vst v63  }
0x101: {  	s26 =	sadd.s32 $0x4620, s29;
	s31 =	sadd.s32 $0x40, s24  }
0x102: {  	[hbm4b:s31+s3] =	stream.linear.scatter [tilespmem:s26], [sflag:$0x3], $0x80, $0x38;
	[tilespmem:$0x8800] =	vst v63  }
.Ltmp1:
0x103: {  	s26 =	sadd.s32 $0x46A8, s29;
	s31 =	sadd.s32 $0x50, s24;
	(pc) =	sbr.rel @p0 .LBB2_5-.Ltmp1, $4  }
0x104: {  	[hbm4b:s31+s3] =	stream.linear.scatter [tilespmem:s26], [sflag:$0x3], $0x80, $0x38;
	[tilespmem:$0x8800] =	vst v63  }
0x105: {  	s26 =	sadd.s32 $0x4730, s29;
	s31 =	sadd.s32 $0x60, s24;
	s29 =	sadd.s32 $0x47B8, s29  }
0x106: {  	[hbm4b:s31+s3] =	stream.linear.scatter [tilespmem:s26], [sflag:$0x3], $0x80, $0x38;
	[tilespmem:$0x8800] =	vst v63  }
0x107: {  	s31 =	sadd.s32 $0x70, s24;
	s24 =	sadd.s32 $0x400, s24;
	s26 =	smov.u32 s0  }
0x108: {  	[hbm4b:s31+s3] =	stream.linear.scatter [tilespmem:s29], [sflag:$0x3], $0x80, $0x38;
	[tilespmem:$0x8800] =	vst v63  }
0x109: {  	s0 =	sadd.s32 $0x4400, s2  }
0x10a: {  	[hbm4b:s24+s3] =	stream.linear.scatter [tilespmem:s0], [sflag:$0x3], $0x80, $0x38;
	[tilespmem:$0x8800] =	vst v63  }
0x10b: {  	s4 =	sadd.s32 $0x4488, s2;
	s26 =	sadd.s32 $0x10, s24  }
0x10c: {  	[hbm4b:s26+s3] =	stream.linear.scatter [tilespmem:s4], [sflag:$0x3], $0x80, $0x38;
	[tilespmem:$0x8800] =	vst v63  }
0x10d: {  	s29 =	sadd.s32 $0x20, s24;
	s26 =	sadd.s32 $0x4510, s2  }
0x10e: {  	[hbm4b:s29+s3] =	stream.linear.scatter [tilespmem:s26], [sflag:$0x3], $0x80, $0x38;
	[tilespmem:$0x8800] =	vst v63  }
0x10f: {  	s31 =	sadd.s32 $0x4598, s2;
	s4 =	sadd.s32 $0x30, s24  }
0x110: {  	[hbm4b:s4+s3] =	stream.linear.scatter [tilespmem:s31], [sflag:$0x3], $0x80, $0x38;
	[tilespmem:$0x8800] =	vst v63  }
0x111: {  	s26 =	sadd.s32 $0x4620, s2;
	s29 =	sadd.s32 $0x40, s24  }
0x112: {  	[hbm4b:s29+s3] =	stream.linear.scatter [tilespmem:s26], [sflag:$0x3], $0x80, $0x38;
	[tilespmem:$0x8800] =	vst v63  }
0x113: {  	s31 =	sadd.s32 $0x46A8, s2;
	s4 =	sadd.s32 $0x50, s24  }
0x114: {  	[hbm4b:s4+s3] =	stream.linear.scatter [tilespmem:s31], [sflag:$0x3], $0x80, $0x38;
	[tilespmem:$0x8800] =	vst v63  }
0x115: {  	s29 =	sadd.s32 $0x4730, s2;
	s31 =	sadd.s32 $0x60, s24  }
0x116: {  	[hbm4b:s31+s3] =	stream.linear.scatter [tilespmem:s29], [sflag:$0x3], $0x80, $0x38;
	[tilespmem:$0x8800] =	vst v63  }
0x117: {  	s26 =	sadd.s32 $0x70, s24;
	s4 =	sadd.s32 $0x47B8, s2  }
0x118: {  	[hbm4b:s26+s3] =	stream.linear.scatter [tilespmem:s4], [sflag:$0x3], $0x80, $0x38;
	[tilespmem:$0x8800] =	vst v63  }
0x119: {  	_ =	swait.ge [sflag:s23], $0x2000  }
0x11a: {  	s2 =	simm.s32 $0x2480;
	[sflag:s23] =	ssyncset.done $0x0  }
0x11b: {  	s29 =	simm.s32 $0x100;
	s31 =	simm.s32 $0x0;
	[sflag:s23] =	ssyncadd.s32 $0xFFFFE000  }
0x11c: {  	v4 =	vmov s31;
	[tilespmem:s19], [sflag:$0x1] =	stream.indirect.gather [hbm4b:s5+s18], $0x40, s29, s18, $0xb8;
	[tilespmem:$0x8800] =	vst v63  }
0x11d: {  	v6 =	vand.u32 $0x78, v4;
	v5 =	vld [tilespmem:s2+$0xFFFFFF80]  }
0x11e: {  	v4 =	vand.u32 $0x4, v4;
	v7 =	vadd.s32 v0, v6  }
0x11f: {  	v8 =	vor.u32 v4, v7;
	_ =	sdelay $0x2  }
0x120: {  	v5 =	vmul.f32 $8.000000000e+00, v5;
	_ =	sdelay $0x1  }
0x121: {  	[tilespmem:v8+s25+$0x0] =	vst.idx.msk $0xffff, v5  }
0x122: {  	v5 =	vld [tilespmem:s2+$0xFFFFFF90]  }
0x123: {  	v54 =	vadd.s32 v1, v6  }
0x124: {  	v9 =	vor.u32 v4, v54;
	_ =	sdelay $0x2  }
0x125: {  	v5 =	vmul.f32 $8.000000000e+00, v5;
	_ =	sdelay $0x1  }
0x126: {  	[tilespmem:v9+s25+$0x0] =	vst.idx.msk $0xffff, v5  }
0x127: {  	v5 =	vld [tilespmem:s2+$0xFFFFFFA0]  }
0x128: {  	v55 =	vadd.s32 v2, v6  }
0x129: {  	v10 =	vor.u32 v4, v55;
	_ =	sdelay $0x2  }
0x12a: {  	v5 =	vmul.f32 $8.000000000e+00, v5;
	_ =	sdelay $0x1  }
0x12b: {  	[tilespmem:v10+s25+$0x0] =	vst.idx.msk $0xffff, v5  }
0x12c: {  	v5 =	vld [tilespmem:s2+$0xFFFFFFB0]  }
0x12d: {  	v6 =	vadd.s32 v3, v6  }
0x12e: {  	v56 =	vor.u32 v4, v6;
	_ =	sdelay $0x2  }
0x12f: {  	v5 =	vmul.f32 $8.000000000e+00, v5;
	_ =	sdelay $0x1  }
0x130: {  	[tilespmem:v56+s25+$0x0] =	vst.idx.msk $0xffff, v5  }
0x131: {  	v5 =	vld [tilespmem:s2+$0xFFFFFFC0]  }
0x132: {  	v57 =	vor.u32 $0x1, v4  }
0x133: {  	v11 =	vor.u32 v57, v7;
	_ =	sdelay $0x2  }
0x134: {  	v5 =	vmul.f32 $8.000000000e+00, v5;
	_ =	sdelay $0x1  }
0x135: {  	[tilespmem:v11+s25+$0x0] =	vst.idx.msk $0xffff, v5  }
0x136: {  	v5 =	vld [tilespmem:s2+$0xFFFFFFD0];
	_ =	sdelay $0x1  }
0x137: {  	v58 =	vor.u32 v57, v54;
	_ =	sdelay $0x2  }
0x138: {  	v5 =	vmul.f32 $8.000000000e+00, v5;
	_ =	sdelay $0x1  }
0x139: {  	[tilespmem:v58+s25+$0x0] =	vst.idx.msk $0xffff, v5  }
0x13a: {  	v5 =	vld [tilespmem:s2+$0xFFFFFFE0];
	_ =	sdelay $0x1  }
0x13b: {  	v59 =	vor.u32 v57, v55;
	_ =	sdelay $0x2  }
0x13c: {  	v5 =	vmul.f32 $8.000000000e+00, v5;
	_ =	sdelay $0x1  }
0x13d: {  	[tilespmem:v59+s25+$0x0] =	vst.idx.msk $0xffff, v5  }
0x13e: {  	v5 =	vld [tilespmem:s2+$0xFFFFFFF0];
	_ =	sdelay $0x1  }
0x13f: {  	v10 =	vor.u32 v57, v6;
	_ =	sdelay $0x2  }
0x140: {  	v5 =	vmul.f32 $8.000000000e+00, v5;
	_ =	sdelay $0x1  }
0x141: {  	[tilespmem:v10+s25+$0x0] =	vst.idx.msk $0xffff, v5  }
0x142: {  	v5 =	vld [tilespmem:s2+$0x0]  }
0x143: {  	v60 =	vor.u32 $0x2, v4  }
0x144: {  	v61 =	vor.u32 v60, v7;
	_ =	sdelay $0x2  }
0x145: {  	v5 =	vmul.f32 $8.000000000e+00, v5;
	_ =	sdelay $0x1  }
0x146: {  	[tilespmem:v61+s25+$0x0] =	vst.idx.msk $0xffff, v5  }
0x147: {  	v5 =	vld [tilespmem:s2+$0x10];
	_ =	sdelay $0x1  }
0x148: {  	v62 =	vor.u32 v60, v54;
	_ =	sdelay $0x2  }
0x149: {  	v5 =	vmul.f32 $8.000000000e+00, v5;
	_ =	sdelay $0x1  }
0x14a: {  	[tilespmem:v62+s25+$0x0] =	vst.idx.msk $0xffff, v5  }
0x14b: {  	v5 =	vld [tilespmem:s2+$0x20];
	_ =	sdelay $0x1  }
0x14c: {  	v63 =	vor.u32 v60, v55;
	_ =	sdelay $0x2  }
0x14d: {  	v5 =	vmul.f32 $8.000000000e+00, v5;
	_ =	sdelay $0x1  }
0x14e: {  	[tilespmem:v63+s25+$0x0] =	vst.idx.msk $0xffff, v5  }
0x14f: {  	v5 =	vld [tilespmem:s2+$0x30];
	_ =	sdelay $0x1  }
0x150: {  	v10 =	vor.u32 v60, v6;
	_ =	sdelay $0x2  }
0x151: {  	v5 =	vmul.f32 $8.000000000e+00, v5;
	_ =	sdelay $0x1  }
0x152: {  	[tilespmem:v10+s25+$0x0] =	vst.idx.msk $0xffff, v5  }
0x153: {  	v5 =	vld [tilespmem:s2+$0x40]  }
0x154: {  	v4 =	vor.u32 $0x3, v4  }
0x155: {  	v7 =	vor.u32 v4, v7;
	_ =	sdelay $0x2  }
0x156: {  	v5 =	vmul.f32 $8.000000000e+00, v5;
	_ =	sdelay $0x1  }
0x157: {  	[tilespmem:v7+s25+$0x0] =	vst.idx.msk $0xffff, v5  }
0x158: {  	v5 =	vld [tilespmem:s2+$0x50];
	_ =	sdelay $0x1  }
0x159: {  	v7 =	vor.u32 v4, v54;
	_ =	sdelay $0x2  }
0x15a: {  	v5 =	vmul.f32 $8.000000000e+00, v5;
	_ =	sdelay $0x1  }
0x15b: {  	[tilespmem:v7+s25+$0x0] =	vst.idx.msk $0xffff, v5  }
0x15c: {  	v5 =	vld [tilespmem:s2+$0x60];
	_ =	sdelay $0x1  }
0x15d: {  	v7 =	vor.u32 v4, v55;
	_ =	sdelay $0x2  }
0x15e: {  	v5 =	vmul.f32 $8.000000000e+00, v5;
	_ =	sdelay $0x1  }
0x15f: {  	[tilespmem:v7+s25+$0x0] =	vst.idx.msk $0xffff, v5  }
0x160: {  	v5 =	vld [tilespmem:s2+$0x70];
	_ =	sdelay $0x1  }
0x161: {  	v4 =	vor.u32 v4, v6;
	_ =	sdelay $0x2  }
0x162: {  	s24 =	simm.s32 $0x8;
	s26 =	simm.s32 $0x4;
	v5 =	vmul.f32 $8.000000000e+00, v5  }
.LBB2_7:
0x163: {  	p0 =	sne.s32 s24, $0x7C  }
0x164: {  	v6 =	vmov s26;
	s2 =	sadd.s32 $0x100, s2;
	s26 =	smov.u32 s24;
	s24 =	sadd.s32 $0x4, s24;
	[tilespmem:v4+s25+$0x0] =	vst.idx.msk $0xffff, v5  }
0x165: {  	v5 =	vand.u32 $0x78, v6;
	v4 =	vld [tilespmem:s2+$0xFFFFFF80]  }
0x166: {  	v6 =	vand.u32 $0x4, v6;
	v7 =	vadd.s32 v0, v5;
	v8 =	vadd.s32 v1, v5  }
0x167: {  	v11 =	vadd.s32 v2, v5;
	v9 =	vor.u32 v6, v7;
	v10 =	vor.u32 v6, v8  }
0x168: {  	v13 =	vadd.s32 v3, v5;
	v5 =	vor.u32 $0x1, v6;
	v12 =	vor.u32 v6, v11  }
0x169: {  	v14 =	vor.u32 v6, v13;
	v15 =	vor.u32 v5, v7;
	v16 =	vor.u32 v5, v8  }
0x16a: {  	v17 =	vor.u32 v5, v11;
	v18 =	vor.u32 v5, v13;
	v4 =	vmul.f32 $8.000000000e+00, v4  }
0x16b: {  	v19 =	vor.u32 $0x3, v6;
	v5 =	vor.u32 $0x2, v6  }
0x16c: {  	v20 =	vor.u32 v5, v8;
	[tilespmem:v9+s25+$0x0] =	vst.idx.msk $0xffff, v4;
	v9 =	vor.u32 v5, v7  }
0x16d: {  	v22 =	vor.u32 v5, v11;
	v23 =	vor.u32 v5, v13;
	v7 =	vor.u32 v19, v7;
	v21 =	vld [tilespmem:s2+$0xFFFFFF90]  }
0x16e: {  	v6 =	vor.u32 v19, v8;
	v5 =	vor.u32 v19, v11;
	v4 =	vor.u32 v19, v13;
	_ =	sdelay $0x3  }
0x16f: {  	v8 =	vmul.f32 $8.000000000e+00, v21;
	_ =	sdelay $0x1  }
0x170: {  	[tilespmem:v10+s25+$0x0] =	vst.idx.msk $0xffff, v8  }
0x171: {  	v8 =	vld [tilespmem:s2+$0xFFFFFFA0];
	_ =	sdelay $0x4  }
0x172: {  	v8 =	vmul.f32 $8.000000000e+00, v8;
	_ =	sdelay $0x1  }
0x173: {  	[tilespmem:v12+s25+$0x0] =	vst.idx.msk $0xffff, v8  }
0x174: {  	v8 =	vld [tilespmem:s2+$0xFFFFFFB0];
	_ =	sdelay $0x4  }
0x175: {  	v8 =	vmul.f32 $8.000000000e+00, v8;
	_ =	sdelay $0x1  }
0x176: {  	[tilespmem:v14+s25+$0x0] =	vst.idx.msk $0xffff, v8  }
0x177: {  	v8 =	vld [tilespmem:s2+$0xFFFFFFC0];
	_ =	sdelay $0x4  }
0x178: {  	v8 =	vmul.f32 $8.000000000e+00, v8;
	_ =	sdelay $0x1  }
0x179: {  	[tilespmem:v15+s25+$0x0] =	vst.idx.msk $0xffff, v8  }
0x17a: {  	v8 =	vld [tilespmem:s2+$0xFFFFFFD0];
	_ =	sdelay $0x4  }
0x17b: {  	v8 =	vmul.f32 $8.000000000e+00, v8;
	_ =	sdelay $0x1  }
0x17c: {  	[tilespmem:v16+s25+$0x0] =	vst.idx.msk $0xffff, v8  }
0x17d: {  	v8 =	vld [tilespmem:s2+$0xFFFFFFE0];
	_ =	sdelay $0x4  }
0x17e: {  	v8 =	vmul.f32 $8.000000000e+00, v8;
	_ =	sdelay $0x1  }
0x17f: {  	[tilespmem:v17+s25+$0x0] =	vst.idx.msk $0xffff, v8  }
0x180: {  	v8 =	vld [tilespmem:s2+$0xFFFFFFF0];
	_ =	sdelay $0x4  }
0x181: {  	v8 =	vmul.f32 $8.000000000e+00, v8;
	_ =	sdelay $0x1  }
0x182: {  	[tilespmem:v18+s25+$0x0] =	vst.idx.msk $0xffff, v8  }
0x183: {  	v8 =	vld [tilespmem:s2+$0x0];
	_ =	sdelay $0x4  }
0x184: {  	v8 =	vmul.f32 $8.000000000e+00, v8;
	_ =	sdelay $0x1  }
0x185: {  	[tilespmem:v9+s25+$0x0] =	vst.idx.msk $0xffff, v8  }
0x186: {  	v8 =	vld [tilespmem:s2+$0x10];
	_ =	sdelay $0x4  }
0x187: {  	v8 =	vmul.f32 $8.000000000e+00, v8;
	_ =	sdelay $0x1  }
0x188: {  	[tilespmem:v20+s25+$0x0] =	vst.idx.msk $0xffff, v8  }
0x189: {  	v8 =	vld [tilespmem:s2+$0x20];
	_ =	sdelay $0x4  }
0x18a: {  	v8 =	vmul.f32 $8.000000000e+00, v8;
	_ =	sdelay $0x1  }
0x18b: {  	[tilespmem:v22+s25+$0x0] =	vst.idx.msk $0xffff, v8  }
0x18c: {  	v8 =	vld [tilespmem:s2+$0x30];
	_ =	sdelay $0x4  }
0x18d: {  	v8 =	vmul.f32 $8.000000000e+00, v8;
	_ =	sdelay $0x1  }
0x18e: {  	[tilespmem:v23+s25+$0x0] =	vst.idx.msk $0xffff, v8  }
0x18f: {  	v8 =	vld [tilespmem:s2+$0x40];
	_ =	sdelay $0x4  }
0x190: {  	v8 =	vmul.f32 $8.000000000e+00, v8;
	_ =	sdelay $0x1  }
0x191: {  	[tilespmem:v7+s25+$0x0] =	vst.idx.msk $0xffff, v8  }
0x192: {  	v7 =	vld [tilespmem:s2+$0x50];
	_ =	sdelay $0x4  }
0x193: {  	v7 =	vmul.f32 $8.000000000e+00, v7;
	_ =	sdelay $0x1  }
0x194: {  	[tilespmem:v6+s25+$0x0] =	vst.idx.msk $0xffff, v7  }
0x195: {  	v6 =	vld [tilespmem:s2+$0x60];
	_ =	sdelay $0x4  }
0x196: {  	v6 =	vmul.f32 $8.000000000e+00, v6;
	_ =	sdelay $0x1  }
0x197: {  	[tilespmem:v5+s25+$0x0] =	vst.idx.msk $0xffff, v6  }
0x198: {  	v5 =	vld [tilespmem:s2+$0x70]  }
.Ltmp2:
0x199: {  	(pc) =	sbr.rel @p0 .LBB2_7-.Ltmp2, $2  }
0x19a: {  	_ =	sdelay $0x2  }
0x19b: {  	v5 =	vmul.f32 $8.000000000e+00, v5  }
0x19c: {  	_ =	sdelay $0x3  }
0x19d: {  	v6 =	vmov s26;
	s2 =	sadd.s32 $0x100, s2;
	[tilespmem:v4+s25+$0x0] =	vst.idx.msk $0xffff, v5  }
0x19e: {  	v5 =	vand.u32 $0x78, v6;
	v4 =	vld [tilespmem:s2+$0xFFFFFF80]  }
0x19f: {  	v6 =	vand.u32 $0x4, v6;
	v7 =	vadd.s32 v0, v5  }
0x1a0: {  	v8 =	vor.u32 v6, v7;
	_ =	sdelay $0x2  }
0x1a1: {  	v4 =	vmul.f32 $8.000000000e+00, v4;
	_ =	sdelay $0x1  }
0x1a2: {  	[tilespmem:v8+s25+$0x0] =	vst.idx.msk $0xffff, v4  }
0x1a3: {  	v4 =	vld [tilespmem:s2+$0xFFFFFF90]  }
0x1a4: {  	v52 =	vadd.s32 v1, v5  }
0x1a5: {  	v9 =	vor.u32 v6, v52;
	_ =	sdelay $0x2  }
0x1a6: {  	v4 =	vmul.f32 $8.000000000e+00, v4;
	_ =	sdelay $0x1  }
0x1a7: {  	[tilespmem:v9+s25+$0x0] =	vst.idx.msk $0xffff, v4  }
0x1a8: {  	v4 =	vld [tilespmem:s2+$0xFFFFFFA0]  }
0x1a9: {  	v53 =	vadd.s32 v2, v5  }
0x1aa: {  	v10 =	vor.u32 v6, v53;
	_ =	sdelay $0x2  }
0x1ab: {  	v4 =	vmul.f32 $8.000000000e+00, v4;
	_ =	sdelay $0x1  }
0x1ac: {  	[tilespmem:v10+s25+$0x0] =	vst.idx.msk $0xffff, v4  }
0x1ad: {  	v4 =	vld [tilespmem:s2+$0xFFFFFFB0]  }
0x1ae: {  	v5 =	vadd.s32 v3, v5  }
0x1af: {  	v54 =	vor.u32 v6, v5;
	_ =	sdelay $0x2  }
0x1b0: {  	v4 =	vmul.f32 $8.000000000e+00, v4;
	_ =	sdelay $0x1  }
0x1b1: {  	[tilespmem:v54+s25+$0x0] =	vst.idx.msk $0xffff, v4  }
0x1b2: {  	v4 =	vld [tilespmem:s2+$0xFFFFFFC0]  }
0x1b3: {  	v55 =	vor.u32 $0x1, v6  }
0x1b4: {  	v11 =	vor.u32 v55, v7;
	_ =	sdelay $0x2  }
0x1b5: {  	v4 =	vmul.f32 $8.000000000e+00, v4;
	_ =	sdelay $0x1  }
0x1b6: {  	[tilespmem:v11+s25+$0x0] =	vst.idx.msk $0xffff, v4  }
0x1b7: {  	v4 =	vld [tilespmem:s2+$0xFFFFFFD0];
	_ =	sdelay $0x1  }
0x1b8: {  	v56 =	vor.u32 v55, v52;
	_ =	sdelay $0x2  }
0x1b9: {  	v4 =	vmul.f32 $8.000000000e+00, v4;
	_ =	sdelay $0x1  }
0x1ba: {  	[tilespmem:v56+s25+$0x0] =	vst.idx.msk $0xffff, v4  }
0x1bb: {  	v4 =	vld [tilespmem:s2+$0xFFFFFFE0];
	_ =	sdelay $0x1  }
0x1bc: {  	v57 =	vor.u32 v55, v53;
	_ =	sdelay $0x2  }
0x1bd: {  	v4 =	vmul.f32 $8.000000000e+00, v4;
	_ =	sdelay $0x1  }
0x1be: {  	[tilespmem:v57+s25+$0x0] =	vst.idx.msk $0xffff, v4  }
0x1bf: {  	v4 =	vld [tilespmem:s2+$0xFFFFFFF0];
	_ =	sdelay $0x1  }
0x1c0: {  	v10 =	vor.u32 v55, v5;
	_ =	sdelay $0x2  }
0x1c1: {  	v4 =	vmul.f32 $8.000000000e+00, v4;
	_ =	sdelay $0x1  }
0x1c2: {  	[tilespmem:v10+s25+$0x0] =	vst.idx.msk $0xffff, v4  }
0x1c3: {  	v4 =	vld [tilespmem:s2+$0x0]  }
0x1c4: {  	v58 =	vor.u32 $0x2, v6  }
0x1c5: {  	v59 =	vor.u32 v58, v7;
	_ =	sdelay $0x2  }
0x1c6: {  	v4 =	vmul.f32 $8.000000000e+00, v4;
	_ =	sdelay $0x1  }
0x1c7: {  	[tilespmem:v59+s25+$0x0] =	vst.idx.msk $0xffff, v4  }
0x1c8: {  	v4 =	vld [tilespmem:s2+$0x10];
	_ =	sdelay $0x1  }
0x1c9: {  	v60 =	vor.u32 v58, v52;
	_ =	sdelay $0x2  }
0x1ca: {  	v4 =	vmul.f32 $8.000000000e+00, v4;
	_ =	sdelay $0x1  }
0x1cb: {  	[tilespmem:v60+s25+$0x0] =	vst.idx.msk $0xffff, v4  }
0x1cc: {  	v4 =	vld [tilespmem:s2+$0x20];
	_ =	sdelay $0x1  }
0x1cd: {  	v61 =	vor.u32 v58, v53;
	_ =	sdelay $0x2  }
0x1ce: {  	v4 =	vmul.f32 $8.000000000e+00, v4;
	_ =	sdelay $0x1  }
0x1cf: {  	[tilespmem:v61+s25+$0x0] =	vst.idx.msk $0xffff, v4  }
0x1d0: {  	v4 =	vld [tilespmem:s2+$0x30];
	_ =	sdelay $0x1  }
0x1d1: {  	v10 =	vor.u32 v58, v5;
	_ =	sdelay $0x2  }
0x1d2: {  	v4 =	vmul.f32 $8.000000000e+00, v4;
	_ =	sdelay $0x1  }
0x1d3: {  	[tilespmem:v10+s25+$0x0] =	vst.idx.msk $0xffff, v4  }
0x1d4: {  	v4 =	vld [tilespmem:s2+$0x40]  }
0x1d5: {  	v6 =	vor.u32 $0x3, v6  }
0x1d6: {  	v7 =	vor.u32 v6, v7;
	_ =	sdelay $0x2  }
0x1d7: {  	v4 =	vmul.f32 $8.000000000e+00, v4;
	_ =	sdelay $0x1  }
0x1d8: {  	[tilespmem:v7+s25+$0x0] =	vst.idx.msk $0xffff, v4  }
0x1d9: {  	v4 =	vld [tilespmem:s2+$0x50];
	_ =	sdelay $0x1  }
0x1da: {  	v62 =	vor.u32 v6, v52;
	_ =	sdelay $0x2  }
0x1db: {  	v4 =	vmul.f32 $8.000000000e+00, v4;
	_ =	sdelay $0x1  }
0x1dc: {  	[tilespmem:v62+s25+$0x0] =	vst.idx.msk $0xffff, v4  }
0x1dd: {  	v4 =	vld [tilespmem:s2+$0x60];
	_ =	sdelay $0x1  }
0x1de: {  	v63 =	vor.u32 v6, v53;
	_ =	sdelay $0x2  }
0x1df: {  	v4 =	vmul.f32 $8.000000000e+00, v4;
	_ =	sdelay $0x1  }
0x1e0: {  	[tilespmem:v63+s25+$0x0] =	vst.idx.msk $0xffff, v4  }
0x1e1: {  	v4 =	vld [tilespmem:s2+$0x70];
	_ =	sdelay $0x1  }
0x1e2: {  	v5 =	vor.u32 v6, v5;
	_ =	sdelay $0x2  }
0x1e3: {  	v4 =	vmul.f32 $8.000000000e+00, v4;
	_ =	sdelay $0x1  }
0x1e4: {  	s0 =	sadd.s32 s1, s8;
	s26 =	simm.s32 $0x6600;
	[tilespmem:v5+s25+$0x0] =	vst.idx.msk $0xffff, v4  }
0x1e5: {  	[hbm4b:s0+s3] =	stream.linear.scatter [tilespmem:s26], [sflag:$0x4], $0x80, $0x38;
	[tilespmem:$0x8800] =	vst v63  }
0x1e6: {  	s4 =	simm.s32 $0x6688;
	s24 =	sadd.s32 $0x10, s0  }
0x1e7: {  	[hbm4b:s24+s3] =	stream.linear.scatter [tilespmem:s4], [sflag:$0x4], $0x80, $0x38;
	[tilespmem:$0x8800] =	vst v63  }
0x1e8: {  	s26 =	simm.s32 $0x6710;
	s4 =	sadd.s32 $0x20, s0  }
0x1e9: {  	[hbm4b:s4+s3] =	stream.linear.scatter [tilespmem:s26], [sflag:$0x4], $0x80, $0x38;
	[tilespmem:$0x8800] =	vst v63  }
0x1ea: {  	s26 =	simm.s32 $0x6798;
	s4 =	sadd.s32 $0x30, s0  }
0x1eb: {  	[hbm4b:s4+s3] =	stream.linear.scatter [tilespmem:s26], [sflag:$0x4], $0x80, $0x38;
	[tilespmem:$0x8800] =	vst v63  }
0x1ec: {  	s26 =	simm.s32 $0x6820;
	s4 =	sadd.s32 $0x40, s0  }
0x1ed: {  	[hbm4b:s4+s3] =	stream.linear.scatter [tilespmem:s26], [sflag:$0x4], $0x80, $0x38;
	[tilespmem:$0x8800] =	vst v63  }
0x1ee: {  	s29 =	simm.s32 $0x69B8;
	s26 =	simm.s32 $0x68A8;
	s4 =	sadd.s32 $0x50, s0  }
0x1ef: {  	[hbm4b:s4+s3] =	stream.linear.scatter [tilespmem:s26], [sflag:$0x4], $0x80, $0x38;
	[tilespmem:$0x8800] =	vst v63  }
0x1f0: {  	s31 =	sadd.s32 $0x70, s0;
	s24 =	simm.s32 $0x6930;
	s26 =	sadd.s32 $0x60, s0  }
0x1f1: {  	[hbm4b:s26+s3] =	stream.linear.scatter [tilespmem:s24], [sflag:$0x4], $0x80, $0x38;
	[tilespmem:$0x8800] =	vst v63  }
0x1f2: {  	s2 =	simm.s32 $0x440;
	s26 =	simm.s32 $0x2200;
	s24 =	sadd.s32 $0x400, s0  }
.LBB2_9:
0x1f3: {  	[hbm4b:s31+s3] =	stream.linear.scatter [tilespmem:s29], [sflag:$0x4], $0x80, $0x38;
	[tilespmem:$0x8800] =	vst v63  }
0x1f4: {  	s0 =	smov.u32 s2;
	s2 =	smov.u32 s26  }
0x1f5: {  	s4 =	sadd.s32 $0x1100, s26;
	s2 =	sshra.s32 s2, $0x2;
	s29 =	sadd.s32 $0x6600, s0  }
0x1f6: {  	[hbm4b:s24+s3] =	stream.linear.scatter [tilespmem:s29], [sflag:$0x4], $0x80, $0x38;
	[tilespmem:$0x8800] =	vst v63  }
0x1f7: {  	p0 =	sne.s32 s26, $0x7700;
	s26 =	sadd.s32 $0x6688, s0;
	s29 =	sadd.s32 $0x10, s24  }
0x1f8: {  	[hbm4b:s29+s3] =	stream.linear.scatter [tilespmem:s26], [sflag:$0x4], $0x80, $0x38;
	[tilespmem:$0x8800] =	vst v63  }
0x1f9: {  	s26 =	sadd.s32 $0x6710, s0;
	s29 =	sadd.s32 $0x20, s24  }
0x1fa: {  	[hbm4b:s29+s3] =	stream.linear.scatter [tilespmem:s26], [sflag:$0x4], $0x80, $0x38;
	[tilespmem:$0x8800] =	vst v63  }
0x1fb: {  	s26 =	sadd.s32 $0x6798, s0;
	s29 =	sadd.s32 $0x30, s24  }
0x1fc: {  	[hbm4b:s29+s3] =	stream.linear.scatter [tilespmem:s26], [sflag:$0x4], $0x80, $0x38;
	[tilespmem:$0x8800] =	vst v63  }
0x1fd: {  	s26 =	sadd.s32 $0x6820, s0;
	s29 =	sadd.s32 $0x40, s24  }
0x1fe: {  	[hbm4b:s29+s3] =	stream.linear.scatter [tilespmem:s26], [sflag:$0x4], $0x80, $0x38;
	[tilespmem:$0x8800] =	vst v63  }
.Ltmp3:
0x1ff: {  	s26 =	sadd.s32 $0x68A8, s0;
	s29 =	sadd.s32 $0x50, s24;
	(pc) =	sbr.rel @p0 .LBB2_9-.Ltmp3, $4  }
0x200: {  	[hbm4b:s29+s3] =	stream.linear.scatter [tilespmem:s26], [sflag:$0x4], $0x80, $0x38;
	[tilespmem:$0x8800] =	vst v63  }
0x201: {  	s31 =	sadd.s32 $0x70, s24;
	s26 =	sadd.s32 $0x6930, s0;
	s29 =	sadd.s32 $0x60, s24  }
0x202: {  	[hbm4b:s29+s3] =	stream.linear.scatter [tilespmem:s26], [sflag:$0x4], $0x80, $0x38;
	[tilespmem:$0x8800] =	vst v63  }
0x203: {  	s24 =	sadd.s32 $0x400, s24;
	s29 =	sadd.s32 $0x69B8, s0;
	s26 =	smov.u32 s4  }
0x204: {  	[hbm4b:s31+s3] =	stream.linear.scatter [tilespmem:s29], [sflag:$0x4], $0x80, $0x38;
	[tilespmem:$0x8800] =	vst v63  }
0x205: {  	s0 =	sadd.s32 $0x6600, s2  }
0x206: {  	[hbm4b:s24+s3] =	stream.linear.scatter [tilespmem:s0], [sflag:$0x4], $0x80, $0x38;
	[tilespmem:$0x8800] =	vst v63  }
0x207: {  	s26 =	sadd.s32 $0x6688, s2;
	s4 =	sadd.s32 $0x10, s24  }
0x208: {  	[hbm4b:s4+s3] =	stream.linear.scatter [tilespmem:s26], [sflag:$0x4], $0x80, $0x38;
	[tilespmem:$0x8800] =	vst v63  }
0x209: {  	s29 =	sadd.s32 $0x6710, s2;
	s31 =	sadd.s32 $0x20, s24  }
0x20a: {  	[hbm4b:s31+s3] =	stream.linear.scatter [tilespmem:s29], [sflag:$0x4], $0x80, $0x38;
	[tilespmem:$0x8800] =	vst v63  }
0x20b: {  	s4 =	sadd.s32 $0x6798, s2;
	s26 =	sadd.s32 $0x30, s24  }
0x20c: {  	[hbm4b:s26+s3] =	stream.linear.scatter [tilespmem:s4], [sflag:$0x4], $0x80, $0x38;
	[tilespmem:$0x8800] =	vst v63  }
0x20d: {  	s29 =	sadd.s32 $0x6820, s2;
	s31 =	sadd.s32 $0x40, s24  }
0x20e: {  	[hbm4b:s31+s3] =	stream.linear.scatter [tilespmem:s29], [sflag:$0x4], $0x80, $0x38;
	[tilespmem:$0x8800] =	vst v63  }
0x20f: {  	s4 =	sadd.s32 $0x68A8, s2;
	s26 =	sadd.s32 $0x50, s24  }
0x210: {  	[hbm4b:s26+s3] =	stream.linear.scatter [tilespmem:s4], [sflag:$0x4], $0x80, $0x38;
	[tilespmem:$0x8800] =	vst v63  }
0x211: {  	s29 =	sadd.s32 $0x6930, s2;
	s31 =	sadd.s32 $0x60, s24  }
0x212: {  	[hbm4b:s31+s3] =	stream.linear.scatter [tilespmem:s29], [sflag:$0x4], $0x80, $0x38;
	[tilespmem:$0x8800] =	vst v63  }
0x213: {  	s4 =	sadd.s32 $0x69B8, s2;
	s26 =	sadd.s32 $0x70, s24  }
0x214: {  	[hbm4b:s26+s3] =	stream.linear.scatter [tilespmem:s4], [sflag:$0x4], $0x80, $0x38;
	[tilespmem:$0x8800] =	vst v63  }
0x215: {  	_ =	swait.ge [sflag:s20], $0x2000  }
0x216: {  	[sflag:s20] =	ssyncset.done $0x0  }
0x217: {  	s29 =	simm.s32 $0x180;
	[sflag:s20] =	ssyncadd.s32 $0xFFFFE000  }
0x218: {  	[tilespmem:s21], [sflag:$0x2] =	stream.indirect.gather [hbm4b:s5+s18], $0x40, s29, s18, $0xb8;
	[tilespmem:$0x8800] =	vst v63  }
0x219: {  	_ =	swait.ge [sflag:s28], $0x2000  }
0x21a: {  	s31 =	simm.s32 $0x0;
	[sflag:s28] =	ssyncset.done $0x0  }
0x21b: {  	s2 =	simm.s32 $0x480;
	v4 =	vmov s31;
	[sflag:s28] =	ssyncadd.s32 $0xFFFFE000  }
0x21c: {  	v6 =	vand.u32 $0x78, v4;
	v5 =	vld [tilespmem:s2+$0xFFFFFF80]  }
0x21d: {  	v4 =	vand.u32 $0x4, v4;
	v7 =	vadd.s32 v0, v6  }
0x21e: {  	v8 =	vor.u32 v4, v7;
	_ =	sdelay $0x2  }
0x21f: {  	v5 =	vmul.f32 $8.000000000e+00, v5;
	_ =	sdelay $0x1  }
0x220: {  	[tilespmem:v8+s22+$0x0] =	vst.idx.msk $0xffff, v5  }
0x221: {  	v5 =	vld [tilespmem:s2+$0xFFFFFF90]  }
0x222: {  	v54 =	vadd.s32 v1, v6  }
0x223: {  	v9 =	vor.u32 v4, v54;
	_ =	sdelay $0x2  }
0x224: {  	v5 =	vmul.f32 $8.000000000e+00, v5;
	_ =	sdelay $0x1  }
0x225: {  	[tilespmem:v9+s22+$0x0] =	vst.idx.msk $0xffff, v5  }
0x226: {  	v5 =	vld [tilespmem:s2+$0xFFFFFFA0]  }
0x227: {  	v55 =	vadd.s32 v2, v6  }
0x228: {  	v10 =	vor.u32 v4, v55;
	_ =	sdelay $0x2  }
0x229: {  	v5 =	vmul.f32 $8.000000000e+00, v5;
	_ =	sdelay $0x1  }
0x22a: {  	[tilespmem:v10+s22+$0x0] =	vst.idx.msk $0xffff, v5  }
0x22b: {  	v5 =	vld [tilespmem:s2+$0xFFFFFFB0]  }
0x22c: {  	v6 =	vadd.s32 v3, v6  }
0x22d: {  	v56 =	vor.u32 v4, v6;
	_ =	sdelay $0x2  }
0x22e: {  	v5 =	vmul.f32 $8.000000000e+00, v5;
	_ =	sdelay $0x1  }
0x22f: {  	[tilespmem:v56+s22+$0x0] =	vst.idx.msk $0xffff, v5  }
0x230: {  	v5 =	vld [tilespmem:s2+$0xFFFFFFC0]  }
0x231: {  	v57 =	vor.u32 $0x1, v4  }
0x232: {  	v11 =	vor.u32 v57, v7;
	_ =	sdelay $0x2  }
0x233: {  	v5 =	vmul.f32 $8.000000000e+00, v5;
	_ =	sdelay $0x1  }
0x234: {  	[tilespmem:v11+s22+$0x0] =	vst.idx.msk $0xffff, v5  }
0x235: {  	v5 =	vld [tilespmem:s2+$0xFFFFFFD0];
	_ =	sdelay $0x1  }
0x236: {  	v58 =	vor.u32 v57, v54;
	_ =	sdelay $0x2  }
0x237: {  	v5 =	vmul.f32 $8.000000000e+00, v5;
	_ =	sdelay $0x1  }
0x238: {  	[tilespmem:v58+s22+$0x0] =	vst.idx.msk $0xffff, v5  }
0x239: {  	v5 =	vld [tilespmem:s2+$0xFFFFFFE0];
	_ =	sdelay $0x1  }
0x23a: {  	v59 =	vor.u32 v57, v55;
	_ =	sdelay $0x2  }
0x23b: {  	v5 =	vmul.f32 $8.000000000e+00, v5;
	_ =	sdelay $0x1  }
0x23c: {  	[tilespmem:v59+s22+$0x0] =	vst.idx.msk $0xffff, v5  }
0x23d: {  	v5 =	vld [tilespmem:s2+$0xFFFFFFF0];
	_ =	sdelay $0x1  }
0x23e: {  	v10 =	vor.u32 v57, v6;
	_ =	sdelay $0x2  }
0x23f: {  	v5 =	vmul.f32 $8.000000000e+00, v5;
	_ =	sdelay $0x1  }
0x240: {  	[tilespmem:v10+s22+$0x0] =	vst.idx.msk $0xffff, v5  }
0x241: {  	v5 =	vld [tilespmem:s2+$0x0]  }
0x242: {  	v60 =	vor.u32 $0x2, v4  }
0x243: {  	v61 =	vor.u32 v60, v7;
	_ =	sdelay $0x2  }
0x244: {  	v5 =	vmul.f32 $8.000000000e+00, v5;
	_ =	sdelay $0x1  }
0x245: {  	[tilespmem:v61+s22+$0x0] =	vst.idx.msk $0xffff, v5  }
0x246: {  	v5 =	vld [tilespmem:s2+$0x10];
	_ =	sdelay $0x1  }
0x247: {  	v62 =	vor.u32 v60, v54;
	_ =	sdelay $0x2  }
0x248: {  	v5 =	vmul.f32 $8.000000000e+00, v5;
	_ =	sdelay $0x1  }
0x249: {  	[tilespmem:v62+s22+$0x0] =	vst.idx.msk $0xffff, v5  }
0x24a: {  	v5 =	vld [tilespmem:s2+$0x20];
	_ =	sdelay $0x1  }
0x24b: {  	v63 =	vor.u32 v60, v55;
	_ =	sdelay $0x2  }
0x24c: {  	v5 =	vmul.f32 $8.000000000e+00, v5;
	_ =	sdelay $0x1  }
0x24d: {  	[tilespmem:v63+s22+$0x0] =	vst.idx.msk $0xffff, v5  }
0x24e: {  	v5 =	vld [tilespmem:s2+$0x30];
	_ =	sdelay $0x1  }
0x24f: {  	v10 =	vor.u32 v60, v6;
	_ =	sdelay $0x2  }
0x250: {  	v5 =	vmul.f32 $8.000000000e+00, v5;
	_ =	sdelay $0x1  }
0x251: {  	[tilespmem:v10+s22+$0x0] =	vst.idx.msk $0xffff, v5  }
0x252: {  	v5 =	vld [tilespmem:s2+$0x40]  }
0x253: {  	v4 =	vor.u32 $0x3, v4  }
0x254: {  	v7 =	vor.u32 v4, v7;
	_ =	sdelay $0x2  }
0x255: {  	v5 =	vmul.f32 $8.000000000e+00, v5;
	_ =	sdelay $0x1  }
0x256: {  	[tilespmem:v7+s22+$0x0] =	vst.idx.msk $0xffff, v5  }
0x257: {  	v5 =	vld [tilespmem:s2+$0x50];
	_ =	sdelay $0x1  }
0x258: {  	v7 =	vor.u32 v4, v54;
	_ =	sdelay $0x2  }
0x259: {  	v5 =	vmul.f32 $8.000000000e+00, v5;
	_ =	sdelay $0x1  }
0x25a: {  	[tilespmem:v7+s22+$0x0] =	vst.idx.msk $0xffff, v5  }
0x25b: {  	v5 =	vld [tilespmem:s2+$0x60];
	_ =	sdelay $0x1  }
0x25c: {  	v7 =	vor.u32 v4, v55;
	_ =	sdelay $0x2  }
0x25d: {  	v5 =	vmul.f32 $8.000000000e+00, v5;
	_ =	sdelay $0x1  }
0x25e: {  	[tilespmem:v7+s22+$0x0] =	vst.idx.msk $0xffff, v5  }
0x25f: {  	v5 =	vld [tilespmem:s2+$0x70];
	_ =	sdelay $0x1  }
0x260: {  	v4 =	vor.u32 v4, v6;
	_ =	sdelay $0x2  }
0x261: {  	s24 =	simm.s32 $0x8;
	s26 =	simm.s32 $0x4;
	v5 =	vmul.f32 $8.000000000e+00, v5  }
.LBB2_11:
0x262: {  	p0 =	sne.s32 s24, $0x7C  }
0x263: {  	v6 =	vmov s26;
	s2 =	sadd.s32 $0x100, s2;
	s26 =	smov.u32 s24;
	s24 =	sadd.s32 $0x4, s24;
	[tilespmem:v4+s22+$0x0] =	vst.idx.msk $0xffff, v5  }
0x264: {  	v5 =	vand.u32 $0x78, v6;
	v4 =	vld [tilespmem:s2+$0xFFFFFF80]  }
0x265: {  	v6 =	vand.u32 $0x4, v6;
	v7 =	vadd.s32 v0, v5;
	v8 =	vadd.s32 v1, v5  }
0x266: {  	v11 =	vadd.s32 v2, v5;
	v9 =	vor.u32 v6, v7;
	v10 =	vor.u32 v6, v8  }
0x267: {  	v13 =	vadd.s32 v3, v5;
	v5 =	vor.u32 $0x1, v6;
	v12 =	vor.u32 v6, v11  }
0x268: {  	v14 =	vor.u32 v6, v13;
	v15 =	vor.u32 v5, v7;
	v16 =	vor.u32 v5, v8  }
0x269: {  	v17 =	vor.u32 v5, v11;
	v18 =	vor.u32 v5, v13;
	v4 =	vmul.f32 $8.000000000e+00, v4  }
0x26a: {  	v19 =	vor.u32 $0x3, v6;
	v5 =	vor.u32 $0x2, v6  }
0x26b: {  	v20 =	vor.u32 v5, v8;
	[tilespmem:v9+s22+$0x0] =	vst.idx.msk $0xffff, v4;
	v9 =	vor.u32 v5, v7  }
0x26c: {  	v22 =	vor.u32 v5, v11;
	v23 =	vor.u32 v5, v13;
	v7 =	vor.u32 v19, v7;
	v21 =	vld [tilespmem:s2+$0xFFFFFF90]  }
0x26d: {  	v6 =	vor.u32 v19, v8;
	v5 =	vor.u32 v19, v11;
	v4 =	vor.u32 v19, v13;
	_ =	sdelay $0x3  }
0x26e: {  	v8 =	vmul.f32 $8.000000000e+00, v21;
	_ =	sdelay $0x1  }
0x26f: {  	[tilespmem:v10+s22+$0x0] =	vst.idx.msk $0xffff, v8  }
0x270: {  	v8 =	vld [tilespmem:s2+$0xFFFFFFA0];
	_ =	sdelay $0x4  }
0x271: {  	v8 =	vmul.f32 $8.000000000e+00, v8;
	_ =	sdelay $0x1  }
0x272: {  	[tilespmem:v12+s22+$0x0] =	vst.idx.msk $0xffff, v8  }
0x273: {  	v8 =	vld [tilespmem:s2+$0xFFFFFFB0];
	_ =	sdelay $0x4  }
0x274: {  	v8 =	vmul.f32 $8.000000000e+00, v8;
	_ =	sdelay $0x1  }
0x275: {  	[tilespmem:v14+s22+$0x0] =	vst.idx.msk $0xffff, v8  }
0x276: {  	v8 =	vld [tilespmem:s2+$0xFFFFFFC0];
	_ =	sdelay $0x4  }
0x277: {  	v8 =	vmul.f32 $8.000000000e+00, v8;
	_ =	sdelay $0x1  }
0x278: {  	[tilespmem:v15+s22+$0x0] =	vst.idx.msk $0xffff, v8  }
0x279: {  	v8 =	vld [tilespmem:s2+$0xFFFFFFD0];
	_ =	sdelay $0x4  }
0x27a: {  	v8 =	vmul.f32 $8.000000000e+00, v8;
	_ =	sdelay $0x1  }
0x27b: {  	[tilespmem:v16+s22+$0x0] =	vst.idx.msk $0xffff, v8  }
0x27c: {  	v8 =	vld [tilespmem:s2+$0xFFFFFFE0];
	_ =	sdelay $0x4  }
0x27d: {  	v8 =	vmul.f32 $8.000000000e+00, v8;
	_ =	sdelay $0x1  }
0x27e: {  	[tilespmem:v17+s22+$0x0] =	vst.idx.msk $0xffff, v8  }
0x27f: {  	v8 =	vld [tilespmem:s2+$0xFFFFFFF0];
	_ =	sdelay $0x4  }
0x280: {  	v8 =	vmul.f32 $8.000000000e+00, v8;
	_ =	sdelay $0x1  }
0x281: {  	[tilespmem:v18+s22+$0x0] =	vst.idx.msk $0xffff, v8  }
0x282: {  	v8 =	vld [tilespmem:s2+$0x0];
	_ =	sdelay $0x4  }
0x283: {  	v8 =	vmul.f32 $8.000000000e+00, v8;
	_ =	sdelay $0x1  }
0x284: {  	[tilespmem:v9+s22+$0x0] =	vst.idx.msk $0xffff, v8  }
0x285: {  	v8 =	vld [tilespmem:s2+$0x10];
	_ =	sdelay $0x4  }
0x286: {  	v8 =	vmul.f32 $8.000000000e+00, v8;
	_ =	sdelay $0x1  }
0x287: {  	[tilespmem:v20+s22+$0x0] =	vst.idx.msk $0xffff, v8  }
0x288: {  	v8 =	vld [tilespmem:s2+$0x20];
	_ =	sdelay $0x4  }
0x289: {  	v8 =	vmul.f32 $8.000000000e+00, v8;
	_ =	sdelay $0x1  }
0x28a: {  	[tilespmem:v22+s22+$0x0] =	vst.idx.msk $0xffff, v8  }
0x28b: {  	v8 =	vld [tilespmem:s2+$0x30];
	_ =	sdelay $0x4  }
0x28c: {  	v8 =	vmul.f32 $8.000000000e+00, v8;
	_ =	sdelay $0x1  }
0x28d: {  	[tilespmem:v23+s22+$0x0] =	vst.idx.msk $0xffff, v8  }
0x28e: {  	v8 =	vld [tilespmem:s2+$0x40];
	_ =	sdelay $0x4  }
0x28f: {  	v8 =	vmul.f32 $8.000000000e+00, v8;
	_ =	sdelay $0x1  }
0x290: {  	[tilespmem:v7+s22+$0x0] =	vst.idx.msk $0xffff, v8  }
0x291: {  	v7 =	vld [tilespmem:s2+$0x50];
	_ =	sdelay $0x4  }
0x292: {  	v7 =	vmul.f32 $8.000000000e+00, v7;
	_ =	sdelay $0x1  }
0x293: {  	[tilespmem:v6+s22+$0x0] =	vst.idx.msk $0xffff, v7  }
0x294: {  	v6 =	vld [tilespmem:s2+$0x60];
	_ =	sdelay $0x4  }
0x295: {  	v6 =	vmul.f32 $8.000000000e+00, v6;
	_ =	sdelay $0x1  }
0x296: {  	[tilespmem:v5+s22+$0x0] =	vst.idx.msk $0xffff, v6  }
0x297: {  	v5 =	vld [tilespmem:s2+$0x70]  }
.Ltmp4:
0x298: {  	(pc) =	sbr.rel @p0 .LBB2_11-.Ltmp4, $2  }
0x299: {  	_ =	sdelay $0x2  }
0x29a: {  	v5 =	vmul.f32 $8.000000000e+00, v5  }
0x29b: {  	_ =	sdelay $0x3  }
0x29c: {  	v6 =	vmov s26;
	s2 =	sadd.s32 $0x100, s2;
	[tilespmem:v4+s22+$0x0] =	vst.idx.msk $0xffff, v5  }
0x29d: {  	v5 =	vand.u32 $0x78, v6;
	v4 =	vld [tilespmem:s2+$0xFFFFFF80]  }
0x29e: {  	v6 =	vand.u32 $0x4, v6;
	v7 =	vadd.s32 v0, v5  }
0x29f: {  	v8 =	vor.u32 v6, v7;
	_ =	sdelay $0x2  }
0x2a0: {  	v4 =	vmul.f32 $8.000000000e+00, v4;
	_ =	sdelay $0x1  }
0x2a1: {  	[tilespmem:v8+s22+$0x0] =	vst.idx.msk $0xffff, v4  }
0x2a2: {  	v4 =	vld [tilespmem:s2+$0xFFFFFF90]  }
0x2a3: {  	v52 =	vadd.s32 v1, v5  }
0x2a4: {  	v9 =	vor.u32 v6, v52;
	_ =	sdelay $0x2  }
0x2a5: {  	v4 =	vmul.f32 $8.000000000e+00, v4;
	_ =	sdelay $0x1  }
0x2a6: {  	[tilespmem:v9+s22+$0x0] =	vst.idx.msk $0xffff, v4  }
0x2a7: {  	v4 =	vld [tilespmem:s2+$0xFFFFFFA0]  }
0x2a8: {  	v53 =	vadd.s32 v2, v5  }
0x2a9: {  	v10 =	vor.u32 v6, v53;
	_ =	sdelay $0x2  }
0x2aa: {  	v4 =	vmul.f32 $8.000000000e+00, v4;
	_ =	sdelay $0x1  }
0x2ab: {  	[tilespmem:v10+s22+$0x0] =	vst.idx.msk $0xffff, v4  }
0x2ac: {  	v4 =	vld [tilespmem:s2+$0xFFFFFFB0]  }
0x2ad: {  	v5 =	vadd.s32 v3, v5  }
0x2ae: {  	v54 =	vor.u32 v6, v5;
	_ =	sdelay $0x2  }
0x2af: {  	v4 =	vmul.f32 $8.000000000e+00, v4;
	_ =	sdelay $0x1  }
0x2b0: {  	[tilespmem:v54+s22+$0x0] =	vst.idx.msk $0xffff, v4  }
0x2b1: {  	v4 =	vld [tilespmem:s2+$0xFFFFFFC0]  }
0x2b2: {  	v55 =	vor.u32 $0x1, v6  }
0x2b3: {  	v11 =	vor.u32 v55, v7;
	_ =	sdelay $0x2  }
0x2b4: {  	v4 =	vmul.f32 $8.000000000e+00, v4;
	_ =	sdelay $0x1  }
0x2b5: {  	[tilespmem:v11+s22+$0x0] =	vst.idx.msk $0xffff, v4  }
0x2b6: {  	v4 =	vld [tilespmem:s2+$0xFFFFFFD0];
	_ =	sdelay $0x1  }
0x2b7: {  	v56 =	vor.u32 v55, v52;
	_ =	sdelay $0x2  }
0x2b8: {  	v4 =	vmul.f32 $8.000000000e+00, v4;
	_ =	sdelay $0x1  }
0x2b9: {  	[tilespmem:v56+s22+$0x0] =	vst.idx.msk $0xffff, v4  }
0x2ba: {  	v4 =	vld [tilespmem:s2+$0xFFFFFFE0];
	_ =	sdelay $0x1  }
0x2bb: {  	v57 =	vor.u32 v55, v53;
	_ =	sdelay $0x2  }
0x2bc: {  	v4 =	vmul.f32 $8.000000000e+00, v4;
	_ =	sdelay $0x1  }
0x2bd: {  	[tilespmem:v57+s22+$0x0] =	vst.idx.msk $0xffff, v4  }
0x2be: {  	v4 =	vld [tilespmem:s2+$0xFFFFFFF0];
	_ =	sdelay $0x1  }
0x2bf: {  	v10 =	vor.u32 v55, v5;
	_ =	sdelay $0x2  }
0x2c0: {  	v4 =	vmul.f32 $8.000000000e+00, v4;
	_ =	sdelay $0x1  }
0x2c1: {  	[tilespmem:v10+s22+$0x0] =	vst.idx.msk $0xffff, v4  }
0x2c2: {  	v4 =	vld [tilespmem:s2+$0x0]  }
0x2c3: {  	v58 =	vor.u32 $0x2, v6  }
0x2c4: {  	v59 =	vor.u32 v58, v7;
	_ =	sdelay $0x2  }
0x2c5: {  	v4 =	vmul.f32 $8.000000000e+00, v4;
	_ =	sdelay $0x1  }
0x2c6: {  	[tilespmem:v59+s22+$0x0] =	vst.idx.msk $0xffff, v4  }
0x2c7: {  	v4 =	vld [tilespmem:s2+$0x10];
	_ =	sdelay $0x1  }
0x2c8: {  	v60 =	vor.u32 v58, v52;
	_ =	sdelay $0x2  }
0x2c9: {  	v4 =	vmul.f32 $8.000000000e+00, v4;
	_ =	sdelay $0x1  }
0x2ca: {  	[tilespmem:v60+s22+$0x0] =	vst.idx.msk $0xffff, v4  }
0x2cb: {  	v4 =	vld [tilespmem:s2+$0x20];
	_ =	sdelay $0x1  }
0x2cc: {  	v61 =	vor.u32 v58, v53;
	_ =	sdelay $0x2  }
0x2cd: {  	v4 =	vmul.f32 $8.000000000e+00, v4;
	_ =	sdelay $0x1  }
0x2ce: {  	[tilespmem:v61+s22+$0x0] =	vst.idx.msk $0xffff, v4  }
0x2cf: {  	v4 =	vld [tilespmem:s2+$0x30];
	_ =	sdelay $0x1  }
0x2d0: {  	v10 =	vor.u32 v58, v5;
	_ =	sdelay $0x2  }
0x2d1: {  	v4 =	vmul.f32 $8.000000000e+00, v4;
	_ =	sdelay $0x1  }
0x2d2: {  	[tilespmem:v10+s22+$0x0] =	vst.idx.msk $0xffff, v4  }
0x2d3: {  	v4 =	vld [tilespmem:s2+$0x40]  }
0x2d4: {  	v6 =	vor.u32 $0x3, v6  }
0x2d5: {  	v7 =	vor.u32 v6, v7;
	_ =	sdelay $0x2  }
0x2d6: {  	v4 =	vmul.f32 $8.000000000e+00, v4;
	_ =	sdelay $0x1  }
0x2d7: {  	[tilespmem:v7+s22+$0x0] =	vst.idx.msk $0xffff, v4  }
0x2d8: {  	v4 =	vld [tilespmem:s2+$0x50];
	_ =	sdelay $0x1  }
0x2d9: {  	v62 =	vor.u32 v6, v52;
	_ =	sdelay $0x2  }
0x2da: {  	v4 =	vmul.f32 $8.000000000e+00, v4;
	_ =	sdelay $0x1  }
0x2db: {  	[tilespmem:v62+s22+$0x0] =	vst.idx.msk $0xffff, v4  }
0x2dc: {  	v4 =	vld [tilespmem:s2+$0x60];
	_ =	sdelay $0x1  }
0x2dd: {  	v63 =	vor.u32 v6, v53;
	_ =	sdelay $0x2  }
0x2de: {  	v4 =	vmul.f32 $8.000000000e+00, v4;
	_ =	sdelay $0x1  }
0x2df: {  	[tilespmem:v63+s22+$0x0] =	vst.idx.msk $0xffff, v4  }
0x2e0: {  	v4 =	vld [tilespmem:s2+$0x70];
	_ =	sdelay $0x1  }
0x2e1: {  	v5 =	vor.u32 v6, v5;
	_ =	sdelay $0x2  }
0x2e2: {  	v4 =	vmul.f32 $8.000000000e+00, v4;
	_ =	sdelay $0x1  }
0x2e3: {  	s0 =	sadd.s32 s1, s9;
	s24 =	simm.s32 $0x4400;
	[tilespmem:v5+s22+$0x0] =	vst.idx.msk $0xffff, v4  }
0x2e4: {  	[hbm4b:s0+s3] =	stream.linear.scatter [tilespmem:s24], [sflag:$0x3], $0x80, $0x38;
	[tilespmem:$0x8800] =	vst v63  }
0x2e5: {  	s26 =	simm.s32 $0x4488;
	s4 =	sadd.s32 $0x10, s0  }
0x2e6: {  	[hbm4b:s4+s3] =	stream.linear.scatter [tilespmem:s26], [sflag:$0x3], $0x80, $0x38;
	[tilespmem:$0x8800] =	vst v63  }
0x2e7: {  	s24 =	simm.s32 $0x4510;
	s26 =	sadd.s32 $0x20, s0  }
0x2e8: {  	[hbm4b:s26+s3] =	stream.linear.scatter [tilespmem:s24], [sflag:$0x3], $0x80, $0x38;
	[tilespmem:$0x8800] =	vst v63  }
0x2e9: {  	s24 =	simm.s32 $0x4598;
	s26 =	sadd.s32 $0x30, s0  }
0x2ea: {  	[hbm4b:s26+s3] =	stream.linear.scatter [tilespmem:s24], [sflag:$0x3], $0x80, $0x38;
	[tilespmem:$0x8800] =	vst v63  }
0x2eb: {  	s24 =	simm.s32 $0x4620;
	s26 =	sadd.s32 $0x40, s0  }
0x2ec: {  	[hbm4b:s26+s3] =	stream.linear.scatter [tilespmem:s24], [sflag:$0x3], $0x80, $0x38;
	[tilespmem:$0x8800] =	vst v63  }
0x2ed: {  	s29 =	simm.s32 $0x47B8;
	s24 =	simm.s32 $0x46A8;
	s26 =	sadd.s32 $0x50, s0  }
0x2ee: {  	[hbm4b:s26+s3] =	stream.linear.scatter [tilespmem:s24], [sflag:$0x3], $0x80, $0x38;
	[tilespmem:$0x8800] =	vst v63  }
0x2ef: {  	s31 =	sadd.s32 $0x70, s0;
	s24 =	simm.s32 $0x4730;
	s26 =	sadd.s32 $0x60, s0  }
0x2f0: {  	[hbm4b:s26+s3] =	stream.linear.scatter [tilespmem:s24], [sflag:$0x3], $0x80, $0x38;
	[tilespmem:$0x8800] =	vst v63  }
0x2f1: {  	s2 =	simm.s32 $0x440;
	s26 =	simm.s32 $0x2200;
	s24 =	sadd.s32 $0x400, s0  }
.LBB2_13:
0x2f2: {  	[hbm4b:s31+s3] =	stream.linear.scatter [tilespmem:s29], [sflag:$0x3], $0x80, $0x38;
	[tilespmem:$0x8800] =	vst v63  }
0x2f3: {  	s0 =	smov.u32 s2;
	s2 =	smov.u32 s26  }
0x2f4: {  	s4 =	sadd.s32 $0x1100, s26;
	s2 =	sshra.s32 s2, $0x2;
	s29 =	sadd.s32 $0x4400, s0  }
0x2f5: {  	[hbm4b:s24+s3] =	stream.linear.scatter [tilespmem:s29], [sflag:$0x3], $0x80, $0x38;
	[tilespmem:$0x8800] =	vst v63  }
0x2f6: {  	p0 =	sne.s32 s26, $0x7700;
	s26 =	sadd.s32 $0x4488, s0;
	s29 =	sadd.s32 $0x10, s24  }
0x2f7: {  	[hbm4b:s29+s3] =	stream.linear.scatter [tilespmem:s26], [sflag:$0x3], $0x80, $0x38;
	[tilespmem:$0x8800] =	vst v63  }
0x2f8: {  	s26 =	sadd.s32 $0x4510, s0;
	s29 =	sadd.s32 $0x20, s24  }
0x2f9: {  	[hbm4b:s29+s3] =	stream.linear.scatter [tilespmem:s26], [sflag:$0x3], $0x80, $0x38;
	[tilespmem:$0x8800] =	vst v63  }
0x2fa: {  	s26 =	sadd.s32 $0x4598, s0;
	s29 =	sadd.s32 $0x30, s24  }
0x2fb: {  	[hbm4b:s29+s3] =	stream.linear.scatter [tilespmem:s26], [sflag:$0x3], $0x80, $0x38;
	[tilespmem:$0x8800] =	vst v63  }
0x2fc: {  	s26 =	sadd.s32 $0x4620, s0;
	s29 =	sadd.s32 $0x40, s24  }
0x2fd: {  	[hbm4b:s29+s3] =	stream.linear.scatter [tilespmem:s26], [sflag:$0x3], $0x80, $0x38;
	[tilespmem:$0x8800] =	vst v63  }
.Ltmp5:
0x2fe: {  	s26 =	sadd.s32 $0x46A8, s0;
	s29 =	sadd.s32 $0x50, s24;
	(pc) =	sbr.rel @p0 .LBB2_13-.Ltmp5, $4  }
0x2ff: {  	[hbm4b:s29+s3] =	stream.linear.scatter [tilespmem:s26], [sflag:$0x3], $0x80, $0x38;
	[tilespmem:$0x8800] =	vst v63  }
0x300: {  	s31 =	sadd.s32 $0x70, s24;
	s26 =	sadd.s32 $0x4730, s0;
	s29 =	sadd.s32 $0x60, s24  }
0x301: {  	[hbm4b:s29+s3] =	stream.linear.scatter [tilespmem:s26], [sflag:$0x3], $0x80, $0x38;
	[tilespmem:$0x8800] =	vst v63  }
0x302: {  	s24 =	sadd.s32 $0x400, s24;
	s29 =	sadd.s32 $0x47B8, s0;
	s26 =	smov.u32 s4  }
0x303: {  	[hbm4b:s31+s3] =	stream.linear.scatter [tilespmem:s29], [sflag:$0x3], $0x80, $0x38;
	[tilespmem:$0x8800] =	vst v63  }
0x304: {  	s0 =	sadd.s32 $0x4400, s2  }
0x305: {  	[hbm4b:s24+s3] =	stream.linear.scatter [tilespmem:s0], [sflag:$0x3], $0x80, $0x38;
	[tilespmem:$0x8800] =	vst v63  }
0x306: {  	s26 =	sadd.s32 $0x4488, s2;
	s4 =	sadd.s32 $0x10, s24  }
0x307: {  	[hbm4b:s4+s3] =	stream.linear.scatter [tilespmem:s26], [sflag:$0x3], $0x80, $0x38;
	[tilespmem:$0x8800] =	vst v63  }
0x308: {  	s29 =	sadd.s32 $0x4510, s2;
	s31 =	sadd.s32 $0x20, s24  }
0x309: {  	[hbm4b:s31+s3] =	stream.linear.scatter [tilespmem:s29], [sflag:$0x3], $0x80, $0x38;
	[tilespmem:$0x8800] =	vst v63  }
0x30a: {  	s4 =	sadd.s32 $0x4598, s2;
	s26 =	sadd.s32 $0x30, s24  }
0x30b: {  	[hbm4b:s26+s3] =	stream.linear.scatter [tilespmem:s4], [sflag:$0x3], $0x80, $0x38;
	[tilespmem:$0x8800] =	vst v63  }
0x30c: {  	s29 =	sadd.s32 $0x4620, s2;
	s31 =	sadd.s32 $0x40, s24  }
0x30d: {  	[hbm4b:s31+s3] =	stream.linear.scatter [tilespmem:s29], [sflag:$0x3], $0x80, $0x38;
	[tilespmem:$0x8800] =	vst v63  }
0x30e: {  	s4 =	sadd.s32 $0x46A8, s2;
	s26 =	sadd.s32 $0x50, s24  }
0x30f: {  	[hbm4b:s26+s3] =	stream.linear.scatter [tilespmem:s4], [sflag:$0x3], $0x80, $0x38;
	[tilespmem:$0x8800] =	vst v63  }
0x310: {  	s29 =	sadd.s32 $0x4730, s2;
	s31 =	sadd.s32 $0x60, s24  }
0x311: {  	[hbm4b:s31+s3] =	stream.linear.scatter [tilespmem:s29], [sflag:$0x3], $0x80, $0x38;
	[tilespmem:$0x8800] =	vst v63  }
0x312: {  	s4 =	sadd.s32 $0x47B8, s2;
	s26 =	sadd.s32 $0x70, s24  }
0x313: {  	[hbm4b:s26+s3] =	stream.linear.scatter [tilespmem:s4], [sflag:$0x3], $0x80, $0x38;
	[tilespmem:$0x8800] =	vst v63  }
0x314: {  	_ =	swait.ge [sflag:s23], $0x2000  }
0x315: {  	[sflag:s23] =	ssyncset.done $0x0  }
0x316: {  	s29 =	simm.s32 $0x200;
	[sflag:s23] =	ssyncadd.s32 $0xFFFFE000  }
0x317: {  	[tilespmem:s19], [sflag:$0x1] =	stream.indirect.gather [hbm4b:s5+s18], $0x40, s29, s18, $0xb8;
	[tilespmem:$0x8800] =	vst v63  }
0x318: {  	_ =	swait.ge [sflag:s30], $0x2000  }
0x319: {  	s31 =	simm.s32 $0x0;
	[sflag:s30] =	ssyncset.done $0x0  }
0x31a: {  	s2 =	simm.s32 $0x2480;
	v4 =	vmov s31;
	[sflag:s30] =	ssyncadd.s32 $0xFFFFE000  }
0x31b: {  	v6 =	vand.u32 $0x78, v4;
	v5 =	vld [tilespmem:s2+$0xFFFFFF80]  }
0x31c: {  	v4 =	vand.u32 $0x4, v4;
	v7 =	vadd.s32 v0, v6  }
0x31d: {  	v8 =	vor.u32 v4, v7;
	_ =	sdelay $0x2  }
0x31e: {  	v5 =	vmul.f32 $8.000000000e+00, v5;
	_ =	sdelay $0x1  }
0x31f: {  	[tilespmem:v8+s25+$0x0] =	vst.idx.msk $0xffff, v5  }
0x320: {  	v5 =	vld [tilespmem:s2+$0xFFFFFF90]  }
0x321: {  	v54 =	vadd.s32 v1, v6  }
0x322: {  	v9 =	vor.u32 v4, v54;
	_ =	sdelay $0x2  }
0x323: {  	v5 =	vmul.f32 $8.000000000e+00, v5;
	_ =	sdelay $0x1  }
0x324: {  	[tilespmem:v9+s25+$0x0] =	vst.idx.msk $0xffff, v5  }
0x325: {  	v5 =	vld [tilespmem:s2+$0xFFFFFFA0]  }
0x326: {  	v55 =	vadd.s32 v2, v6  }
0x327: {  	v10 =	vor.u32 v4, v55;
	_ =	sdelay $0x2  }
0x328: {  	v5 =	vmul.f32 $8.000000000e+00, v5;
	_ =	sdelay $0x1  }
0x329: {  	[tilespmem:v10+s25+$0x0] =	vst.idx.msk $0xffff, v5  }
0x32a: {  	v5 =	vld [tilespmem:s2+$0xFFFFFFB0]  }
0x32b: {  	v6 =	vadd.s32 v3, v6  }
0x32c: {  	v56 =	vor.u32 v4, v6;
	_ =	sdelay $0x2  }
0x32d: {  	v5 =	vmul.f32 $8.000000000e+00, v5;
	_ =	sdelay $0x1  }
0x32e: {  	[tilespmem:v56+s25+$0x0] =	vst.idx.msk $0xffff, v5  }
0x32f: {  	v5 =	vld [tilespmem:s2+$0xFFFFFFC0]  }
0x330: {  	v57 =	vor.u32 $0x1, v4  }
0x331: {  	v11 =	vor.u32 v57, v7;
	_ =	sdelay $0x2  }
0x332: {  	v5 =	vmul.f32 $8.000000000e+00, v5;
	_ =	sdelay $0x1  }
0x333: {  	[tilespmem:v11+s25+$0x0] =	vst.idx.msk $0xffff, v5  }
0x334: {  	v5 =	vld [tilespmem:s2+$0xFFFFFFD0];
	_ =	sdelay $0x1  }
0x335: {  	v58 =	vor.u32 v57, v54;
	_ =	sdelay $0x2  }
0x336: {  	v5 =	vmul.f32 $8.000000000e+00, v5;
	_ =	sdelay $0x1  }
0x337: {  	[tilespmem:v58+s25+$0x0] =	vst.idx.msk $0xffff, v5  }
0x338: {  	v5 =	vld [tilespmem:s2+$0xFFFFFFE0];
	_ =	sdelay $0x1  }
0x339: {  	v59 =	vor.u32 v57, v55;
	_ =	sdelay $0x2  }
0x33a: {  	v5 =	vmul.f32 $8.000000000e+00, v5;
	_ =	sdelay $0x1  }
0x33b: {  	[tilespmem:v59+s25+$0x0] =	vst.idx.msk $0xffff, v5  }
0x33c: {  	v5 =	vld [tilespmem:s2+$0xFFFFFFF0];
	_ =	sdelay $0x1  }
0x33d: {  	v10 =	vor.u32 v57, v6;
	_ =	sdelay $0x2  }
0x33e: {  	v5 =	vmul.f32 $8.000000000e+00, v5;
	_ =	sdelay $0x1  }
0x33f: {  	[tilespmem:v10+s25+$0x0] =	vst.idx.msk $0xffff, v5  }
0x340: {  	v5 =	vld [tilespmem:s2+$0x0]  }
0x341: {  	v60 =	vor.u32 $0x2, v4  }
0x342: {  	v61 =	vor.u32 v60, v7;
	_ =	sdelay $0x2  }
0x343: {  	v5 =	vmul.f32 $8.000000000e+00, v5;
	_ =	sdelay $0x1  }
0x344: {  	[tilespmem:v61+s25+$0x0] =	vst.idx.msk $0xffff, v5  }
0x345: {  	v5 =	vld [tilespmem:s2+$0x10];
	_ =	sdelay $0x1  }
0x346: {  	v62 =	vor.u32 v60, v54;
	_ =	sdelay $0x2  }
0x347: {  	v5 =	vmul.f32 $8.000000000e+00, v5;
	_ =	sdelay $0x1  }
0x348: {  	[tilespmem:v62+s25+$0x0] =	vst.idx.msk $0xffff, v5  }
0x349: {  	v5 =	vld [tilespmem:s2+$0x20];
	_ =	sdelay $0x1  }
0x34a: {  	v63 =	vor.u32 v60, v55;
	_ =	sdelay $0x2  }
0x34b: {  	v5 =	vmul.f32 $8.000000000e+00, v5;
	_ =	sdelay $0x1  }
0x34c: {  	[tilespmem:v63+s25+$0x0] =	vst.idx.msk $0xffff, v5  }
0x34d: {  	v5 =	vld [tilespmem:s2+$0x30];
	_ =	sdelay $0x1  }
0x34e: {  	v10 =	vor.u32 v60, v6;
	_ =	sdelay $0x2  }
0x34f: {  	v5 =	vmul.f32 $8.000000000e+00, v5;
	_ =	sdelay $0x1  }
0x350: {  	[tilespmem:v10+s25+$0x0] =	vst.idx.msk $0xffff, v5  }
0x351: {  	v5 =	vld [tilespmem:s2+$0x40]  }
0x352: {  	v4 =	vor.u32 $0x3, v4  }
0x353: {  	v7 =	vor.u32 v4, v7;
	_ =	sdelay $0x2  }
0x354: {  	v5 =	vmul.f32 $8.000000000e+00, v5;
	_ =	sdelay $0x1  }
0x355: {  	[tilespmem:v7+s25+$0x0] =	vst.idx.msk $0xffff, v5  }
0x356: {  	v5 =	vld [tilespmem:s2+$0x50];
	_ =	sdelay $0x1  }
0x357: {  	v7 =	vor.u32 v4, v54;
	_ =	sdelay $0x2  }
0x358: {  	v5 =	vmul.f32 $8.000000000e+00, v5;
	_ =	sdelay $0x1  }
0x359: {  	[tilespmem:v7+s25+$0x0] =	vst.idx.msk $0xffff, v5  }
0x35a: {  	v5 =	vld [tilespmem:s2+$0x60];
	_ =	sdelay $0x1  }
0x35b: {  	v7 =	vor.u32 v4, v55;
	_ =	sdelay $0x2  }
0x35c: {  	v5 =	vmul.f32 $8.000000000e+00, v5;
	_ =	sdelay $0x1  }
0x35d: {  	[tilespmem:v7+s25+$0x0] =	vst.idx.msk $0xffff, v5  }
0x35e: {  	v5 =	vld [tilespmem:s2+$0x70];
	_ =	sdelay $0x1  }
0x35f: {  	v4 =	vor.u32 v4, v6;
	_ =	sdelay $0x2  }
0x360: {  	s24 =	simm.s32 $0x8;
	s26 =	simm.s32 $0x4;
	v5 =	vmul.f32 $8.000000000e+00, v5  }
.LBB2_15:
0x361: {  	p0 =	sne.s32 s24, $0x7C  }
0x362: {  	v6 =	vmov s26;
	s2 =	sadd.s32 $0x100, s2;
	s26 =	smov.u32 s24;
	s24 =	sadd.s32 $0x4, s24;
	[tilespmem:v4+s25+$0x0] =	vst.idx.msk $0xffff, v5  }
0x363: {  	v5 =	vand.u32 $0x78, v6;
	v4 =	vld [tilespmem:s2+$0xFFFFFF80]  }
0x364: {  	v6 =	vand.u32 $0x4, v6;
	v7 =	vadd.s32 v0, v5;
	v8 =	vadd.s32 v1, v5  }
0x365: {  	v11 =	vadd.s32 v2, v5;
	v9 =	vor.u32 v6, v7;
	v10 =	vor.u32 v6, v8  }
0x366: {  	v13 =	vadd.s32 v3, v5;
	v5 =	vor.u32 $0x1, v6;
	v12 =	vor.u32 v6, v11  }
0x367: {  	v14 =	vor.u32 v6, v13;
	v15 =	vor.u32 v5, v7;
	v16 =	vor.u32 v5, v8  }
0x368: {  	v17 =	vor.u32 v5, v11;
	v18 =	vor.u32 v5, v13;
	v4 =	vmul.f32 $8.000000000e+00, v4  }
0x369: {  	v19 =	vor.u32 $0x3, v6;
	v5 =	vor.u32 $0x2, v6  }
0x36a: {  	v20 =	vor.u32 v5, v8;
	[tilespmem:v9+s25+$0x0] =	vst.idx.msk $0xffff, v4;
	v9 =	vor.u32 v5, v7  }
0x36b: {  	v22 =	vor.u32 v5, v11;
	v23 =	vor.u32 v5, v13;
	v7 =	vor.u32 v19, v7;
	v21 =	vld [tilespmem:s2+$0xFFFFFF90]  }
0x36c: {  	v6 =	vor.u32 v19, v8;
	v5 =	vor.u32 v19, v11;
	v4 =	vor.u32 v19, v13;
	_ =	sdelay $0x3  }
0x36d: {  	v8 =	vmul.f32 $8.000000000e+00, v21;
	_ =	sdelay $0x1  }
0x36e: {  	[tilespmem:v10+s25+$0x0] =	vst.idx.msk $0xffff, v8  }
0x36f: {  	v8 =	vld [tilespmem:s2+$0xFFFFFFA0];
	_ =	sdelay $0x4  }
0x370: {  	v8 =	vmul.f32 $8.000000000e+00, v8;
	_ =	sdelay $0x1  }
0x371: {  	[tilespmem:v12+s25+$0x0] =	vst.idx.msk $0xffff, v8  }
0x372: {  	v8 =	vld [tilespmem:s2+$0xFFFFFFB0];
	_ =	sdelay $0x4  }
0x373: {  	v8 =	vmul.f32 $8.000000000e+00, v8;
	_ =	sdelay $0x1  }
0x374: {  	[tilespmem:v14+s25+$0x0] =	vst.idx.msk $0xffff, v8  }
0x375: {  	v8 =	vld [tilespmem:s2+$0xFFFFFFC0];
	_ =	sdelay $0x4  }
0x376: {  	v8 =	vmul.f32 $8.000000000e+00, v8;
	_ =	sdelay $0x1  }
0x377: {  	[tilespmem:v15+s25+$0x0] =	vst.idx.msk $0xffff, v8  }
0x378: {  	v8 =	vld [tilespmem:s2+$0xFFFFFFD0];
	_ =	sdelay $0x4  }
0x379: {  	v8 =	vmul.f32 $8.000000000e+00, v8;
	_ =	sdelay $0x1  }
0x37a: {  	[tilespmem:v16+s25+$0x0] =	vst.idx.msk $0xffff, v8  }
0x37b: {  	v8 =	vld [tilespmem:s2+$0xFFFFFFE0];
	_ =	sdelay $0x4  }
0x37c: {  	v8 =	vmul.f32 $8.000000000e+00, v8;
	_ =	sdelay $0x1  }
0x37d: {  	[tilespmem:v17+s25+$0x0] =	vst.idx.msk $0xffff, v8  }
0x37e: {  	v8 =	vld [tilespmem:s2+$0xFFFFFFF0];
	_ =	sdelay $0x4  }
0x37f: {  	v8 =	vmul.f32 $8.000000000e+00, v8;
	_ =	sdelay $0x1  }
0x380: {  	[tilespmem:v18+s25+$0x0] =	vst.idx.msk $0xffff, v8  }
0x381: {  	v8 =	vld [tilespmem:s2+$0x0];
	_ =	sdelay $0x4  }
0x382: {  	v8 =	vmul.f32 $8.000000000e+00, v8;
	_ =	sdelay $0x1  }
0x383: {  	[tilespmem:v9+s25+$0x0] =	vst.idx.msk $0xffff, v8  }
0x384: {  	v8 =	vld [tilespmem:s2+$0x10];
	_ =	sdelay $0x4  }
0x385: {  	v8 =	vmul.f32 $8.000000000e+00, v8;
	_ =	sdelay $0x1  }
0x386: {  	[tilespmem:v20+s25+$0x0] =	vst.idx.msk $0xffff, v8  }
0x387: {  	v8 =	vld [tilespmem:s2+$0x20];
	_ =	sdelay $0x4  }
0x388: {  	v8 =	vmul.f32 $8.000000000e+00, v8;
	_ =	sdelay $0x1  }
0x389: {  	[tilespmem:v22+s25+$0x0] =	vst.idx.msk $0xffff, v8  }
0x38a: {  	v8 =	vld [tilespmem:s2+$0x30];
	_ =	sdelay $0x4  }
0x38b: {  	v8 =	vmul.f32 $8.000000000e+00, v8;
	_ =	sdelay $0x1  }
0x38c: {  	[tilespmem:v23+s25+$0x0] =	vst.idx.msk $0xffff, v8  }
0x38d: {  	v8 =	vld [tilespmem:s2+$0x40];
	_ =	sdelay $0x4  }
0x38e: {  	v8 =	vmul.f32 $8.000000000e+00, v8;
	_ =	sdelay $0x1  }
0x38f: {  	[tilespmem:v7+s25+$0x0] =	vst.idx.msk $0xffff, v8  }
0x390: {  	v7 =	vld [tilespmem:s2+$0x50];
	_ =	sdelay $0x4  }
0x391: {  	v7 =	vmul.f32 $8.000000000e+00, v7;
	_ =	sdelay $0x1  }
0x392: {  	[tilespmem:v6+s25+$0x0] =	vst.idx.msk $0xffff, v7  }
0x393: {  	v6 =	vld [tilespmem:s2+$0x60];
	_ =	sdelay $0x4  }
0x394: {  	v6 =	vmul.f32 $8.000000000e+00, v6;
	_ =	sdelay $0x1  }
0x395: {  	[tilespmem:v5+s25+$0x0] =	vst.idx.msk $0xffff, v6  }
0x396: {  	v5 =	vld [tilespmem:s2+$0x70]  }
.Ltmp6:
0x397: {  	(pc) =	sbr.rel @p0 .LBB2_15-.Ltmp6, $2  }
0x398: {  	_ =	sdelay $0x2  }
0x399: {  	v5 =	vmul.f32 $8.000000000e+00, v5  }
0x39a: {  	_ =	sdelay $0x3  }
0x39b: {  	v6 =	vmov s26;
	s2 =	sadd.s32 $0x100, s2;
	[tilespmem:v4+s25+$0x0] =	vst.idx.msk $0xffff, v5  }
0x39c: {  	v5 =	vand.u32 $0x78, v6;
	v4 =	vld [tilespmem:s2+$0xFFFFFF80]  }
0x39d: {  	v6 =	vand.u32 $0x4, v6;
	v7 =	vadd.s32 v0, v5  }
0x39e: {  	v8 =	vor.u32 v6, v7;
	_ =	sdelay $0x2  }
0x39f: {  	v4 =	vmul.f32 $8.000000000e+00, v4;
	_ =	sdelay $0x1  }
0x3a0: {  	[tilespmem:v8+s25+$0x0] =	vst.idx.msk $0xffff, v4  }
0x3a1: {  	v4 =	vld [tilespmem:s2+$0xFFFFFF90]  }
0x3a2: {  	v52 =	vadd.s32 v1, v5  }
0x3a3: {  	v9 =	vor.u32 v6, v52;
	_ =	sdelay $0x2  }
0x3a4: {  	v4 =	vmul.f32 $8.000000000e+00, v4;
	_ =	sdelay $0x1  }
0x3a5: {  	[tilespmem:v9+s25+$0x0] =	vst.idx.msk $0xffff, v4  }
0x3a6: {  	v4 =	vld [tilespmem:s2+$0xFFFFFFA0]  }
0x3a7: {  	v53 =	vadd.s32 v2, v5  }
0x3a8: {  	v10 =	vor.u32 v6, v53;
	_ =	sdelay $0x2  }
0x3a9: {  	v4 =	vmul.f32 $8.000000000e+00, v4;
	_ =	sdelay $0x1  }
0x3aa: {  	[tilespmem:v10+s25+$0x0] =	vst.idx.msk $0xffff, v4  }
0x3ab: {  	v4 =	vld [tilespmem:s2+$0xFFFFFFB0]  }
0x3ac: {  	v5 =	vadd.s32 v3, v5  }
0x3ad: {  	v54 =	vor.u32 v6, v5;
	_ =	sdelay $0x2  }
0x3ae: {  	v4 =	vmul.f32 $8.000000000e+00, v4;
	_ =	sdelay $0x1  }
0x3af: {  	[tilespmem:v54+s25+$0x0] =	vst.idx.msk $0xffff, v4  }
0x3b0: {  	v4 =	vld [tilespmem:s2+$0xFFFFFFC0]  }
0x3b1: {  	v55 =	vor.u32 $0x1, v6  }
0x3b2: {  	v11 =	vor.u32 v55, v7;
	_ =	sdelay $0x2  }
0x3b3: {  	v4 =	vmul.f32 $8.000000000e+00, v4;
	_ =	sdelay $0x1  }
0x3b4: {  	[tilespmem:v11+s25+$0x0] =	vst.idx.msk $0xffff, v4  }
0x3b5: {  	v4 =	vld [tilespmem:s2+$0xFFFFFFD0];
	_ =	sdelay $0x1  }
0x3b6: {  	v56 =	vor.u32 v55, v52;
	_ =	sdelay $0x2  }
0x3b7: {  	v4 =	vmul.f32 $8.000000000e+00, v4;
	_ =	sdelay $0x1  }
0x3b8: {  	[tilespmem:v56+s25+$0x0] =	vst.idx.msk $0xffff, v4  }
0x3b9: {  	v4 =	vld [tilespmem:s2+$0xFFFFFFE0];
	_ =	sdelay $0x1  }
0x3ba: {  	v57 =	vor.u32 v55, v53;
	_ =	sdelay $0x2  }
0x3bb: {  	v4 =	vmul.f32 $8.000000000e+00, v4;
	_ =	sdelay $0x1  }
0x3bc: {  	[tilespmem:v57+s25+$0x0] =	vst.idx.msk $0xffff, v4  }
0x3bd: {  	v4 =	vld [tilespmem:s2+$0xFFFFFFF0];
	_ =	sdelay $0x1  }
0x3be: {  	v10 =	vor.u32 v55, v5;
	_ =	sdelay $0x2  }
0x3bf: {  	v4 =	vmul.f32 $8.000000000e+00, v4;
	_ =	sdelay $0x1  }
0x3c0: {  	[tilespmem:v10+s25+$0x0] =	vst.idx.msk $0xffff, v4  }
0x3c1: {  	v4 =	vld [tilespmem:s2+$0x0]  }
0x3c2: {  	v58 =	vor.u32 $0x2, v6  }
0x3c3: {  	v59 =	vor.u32 v58, v7;
	_ =	sdelay $0x2  }
0x3c4: {  	v4 =	vmul.f32 $8.000000000e+00, v4;
	_ =	sdelay $0x1  }
0x3c5: {  	[tilespmem:v59+s25+$0x0] =	vst.idx.msk $0xffff, v4  }
0x3c6: {  	v4 =	vld [tilespmem:s2+$0x10];
	_ =	sdelay $0x1  }
0x3c7: {  	v60 =	vor.u32 v58, v52;
	_ =	sdelay $0x2  }
0x3c8: {  	v4 =	vmul.f32 $8.000000000e+00, v4;
	_ =	sdelay $0x1  }
0x3c9: {  	[tilespmem:v60+s25+$0x0] =	vst.idx.msk $0xffff, v4  }
0x3ca: {  	v4 =	vld [tilespmem:s2+$0x20];
	_ =	sdelay $0x1  }
0x3cb: {  	v61 =	vor.u32 v58, v53;
	_ =	sdelay $0x2  }
0x3cc: {  	v4 =	vmul.f32 $8.000000000e+00, v4;
	_ =	sdelay $0x1  }
0x3cd: {  	[tilespmem:v61+s25+$0x0] =	vst.idx.msk $0xffff, v4  }
0x3ce: {  	v4 =	vld [tilespmem:s2+$0x30];
	_ =	sdelay $0x1  }
0x3cf: {  	v10 =	vor.u32 v58, v5;
	_ =	sdelay $0x2  }
0x3d0: {  	v4 =	vmul.f32 $8.000000000e+00, v4;
	_ =	sdelay $0x1  }
0x3d1: {  	[tilespmem:v10+s25+$0x0] =	vst.idx.msk $0xffff, v4  }
0x3d2: {  	v4 =	vld [tilespmem:s2+$0x40]  }
0x3d3: {  	v6 =	vor.u32 $0x3, v6  }
0x3d4: {  	v7 =	vor.u32 v6, v7;
	_ =	sdelay $0x2  }
0x3d5: {  	v4 =	vmul.f32 $8.000000000e+00, v4;
	_ =	sdelay $0x1  }
0x3d6: {  	[tilespmem:v7+s25+$0x0] =	vst.idx.msk $0xffff, v4  }
0x3d7: {  	v4 =	vld [tilespmem:s2+$0x50];
	_ =	sdelay $0x1  }
0x3d8: {  	v62 =	vor.u32 v6, v52;
	_ =	sdelay $0x2  }
0x3d9: {  	v4 =	vmul.f32 $8.000000000e+00, v4;
	_ =	sdelay $0x1  }
0x3da: {  	[tilespmem:v62+s25+$0x0] =	vst.idx.msk $0xffff, v4  }
0x3db: {  	v4 =	vld [tilespmem:s2+$0x60];
	_ =	sdelay $0x1  }
0x3dc: {  	v63 =	vor.u32 v6, v53;
	_ =	sdelay $0x2  }
0x3dd: {  	v4 =	vmul.f32 $8.000000000e+00, v4;
	_ =	sdelay $0x1  }
0x3de: {  	[tilespmem:v63+s25+$0x0] =	vst.idx.msk $0xffff, v4  }
0x3df: {  	v4 =	vld [tilespmem:s2+$0x70];
	_ =	sdelay $0x1  }
0x3e0: {  	v5 =	vor.u32 v6, v5;
	_ =	sdelay $0x2  }
0x3e1: {  	v4 =	vmul.f32 $8.000000000e+00, v4;
	_ =	sdelay $0x1  }
0x3e2: {  	s0 =	sadd.s32 s1, s10;
	s24 =	simm.s32 $0x6600;
	[tilespmem:v5+s25+$0x0] =	vst.idx.msk $0xffff, v4  }
0x3e3: {  	[hbm4b:s0+s3] =	stream.linear.scatter [tilespmem:s24], [sflag:$0x4], $0x80, $0x38;
	[tilespmem:$0x8800] =	vst v63  }
0x3e4: {  	s26 =	simm.s32 $0x6688;
	s4 =	sadd.s32 $0x10, s0  }
0x3e5: {  	[hbm4b:s4+s3] =	stream.linear.scatter [tilespmem:s26], [sflag:$0x4], $0x80, $0x38;
	[tilespmem:$0x8800] =	vst v63  }
0x3e6: {  	s24 =	simm.s32 $0x6710;
	s26 =	sadd.s32 $0x20, s0  }
0x3e7: {  	[hbm4b:s26+s3] =	stream.linear.scatter [tilespmem:s24], [sflag:$0x4], $0x80, $0x38;
	[tilespmem:$0x8800] =	vst v63  }
0x3e8: {  	s24 =	simm.s32 $0x6798;
	s26 =	sadd.s32 $0x30, s0  }
0x3e9: {  	[hbm4b:s26+s3] =	stream.linear.scatter [tilespmem:s24], [sflag:$0x4], $0x80, $0x38;
	[tilespmem:$0x8800] =	vst v63  }
0x3ea: {  	s24 =	simm.s32 $0x6820;
	s26 =	sadd.s32 $0x40, s0  }
0x3eb: {  	[hbm4b:s26+s3] =	stream.linear.scatter [tilespmem:s24], [sflag:$0x4], $0x80, $0x38;
	[tilespmem:$0x8800] =	vst v63  }
0x3ec: {  	s29 =	simm.s32 $0x69B8;
	s24 =	simm.s32 $0x68A8;
	s26 =	sadd.s32 $0x50, s0  }
0x3ed: {  	[hbm4b:s26+s3] =	stream.linear.scatter [tilespmem:s24], [sflag:$0x4], $0x80, $0x38;
	[tilespmem:$0x8800] =	vst v63  }
0x3ee: {  	s31 =	sadd.s32 $0x70, s0;
	s24 =	simm.s32 $0x6930;
	s26 =	sadd.s32 $0x60, s0  }
0x3ef: {  	[hbm4b:s26+s3] =	stream.linear.scatter [tilespmem:s24], [sflag:$0x4], $0x80, $0x38;
	[tilespmem:$0x8800] =	vst v63  }
0x3f0: {  	s2 =	simm.s32 $0x440;
	s26 =	simm.s32 $0x2200;
	s24 =	sadd.s32 $0x400, s0  }
.LBB2_17:
0x3f1: {  	[hbm4b:s31+s3] =	stream.linear.scatter [tilespmem:s29], [sflag:$0x4], $0x80, $0x38;
	[tilespmem:$0x8800] =	vst v63  }
0x3f2: {  	s0 =	smov.u32 s2;
	s2 =	smov.u32 s26  }
0x3f3: {  	s4 =	sadd.s32 $0x1100, s26;
	s2 =	sshra.s32 s2, $0x2;
	s29 =	sadd.s32 $0x6600, s0  }
0x3f4: {  	[hbm4b:s24+s3] =	stream.linear.scatter [tilespmem:s29], [sflag:$0x4], $0x80, $0x38;
	[tilespmem:$0x8800] =	vst v63  }
0x3f5: {  	p0 =	sne.s32 s26, $0x7700;
	s26 =	sadd.s32 $0x6688, s0;
	s29 =	sadd.s32 $0x10, s24  }
0x3f6: {  	[hbm4b:s29+s3] =	stream.linear.scatter [tilespmem:s26], [sflag:$0x4], $0x80, $0x38;
	[tilespmem:$0x8800] =	vst v63  }
0x3f7: {  	s26 =	sadd.s32 $0x6710, s0;
	s29 =	sadd.s32 $0x20, s24  }
0x3f8: {  	[hbm4b:s29+s3] =	stream.linear.scatter [tilespmem:s26], [sflag:$0x4], $0x80, $0x38;
	[tilespmem:$0x8800] =	vst v63  }
0x3f9: {  	s26 =	sadd.s32 $0x6798, s0;
	s29 =	sadd.s32 $0x30, s24  }
0x3fa: {  	[hbm4b:s29+s3] =	stream.linear.scatter [tilespmem:s26], [sflag:$0x4], $0x80, $0x38;
	[tilespmem:$0x8800] =	vst v63  }
0x3fb: {  	s26 =	sadd.s32 $0x6820, s0;
	s29 =	sadd.s32 $0x40, s24  }
0x3fc: {  	[hbm4b:s29+s3] =	stream.linear.scatter [tilespmem:s26], [sflag:$0x4], $0x80, $0x38;
	[tilespmem:$0x8800] =	vst v63  }
.Ltmp7:
0x3fd: {  	s26 =	sadd.s32 $0x68A8, s0;
	s29 =	sadd.s32 $0x50, s24;
	(pc) =	sbr.rel @p0 .LBB2_17-.Ltmp7, $4  }
0x3fe: {  	[hbm4b:s29+s3] =	stream.linear.scatter [tilespmem:s26], [sflag:$0x4], $0x80, $0x38;
	[tilespmem:$0x8800] =	vst v63  }
0x3ff: {  	s31 =	sadd.s32 $0x70, s24;
	s26 =	sadd.s32 $0x6930, s0;
	s29 =	sadd.s32 $0x60, s24  }
0x400: {  	[hbm4b:s29+s3] =	stream.linear.scatter [tilespmem:s26], [sflag:$0x4], $0x80, $0x38;
	[tilespmem:$0x8800] =	vst v63  }
0x401: {  	s24 =	sadd.s32 $0x400, s24;
	s29 =	sadd.s32 $0x69B8, s0;
	s26 =	smov.u32 s4  }
0x402: {  	[hbm4b:s31+s3] =	stream.linear.scatter [tilespmem:s29], [sflag:$0x4], $0x80, $0x38;
	[tilespmem:$0x8800] =	vst v63  }
0x403: {  	s0 =	sadd.s32 $0x6600, s2  }
0x404: {  	[hbm4b:s24+s3] =	stream.linear.scatter [tilespmem:s0], [sflag:$0x4], $0x80, $0x38;
	[tilespmem:$0x8800] =	vst v63  }
0x405: {  	s26 =	sadd.s32 $0x6688, s2;
	s4 =	sadd.s32 $0x10, s24  }
0x406: {  	[hbm4b:s4+s3] =	stream.linear.scatter [tilespmem:s26], [sflag:$0x4], $0x80, $0x38;
	[tilespmem:$0x8800] =	vst v63  }
0x407: {  	s29 =	sadd.s32 $0x6710, s2;
	s31 =	sadd.s32 $0x20, s24  }
0x408: {  	[hbm4b:s31+s3] =	stream.linear.scatter [tilespmem:s29], [sflag:$0x4], $0x80, $0x38;
	[tilespmem:$0x8800] =	vst v63  }
0x409: {  	s4 =	sadd.s32 $0x6798, s2;
	s26 =	sadd.s32 $0x30, s24  }
0x40a: {  	[hbm4b:s26+s3] =	stream.linear.scatter [tilespmem:s4], [sflag:$0x4], $0x80, $0x38;
	[tilespmem:$0x8800] =	vst v63  }
0x40b: {  	s29 =	sadd.s32 $0x6820, s2;
	s31 =	sadd.s32 $0x40, s24  }
0x40c: {  	[hbm4b:s31+s3] =	stream.linear.scatter [tilespmem:s29], [sflag:$0x4], $0x80, $0x38;
	[tilespmem:$0x8800] =	vst v63  }
0x40d: {  	s4 =	sadd.s32 $0x68A8, s2;
	s26 =	sadd.s32 $0x50, s24  }
0x40e: {  	[hbm4b:s26+s3] =	stream.linear.scatter [tilespmem:s4], [sflag:$0x4], $0x80, $0x38;
	[tilespmem:$0x8800] =	vst v63  }
0x40f: {  	s29 =	sadd.s32 $0x6930, s2;
	s31 =	sadd.s32 $0x60, s24  }
0x410: {  	[hbm4b:s31+s3] =	stream.linear.scatter [tilespmem:s29], [sflag:$0x4], $0x80, $0x38;
	[tilespmem:$0x8800] =	vst v63  }
0x411: {  	s4 =	sadd.s32 $0x69B8, s2;
	s26 =	sadd.s32 $0x70, s24  }
0x412: {  	[hbm4b:s26+s3] =	stream.linear.scatter [tilespmem:s4], [sflag:$0x4], $0x80, $0x38;
	[tilespmem:$0x8800] =	vst v63  }
0x413: {  	_ =	swait.ge [sflag:s20], $0x2000  }
0x414: {  	[sflag:s20] =	ssyncset.done $0x0  }
0x415: {  	s29 =	simm.s32 $0x280;
	[sflag:s20] =	ssyncadd.s32 $0xFFFFE000  }
0x416: {  	[tilespmem:s21], [sflag:$0x2] =	stream.indirect.gather [hbm4b:s5+s18], $0x40, s29, s18, $0xb8;
	[tilespmem:$0x8800] =	vst v63  }
0x417: {  	_ =	swait.ge [sflag:s28], $0x2000  }
0x418: {  	s31 =	simm.s32 $0x0;
	[sflag:s28] =	ssyncset.done $0x0  }
0x419: {  	s2 =	simm.s32 $0x480;
	v4 =	vmov s31;
	[sflag:s28] =	ssyncadd.s32 $0xFFFFE000  }
0x41a: {  	v6 =	vand.u32 $0x78, v4;
	v5 =	vld [tilespmem:s2+$0xFFFFFF80]  }
0x41b: {  	v4 =	vand.u32 $0x4, v4;
	v7 =	vadd.s32 v0, v6  }
0x41c: {  	v8 =	vor.u32 v4, v7;
	_ =	sdelay $0x2  }
0x41d: {  	v5 =	vmul.f32 $8.000000000e+00, v5;
	_ =	sdelay $0x1  }
0x41e: {  	[tilespmem:v8+s22+$0x0] =	vst.idx.msk $0xffff, v5  }
0x41f: {  	v5 =	vld [tilespmem:s2+$0xFFFFFF90]  }
0x420: {  	v54 =	vadd.s32 v1, v6  }
0x421: {  	v9 =	vor.u32 v4, v54;
	_ =	sdelay $0x2  }
0x422: {  	v5 =	vmul.f32 $8.000000000e+00, v5;
	_ =	sdelay $0x1  }
0x423: {  	[tilespmem:v9+s22+$0x0] =	vst.idx.msk $0xffff, v5  }
0x424: {  	v5 =	vld [tilespmem:s2+$0xFFFFFFA0]  }
0x425: {  	v55 =	vadd.s32 v2, v6  }
0x426: {  	v10 =	vor.u32 v4, v55;
	_ =	sdelay $0x2  }
0x427: {  	v5 =	vmul.f32 $8.000000000e+00, v5;
	_ =	sdelay $0x1  }
0x428: {  	[tilespmem:v10+s22+$0x0] =	vst.idx.msk $0xffff, v5  }
0x429: {  	v5 =	vld [tilespmem:s2+$0xFFFFFFB0]  }
0x42a: {  	v6 =	vadd.s32 v3, v6  }
0x42b: {  	v56 =	vor.u32 v4, v6;
	_ =	sdelay $0x2  }
0x42c: {  	v5 =	vmul.f32 $8.000000000e+00, v5;
	_ =	sdelay $0x1  }
0x42d: {  	[tilespmem:v56+s22+$0x0] =	vst.idx.msk $0xffff, v5  }
0x42e: {  	v5 =	vld [tilespmem:s2+$0xFFFFFFC0]  }
0x42f: {  	v57 =	vor.u32 $0x1, v4  }
0x430: {  	v11 =	vor.u32 v57, v7;
	_ =	sdelay $0x2  }
0x431: {  	v5 =	vmul.f32 $8.000000000e+00, v5;
	_ =	sdelay $0x1  }
0x432: {  	[tilespmem:v11+s22+$0x0] =	vst.idx.msk $0xffff, v5  }
0x433: {  	v5 =	vld [tilespmem:s2+$0xFFFFFFD0];
	_ =	sdelay $0x1  }
0x434: {  	v58 =	vor.u32 v57, v54;
	_ =	sdelay $0x2  }
0x435: {  	v5 =	vmul.f32 $8.000000000e+00, v5;
	_ =	sdelay $0x1  }
0x436: {  	[tilespmem:v58+s22+$0x0] =	vst.idx.msk $0xffff, v5  }
0x437: {  	v5 =	vld [tilespmem:s2+$0xFFFFFFE0];
	_ =	sdelay $0x1  }
0x438: {  	v59 =	vor.u32 v57, v55;
	_ =	sdelay $0x2  }
0x439: {  	v5 =	vmul.f32 $8.000000000e+00, v5;
	_ =	sdelay $0x1  }
0x43a: {  	[tilespmem:v59+s22+$0x0] =	vst.idx.msk $0xffff, v5  }
0x43b: {  	v5 =	vld [tilespmem:s2+$0xFFFFFFF0];
	_ =	sdelay $0x1  }
0x43c: {  	v10 =	vor.u32 v57, v6;
	_ =	sdelay $0x2  }
0x43d: {  	v5 =	vmul.f32 $8.000000000e+00, v5;
	_ =	sdelay $0x1  }
0x43e: {  	[tilespmem:v10+s22+$0x0] =	vst.idx.msk $0xffff, v5  }
0x43f: {  	v5 =	vld [tilespmem:s2+$0x0]  }
0x440: {  	v60 =	vor.u32 $0x2, v4  }
0x441: {  	v61 =	vor.u32 v60, v7;
	_ =	sdelay $0x2  }
0x442: {  	v5 =	vmul.f32 $8.000000000e+00, v5;
	_ =	sdelay $0x1  }
0x443: {  	[tilespmem:v61+s22+$0x0] =	vst.idx.msk $0xffff, v5  }
0x444: {  	v5 =	vld [tilespmem:s2+$0x10];
	_ =	sdelay $0x1  }
0x445: {  	v62 =	vor.u32 v60, v54;
	_ =	sdelay $0x2  }
0x446: {  	v5 =	vmul.f32 $8.000000000e+00, v5;
	_ =	sdelay $0x1  }
0x447: {  	[tilespmem:v62+s22+$0x0] =	vst.idx.msk $0xffff, v5  }
0x448: {  	v5 =	vld [tilespmem:s2+$0x20];
	_ =	sdelay $0x1  }
0x449: {  	v63 =	vor.u32 v60, v55;
	_ =	sdelay $0x2  }
0x44a: {  	v5 =	vmul.f32 $8.000000000e+00, v5;
	_ =	sdelay $0x1  }
0x44b: {  	[tilespmem:v63+s22+$0x0] =	vst.idx.msk $0xffff, v5  }
0x44c: {  	v5 =	vld [tilespmem:s2+$0x30];
	_ =	sdelay $0x1  }
0x44d: {  	v10 =	vor.u32 v60, v6;
	_ =	sdelay $0x2  }
0x44e: {  	v5 =	vmul.f32 $8.000000000e+00, v5;
	_ =	sdelay $0x1  }
0x44f: {  	[tilespmem:v10+s22+$0x0] =	vst.idx.msk $0xffff, v5  }
0x450: {  	v5 =	vld [tilespmem:s2+$0x40]  }
0x451: {  	v4 =	vor.u32 $0x3, v4  }
0x452: {  	v7 =	vor.u32 v4, v7;
	_ =	sdelay $0x2  }
0x453: {  	v5 =	vmul.f32 $8.000000000e+00, v5;
	_ =	sdelay $0x1  }
0x454: {  	[tilespmem:v7+s22+$0x0] =	vst.idx.msk $0xffff, v5  }
0x455: {  	v5 =	vld [tilespmem:s2+$0x50];
	_ =	sdelay $0x1  }
0x456: {  	v7 =	vor.u32 v4, v54;
	_ =	sdelay $0x2  }
0x457: {  	v5 =	vmul.f32 $8.000000000e+00, v5;
	_ =	sdelay $0x1  }
0x458: {  	[tilespmem:v7+s22+$0x0] =	vst.idx.msk $0xffff, v5  }
0x459: {  	v5 =	vld [tilespmem:s2+$0x60];
	_ =	sdelay $0x1  }
0x45a: {  	v7 =	vor.u32 v4, v55;
	_ =	sdelay $0x2  }
0x45b: {  	v5 =	vmul.f32 $8.000000000e+00, v5;
	_ =	sdelay $0x1  }
0x45c: {  	[tilespmem:v7+s22+$0x0] =	vst.idx.msk $0xffff, v5  }
0x45d: {  	v5 =	vld [tilespmem:s2+$0x70];
	_ =	sdelay $0x1  }
0x45e: {  	v4 =	vor.u32 v4, v6;
	_ =	sdelay $0x2  }
0x45f: {  	s24 =	simm.s32 $0x8;
	s26 =	simm.s32 $0x4;
	v5 =	vmul.f32 $8.000000000e+00, v5  }
.LBB2_19:
0x460: {  	p0 =	sne.s32 s24, $0x7C  }
0x461: {  	v6 =	vmov s26;
	s2 =	sadd.s32 $0x100, s2;
	s26 =	smov.u32 s24;
	s24 =	sadd.s32 $0x4, s24;
	[tilespmem:v4+s22+$0x0] =	vst.idx.msk $0xffff, v5  }
0x462: {  	v5 =	vand.u32 $0x78, v6;
	v4 =	vld [tilespmem:s2+$0xFFFFFF80]  }
0x463: {  	v6 =	vand.u32 $0x4, v6;
	v7 =	vadd.s32 v0, v5;
	v8 =	vadd.s32 v1, v5  }
0x464: {  	v11 =	vadd.s32 v2, v5;
	v9 =	vor.u32 v6, v7;
	v10 =	vor.u32 v6, v8  }
0x465: {  	v13 =	vadd.s32 v3, v5;
	v5 =	vor.u32 $0x1, v6;
	v12 =	vor.u32 v6, v11  }
0x466: {  	v14 =	vor.u32 v6, v13;
	v15 =	vor.u32 v5, v7;
	v16 =	vor.u32 v5, v8  }
0x467: {  	v17 =	vor.u32 v5, v11;
	v18 =	vor.u32 v5, v13;
	v4 =	vmul.f32 $8.000000000e+00, v4  }
0x468: {  	v19 =	vor.u32 $0x3, v6;
	v5 =	vor.u32 $0x2, v6  }
0x469: {  	v20 =	vor.u32 v5, v8;
	[tilespmem:v9+s22+$0x0] =	vst.idx.msk $0xffff, v4;
	v9 =	vor.u32 v5, v7  }
0x46a: {  	v22 =	vor.u32 v5, v11;
	v23 =	vor.u32 v5, v13;
	v7 =	vor.u32 v19, v7;
	v21 =	vld [tilespmem:s2+$0xFFFFFF90]  }
0x46b: {  	v6 =	vor.u32 v19, v8;
	v5 =	vor.u32 v19, v11;
	v4 =	vor.u32 v19, v13;
	_ =	sdelay $0x3  }
0x46c: {  	v8 =	vmul.f32 $8.000000000e+00, v21;
	_ =	sdelay $0x1  }
0x46d: {  	[tilespmem:v10+s22+$0x0] =	vst.idx.msk $0xffff, v8  }
0x46e: {  	v8 =	vld [tilespmem:s2+$0xFFFFFFA0];
	_ =	sdelay $0x4  }
0x46f: {  	v8 =	vmul.f32 $8.000000000e+00, v8;
	_ =	sdelay $0x1  }
0x470: {  	[tilespmem:v12+s22+$0x0] =	vst.idx.msk $0xffff, v8  }
0x471: {  	v8 =	vld [tilespmem:s2+$0xFFFFFFB0];
	_ =	sdelay $0x4  }
0x472: {  	v8 =	vmul.f32 $8.000000000e+00, v8;
	_ =	sdelay $0x1  }
0x473: {  	[tilespmem:v14+s22+$0x0] =	vst.idx.msk $0xffff, v8  }
0x474: {  	v8 =	vld [tilespmem:s2+$0xFFFFFFC0];
	_ =	sdelay $0x4  }
0x475: {  	v8 =	vmul.f32 $8.000000000e+00, v8;
	_ =	sdelay $0x1  }
0x476: {  	[tilespmem:v15+s22+$0x0] =	vst.idx.msk $0xffff, v8  }
0x477: {  	v8 =	vld [tilespmem:s2+$0xFFFFFFD0];
	_ =	sdelay $0x4  }
0x478: {  	v8 =	vmul.f32 $8.000000000e+00, v8;
	_ =	sdelay $0x1  }
0x479: {  	[tilespmem:v16+s22+$0x0] =	vst.idx.msk $0xffff, v8  }
0x47a: {  	v8 =	vld [tilespmem:s2+$0xFFFFFFE0];
	_ =	sdelay $0x4  }
0x47b: {  	v8 =	vmul.f32 $8.000000000e+00, v8;
	_ =	sdelay $0x1  }
0x47c: {  	[tilespmem:v17+s22+$0x0] =	vst.idx.msk $0xffff, v8  }
0x47d: {  	v8 =	vld [tilespmem:s2+$0xFFFFFFF0];
	_ =	sdelay $0x4  }
0x47e: {  	v8 =	vmul.f32 $8.000000000e+00, v8;
	_ =	sdelay $0x1  }
0x47f: {  	[tilespmem:v18+s22+$0x0] =	vst.idx.msk $0xffff, v8  }
0x480: {  	v8 =	vld [tilespmem:s2+$0x0];
	_ =	sdelay $0x4  }
0x481: {  	v8 =	vmul.f32 $8.000000000e+00, v8;
	_ =	sdelay $0x1  }
0x482: {  	[tilespmem:v9+s22+$0x0] =	vst.idx.msk $0xffff, v8  }
0x483: {  	v8 =	vld [tilespmem:s2+$0x10];
	_ =	sdelay $0x4  }
0x484: {  	v8 =	vmul.f32 $8.000000000e+00, v8;
	_ =	sdelay $0x1  }
0x485: {  	[tilespmem:v20+s22+$0x0] =	vst.idx.msk $0xffff, v8  }
0x486: {  	v8 =	vld [tilespmem:s2+$0x20];
	_ =	sdelay $0x4  }
0x487: {  	v8 =	vmul.f32 $8.000000000e+00, v8;
	_ =	sdelay $0x1  }
0x488: {  	[tilespmem:v22+s22+$0x0] =	vst.idx.msk $0xffff, v8  }
0x489: {  	v8 =	vld [tilespmem:s2+$0x30];
	_ =	sdelay $0x4  }
0x48a: {  	v8 =	vmul.f32 $8.000000000e+00, v8;
	_ =	sdelay $0x1  }
0x48b: {  	[tilespmem:v23+s22+$0x0] =	vst.idx.msk $0xffff, v8  }
0x48c: {  	v8 =	vld [tilespmem:s2+$0x40];
	_ =	sdelay $0x4  }
0x48d: {  	v8 =	vmul.f32 $8.000000000e+00, v8;
	_ =	sdelay $0x1  }
0x48e: {  	[tilespmem:v7+s22+$0x0] =	vst.idx.msk $0xffff, v8  }
0x48f: {  	v7 =	vld [tilespmem:s2+$0x50];
	_ =	sdelay $0x4  }
0x490: {  	v7 =	vmul.f32 $8.000000000e+00, v7;
	_ =	sdelay $0x1  }
0x491: {  	[tilespmem:v6+s22+$0x0] =	vst.idx.msk $0xffff, v7  }
0x492: {  	v6 =	vld [tilespmem:s2+$0x60];
	_ =	sdelay $0x4  }
0x493: {  	v6 =	vmul.f32 $8.000000000e+00, v6;
	_ =	sdelay $0x1  }
0x494: {  	[tilespmem:v5+s22+$0x0] =	vst.idx.msk $0xffff, v6  }
0x495: {  	v5 =	vld [tilespmem:s2+$0x70]  }
.Ltmp8:
0x496: {  	(pc) =	sbr.rel @p0 .LBB2_19-.Ltmp8, $2  }
0x497: {  	_ =	sdelay $0x2  }
0x498: {  	v5 =	vmul.f32 $8.000000000e+00, v5  }
0x499: {  	_ =	sdelay $0x3  }
0x49a: {  	v6 =	vmov s26;
	s2 =	sadd.s32 $0x100, s2;
	[tilespmem:v4+s22+$0x0] =	vst.idx.msk $0xffff, v5  }
0x49b: {  	v5 =	vand.u32 $0x78, v6;
	v4 =	vld [tilespmem:s2+$0xFFFFFF80]  }
0x49c: {  	v6 =	vand.u32 $0x4, v6;
	v7 =	vadd.s32 v0, v5  }
0x49d: {  	v8 =	vor.u32 v6, v7;
	_ =	sdelay $0x2  }
0x49e: {  	v4 =	vmul.f32 $8.000000000e+00, v4;
	_ =	sdelay $0x1  }
0x49f: {  	[tilespmem:v8+s22+$0x0] =	vst.idx.msk $0xffff, v4  }
0x4a0: {  	v4 =	vld [tilespmem:s2+$0xFFFFFF90]  }
0x4a1: {  	v52 =	vadd.s32 v1, v5  }
0x4a2: {  	v9 =	vor.u32 v6, v52;
	_ =	sdelay $0x2  }
0x4a3: {  	v4 =	vmul.f32 $8.000000000e+00, v4;
	_ =	sdelay $0x1  }
0x4a4: {  	[tilespmem:v9+s22+$0x0] =	vst.idx.msk $0xffff, v4  }
0x4a5: {  	v4 =	vld [tilespmem:s2+$0xFFFFFFA0]  }
0x4a6: {  	v53 =	vadd.s32 v2, v5  }
0x4a7: {  	v10 =	vor.u32 v6, v53;
	_ =	sdelay $0x2  }
0x4a8: {  	v4 =	vmul.f32 $8.000000000e+00, v4;
	_ =	sdelay $0x1  }
0x4a9: {  	[tilespmem:v10+s22+$0x0] =	vst.idx.msk $0xffff, v4  }
0x4aa: {  	v4 =	vld [tilespmem:s2+$0xFFFFFFB0]  }
0x4ab: {  	v5 =	vadd.s32 v3, v5  }
0x4ac: {  	v54 =	vor.u32 v6, v5;
	_ =	sdelay $0x2  }
0x4ad: {  	v4 =	vmul.f32 $8.000000000e+00, v4;
	_ =	sdelay $0x1  }
0x4ae: {  	[tilespmem:v54+s22+$0x0] =	vst.idx.msk $0xffff, v4  }
0x4af: {  	v4 =	vld [tilespmem:s2+$0xFFFFFFC0]  }
0x4b0: {  	v55 =	vor.u32 $0x1, v6  }
0x4b1: {  	v11 =	vor.u32 v55, v7;
	_ =	sdelay $0x2  }
0x4b2: {  	v4 =	vmul.f32 $8.000000000e+00, v4;
	_ =	sdelay $0x1  }
0x4b3: {  	[tilespmem:v11+s22+$0x0] =	vst.idx.msk $0xffff, v4  }
0x4b4: {  	v4 =	vld [tilespmem:s2+$0xFFFFFFD0];
	_ =	sdelay $0x1  }
0x4b5: {  	v56 =	vor.u32 v55, v52;
	_ =	sdelay $0x2  }
0x4b6: {  	v4 =	vmul.f32 $8.000000000e+00, v4;
	_ =	sdelay $0x1  }
0x4b7: {  	[tilespmem:v56+s22+$0x0] =	vst.idx.msk $0xffff, v4  }
0x4b8: {  	v4 =	vld [tilespmem:s2+$0xFFFFFFE0];
	_ =	sdelay $0x1  }
0x4b9: {  	v57 =	vor.u32 v55, v53;
	_ =	sdelay $0x2  }
0x4ba: {  	v4 =	vmul.f32 $8.000000000e+00, v4;
	_ =	sdelay $0x1  }
0x4bb: {  	[tilespmem:v57+s22+$0x0] =	vst.idx.msk $0xffff, v4  }
0x4bc: {  	v4 =	vld [tilespmem:s2+$0xFFFFFFF0];
	_ =	sdelay $0x1  }
0x4bd: {  	v10 =	vor.u32 v55, v5;
	_ =	sdelay $0x2  }
0x4be: {  	v4 =	vmul.f32 $8.000000000e+00, v4;
	_ =	sdelay $0x1  }
0x4bf: {  	[tilespmem:v10+s22+$0x0] =	vst.idx.msk $0xffff, v4  }
0x4c0: {  	v4 =	vld [tilespmem:s2+$0x0]  }
0x4c1: {  	v58 =	vor.u32 $0x2, v6  }
0x4c2: {  	v59 =	vor.u32 v58, v7;
	_ =	sdelay $0x2  }
0x4c3: {  	v4 =	vmul.f32 $8.000000000e+00, v4;
	_ =	sdelay $0x1  }
0x4c4: {  	[tilespmem:v59+s22+$0x0] =	vst.idx.msk $0xffff, v4  }
0x4c5: {  	v4 =	vld [tilespmem:s2+$0x10];
	_ =	sdelay $0x1  }
0x4c6: {  	v60 =	vor.u32 v58, v52;
	_ =	sdelay $0x2  }
0x4c7: {  	v4 =	vmul.f32 $8.000000000e+00, v4;
	_ =	sdelay $0x1  }
0x4c8: {  	[tilespmem:v60+s22+$0x0] =	vst.idx.msk $0xffff, v4  }
0x4c9: {  	v4 =	vld [tilespmem:s2+$0x20];
	_ =	sdelay $0x1  }
0x4ca: {  	v61 =	vor.u32 v58, v53;
	_ =	sdelay $0x2  }
0x4cb: {  	v4 =	vmul.f32 $8.000000000e+00, v4;
	_ =	sdelay $0x1  }
0x4cc: {  	[tilespmem:v61+s22+$0x0] =	vst.idx.msk $0xffff, v4  }
0x4cd: {  	v4 =	vld [tilespmem:s2+$0x30];
	_ =	sdelay $0x1  }
0x4ce: {  	v10 =	vor.u32 v58, v5;
	_ =	sdelay $0x2  }
0x4cf: {  	v4 =	vmul.f32 $8.000000000e+00, v4;
	_ =	sdelay $0x1  }
0x4d0: {  	[tilespmem:v10+s22+$0x0] =	vst.idx.msk $0xffff, v4  }
0x4d1: {  	v4 =	vld [tilespmem:s2+$0x40]  }
0x4d2: {  	v6 =	vor.u32 $0x3, v6  }
0x4d3: {  	v7 =	vor.u32 v6, v7;
	_ =	sdelay $0x2  }
0x4d4: {  	v4 =	vmul.f32 $8.000000000e+00, v4;
	_ =	sdelay $0x1  }
0x4d5: {  	[tilespmem:v7+s22+$0x0] =	vst.idx.msk $0xffff, v4  }
0x4d6: {  	v4 =	vld [tilespmem:s2+$0x50];
	_ =	sdelay $0x1  }
0x4d7: {  	v62 =	vor.u32 v6, v52;
	_ =	sdelay $0x2  }
0x4d8: {  	v4 =	vmul.f32 $8.000000000e+00, v4;
	_ =	sdelay $0x1  }
0x4d9: {  	[tilespmem:v62+s22+$0x0] =	vst.idx.msk $0xffff, v4  }
0x4da: {  	v4 =	vld [tilespmem:s2+$0x60];
	_ =	sdelay $0x1  }
0x4db: {  	v63 =	vor.u32 v6, v53;
	_ =	sdelay $0x2  }
0x4dc: {  	v4 =	vmul.f32 $8.000000000e+00, v4;
	_ =	sdelay $0x1  }
0x4dd: {  	[tilespmem:v63+s22+$0x0] =	vst.idx.msk $0xffff, v4  }
0x4de: {  	v4 =	vld [tilespmem:s2+$0x70];
	_ =	sdelay $0x1  }
0x4df: {  	v5 =	vor.u32 v6, v5;
	_ =	sdelay $0x2  }
0x4e0: {  	v4 =	vmul.f32 $8.000000000e+00, v4;
	_ =	sdelay $0x1  }
0x4e1: {  	s0 =	sadd.s32 s1, s11;
	s24 =	simm.s32 $0x4400;
	[tilespmem:v5+s22+$0x0] =	vst.idx.msk $0xffff, v4  }
0x4e2: {  	[hbm4b:s0+s3] =	stream.linear.scatter [tilespmem:s24], [sflag:$0x3], $0x80, $0x38;
	[tilespmem:$0x8800] =	vst v63  }
0x4e3: {  	s26 =	simm.s32 $0x4488;
	s4 =	sadd.s32 $0x10, s0  }
0x4e4: {  	[hbm4b:s4+s3] =	stream.linear.scatter [tilespmem:s26], [sflag:$0x3], $0x80, $0x38;
	[tilespmem:$0x8800] =	vst v63  }
0x4e5: {  	s24 =	simm.s32 $0x4510;
	s26 =	sadd.s32 $0x20, s0  }
0x4e6: {  	[hbm4b:s26+s3] =	stream.linear.scatter [tilespmem:s24], [sflag:$0x3], $0x80, $0x38;
	[tilespmem:$0x8800] =	vst v63  }
0x4e7: {  	s24 =	simm.s32 $0x4598;
	s26 =	sadd.s32 $0x30, s0  }
0x4e8: {  	[hbm4b:s26+s3] =	stream.linear.scatter [tilespmem:s24], [sflag:$0x3], $0x80, $0x38;
	[tilespmem:$0x8800] =	vst v63  }
0x4e9: {  	s24 =	simm.s32 $0x4620;
	s26 =	sadd.s32 $0x40, s0  }
0x4ea: {  	[hbm4b:s26+s3] =	stream.linear.scatter [tilespmem:s24], [sflag:$0x3], $0x80, $0x38;
	[tilespmem:$0x8800] =	vst v63  }
0x4eb: {  	s29 =	simm.s32 $0x47B8;
	s24 =	simm.s32 $0x46A8;
	s26 =	sadd.s32 $0x50, s0  }
0x4ec: {  	[hbm4b:s26+s3] =	stream.linear.scatter [tilespmem:s24], [sflag:$0x3], $0x80, $0x38;
	[tilespmem:$0x8800] =	vst v63  }
0x4ed: {  	s31 =	sadd.s32 $0x70, s0;
	s24 =	simm.s32 $0x4730;
	s26 =	sadd.s32 $0x60, s0  }
0x4ee: {  	[hbm4b:s26+s3] =	stream.linear.scatter [tilespmem:s24], [sflag:$0x3], $0x80, $0x38;
	[tilespmem:$0x8800] =	vst v63  }
0x4ef: {  	s2 =	simm.s32 $0x440;
	s26 =	simm.s32 $0x2200;
	s24 =	sadd.s32 $0x400, s0  }
.LBB2_21:
0x4f0: {  	[hbm4b:s31+s3] =	stream.linear.scatter [tilespmem:s29], [sflag:$0x3], $0x80, $0x38;
	[tilespmem:$0x8800] =	vst v63  }
0x4f1: {  	s0 =	smov.u32 s2;
	s2 =	smov.u32 s26  }
0x4f2: {  	s4 =	sadd.s32 $0x1100, s26;
	s2 =	sshra.s32 s2, $0x2;
	s29 =	sadd.s32 $0x4400, s0  }
0x4f3: {  	[hbm4b:s24+s3] =	stream.linear.scatter [tilespmem:s29], [sflag:$0x3], $0x80, $0x38;
	[tilespmem:$0x8800] =	vst v63  }
0x4f4: {  	p0 =	sne.s32 s26, $0x7700;
	s26 =	sadd.s32 $0x4488, s0;
	s29 =	sadd.s32 $0x10, s24  }
0x4f5: {  	[hbm4b:s29+s3] =	stream.linear.scatter [tilespmem:s26], [sflag:$0x3], $0x80, $0x38;
	[tilespmem:$0x8800] =	vst v63  }
0x4f6: {  	s26 =	sadd.s32 $0x4510, s0;
	s29 =	sadd.s32 $0x20, s24  }
0x4f7: {  	[hbm4b:s29+s3] =	stream.linear.scatter [tilespmem:s26], [sflag:$0x3], $0x80, $0x38;
	[tilespmem:$0x8800] =	vst v63  }
0x4f8: {  	s26 =	sadd.s32 $0x4598, s0;
	s29 =	sadd.s32 $0x30, s24  }
0x4f9: {  	[hbm4b:s29+s3] =	stream.linear.scatter [tilespmem:s26], [sflag:$0x3], $0x80, $0x38;
	[tilespmem:$0x8800] =	vst v63  }
0x4fa: {  	s26 =	sadd.s32 $0x4620, s0;
	s29 =	sadd.s32 $0x40, s24  }
0x4fb: {  	[hbm4b:s29+s3] =	stream.linear.scatter [tilespmem:s26], [sflag:$0x3], $0x80, $0x38;
	[tilespmem:$0x8800] =	vst v63  }
.Ltmp9:
0x4fc: {  	s26 =	sadd.s32 $0x46A8, s0;
	s29 =	sadd.s32 $0x50, s24;
	(pc) =	sbr.rel @p0 .LBB2_21-.Ltmp9, $4  }
0x4fd: {  	[hbm4b:s29+s3] =	stream.linear.scatter [tilespmem:s26], [sflag:$0x3], $0x80, $0x38;
	[tilespmem:$0x8800] =	vst v63  }
0x4fe: {  	s31 =	sadd.s32 $0x70, s24;
	s26 =	sadd.s32 $0x4730, s0;
	s29 =	sadd.s32 $0x60, s24  }
0x4ff: {  	[hbm4b:s29+s3] =	stream.linear.scatter [tilespmem:s26], [sflag:$0x3], $0x80, $0x38;
	[tilespmem:$0x8800] =	vst v63  }
0x500: {  	s24 =	sadd.s32 $0x400, s24;
	s29 =	sadd.s32 $0x47B8, s0;
	s26 =	smov.u32 s4  }
0x501: {  	[hbm4b:s31+s3] =	stream.linear.scatter [tilespmem:s29], [sflag:$0x3], $0x80, $0x38;
	[tilespmem:$0x8800] =	vst v63  }
0x502: {  	s0 =	sadd.s32 $0x4400, s2  }
0x503: {  	[hbm4b:s24+s3] =	stream.linear.scatter [tilespmem:s0], [sflag:$0x3], $0x80, $0x38;
	[tilespmem:$0x8800] =	vst v63  }
0x504: {  	s26 =	sadd.s32 $0x4488, s2;
	s4 =	sadd.s32 $0x10, s24  }
0x505: {  	[hbm4b:s4+s3] =	stream.linear.scatter [tilespmem:s26], [sflag:$0x3], $0x80, $0x38;
	[tilespmem:$0x8800] =	vst v63  }
0x506: {  	s29 =	sadd.s32 $0x4510, s2;
	s31 =	sadd.s32 $0x20, s24  }
0x507: {  	[hbm4b:s31+s3] =	stream.linear.scatter [tilespmem:s29], [sflag:$0x3], $0x80, $0x38;
	[tilespmem:$0x8800] =	vst v63  }
0x508: {  	s4 =	sadd.s32 $0x4598, s2;
	s26 =	sadd.s32 $0x30, s24  }
0x509: {  	[hbm4b:s26+s3] =	stream.linear.scatter [tilespmem:s4], [sflag:$0x3], $0x80, $0x38;
	[tilespmem:$0x8800] =	vst v63  }
0x50a: {  	s29 =	sadd.s32 $0x4620, s2;
	s31 =	sadd.s32 $0x40, s24  }
0x50b: {  	[hbm4b:s31+s3] =	stream.linear.scatter [tilespmem:s29], [sflag:$0x3], $0x80, $0x38;
	[tilespmem:$0x8800] =	vst v63  }
0x50c: {  	s4 =	sadd.s32 $0x46A8, s2;
	s26 =	sadd.s32 $0x50, s24  }
0x50d: {  	[hbm4b:s26+s3] =	stream.linear.scatter [tilespmem:s4], [sflag:$0x3], $0x80, $0x38;
	[tilespmem:$0x8800] =	vst v63  }
0x50e: {  	s29 =	sadd.s32 $0x4730, s2;
	s31 =	sadd.s32 $0x60, s24  }
0x50f: {  	[hbm4b:s31+s3] =	stream.linear.scatter [tilespmem:s29], [sflag:$0x3], $0x80, $0x38;
	[tilespmem:$0x8800] =	vst v63  }
0x510: {  	s4 =	sadd.s32 $0x47B8, s2;
	s26 =	sadd.s32 $0x70, s24  }
0x511: {  	[hbm4b:s26+s3] =	stream.linear.scatter [tilespmem:s4], [sflag:$0x3], $0x80, $0x38;
	[tilespmem:$0x8800] =	vst v63  }
0x512: {  	_ =	swait.ge [sflag:s23], $0x2000  }
0x513: {  	[sflag:s23] =	ssyncset.done $0x0  }
0x514: {  	s29 =	simm.s32 $0x300;
	[sflag:s23] =	ssyncadd.s32 $0xFFFFE000  }
0x515: {  	[tilespmem:s19], [sflag:$0x1] =	stream.indirect.gather [hbm4b:s5+s18], $0x40, s29, s18, $0xb8;
	[tilespmem:$0x8800] =	vst v63  }
0x516: {  	_ =	swait.ge [sflag:s30], $0x2000  }
0x517: {  	s31 =	simm.s32 $0x0;
	[sflag:s30] =	ssyncset.done $0x0  }
0x518: {  	s2 =	simm.s32 $0x2480;
	v4 =	vmov s31;
	[sflag:s30] =	ssyncadd.s32 $0xFFFFE000  }
0x519: {  	v6 =	vand.u32 $0x78, v4;
	v5 =	vld [tilespmem:s2+$0xFFFFFF80]  }
0x51a: {  	v4 =	vand.u32 $0x4, v4;
	v7 =	vadd.s32 v0, v6  }
0x51b: {  	v8 =	vor.u32 v4, v7;
	_ =	sdelay $0x2  }
0x51c: {  	v5 =	vmul.f32 $8.000000000e+00, v5;
	_ =	sdelay $0x1  }
0x51d: {  	[tilespmem:v8+s25+$0x0] =	vst.idx.msk $0xffff, v5  }
0x51e: {  	v5 =	vld [tilespmem:s2+$0xFFFFFF90]  }
0x51f: {  	v54 =	vadd.s32 v1, v6  }
0x520: {  	v9 =	vor.u32 v4, v54;
	_ =	sdelay $0x2  }
0x521: {  	v5 =	vmul.f32 $8.000000000e+00, v5;
	_ =	sdelay $0x1  }
0x522: {  	[tilespmem:v9+s25+$0x0] =	vst.idx.msk $0xffff, v5  }
0x523: {  	v5 =	vld [tilespmem:s2+$0xFFFFFFA0]  }
0x524: {  	v55 =	vadd.s32 v2, v6  }
0x525: {  	v10 =	vor.u32 v4, v55;
	_ =	sdelay $0x2  }
0x526: {  	v5 =	vmul.f32 $8.000000000e+00, v5;
	_ =	sdelay $0x1  }
0x527: {  	[tilespmem:v10+s25+$0x0] =	vst.idx.msk $0xffff, v5  }
0x528: {  	v5 =	vld [tilespmem:s2+$0xFFFFFFB0]  }
0x529: {  	v6 =	vadd.s32 v3, v6  }
0x52a: {  	v56 =	vor.u32 v4, v6;
	_ =	sdelay $0x2  }
0x52b: {  	v5 =	vmul.f32 $8.000000000e+00, v5;
	_ =	sdelay $0x1  }
0x52c: {  	[tilespmem:v56+s25+$0x0] =	vst.idx.msk $0xffff, v5  }
0x52d: {  	v5 =	vld [tilespmem:s2+$0xFFFFFFC0]  }
0x52e: {  	v57 =	vor.u32 $0x1, v4  }
0x52f: {  	v11 =	vor.u32 v57, v7;
	_ =	sdelay $0x2  }
0x530: {  	v5 =	vmul.f32 $8.000000000e+00, v5;
	_ =	sdelay $0x1  }
0x531: {  	[tilespmem:v11+s25+$0x0] =	vst.idx.msk $0xffff, v5  }
0x532: {  	v5 =	vld [tilespmem:s2+$0xFFFFFFD0];
	_ =	sdelay $0x1  }
0x533: {  	v58 =	vor.u32 v57, v54;
	_ =	sdelay $0x2  }
0x534: {  	v5 =	vmul.f32 $8.000000000e+00, v5;
	_ =	sdelay $0x1  }
0x535: {  	[tilespmem:v58+s25+$0x0] =	vst.idx.msk $0xffff, v5  }
0x536: {  	v5 =	vld [tilespmem:s2+$0xFFFFFFE0];
	_ =	sdelay $0x1  }
0x537: {  	v59 =	vor.u32 v57, v55;
	_ =	sdelay $0x2  }
0x538: {  	v5 =	vmul.f32 $8.000000000e+00, v5;
	_ =	sdelay $0x1  }
0x539: {  	[tilespmem:v59+s25+$0x0] =	vst.idx.msk $0xffff, v5  }
0x53a: {  	v5 =	vld [tilespmem:s2+$0xFFFFFFF0];
	_ =	sdelay $0x1  }
0x53b: {  	v10 =	vor.u32 v57, v6;
	_ =	sdelay $0x2  }
0x53c: {  	v5 =	vmul.f32 $8.000000000e+00, v5;
	_ =	sdelay $0x1  }
0x53d: {  	[tilespmem:v10+s25+$0x0] =	vst.idx.msk $0xffff, v5  }
0x53e: {  	v5 =	vld [tilespmem:s2+$0x0]  }
0x53f: {  	v60 =	vor.u32 $0x2, v4  }
0x540: {  	v61 =	vor.u32 v60, v7;
	_ =	sdelay $0x2  }
0x541: {  	v5 =	vmul.f32 $8.000000000e+00, v5;
	_ =	sdelay $0x1  }
0x542: {  	[tilespmem:v61+s25+$0x0] =	vst.idx.msk $0xffff, v5  }
0x543: {  	v5 =	vld [tilespmem:s2+$0x10];
	_ =	sdelay $0x1  }
0x544: {  	v62 =	vor.u32 v60, v54;
	_ =	sdelay $0x2  }
0x545: {  	v5 =	vmul.f32 $8.000000000e+00, v5;
	_ =	sdelay $0x1  }
0x546: {  	[tilespmem:v62+s25+$0x0] =	vst.idx.msk $0xffff, v5  }
0x547: {  	v5 =	vld [tilespmem:s2+$0x20];
	_ =	sdelay $0x1  }
0x548: {  	v63 =	vor.u32 v60, v55;
	_ =	sdelay $0x2  }
0x549: {  	v5 =	vmul.f32 $8.000000000e+00, v5;
	_ =	sdelay $0x1  }
0x54a: {  	[tilespmem:v63+s25+$0x0] =	vst.idx.msk $0xffff, v5  }
0x54b: {  	v5 =	vld [tilespmem:s2+$0x30];
	_ =	sdelay $0x1  }
0x54c: {  	v10 =	vor.u32 v60, v6;
	_ =	sdelay $0x2  }
0x54d: {  	v5 =	vmul.f32 $8.000000000e+00, v5;
	_ =	sdelay $0x1  }
0x54e: {  	[tilespmem:v10+s25+$0x0] =	vst.idx.msk $0xffff, v5  }
0x54f: {  	v5 =	vld [tilespmem:s2+$0x40]  }
0x550: {  	v4 =	vor.u32 $0x3, v4  }
0x551: {  	v7 =	vor.u32 v4, v7;
	_ =	sdelay $0x2  }
0x552: {  	v5 =	vmul.f32 $8.000000000e+00, v5;
	_ =	sdelay $0x1  }
0x553: {  	[tilespmem:v7+s25+$0x0] =	vst.idx.msk $0xffff, v5  }
0x554: {  	v5 =	vld [tilespmem:s2+$0x50];
	_ =	sdelay $0x1  }
0x555: {  	v7 =	vor.u32 v4, v54;
	_ =	sdelay $0x2  }
0x556: {  	v5 =	vmul.f32 $8.000000000e+00, v5;
	_ =	sdelay $0x1  }
0x557: {  	[tilespmem:v7+s25+$0x0] =	vst.idx.msk $0xffff, v5  }
0x558: {  	v5 =	vld [tilespmem:s2+$0x60];
	_ =	sdelay $0x1  }
0x559: {  	v7 =	vor.u32 v4, v55;
	_ =	sdelay $0x2  }
0x55a: {  	v5 =	vmul.f32 $8.000000000e+00, v5;
	_ =	sdelay $0x1  }
0x55b: {  	[tilespmem:v7+s25+$0x0] =	vst.idx.msk $0xffff, v5  }
0x55c: {  	v5 =	vld [tilespmem:s2+$0x70];
	_ =	sdelay $0x1  }
0x55d: {  	v4 =	vor.u32 v4, v6;
	_ =	sdelay $0x2  }
0x55e: {  	s24 =	simm.s32 $0x8;
	s26 =	simm.s32 $0x4;
	v5 =	vmul.f32 $8.000000000e+00, v5  }
.LBB2_23:
0x55f: {  	p0 =	sne.s32 s24, $0x7C  }
0x560: {  	v6 =	vmov s26;
	s2 =	sadd.s32 $0x100, s2;
	s26 =	smov.u32 s24;
	s24 =	sadd.s32 $0x4, s24;
	[tilespmem:v4+s25+$0x0] =	vst.idx.msk $0xffff, v5  }
0x561: {  	v5 =	vand.u32 $0x78, v6;
	v4 =	vld [tilespmem:s2+$0xFFFFFF80]  }
0x562: {  	v6 =	vand.u32 $0x4, v6;
	v7 =	vadd.s32 v0, v5;
	v8 =	vadd.s32 v1, v5  }
0x563: {  	v11 =	vadd.s32 v2, v5;
	v9 =	vor.u32 v6, v7;
	v10 =	vor.u32 v6, v8  }
0x564: {  	v13 =	vadd.s32 v3, v5;
	v5 =	vor.u32 $0x1, v6;
	v12 =	vor.u32 v6, v11  }
0x565: {  	v14 =	vor.u32 v6, v13;
	v15 =	vor.u32 v5, v7;
	v16 =	vor.u32 v5, v8  }
0x566: {  	v17 =	vor.u32 v5, v11;
	v18 =	vor.u32 v5, v13;
	v4 =	vmul.f32 $8.000000000e+00, v4  }
0x567: {  	v19 =	vor.u32 $0x3, v6;
	v5 =	vor.u32 $0x2, v6  }
0x568: {  	v20 =	vor.u32 v5, v8;
	[tilespmem:v9+s25+$0x0] =	vst.idx.msk $0xffff, v4;
	v9 =	vor.u32 v5, v7  }
0x569: {  	v22 =	vor.u32 v5, v11;
	v23 =	vor.u32 v5, v13;
	v7 =	vor.u32 v19, v7;
	v21 =	vld [tilespmem:s2+$0xFFFFFF90]  }
0x56a: {  	v6 =	vor.u32 v19, v8;
	v5 =	vor.u32 v19, v11;
	v4 =	vor.u32 v19, v13;
	_ =	sdelay $0x3  }
0x56b: {  	v8 =	vmul.f32 $8.000000000e+00, v21;
	_ =	sdelay $0x1  }
0x56c: {  	[tilespmem:v10+s25+$0x0] =	vst.idx.msk $0xffff, v8  }
0x56d: {  	v8 =	vld [tilespmem:s2+$0xFFFFFFA0];
	_ =	sdelay $0x4  }
0x56e: {  	v8 =	vmul.f32 $8.000000000e+00, v8;
	_ =	sdelay $0x1  }
0x56f: {  	[tilespmem:v12+s25+$0x0] =	vst.idx.msk $0xffff, v8  }
0x570: {  	v8 =	vld [tilespmem:s2+$0xFFFFFFB0];
	_ =	sdelay $0x4  }
0x571: {  	v8 =	vmul.f32 $8.000000000e+00, v8;
	_ =	sdelay $0x1  }
0x572: {  	[tilespmem:v14+s25+$0x0] =	vst.idx.msk $0xffff, v8  }
0x573: {  	v8 =	vld [tilespmem:s2+$0xFFFFFFC0];
	_ =	sdelay $0x4  }
0x574: {  	v8 =	vmul.f32 $8.000000000e+00, v8;
	_ =	sdelay $0x1  }
0x575: {  	[tilespmem:v15+s25+$0x0] =	vst.idx.msk $0xffff, v8  }
0x576: {  	v8 =	vld [tilespmem:s2+$0xFFFFFFD0];
	_ =	sdelay $0x4  }
0x577: {  	v8 =	vmul.f32 $8.000000000e+00, v8;
	_ =	sdelay $0x1  }
0x578: {  	[tilespmem:v16+s25+$0x0] =	vst.idx.msk $0xffff, v8  }
0x579: {  	v8 =	vld [tilespmem:s2+$0xFFFFFFE0];
	_ =	sdelay $0x4  }
0x57a: {  	v8 =	vmul.f32 $8.000000000e+00, v8;
	_ =	sdelay $0x1  }
0x57b: {  	[tilespmem:v17+s25+$0x0] =	vst.idx.msk $0xffff, v8  }
0x57c: {  	v8 =	vld [tilespmem:s2+$0xFFFFFFF0];
	_ =	sdelay $0x4  }
0x57d: {  	v8 =	vmul.f32 $8.000000000e+00, v8;
	_ =	sdelay $0x1  }
0x57e: {  	[tilespmem:v18+s25+$0x0] =	vst.idx.msk $0xffff, v8  }
0x57f: {  	v8 =	vld [tilespmem:s2+$0x0];
	_ =	sdelay $0x4  }
0x580: {  	v8 =	vmul.f32 $8.000000000e+00, v8;
	_ =	sdelay $0x1  }
0x581: {  	[tilespmem:v9+s25+$0x0] =	vst.idx.msk $0xffff, v8  }
0x582: {  	v8 =	vld [tilespmem:s2+$0x10];
	_ =	sdelay $0x4  }
0x583: {  	v8 =	vmul.f32 $8.000000000e+00, v8;
	_ =	sdelay $0x1  }
0x584: {  	[tilespmem:v20+s25+$0x0] =	vst.idx.msk $0xffff, v8  }
0x585: {  	v8 =	vld [tilespmem:s2+$0x20];
	_ =	sdelay $0x4  }
0x586: {  	v8 =	vmul.f32 $8.000000000e+00, v8;
	_ =	sdelay $0x1  }
0x587: {  	[tilespmem:v22+s25+$0x0] =	vst.idx.msk $0xffff, v8  }
0x588: {  	v8 =	vld [tilespmem:s2+$0x30];
	_ =	sdelay $0x4  }
0x589: {  	v8 =	vmul.f32 $8.000000000e+00, v8;
	_ =	sdelay $0x1  }
0x58a: {  	[tilespmem:v23+s25+$0x0] =	vst.idx.msk $0xffff, v8  }
0x58b: {  	v8 =	vld [tilespmem:s2+$0x40];
	_ =	sdelay $0x4  }
0x58c: {  	v8 =	vmul.f32 $8.000000000e+00, v8;
	_ =	sdelay $0x1  }
0x58d: {  	[tilespmem:v7+s25+$0x0] =	vst.idx.msk $0xffff, v8  }
0x58e: {  	v7 =	vld [tilespmem:s2+$0x50];
	_ =	sdelay $0x4  }
0x58f: {  	v7 =	vmul.f32 $8.000000000e+00, v7;
	_ =	sdelay $0x1  }
0x590: {  	[tilespmem:v6+s25+$0x0] =	vst.idx.msk $0xffff, v7  }
0x591: {  	v6 =	vld [tilespmem:s2+$0x60];
	_ =	sdelay $0x4  }
0x592: {  	v6 =	vmul.f32 $8.000000000e+00, v6;
	_ =	sdelay $0x1  }
0x593: {  	[tilespmem:v5+s25+$0x0] =	vst.idx.msk $0xffff, v6  }
0x594: {  	v5 =	vld [tilespmem:s2+$0x70]  }
.Ltmp10:
0x595: {  	(pc) =	sbr.rel @p0 .LBB2_23-.Ltmp10, $2  }
0x596: {  	_ =	sdelay $0x2  }
0x597: {  	v5 =	vmul.f32 $8.000000000e+00, v5  }
0x598: {  	_ =	sdelay $0x3  }
0x599: {  	v6 =	vmov s26;
	s2 =	sadd.s32 $0x100, s2;
	[tilespmem:v4+s25+$0x0] =	vst.idx.msk $0xffff, v5  }
0x59a: {  	v5 =	vand.u32 $0x78, v6;
	v4 =	vld [tilespmem:s2+$0xFFFFFF80]  }
0x59b: {  	v6 =	vand.u32 $0x4, v6;
	v7 =	vadd.s32 v0, v5  }
0x59c: {  	v8 =	vor.u32 v6, v7;
	_ =	sdelay $0x2  }
0x59d: {  	v4 =	vmul.f32 $8.000000000e+00, v4;
	_ =	sdelay $0x1  }
0x59e: {  	[tilespmem:v8+s25+$0x0] =	vst.idx.msk $0xffff, v4  }
0x59f: {  	v4 =	vld [tilespmem:s2+$0xFFFFFF90]  }
0x5a0: {  	v52 =	vadd.s32 v1, v5  }
0x5a1: {  	v9 =	vor.u32 v6, v52;
	_ =	sdelay $0x2  }
0x5a2: {  	v4 =	vmul.f32 $8.000000000e+00, v4;
	_ =	sdelay $0x1  }
0x5a3: {  	[tilespmem:v9+s25+$0x0] =	vst.idx.msk $0xffff, v4  }
0x5a4: {  	v4 =	vld [tilespmem:s2+$0xFFFFFFA0]  }
0x5a5: {  	v53 =	vadd.s32 v2, v5  }
0x5a6: {  	v10 =	vor.u32 v6, v53;
	_ =	sdelay $0x2  }
0x5a7: {  	v4 =	vmul.f32 $8.000000000e+00, v4;
	_ =	sdelay $0x1  }
0x5a8: {  	[tilespmem:v10+s25+$0x0] =	vst.idx.msk $0xffff, v4  }
0x5a9: {  	v4 =	vld [tilespmem:s2+$0xFFFFFFB0]  }
0x5aa: {  	v5 =	vadd.s32 v3, v5  }
0x5ab: {  	v54 =	vor.u32 v6, v5;
	_ =	sdelay $0x2  }
0x5ac: {  	v4 =	vmul.f32 $8.000000000e+00, v4;
	_ =	sdelay $0x1  }
0x5ad: {  	[tilespmem:v54+s25+$0x0] =	vst.idx.msk $0xffff, v4  }
0x5ae: {  	v4 =	vld [tilespmem:s2+$0xFFFFFFC0]  }
0x5af: {  	v55 =	vor.u32 $0x1, v6  }
0x5b0: {  	v11 =	vor.u32 v55, v7;
	_ =	sdelay $0x2  }
0x5b1: {  	v4 =	vmul.f32 $8.000000000e+00, v4;
	_ =	sdelay $0x1  }
0x5b2: {  	[tilespmem:v11+s25+$0x0] =	vst.idx.msk $0xffff, v4  }
0x5b3: {  	v4 =	vld [tilespmem:s2+$0xFFFFFFD0];
	_ =	sdelay $0x1  }
0x5b4: {  	v56 =	vor.u32 v55, v52;
	_ =	sdelay $0x2  }
0x5b5: {  	v4 =	vmul.f32 $8.000000000e+00, v4;
	_ =	sdelay $0x1  }
0x5b6: {  	[tilespmem:v56+s25+$0x0] =	vst.idx.msk $0xffff, v4  }
0x5b7: {  	v4 =	vld [tilespmem:s2+$0xFFFFFFE0];
	_ =	sdelay $0x1  }
0x5b8: {  	v57 =	vor.u32 v55, v53;
	_ =	sdelay $0x2  }
0x5b9: {  	v4 =	vmul.f32 $8.000000000e+00, v4;
	_ =	sdelay $0x1  }
0x5ba: {  	[tilespmem:v57+s25+$0x0] =	vst.idx.msk $0xffff, v4  }
0x5bb: {  	v4 =	vld [tilespmem:s2+$0xFFFFFFF0];
	_ =	sdelay $0x1  }
0x5bc: {  	v10 =	vor.u32 v55, v5;
	_ =	sdelay $0x2  }
0x5bd: {  	v4 =	vmul.f32 $8.000000000e+00, v4;
	_ =	sdelay $0x1  }
0x5be: {  	[tilespmem:v10+s25+$0x0] =	vst.idx.msk $0xffff, v4  }
0x5bf: {  	v4 =	vld [tilespmem:s2+$0x0]  }
0x5c0: {  	v58 =	vor.u32 $0x2, v6  }
0x5c1: {  	v59 =	vor.u32 v58, v7;
	_ =	sdelay $0x2  }
0x5c2: {  	v4 =	vmul.f32 $8.000000000e+00, v4;
	_ =	sdelay $0x1  }
0x5c3: {  	[tilespmem:v59+s25+$0x0] =	vst.idx.msk $0xffff, v4  }
0x5c4: {  	v4 =	vld [tilespmem:s2+$0x10];
	_ =	sdelay $0x1  }
0x5c5: {  	v60 =	vor.u32 v58, v52;
	_ =	sdelay $0x2  }
0x5c6: {  	v4 =	vmul.f32 $8.000000000e+00, v4;
	_ =	sdelay $0x1  }
0x5c7: {  	[tilespmem:v60+s25+$0x0] =	vst.idx.msk $0xffff, v4  }
0x5c8: {  	v4 =	vld [tilespmem:s2+$0x20];
	_ =	sdelay $0x1  }
0x5c9: {  	v61 =	vor.u32 v58, v53;
	_ =	sdelay $0x2  }
0x5ca: {  	v4 =	vmul.f32 $8.000000000e+00, v4;
	_ =	sdelay $0x1  }
0x5cb: {  	[tilespmem:v61+s25+$0x0] =	vst.idx.msk $0xffff, v4  }
0x5cc: {  	v4 =	vld [tilespmem:s2+$0x30];
	_ =	sdelay $0x1  }
0x5cd: {  	v10 =	vor.u32 v58, v5;
	_ =	sdelay $0x2  }
0x5ce: {  	v4 =	vmul.f32 $8.000000000e+00, v4;
	_ =	sdelay $0x1  }
0x5cf: {  	[tilespmem:v10+s25+$0x0] =	vst.idx.msk $0xffff, v4  }
0x5d0: {  	v4 =	vld [tilespmem:s2+$0x40]  }
0x5d1: {  	v6 =	vor.u32 $0x3, v6  }
0x5d2: {  	v7 =	vor.u32 v6, v7;
	_ =	sdelay $0x2  }
0x5d3: {  	v4 =	vmul.f32 $8.000000000e+00, v4;
	_ =	sdelay $0x1  }
0x5d4: {  	[tilespmem:v7+s25+$0x0] =	vst.idx.msk $0xffff, v4  }
0x5d5: {  	v4 =	vld [tilespmem:s2+$0x50];
	_ =	sdelay $0x1  }
0x5d6: {  	v62 =	vor.u32 v6, v52;
	_ =	sdelay $0x2  }
0x5d7: {  	v4 =	vmul.f32 $8.000000000e+00, v4;
	_ =	sdelay $0x1  }
0x5d8: {  	[tilespmem:v62+s25+$0x0] =	vst.idx.msk $0xffff, v4  }
0x5d9: {  	v4 =	vld [tilespmem:s2+$0x60];
	_ =	sdelay $0x1  }
0x5da: {  	v63 =	vor.u32 v6, v53;
	_ =	sdelay $0x2  }
0x5db: {  	v4 =	vmul.f32 $8.000000000e+00, v4;
	_ =	sdelay $0x1  }
0x5dc: {  	[tilespmem:v63+s25+$0x0] =	vst.idx.msk $0xffff, v4  }
0x5dd: {  	v4 =	vld [tilespmem:s2+$0x70];
	_ =	sdelay $0x1  }
0x5de: {  	v5 =	vor.u32 v6, v5;
	_ =	sdelay $0x2  }
0x5df: {  	v4 =	vmul.f32 $8.000000000e+00, v4;
	_ =	sdelay $0x1  }
0x5e0: {  	s0 =	sadd.s32 s1, s12;
	s24 =	simm.s32 $0x6600;
	[tilespmem:v5+s25+$0x0] =	vst.idx.msk $0xffff, v4  }
0x5e1: {  	[hbm4b:s0+s3] =	stream.linear.scatter [tilespmem:s24], [sflag:$0x4], $0x80, $0x38;
	[tilespmem:$0x8800] =	vst v63  }
0x5e2: {  	s26 =	simm.s32 $0x6688;
	s4 =	sadd.s32 $0x10, s0  }
0x5e3: {  	[hbm4b:s4+s3] =	stream.linear.scatter [tilespmem:s26], [sflag:$0x4], $0x80, $0x38;
	[tilespmem:$0x8800] =	vst v63  }
0x5e4: {  	s24 =	simm.s32 $0x6710;
	s26 =	sadd.s32 $0x20, s0  }
0x5e5: {  	[hbm4b:s26+s3] =	stream.linear.scatter [tilespmem:s24], [sflag:$0x4], $0x80, $0x38;
	[tilespmem:$0x8800] =	vst v63  }
0x5e6: {  	s24 =	simm.s32 $0x6798;
	s26 =	sadd.s32 $0x30, s0  }
0x5e7: {  	[hbm4b:s26+s3] =	stream.linear.scatter [tilespmem:s24], [sflag:$0x4], $0x80, $0x38;
	[tilespmem:$0x8800] =	vst v63  }
0x5e8: {  	s24 =	simm.s32 $0x6820;
	s26 =	sadd.s32 $0x40, s0  }
0x5e9: {  	[hbm4b:s26+s3] =	stream.linear.scatter [tilespmem:s24], [sflag:$0x4], $0x80, $0x38;
	[tilespmem:$0x8800] =	vst v63  }
0x5ea: {  	s29 =	simm.s32 $0x69B8;
	s24 =	simm.s32 $0x68A8;
	s26 =	sadd.s32 $0x50, s0  }
0x5eb: {  	[hbm4b:s26+s3] =	stream.linear.scatter [tilespmem:s24], [sflag:$0x4], $0x80, $0x38;
	[tilespmem:$0x8800] =	vst v63  }
0x5ec: {  	s31 =	sadd.s32 $0x70, s0;
	s24 =	simm.s32 $0x6930;
	s26 =	sadd.s32 $0x60, s0  }
0x5ed: {  	[hbm4b:s26+s3] =	stream.linear.scatter [tilespmem:s24], [sflag:$0x4], $0x80, $0x38;
	[tilespmem:$0x8800] =	vst v63  }
0x5ee: {  	s2 =	simm.s32 $0x440;
	s26 =	simm.s32 $0x2200;
	s24 =	sadd.s32 $0x400, s0  }
.LBB2_25:
0x5ef: {  	[hbm4b:s31+s3] =	stream.linear.scatter [tilespmem:s29], [sflag:$0x4], $0x80, $0x38;
	[tilespmem:$0x8800] =	vst v63  }
0x5f0: {  	s0 =	smov.u32 s2;
	s2 =	smov.u32 s26  }
0x5f1: {  	s4 =	sadd.s32 $0x1100, s26;
	s2 =	sshra.s32 s2, $0x2;
	s29 =	sadd.s32 $0x6600, s0  }
0x5f2: {  	[hbm4b:s24+s3] =	stream.linear.scatter [tilespmem:s29], [sflag:$0x4], $0x80, $0x38;
	[tilespmem:$0x8800] =	vst v63  }
0x5f3: {  	p0 =	sne.s32 s26, $0x7700;
	s26 =	sadd.s32 $0x6688, s0;
	s29 =	sadd.s32 $0x10, s24  }
0x5f4: {  	[hbm4b:s29+s3] =	stream.linear.scatter [tilespmem:s26], [sflag:$0x4], $0x80, $0x38;
	[tilespmem:$0x8800] =	vst v63  }
0x5f5: {  	s26 =	sadd.s32 $0x6710, s0;
	s29 =	sadd.s32 $0x20, s24  }
0x5f6: {  	[hbm4b:s29+s3] =	stream.linear.scatter [tilespmem:s26], [sflag:$0x4], $0x80, $0x38;
	[tilespmem:$0x8800] =	vst v63  }
0x5f7: {  	s26 =	sadd.s32 $0x6798, s0;
	s29 =	sadd.s32 $0x30, s24  }
0x5f8: {  	[hbm4b:s29+s3] =	stream.linear.scatter [tilespmem:s26], [sflag:$0x4], $0x80, $0x38;
	[tilespmem:$0x8800] =	vst v63  }
0x5f9: {  	s26 =	sadd.s32 $0x6820, s0;
	s29 =	sadd.s32 $0x40, s24  }
0x5fa: {  	[hbm4b:s29+s3] =	stream.linear.scatter [tilespmem:s26], [sflag:$0x4], $0x80, $0x38;
	[tilespmem:$0x8800] =	vst v63  }
.Ltmp11:
0x5fb: {  	s26 =	sadd.s32 $0x68A8, s0;
	s29 =	sadd.s32 $0x50, s24;
	(pc) =	sbr.rel @p0 .LBB2_25-.Ltmp11, $4  }
0x5fc: {  	[hbm4b:s29+s3] =	stream.linear.scatter [tilespmem:s26], [sflag:$0x4], $0x80, $0x38;
	[tilespmem:$0x8800] =	vst v63  }
0x5fd: {  	s31 =	sadd.s32 $0x70, s24;
	s26 =	sadd.s32 $0x6930, s0;
	s29 =	sadd.s32 $0x60, s24  }
0x5fe: {  	[hbm4b:s29+s3] =	stream.linear.scatter [tilespmem:s26], [sflag:$0x4], $0x80, $0x38;
	[tilespmem:$0x8800] =	vst v63  }
0x5ff: {  	s24 =	sadd.s32 $0x400, s24;
	s29 =	sadd.s32 $0x69B8, s0;
	s26 =	smov.u32 s4  }
0x600: {  	[hbm4b:s31+s3] =	stream.linear.scatter [tilespmem:s29], [sflag:$0x4], $0x80, $0x38;
	[tilespmem:$0x8800] =	vst v63  }
0x601: {  	s0 =	sadd.s32 $0x6600, s2  }
0x602: {  	[hbm4b:s24+s3] =	stream.linear.scatter [tilespmem:s0], [sflag:$0x4], $0x80, $0x38;
	[tilespmem:$0x8800] =	vst v63  }
0x603: {  	s26 =	sadd.s32 $0x6688, s2;
	s4 =	sadd.s32 $0x10, s24  }
0x604: {  	[hbm4b:s4+s3] =	stream.linear.scatter [tilespmem:s26], [sflag:$0x4], $0x80, $0x38;
	[tilespmem:$0x8800] =	vst v63  }
0x605: {  	s29 =	sadd.s32 $0x6710, s2;
	s31 =	sadd.s32 $0x20, s24  }
0x606: {  	[hbm4b:s31+s3] =	stream.linear.scatter [tilespmem:s29], [sflag:$0x4], $0x80, $0x38;
	[tilespmem:$0x8800] =	vst v63  }
0x607: {  	s4 =	sadd.s32 $0x6798, s2;
	s26 =	sadd.s32 $0x30, s24  }
0x608: {  	[hbm4b:s26+s3] =	stream.linear.scatter [tilespmem:s4], [sflag:$0x4], $0x80, $0x38;
	[tilespmem:$0x8800] =	vst v63  }
0x609: {  	s29 =	sadd.s32 $0x6820, s2;
	s31 =	sadd.s32 $0x40, s24  }
0x60a: {  	[hbm4b:s31+s3] =	stream.linear.scatter [tilespmem:s29], [sflag:$0x4], $0x80, $0x38;
	[tilespmem:$0x8800] =	vst v63  }
0x60b: {  	s4 =	sadd.s32 $0x68A8, s2;
	s26 =	sadd.s32 $0x50, s24  }
0x60c: {  	[hbm4b:s26+s3] =	stream.linear.scatter [tilespmem:s4], [sflag:$0x4], $0x80, $0x38;
	[tilespmem:$0x8800] =	vst v63  }
0x60d: {  	s29 =	sadd.s32 $0x6930, s2;
	s31 =	sadd.s32 $0x60, s24  }
0x60e: {  	[hbm4b:s31+s3] =	stream.linear.scatter [tilespmem:s29], [sflag:$0x4], $0x80, $0x38;
	[tilespmem:$0x8800] =	vst v63  }
0x60f: {  	s4 =	sadd.s32 $0x69B8, s2;
	s26 =	sadd.s32 $0x70, s24  }
0x610: {  	[hbm4b:s26+s3] =	stream.linear.scatter [tilespmem:s4], [sflag:$0x4], $0x80, $0x38;
	[tilespmem:$0x8800] =	vst v63  }
0x611: {  	_ =	swait.ge [sflag:s20], $0x2000  }
0x612: {  	[sflag:s20] =	ssyncset.done $0x0  }
0x613: {  	s29 =	simm.s32 $0x380;
	[sflag:s20] =	ssyncadd.s32 $0xFFFFE000  }
0x614: {  	[tilespmem:s21], [sflag:$0x2] =	stream.indirect.gather [hbm4b:s5+s18], $0x40, s29, s18, $0xb8;
	[tilespmem:$0x8800] =	vst v63  }
0x615: {  	_ =	swait.ge [sflag:s28], $0x2000  }
0x616: {  	s31 =	simm.s32 $0x0;
	[sflag:s28] =	ssyncset.done $0x0  }
0x617: {  	s2 =	simm.s32 $0x480;
	v4 =	vmov s31;
	[sflag:s28] =	ssyncadd.s32 $0xFFFFE000  }
0x618: {  	v6 =	vand.u32 $0x78, v4;
	v5 =	vld [tilespmem:s2+$0xFFFFFF80]  }
0x619: {  	v4 =	vand.u32 $0x4, v4;
	v7 =	vadd.s32 v0, v6  }
0x61a: {  	v8 =	vor.u32 v4, v7;
	_ =	sdelay $0x2  }
0x61b: {  	v5 =	vmul.f32 $8.000000000e+00, v5;
	_ =	sdelay $0x1  }
0x61c: {  	[tilespmem:v8+s22+$0x0] =	vst.idx.msk $0xffff, v5  }
0x61d: {  	v5 =	vld [tilespmem:s2+$0xFFFFFF90]  }
0x61e: {  	v54 =	vadd.s32 v1, v6  }
0x61f: {  	v9 =	vor.u32 v4, v54;
	_ =	sdelay $0x2  }
0x620: {  	v5 =	vmul.f32 $8.000000000e+00, v5;
	_ =	sdelay $0x1  }
0x621: {  	[tilespmem:v9+s22+$0x0] =	vst.idx.msk $0xffff, v5  }
0x622: {  	v5 =	vld [tilespmem:s2+$0xFFFFFFA0]  }
0x623: {  	v55 =	vadd.s32 v2, v6  }
0x624: {  	v10 =	vor.u32 v4, v55;
	_ =	sdelay $0x2  }
0x625: {  	v5 =	vmul.f32 $8.000000000e+00, v5;
	_ =	sdelay $0x1  }
0x626: {  	[tilespmem:v10+s22+$0x0] =	vst.idx.msk $0xffff, v5  }
0x627: {  	v5 =	vld [tilespmem:s2+$0xFFFFFFB0]  }
0x628: {  	v6 =	vadd.s32 v3, v6  }
0x629: {  	v56 =	vor.u32 v4, v6;
	_ =	sdelay $0x2  }
0x62a: {  	v5 =	vmul.f32 $8.000000000e+00, v5;
	_ =	sdelay $0x1  }
0x62b: {  	[tilespmem:v56+s22+$0x0] =	vst.idx.msk $0xffff, v5  }
0x62c: {  	v5 =	vld [tilespmem:s2+$0xFFFFFFC0]  }
0x62d: {  	v57 =	vor.u32 $0x1, v4  }
0x62e: {  	v11 =	vor.u32 v57, v7;
	_ =	sdelay $0x2  }
0x62f: {  	v5 =	vmul.f32 $8.000000000e+00, v5;
	_ =	sdelay $0x1  }
0x630: {  	[tilespmem:v11+s22+$0x0] =	vst.idx.msk $0xffff, v5  }
0x631: {  	v5 =	vld [tilespmem:s2+$0xFFFFFFD0];
	_ =	sdelay $0x1  }
0x632: {  	v58 =	vor.u32 v57, v54;
	_ =	sdelay $0x2  }
0x633: {  	v5 =	vmul.f32 $8.000000000e+00, v5;
	_ =	sdelay $0x1  }
0x634: {  	[tilespmem:v58+s22+$0x0] =	vst.idx.msk $0xffff, v5  }
0x635: {  	v5 =	vld [tilespmem:s2+$0xFFFFFFE0];
	_ =	sdelay $0x1  }
0x636: {  	v59 =	vor.u32 v57, v55;
	_ =	sdelay $0x2  }
0x637: {  	v5 =	vmul.f32 $8.000000000e+00, v5;
	_ =	sdelay $0x1  }
0x638: {  	[tilespmem:v59+s22+$0x0] =	vst.idx.msk $0xffff, v5  }
0x639: {  	v5 =	vld [tilespmem:s2+$0xFFFFFFF0];
	_ =	sdelay $0x1  }
0x63a: {  	v10 =	vor.u32 v57, v6;
	_ =	sdelay $0x2  }
0x63b: {  	v5 =	vmul.f32 $8.000000000e+00, v5;
	_ =	sdelay $0x1  }
0x63c: {  	[tilespmem:v10+s22+$0x0] =	vst.idx.msk $0xffff, v5  }
0x63d: {  	v5 =	vld [tilespmem:s2+$0x0]  }
0x63e: {  	v60 =	vor.u32 $0x2, v4  }
0x63f: {  	v61 =	vor.u32 v60, v7;
	_ =	sdelay $0x2  }
0x640: {  	v5 =	vmul.f32 $8.000000000e+00, v5;
	_ =	sdelay $0x1  }
0x641: {  	[tilespmem:v61+s22+$0x0] =	vst.idx.msk $0xffff, v5  }
0x642: {  	v5 =	vld [tilespmem:s2+$0x10];
	_ =	sdelay $0x1  }
0x643: {  	v62 =	vor.u32 v60, v54;
	_ =	sdelay $0x2  }
0x644: {  	v5 =	vmul.f32 $8.000000000e+00, v5;
	_ =	sdelay $0x1  }
0x645: {  	[tilespmem:v62+s22+$0x0] =	vst.idx.msk $0xffff, v5  }
0x646: {  	v5 =	vld [tilespmem:s2+$0x20];
	_ =	sdelay $0x1  }
0x647: {  	v63 =	vor.u32 v60, v55;
	_ =	sdelay $0x2  }
0x648: {  	v5 =	vmul.f32 $8.000000000e+00, v5;
	_ =	sdelay $0x1  }
0x649: {  	[tilespmem:v63+s22+$0x0] =	vst.idx.msk $0xffff, v5  }
0x64a: {  	v5 =	vld [tilespmem:s2+$0x30];
	_ =	sdelay $0x1  }
0x64b: {  	v10 =	vor.u32 v60, v6;
	_ =	sdelay $0x2  }
0x64c: {  	v5 =	vmul.f32 $8.000000000e+00, v5;
	_ =	sdelay $0x1  }
0x64d: {  	[tilespmem:v10+s22+$0x0] =	vst.idx.msk $0xffff, v5  }
0x64e: {  	v5 =	vld [tilespmem:s2+$0x40]  }
0x64f: {  	v4 =	vor.u32 $0x3, v4  }
0x650: {  	v7 =	vor.u32 v4, v7;
	_ =	sdelay $0x2  }
0x651: {  	v5 =	vmul.f32 $8.000000000e+00, v5;
	_ =	sdelay $0x1  }
0x652: {  	[tilespmem:v7+s22+$0x0] =	vst.idx.msk $0xffff, v5  }
0x653: {  	v5 =	vld [tilespmem:s2+$0x50];
	_ =	sdelay $0x1  }
0x654: {  	v7 =	vor.u32 v4, v54;
	_ =	sdelay $0x2  }
0x655: {  	v5 =	vmul.f32 $8.000000000e+00, v5;
	_ =	sdelay $0x1  }
0x656: {  	[tilespmem:v7+s22+$0x0] =	vst.idx.msk $0xffff, v5  }
0x657: {  	v5 =	vld [tilespmem:s2+$0x60];
	_ =	sdelay $0x1  }
0x658: {  	v7 =	vor.u32 v4, v55;
	_ =	sdelay $0x2  }
0x659: {  	v5 =	vmul.f32 $8.000000000e+00, v5;
	_ =	sdelay $0x1  }
0x65a: {  	[tilespmem:v7+s22+$0x0] =	vst.idx.msk $0xffff, v5  }
0x65b: {  	v5 =	vld [tilespmem:s2+$0x70];
	_ =	sdelay $0x1  }
0x65c: {  	v4 =	vor.u32 v4, v6;
	_ =	sdelay $0x2  }
0x65d: {  	s24 =	simm.s32 $0x8;
	s26 =	simm.s32 $0x4;
	v5 =	vmul.f32 $8.000000000e+00, v5  }
.LBB2_27:
0x65e: {  	p0 =	sne.s32 s24, $0x7C  }
0x65f: {  	v6 =	vmov s26;
	s2 =	sadd.s32 $0x100, s2;
	s26 =	smov.u32 s24;
	s24 =	sadd.s32 $0x4, s24;
	[tilespmem:v4+s22+$0x0] =	vst.idx.msk $0xffff, v5  }
0x660: {  	v5 =	vand.u32 $0x78, v6;
	v4 =	vld [tilespmem:s2+$0xFFFFFF80]  }
0x661: {  	v6 =	vand.u32 $0x4, v6;
	v7 =	vadd.s32 v0, v5;
	v8 =	vadd.s32 v1, v5  }
0x662: {  	v11 =	vadd.s32 v2, v5;
	v9 =	vor.u32 v6, v7;
	v10 =	vor.u32 v6, v8  }
0x663: {  	v13 =	vadd.s32 v3, v5;
	v5 =	vor.u32 $0x1, v6;
	v12 =	vor.u32 v6, v11  }
0x664: {  	v14 =	vor.u32 v6, v13;
	v15 =	vor.u32 v5, v7;
	v16 =	vor.u32 v5, v8  }
0x665: {  	v17 =	vor.u32 v5, v11;
	v18 =	vor.u32 v5, v13;
	v4 =	vmul.f32 $8.000000000e+00, v4  }
0x666: {  	v19 =	vor.u32 $0x3, v6;
	v5 =	vor.u32 $0x2, v6  }
0x667: {  	v20 =	vor.u32 v5, v8;
	[tilespmem:v9+s22+$0x0] =	vst.idx.msk $0xffff, v4;
	v9 =	vor.u32 v5, v7  }
0x668: {  	v22 =	vor.u32 v5, v11;
	v23 =	vor.u32 v5, v13;
	v7 =	vor.u32 v19, v7;
	v21 =	vld [tilespmem:s2+$0xFFFFFF90]  }
0x669: {  	v6 =	vor.u32 v19, v8;
	v5 =	vor.u32 v19, v11;
	v4 =	vor.u32 v19, v13;
	_ =	sdelay $0x3  }
0x66a: {  	v8 =	vmul.f32 $8.000000000e+00, v21;
	_ =	sdelay $0x1  }
0x66b: {  	[tilespmem:v10+s22+$0x0] =	vst.idx.msk $0xffff, v8  }
0x66c: {  	v8 =	vld [tilespmem:s2+$0xFFFFFFA0];
	_ =	sdelay $0x4  }
0x66d: {  	v8 =	vmul.f32 $8.000000000e+00, v8;
	_ =	sdelay $0x1  }
0x66e: {  	[tilespmem:v12+s22+$0x0] =	vst.idx.msk $0xffff, v8  }
0x66f: {  	v8 =	vld [tilespmem:s2+$0xFFFFFFB0];
	_ =	sdelay $0x4  }
0x670: {  	v8 =	vmul.f32 $8.000000000e+00, v8;
	_ =	sdelay $0x1  }
0x671: {  	[tilespmem:v14+s22+$0x0] =	vst.idx.msk $0xffff, v8  }
0x672: {  	v8 =	vld [tilespmem:s2+$0xFFFFFFC0];
	_ =	sdelay $0x4  }
0x673: {  	v8 =	vmul.f32 $8.000000000e+00, v8;
	_ =	sdelay $0x1  }
0x674: {  	[tilespmem:v15+s22+$0x0] =	vst.idx.msk $0xffff, v8  }
0x675: {  	v8 =	vld [tilespmem:s2+$0xFFFFFFD0];
	_ =	sdelay $0x4  }
0x676: {  	v8 =	vmul.f32 $8.000000000e+00, v8;
	_ =	sdelay $0x1  }
0x677: {  	[tilespmem:v16+s22+$0x0] =	vst.idx.msk $0xffff, v8  }
0x678: {  	v8 =	vld [tilespmem:s2+$0xFFFFFFE0];
	_ =	sdelay $0x4  }
0x679: {  	v8 =	vmul.f32 $8.000000000e+00, v8;
	_ =	sdelay $0x1  }
0x67a: {  	[tilespmem:v17+s22+$0x0] =	vst.idx.msk $0xffff, v8  }
0x67b: {  	v8 =	vld [tilespmem:s2+$0xFFFFFFF0];
	_ =	sdelay $0x4  }
0x67c: {  	v8 =	vmul.f32 $8.000000000e+00, v8;
	_ =	sdelay $0x1  }
0x67d: {  	[tilespmem:v18+s22+$0x0] =	vst.idx.msk $0xffff, v8  }
0x67e: {  	v8 =	vld [tilespmem:s2+$0x0];
	_ =	sdelay $0x4  }
0x67f: {  	v8 =	vmul.f32 $8.000000000e+00, v8;
	_ =	sdelay $0x1  }
0x680: {  	[tilespmem:v9+s22+$0x0] =	vst.idx.msk $0xffff, v8  }
0x681: {  	v8 =	vld [tilespmem:s2+$0x10];
	_ =	sdelay $0x4  }
0x682: {  	v8 =	vmul.f32 $8.000000000e+00, v8;
	_ =	sdelay $0x1  }
0x683: {  	[tilespmem:v20+s22+$0x0] =	vst.idx.msk $0xffff, v8  }
0x684: {  	v8 =	vld [tilespmem:s2+$0x20];
	_ =	sdelay $0x4  }
0x685: {  	v8 =	vmul.f32 $8.000000000e+00, v8;
	_ =	sdelay $0x1  }
0x686: {  	[tilespmem:v22+s22+$0x0] =	vst.idx.msk $0xffff, v8  }
0x687: {  	v8 =	vld [tilespmem:s2+$0x30];
	_ =	sdelay $0x4  }
0x688: {  	v8 =	vmul.f32 $8.000000000e+00, v8;
	_ =	sdelay $0x1  }
0x689: {  	[tilespmem:v23+s22+$0x0] =	vst.idx.msk $0xffff, v8  }
0x68a: {  	v8 =	vld [tilespmem:s2+$0x40];
	_ =	sdelay $0x4  }
0x68b: {  	v8 =	vmul.f32 $8.000000000e+00, v8;
	_ =	sdelay $0x1  }
0x68c: {  	[tilespmem:v7+s22+$0x0] =	vst.idx.msk $0xffff, v8  }
0x68d: {  	v7 =	vld [tilespmem:s2+$0x50];
	_ =	sdelay $0x4  }
0x68e: {  	v7 =	vmul.f32 $8.000000000e+00, v7;
	_ =	sdelay $0x1  }
0x68f: {  	[tilespmem:v6+s22+$0x0] =	vst.idx.msk $0xffff, v7  }
0x690: {  	v6 =	vld [tilespmem:s2+$0x60];
	_ =	sdelay $0x4  }
0x691: {  	v6 =	vmul.f32 $8.000000000e+00, v6;
	_ =	sdelay $0x1  }
0x692: {  	[tilespmem:v5+s22+$0x0] =	vst.idx.msk $0xffff, v6  }
0x693: {  	v5 =	vld [tilespmem:s2+$0x70]  }
.Ltmp12:
0x694: {  	(pc) =	sbr.rel @p0 .LBB2_27-.Ltmp12, $2  }
0x695: {  	_ =	sdelay $0x2  }
0x696: {  	v5 =	vmul.f32 $8.000000000e+00, v5  }
0x697: {  	_ =	sdelay $0x3  }
0x698: {  	v6 =	vmov s26;
	s2 =	sadd.s32 $0x100, s2;
	[tilespmem:v4+s22+$0x0] =	vst.idx.msk $0xffff, v5  }
0x699: {  	v5 =	vand.u32 $0x78, v6;
	v4 =	vld [tilespmem:s2+$0xFFFFFF80]  }
0x69a: {  	v6 =	vand.u32 $0x4, v6;
	v7 =	vadd.s32 v0, v5  }
0x69b: {  	v8 =	vor.u32 v6, v7;
	_ =	sdelay $0x2  }
0x69c: {  	v4 =	vmul.f32 $8.000000000e+00, v4;
	_ =	sdelay $0x1  }
0x69d: {  	[tilespmem:v8+s22+$0x0] =	vst.idx.msk $0xffff, v4  }
0x69e: {  	v4 =	vld [tilespmem:s2+$0xFFFFFF90]  }
0x69f: {  	v52 =	vadd.s32 v1, v5  }
0x6a0: {  	v9 =	vor.u32 v6, v52;
	_ =	sdelay $0x2  }
0x6a1: {  	v4 =	vmul.f32 $8.000000000e+00, v4;
	_ =	sdelay $0x1  }
0x6a2: {  	[tilespmem:v9+s22+$0x0] =	vst.idx.msk $0xffff, v4  }
0x6a3: {  	v4 =	vld [tilespmem:s2+$0xFFFFFFA0]  }
0x6a4: {  	v53 =	vadd.s32 v2, v5  }
0x6a5: {  	v10 =	vor.u32 v6, v53;
	_ =	sdelay $0x2  }
0x6a6: {  	v4 =	vmul.f32 $8.000000000e+00, v4;
	_ =	sdelay $0x1  }
0x6a7: {  	[tilespmem:v10+s22+$0x0] =	vst.idx.msk $0xffff, v4  }
0x6a8: {  	v4 =	vld [tilespmem:s2+$0xFFFFFFB0]  }
0x6a9: {  	v5 =	vadd.s32 v3, v5  }
0x6aa: {  	v54 =	vor.u32 v6, v5;
	_ =	sdelay $0x2  }
0x6ab: {  	v4 =	vmul.f32 $8.000000000e+00, v4;
	_ =	sdelay $0x1  }
0x6ac: {  	[tilespmem:v54+s22+$0x0] =	vst.idx.msk $0xffff, v4  }
0x6ad: {  	v4 =	vld [tilespmem:s2+$0xFFFFFFC0]  }
0x6ae: {  	v55 =	vor.u32 $0x1, v6  }
0x6af: {  	v11 =	vor.u32 v55, v7;
	_ =	sdelay $0x2  }
0x6b0: {  	v4 =	vmul.f32 $8.000000000e+00, v4;
	_ =	sdelay $0x1  }
0x6b1: {  	[tilespmem:v11+s22+$0x0] =	vst.idx.msk $0xffff, v4  }
0x6b2: {  	v4 =	vld [tilespmem:s2+$0xFFFFFFD0];
	_ =	sdelay $0x1  }
0x6b3: {  	v56 =	vor.u32 v55, v52;
	_ =	sdelay $0x2  }
0x6b4: {  	v4 =	vmul.f32 $8.000000000e+00, v4;
	_ =	sdelay $0x1  }
0x6b5: {  	[tilespmem:v56+s22+$0x0] =	vst.idx.msk $0xffff, v4  }
0x6b6: {  	v4 =	vld [tilespmem:s2+$0xFFFFFFE0];
	_ =	sdelay $0x1  }
0x6b7: {  	v57 =	vor.u32 v55, v53;
	_ =	sdelay $0x2  }
0x6b8: {  	v4 =	vmul.f32 $8.000000000e+00, v4;
	_ =	sdelay $0x1  }
0x6b9: {  	[tilespmem:v57+s22+$0x0] =	vst.idx.msk $0xffff, v4  }
0x6ba: {  	v4 =	vld [tilespmem:s2+$0xFFFFFFF0];
	_ =	sdelay $0x1  }
0x6bb: {  	v10 =	vor.u32 v55, v5;
	_ =	sdelay $0x2  }
0x6bc: {  	v4 =	vmul.f32 $8.000000000e+00, v4;
	_ =	sdelay $0x1  }
0x6bd: {  	[tilespmem:v10+s22+$0x0] =	vst.idx.msk $0xffff, v4  }
0x6be: {  	v4 =	vld [tilespmem:s2+$0x0]  }
0x6bf: {  	v58 =	vor.u32 $0x2, v6  }
0x6c0: {  	v59 =	vor.u32 v58, v7;
	_ =	sdelay $0x2  }
0x6c1: {  	v4 =	vmul.f32 $8.000000000e+00, v4;
	_ =	sdelay $0x1  }
0x6c2: {  	[tilespmem:v59+s22+$0x0] =	vst.idx.msk $0xffff, v4  }
0x6c3: {  	v4 =	vld [tilespmem:s2+$0x10];
	_ =	sdelay $0x1  }
0x6c4: {  	v60 =	vor.u32 v58, v52;
	_ =	sdelay $0x2  }
0x6c5: {  	v4 =	vmul.f32 $8.000000000e+00, v4;
	_ =	sdelay $0x1  }
0x6c6: {  	[tilespmem:v60+s22+$0x0] =	vst.idx.msk $0xffff, v4  }
0x6c7: {  	v4 =	vld [tilespmem:s2+$0x20];
	_ =	sdelay $0x1  }
0x6c8: {  	v61 =	vor.u32 v58, v53;
	_ =	sdelay $0x2  }
0x6c9: {  	v4 =	vmul.f32 $8.000000000e+00, v4;
	_ =	sdelay $0x1  }
0x6ca: {  	[tilespmem:v61+s22+$0x0] =	vst.idx.msk $0xffff, v4  }
0x6cb: {  	v4 =	vld [tilespmem:s2+$0x30];
	_ =	sdelay $0x1  }
0x6cc: {  	v10 =	vor.u32 v58, v5;
	_ =	sdelay $0x2  }
0x6cd: {  	v4 =	vmul.f32 $8.000000000e+00, v4;
	_ =	sdelay $0x1  }
0x6ce: {  	[tilespmem:v10+s22+$0x0] =	vst.idx.msk $0xffff, v4  }
0x6cf: {  	v4 =	vld [tilespmem:s2+$0x40]  }
0x6d0: {  	v6 =	vor.u32 $0x3, v6  }
0x6d1: {  	v7 =	vor.u32 v6, v7;
	_ =	sdelay $0x2  }
0x6d2: {  	v4 =	vmul.f32 $8.000000000e+00, v4;
	_ =	sdelay $0x1  }
0x6d3: {  	[tilespmem:v7+s22+$0x0] =	vst.idx.msk $0xffff, v4  }
0x6d4: {  	v4 =	vld [tilespmem:s2+$0x50];
	_ =	sdelay $0x1  }
0x6d5: {  	v62 =	vor.u32 v6, v52;
	_ =	sdelay $0x2  }
0x6d6: {  	v4 =	vmul.f32 $8.000000000e+00, v4;
	_ =	sdelay $0x1  }
0x6d7: {  	[tilespmem:v62+s22+$0x0] =	vst.idx.msk $0xffff, v4  }
0x6d8: {  	v4 =	vld [tilespmem:s2+$0x60];
	_ =	sdelay $0x1  }
0x6d9: {  	v63 =	vor.u32 v6, v53;
	_ =	sdelay $0x2  }
0x6da: {  	v4 =	vmul.f32 $8.000000000e+00, v4;
	_ =	sdelay $0x1  }
0x6db: {  	[tilespmem:v63+s22+$0x0] =	vst.idx.msk $0xffff, v4  }
0x6dc: {  	v4 =	vld [tilespmem:s2+$0x70];
	_ =	sdelay $0x1  }
0x6dd: {  	v5 =	vor.u32 v6, v5;
	_ =	sdelay $0x2  }
0x6de: {  	v4 =	vmul.f32 $8.000000000e+00, v4;
	_ =	sdelay $0x1  }
0x6df: {  	s0 =	sadd.s32 s1, s13;
	s24 =	simm.s32 $0x4400;
	[tilespmem:v5+s22+$0x0] =	vst.idx.msk $0xffff, v4  }
0x6e0: {  	[hbm4b:s0+s3] =	stream.linear.scatter [tilespmem:s24], [sflag:$0x3], $0x80, $0x38;
	[tilespmem:$0x8800] =	vst v63  }
0x6e1: {  	s26 =	simm.s32 $0x4488;
	s4 =	sadd.s32 $0x10, s0  }
0x6e2: {  	[hbm4b:s4+s3] =	stream.linear.scatter [tilespmem:s26], [sflag:$0x3], $0x80, $0x38;
	[tilespmem:$0x8800] =	vst v63  }
0x6e3: {  	s24 =	simm.s32 $0x4510;
	s26 =	sadd.s32 $0x20, s0  }
0x6e4: {  	[hbm4b:s26+s3] =	stream.linear.scatter [tilespmem:s24], [sflag:$0x3], $0x80, $0x38;
	[tilespmem:$0x8800] =	vst v63  }
0x6e5: {  	s24 =	simm.s32 $0x4598;
	s26 =	sadd.s32 $0x30, s0  }
0x6e6: {  	[hbm4b:s26+s3] =	stream.linear.scatter [tilespmem:s24], [sflag:$0x3], $0x80, $0x38;
	[tilespmem:$0x8800] =	vst v63  }
0x6e7: {  	s24 =	simm.s32 $0x4620;
	s26 =	sadd.s32 $0x40, s0  }
0x6e8: {  	[hbm4b:s26+s3] =	stream.linear.scatter [tilespmem:s24], [sflag:$0x3], $0x80, $0x38;
	[tilespmem:$0x8800] =	vst v63  }
0x6e9: {  	s29 =	simm.s32 $0x47B8;
	s24 =	simm.s32 $0x46A8;
	s26 =	sadd.s32 $0x50, s0  }
0x6ea: {  	[hbm4b:s26+s3] =	stream.linear.scatter [tilespmem:s24], [sflag:$0x3], $0x80, $0x38;
	[tilespmem:$0x8800] =	vst v63  }
0x6eb: {  	s31 =	sadd.s32 $0x70, s0;
	s24 =	simm.s32 $0x4730;
	s26 =	sadd.s32 $0x60, s0  }
0x6ec: {  	[hbm4b:s26+s3] =	stream.linear.scatter [tilespmem:s24], [sflag:$0x3], $0x80, $0x38;
	[tilespmem:$0x8800] =	vst v63  }
0x6ed: {  	s2 =	simm.s32 $0x440;
	s26 =	simm.s32 $0x2200;
	s24 =	sadd.s32 $0x400, s0  }
.LBB2_29:
0x6ee: {  	[hbm4b:s31+s3] =	stream.linear.scatter [tilespmem:s29], [sflag:$0x3], $0x80, $0x38;
	[tilespmem:$0x8800] =	vst v63  }
0x6ef: {  	s0 =	smov.u32 s2;
	s2 =	smov.u32 s26  }
0x6f0: {  	s4 =	sadd.s32 $0x1100, s26;
	s2 =	sshra.s32 s2, $0x2;
	s29 =	sadd.s32 $0x4400, s0  }
0x6f1: {  	[hbm4b:s24+s3] =	stream.linear.scatter [tilespmem:s29], [sflag:$0x3], $0x80, $0x38;
	[tilespmem:$0x8800] =	vst v63  }
0x6f2: {  	p0 =	sne.s32 s26, $0x7700;
	s26 =	sadd.s32 $0x4488, s0;
	s29 =	sadd.s32 $0x10, s24  }
0x6f3: {  	[hbm4b:s29+s3] =	stream.linear.scatter [tilespmem:s26], [sflag:$0x3], $0x80, $0x38;
	[tilespmem:$0x8800] =	vst v63  }
0x6f4: {  	s26 =	sadd.s32 $0x4510, s0;
	s29 =	sadd.s32 $0x20, s24  }
0x6f5: {  	[hbm4b:s29+s3] =	stream.linear.scatter [tilespmem:s26], [sflag:$0x3], $0x80, $0x38;
	[tilespmem:$0x8800] =	vst v63  }
0x6f6: {  	s26 =	sadd.s32 $0x4598, s0;
	s29 =	sadd.s32 $0x30, s24  }
0x6f7: {  	[hbm4b:s29+s3] =	stream.linear.scatter [tilespmem:s26], [sflag:$0x3], $0x80, $0x38;
	[tilespmem:$0x8800] =	vst v63  }
0x6f8: {  	s26 =	sadd.s32 $0x4620, s0;
	s29 =	sadd.s32 $0x40, s24  }
0x6f9: {  	[hbm4b:s29+s3] =	stream.linear.scatter [tilespmem:s26], [sflag:$0x3], $0x80, $0x38;
	[tilespmem:$0x8800] =	vst v63  }
.Ltmp13:
0x6fa: {  	s26 =	sadd.s32 $0x46A8, s0;
	s29 =	sadd.s32 $0x50, s24;
	(pc) =	sbr.rel @p0 .LBB2_29-.Ltmp13, $4  }
0x6fb: {  	[hbm4b:s29+s3] =	stream.linear.scatter [tilespmem:s26], [sflag:$0x3], $0x80, $0x38;
	[tilespmem:$0x8800] =	vst v63  }
0x6fc: {  	s31 =	sadd.s32 $0x70, s24;
	s26 =	sadd.s32 $0x4730, s0;
	s29 =	sadd.s32 $0x60, s24  }
0x6fd: {  	[hbm4b:s29+s3] =	stream.linear.scatter [tilespmem:s26], [sflag:$0x3], $0x80, $0x38;
	[tilespmem:$0x8800] =	vst v63  }
0x6fe: {  	s24 =	sadd.s32 $0x400, s24;
	s29 =	sadd.s32 $0x47B8, s0;
	s26 =	smov.u32 s4  }
0x6ff: {  	[hbm4b:s31+s3] =	stream.linear.scatter [tilespmem:s29], [sflag:$0x3], $0x80, $0x38;
	[tilespmem:$0x8800] =	vst v63  }
0x700: {  	s0 =	sadd.s32 $0x4400, s2  }
0x701: {  	[hbm4b:s24+s3] =	stream.linear.scatter [tilespmem:s0], [sflag:$0x3], $0x80, $0x38;
	[tilespmem:$0x8800] =	vst v63  }
0x702: {  	s26 =	sadd.s32 $0x4488, s2;
	s4 =	sadd.s32 $0x10, s24  }
0x703: {  	[hbm4b:s4+s3] =	stream.linear.scatter [tilespmem:s26], [sflag:$0x3], $0x80, $0x38;
	[tilespmem:$0x8800] =	vst v63  }
0x704: {  	s29 =	sadd.s32 $0x4510, s2;
	s31 =	sadd.s32 $0x20, s24  }
0x705: {  	[hbm4b:s31+s3] =	stream.linear.scatter [tilespmem:s29], [sflag:$0x3], $0x80, $0x38;
	[tilespmem:$0x8800] =	vst v63  }
0x706: {  	s4 =	sadd.s32 $0x4598, s2;
	s26 =	sadd.s32 $0x30, s24  }
0x707: {  	[hbm4b:s26+s3] =	stream.linear.scatter [tilespmem:s4], [sflag:$0x3], $0x80, $0x38;
	[tilespmem:$0x8800] =	vst v63  }
0x708: {  	s29 =	sadd.s32 $0x4620, s2;
	s31 =	sadd.s32 $0x40, s24  }
0x709: {  	[hbm4b:s31+s3] =	stream.linear.scatter [tilespmem:s29], [sflag:$0x3], $0x80, $0x38;
	[tilespmem:$0x8800] =	vst v63  }
0x70a: {  	s4 =	sadd.s32 $0x46A8, s2;
	s26 =	sadd.s32 $0x50, s24  }
0x70b: {  	[hbm4b:s26+s3] =	stream.linear.scatter [tilespmem:s4], [sflag:$0x3], $0x80, $0x38;
	[tilespmem:$0x8800] =	vst v63  }
0x70c: {  	s29 =	sadd.s32 $0x4730, s2;
	s31 =	sadd.s32 $0x60, s24  }
0x70d: {  	[hbm4b:s31+s3] =	stream.linear.scatter [tilespmem:s29], [sflag:$0x3], $0x80, $0x38;
	[tilespmem:$0x8800] =	vst v63  }
0x70e: {  	s26 =	sadd.s32 $0x47B8, s2;
	s29 =	sadd.s32 $0x70, s24  }
0x70f: {  	[hbm4b:s29+s3] =	stream.linear.scatter [tilespmem:s26], [sflag:$0x3], $0x80, $0x38;
	[tilespmem:$0x8800] =	vst v63  }
0x710: {  	_ =	swait.ge [sflag:s23], $0x2000  }
0x711: {  	[sflag:s23] =	ssyncset.done $0x0  }
0x712: {  	[sflag:s23] =	ssyncadd.s32 $0xFFFFE000  }
0x713: {  	_ =	swait.ge [sflag:s30], $0x2000  }
0x714: {  	s31 =	simm.s32 $0x0;
	[sflag:s30] =	ssyncset.done $0x0  }
0x715: {  	s2 =	simm.s32 $0x2480;
	v4 =	vmov s31;
	[sflag:s30] =	ssyncadd.s32 $0xFFFFE000  }
0x716: {  	v6 =	vand.u32 $0x78, v4;
	v5 =	vld [tilespmem:s2+$0xFFFFFF80]  }
0x717: {  	v4 =	vand.u32 $0x4, v4;
	v7 =	vadd.s32 v0, v6  }
0x718: {  	v8 =	vor.u32 v4, v7;
	_ =	sdelay $0x2  }
0x719: {  	v5 =	vmul.f32 $8.000000000e+00, v5;
	_ =	sdelay $0x1  }
0x71a: {  	[tilespmem:v8+s25+$0x0] =	vst.idx.msk $0xffff, v5  }
0x71b: {  	v5 =	vld [tilespmem:s2+$0xFFFFFF90]  }
0x71c: {  	v54 =	vadd.s32 v1, v6  }
0x71d: {  	v9 =	vor.u32 v4, v54;
	_ =	sdelay $0x2  }
0x71e: {  	v5 =	vmul.f32 $8.000000000e+00, v5;
	_ =	sdelay $0x1  }
0x71f: {  	[tilespmem:v9+s25+$0x0] =	vst.idx.msk $0xffff, v5  }
0x720: {  	v5 =	vld [tilespmem:s2+$0xFFFFFFA0]  }
0x721: {  	v55 =	vadd.s32 v2, v6  }
0x722: {  	v10 =	vor.u32 v4, v55;
	_ =	sdelay $0x2  }
0x723: {  	v5 =	vmul.f32 $8.000000000e+00, v5;
	_ =	sdelay $0x1  }
0x724: {  	[tilespmem:v10+s25+$0x0] =	vst.idx.msk $0xffff, v5  }
0x725: {  	v5 =	vld [tilespmem:s2+$0xFFFFFFB0]  }
0x726: {  	v6 =	vadd.s32 v3, v6  }
0x727: {  	v56 =	vor.u32 v4, v6;
	_ =	sdelay $0x2  }
0x728: {  	v5 =	vmul.f32 $8.000000000e+00, v5;
	_ =	sdelay $0x1  }
0x729: {  	[tilespmem:v56+s25+$0x0] =	vst.idx.msk $0xffff, v5  }
0x72a: {  	v5 =	vld [tilespmem:s2+$0xFFFFFFC0]  }
0x72b: {  	v57 =	vor.u32 $0x1, v4  }
0x72c: {  	v11 =	vor.u32 v57, v7;
	_ =	sdelay $0x2  }
0x72d: {  	v5 =	vmul.f32 $8.000000000e+00, v5;
	_ =	sdelay $0x1  }
0x72e: {  	[tilespmem:v11+s25+$0x0] =	vst.idx.msk $0xffff, v5  }
0x72f: {  	v5 =	vld [tilespmem:s2+$0xFFFFFFD0];
	_ =	sdelay $0x1  }
0x730: {  	v58 =	vor.u32 v57, v54;
	_ =	sdelay $0x2  }
0x731: {  	v5 =	vmul.f32 $8.000000000e+00, v5;
	_ =	sdelay $0x1  }
0x732: {  	[tilespmem:v58+s25+$0x0] =	vst.idx.msk $0xffff, v5  }
0x733: {  	v5 =	vld [tilespmem:s2+$0xFFFFFFE0];
	_ =	sdelay $0x1  }
0x734: {  	v59 =	vor.u32 v57, v55;
	_ =	sdelay $0x2  }
0x735: {  	v5 =	vmul.f32 $8.000000000e+00, v5;
	_ =	sdelay $0x1  }
0x736: {  	[tilespmem:v59+s25+$0x0] =	vst.idx.msk $0xffff, v5  }
0x737: {  	v5 =	vld [tilespmem:s2+$0xFFFFFFF0];
	_ =	sdelay $0x1  }
0x738: {  	v10 =	vor.u32 v57, v6;
	_ =	sdelay $0x2  }
0x739: {  	v5 =	vmul.f32 $8.000000000e+00, v5;
	_ =	sdelay $0x1  }
0x73a: {  	[tilespmem:v10+s25+$0x0] =	vst.idx.msk $0xffff, v5  }
0x73b: {  	v5 =	vld [tilespmem:s2+$0x0]  }
0x73c: {  	v60 =	vor.u32 $0x2, v4  }
0x73d: {  	v61 =	vor.u32 v60, v7;
	_ =	sdelay $0x2  }
0x73e: {  	v5 =	vmul.f32 $8.000000000e+00, v5;
	_ =	sdelay $0x1  }
0x73f: {  	[tilespmem:v61+s25+$0x0] =	vst.idx.msk $0xffff, v5  }
0x740: {  	v5 =	vld [tilespmem:s2+$0x10];
	_ =	sdelay $0x1  }
0x741: {  	v62 =	vor.u32 v60, v54;
	_ =	sdelay $0x2  }
0x742: {  	v5 =	vmul.f32 $8.000000000e+00, v5;
	_ =	sdelay $0x1  }
0x743: {  	[tilespmem:v62+s25+$0x0] =	vst.idx.msk $0xffff, v5  }
0x744: {  	v5 =	vld [tilespmem:s2+$0x20];
	_ =	sdelay $0x1  }
0x745: {  	v63 =	vor.u32 v60, v55;
	_ =	sdelay $0x2  }
0x746: {  	v5 =	vmul.f32 $8.000000000e+00, v5;
	_ =	sdelay $0x1  }
0x747: {  	[tilespmem:v63+s25+$0x0] =	vst.idx.msk $0xffff, v5  }
0x748: {  	v5 =	vld [tilespmem:s2+$0x30];
	_ =	sdelay $0x1  }
0x749: {  	v10 =	vor.u32 v60, v6;
	_ =	sdelay $0x2  }
0x74a: {  	v5 =	vmul.f32 $8.000000000e+00, v5;
	_ =	sdelay $0x1  }
0x74b: {  	[tilespmem:v10+s25+$0x0] =	vst.idx.msk $0xffff, v5  }
0x74c: {  	v5 =	vld [tilespmem:s2+$0x40]  }
0x74d: {  	v4 =	vor.u32 $0x3, v4  }
0x74e: {  	v7 =	vor.u32 v4, v7;
	_ =	sdelay $0x2  }
0x74f: {  	v5 =	vmul.f32 $8.000000000e+00, v5;
	_ =	sdelay $0x1  }
0x750: {  	[tilespmem:v7+s25+$0x0] =	vst.idx.msk $0xffff, v5  }
0x751: {  	v5 =	vld [tilespmem:s2+$0x50];
	_ =	sdelay $0x1  }
0x752: {  	v7 =	vor.u32 v4, v54;
	_ =	sdelay $0x2  }
0x753: {  	v5 =	vmul.f32 $8.000000000e+00, v5;
	_ =	sdelay $0x1  }
0x754: {  	[tilespmem:v7+s25+$0x0] =	vst.idx.msk $0xffff, v5  }
0x755: {  	v5 =	vld [tilespmem:s2+$0x60];
	_ =	sdelay $0x1  }
0x756: {  	v7 =	vor.u32 v4, v55;
	_ =	sdelay $0x2  }
0x757: {  	v5 =	vmul.f32 $8.000000000e+00, v5;
	_ =	sdelay $0x1  }
0x758: {  	[tilespmem:v7+s25+$0x0] =	vst.idx.msk $0xffff, v5  }
0x759: {  	v5 =	vld [tilespmem:s2+$0x70];
	_ =	sdelay $0x1  }
0x75a: {  	v4 =	vor.u32 v4, v6;
	_ =	sdelay $0x2  }
0x75b: {  	s24 =	simm.s32 $0x8;
	s26 =	simm.s32 $0x4;
	v5 =	vmul.f32 $8.000000000e+00, v5  }
.LBB2_31:
0x75c: {  	p0 =	sne.s32 s24, $0x7C  }
0x75d: {  	v6 =	vmov s26;
	s2 =	sadd.s32 $0x100, s2;
	s26 =	smov.u32 s24;
	s24 =	sadd.s32 $0x4, s24;
	[tilespmem:v4+s25+$0x0] =	vst.idx.msk $0xffff, v5  }
0x75e: {  	v5 =	vand.u32 $0x78, v6;
	v4 =	vld [tilespmem:s2+$0xFFFFFF80]  }
0x75f: {  	v6 =	vand.u32 $0x4, v6;
	v7 =	vadd.s32 v0, v5;
	v8 =	vadd.s32 v1, v5  }
0x760: {  	v11 =	vadd.s32 v2, v5;
	v9 =	vor.u32 v6, v7;
	v10 =	vor.u32 v6, v8  }
0x761: {  	v13 =	vadd.s32 v3, v5;
	v5 =	vor.u32 $0x1, v6;
	v12 =	vor.u32 v6, v11  }
0x762: {  	v14 =	vor.u32 v6, v13;
	v15 =	vor.u32 v5, v7;
	v16 =	vor.u32 v5, v8  }
0x763: {  	v17 =	vor.u32 v5, v11;
	v18 =	vor.u32 v5, v13;
	v4 =	vmul.f32 $8.000000000e+00, v4  }
0x764: {  	v19 =	vor.u32 $0x3, v6;
	v5 =	vor.u32 $0x2, v6  }
0x765: {  	v20 =	vor.u32 v5, v8;
	[tilespmem:v9+s25+$0x0] =	vst.idx.msk $0xffff, v4;
	v9 =	vor.u32 v5, v7  }
0x766: {  	v22 =	vor.u32 v5, v11;
	v23 =	vor.u32 v5, v13;
	v7 =	vor.u32 v19, v7;
	v21 =	vld [tilespmem:s2+$0xFFFFFF90]  }
0x767: {  	v6 =	vor.u32 v19, v8;
	v5 =	vor.u32 v19, v11;
	v4 =	vor.u32 v19, v13;
	_ =	sdelay $0x3  }
0x768: {  	v8 =	vmul.f32 $8.000000000e+00, v21;
	_ =	sdelay $0x1  }
0x769: {  	[tilespmem:v10+s25+$0x0] =	vst.idx.msk $0xffff, v8  }
0x76a: {  	v8 =	vld [tilespmem:s2+$0xFFFFFFA0];
	_ =	sdelay $0x4  }
0x76b: {  	v8 =	vmul.f32 $8.000000000e+00, v8;
	_ =	sdelay $0x1  }
0x76c: {  	[tilespmem:v12+s25+$0x0] =	vst.idx.msk $0xffff, v8  }
0x76d: {  	v8 =	vld [tilespmem:s2+$0xFFFFFFB0];
	_ =	sdelay $0x4  }
0x76e: {  	v8 =	vmul.f32 $8.000000000e+00, v8;
	_ =	sdelay $0x1  }
0x76f: {  	[tilespmem:v14+s25+$0x0] =	vst.idx.msk $0xffff, v8  }
0x770: {  	v8 =	vld [tilespmem:s2+$0xFFFFFFC0];
	_ =	sdelay $0x4  }
0x771: {  	v8 =	vmul.f32 $8.000000000e+00, v8;
	_ =	sdelay $0x1  }
0x772: {  	[tilespmem:v15+s25+$0x0] =	vst.idx.msk $0xffff, v8  }
0x773: {  	v8 =	vld [tilespmem:s2+$0xFFFFFFD0];
	_ =	sdelay $0x4  }
0x774: {  	v8 =	vmul.f32 $8.000000000e+00, v8;
	_ =	sdelay $0x1  }
0x775: {  	[tilespmem:v16+s25+$0x0] =	vst.idx.msk $0xffff, v8  }
0x776: {  	v8 =	vld [tilespmem:s2+$0xFFFFFFE0];
	_ =	sdelay $0x4  }
0x777: {  	v8 =	vmul.f32 $8.000000000e+00, v8;
	_ =	sdelay $0x1  }
0x778: {  	[tilespmem:v17+s25+$0x0] =	vst.idx.msk $0xffff, v8  }
0x779: {  	v8 =	vld [tilespmem:s2+$0xFFFFFFF0];
	_ =	sdelay $0x4  }
0x77a: {  	v8 =	vmul.f32 $8.000000000e+00, v8;
	_ =	sdelay $0x1  }
0x77b: {  	[tilespmem:v18+s25+$0x0] =	vst.idx.msk $0xffff, v8  }
0x77c: {  	v8 =	vld [tilespmem:s2+$0x0];
	_ =	sdelay $0x4  }
0x77d: {  	v8 =	vmul.f32 $8.000000000e+00, v8;
	_ =	sdelay $0x1  }
0x77e: {  	[tilespmem:v9+s25+$0x0] =	vst.idx.msk $0xffff, v8  }
0x77f: {  	v8 =	vld [tilespmem:s2+$0x10];
	_ =	sdelay $0x4  }
0x780: {  	v8 =	vmul.f32 $8.000000000e+00, v8;
	_ =	sdelay $0x1  }
0x781: {  	[tilespmem:v20+s25+$0x0] =	vst.idx.msk $0xffff, v8  }
0x782: {  	v8 =	vld [tilespmem:s2+$0x20];
	_ =	sdelay $0x4  }
0x783: {  	v8 =	vmul.f32 $8.000000000e+00, v8;
	_ =	sdelay $0x1  }
0x784: {  	[tilespmem:v22+s25+$0x0] =	vst.idx.msk $0xffff, v8  }
0x785: {  	v8 =	vld [tilespmem:s2+$0x30];
	_ =	sdelay $0x4  }
0x786: {  	v8 =	vmul.f32 $8.000000000e+00, v8;
	_ =	sdelay $0x1  }
0x787: {  	[tilespmem:v23+s25+$0x0] =	vst.idx.msk $0xffff, v8  }
0x788: {  	v8 =	vld [tilespmem:s2+$0x40];
	_ =	sdelay $0x4  }
0x789: {  	v8 =	vmul.f32 $8.000000000e+00, v8;
	_ =	sdelay $0x1  }
0x78a: {  	[tilespmem:v7+s25+$0x0] =	vst.idx.msk $0xffff, v8  }
0x78b: {  	v7 =	vld [tilespmem:s2+$0x50];
	_ =	sdelay $0x4  }
0x78c: {  	v7 =	vmul.f32 $8.000000000e+00, v7;
	_ =	sdelay $0x1  }
0x78d: {  	[tilespmem:v6+s25+$0x0] =	vst.idx.msk $0xffff, v7  }
0x78e: {  	v6 =	vld [tilespmem:s2+$0x60];
	_ =	sdelay $0x4  }
0x78f: {  	v6 =	vmul.f32 $8.000000000e+00, v6;
	_ =	sdelay $0x1  }
0x790: {  	[tilespmem:v5+s25+$0x0] =	vst.idx.msk $0xffff, v6  }
0x791: {  	v5 =	vld [tilespmem:s2+$0x70]  }
.Ltmp14:
0x792: {  	(pc) =	sbr.rel @p0 .LBB2_31-.Ltmp14, $2  }
0x793: {  	_ =	sdelay $0x2  }
0x794: {  	v5 =	vmul.f32 $8.000000000e+00, v5  }
0x795: {  	_ =	sdelay $0x3  }
0x796: {  	v6 =	vmov s26;
	s2 =	sadd.s32 $0x100, s2;
	[tilespmem:v4+s25+$0x0] =	vst.idx.msk $0xffff, v5  }
0x797: {  	v5 =	vand.u32 $0x78, v6;
	v4 =	vld [tilespmem:s2+$0xFFFFFF80]  }
0x798: {  	v6 =	vand.u32 $0x4, v6;
	v7 =	vadd.s32 v0, v5  }
0x799: {  	v8 =	vor.u32 v6, v7;
	_ =	sdelay $0x2  }
0x79a: {  	v4 =	vmul.f32 $8.000000000e+00, v4;
	_ =	sdelay $0x1  }
0x79b: {  	[tilespmem:v8+s25+$0x0] =	vst.idx.msk $0xffff, v4  }
0x79c: {  	v4 =	vld [tilespmem:s2+$0xFFFFFF90]  }
0x79d: {  	v52 =	vadd.s32 v1, v5  }
0x79e: {  	v9 =	vor.u32 v6, v52;
	_ =	sdelay $0x2  }
0x79f: {  	v4 =	vmul.f32 $8.000000000e+00, v4;
	_ =	sdelay $0x1  }
0x7a0: {  	[tilespmem:v9+s25+$0x0] =	vst.idx.msk $0xffff, v4  }
0x7a1: {  	v4 =	vld [tilespmem:s2+$0xFFFFFFA0]  }
0x7a2: {  	v53 =	vadd.s32 v2, v5  }
0x7a3: {  	v10 =	vor.u32 v6, v53;
	_ =	sdelay $0x2  }
0x7a4: {  	v4 =	vmul.f32 $8.000000000e+00, v4;
	_ =	sdelay $0x1  }
0x7a5: {  	[tilespmem:v10+s25+$0x0] =	vst.idx.msk $0xffff, v4  }
0x7a6: {  	v4 =	vld [tilespmem:s2+$0xFFFFFFB0]  }
0x7a7: {  	v5 =	vadd.s32 v3, v5  }
0x7a8: {  	v54 =	vor.u32 v6, v5;
	_ =	sdelay $0x2  }
0x7a9: {  	v4 =	vmul.f32 $8.000000000e+00, v4;
	_ =	sdelay $0x1  }
0x7aa: {  	[tilespmem:v54+s25+$0x0] =	vst.idx.msk $0xffff, v4  }
0x7ab: {  	v4 =	vld [tilespmem:s2+$0xFFFFFFC0]  }
0x7ac: {  	v55 =	vor.u32 $0x1, v6  }
0x7ad: {  	v11 =	vor.u32 v55, v7;
	_ =	sdelay $0x2  }
0x7ae: {  	v4 =	vmul.f32 $8.000000000e+00, v4;
	_ =	sdelay $0x1  }
0x7af: {  	[tilespmem:v11+s25+$0x0] =	vst.idx.msk $0xffff, v4  }
0x7b0: {  	v4 =	vld [tilespmem:s2+$0xFFFFFFD0];
	_ =	sdelay $0x1  }
0x7b1: {  	v56 =	vor.u32 v55, v52;
	_ =	sdelay $0x2  }
0x7b2: {  	v4 =	vmul.f32 $8.000000000e+00, v4;
	_ =	sdelay $0x1  }
0x7b3: {  	[tilespmem:v56+s25+$0x0] =	vst.idx.msk $0xffff, v4  }
0x7b4: {  	v4 =	vld [tilespmem:s2+$0xFFFFFFE0];
	_ =	sdelay $0x1  }
0x7b5: {  	v57 =	vor.u32 v55, v53;
	_ =	sdelay $0x2  }
0x7b6: {  	v4 =	vmul.f32 $8.000000000e+00, v4;
	_ =	sdelay $0x1  }
0x7b7: {  	[tilespmem:v57+s25+$0x0] =	vst.idx.msk $0xffff, v4  }
0x7b8: {  	v4 =	vld [tilespmem:s2+$0xFFFFFFF0];
	_ =	sdelay $0x1  }
0x7b9: {  	v10 =	vor.u32 v55, v5;
	_ =	sdelay $0x2  }
0x7ba: {  	v4 =	vmul.f32 $8.000000000e+00, v4;
	_ =	sdelay $0x1  }
0x7bb: {  	[tilespmem:v10+s25+$0x0] =	vst.idx.msk $0xffff, v4  }
0x7bc: {  	v4 =	vld [tilespmem:s2+$0x0]  }
0x7bd: {  	v58 =	vor.u32 $0x2, v6  }
0x7be: {  	v59 =	vor.u32 v58, v7;
	_ =	sdelay $0x2  }
0x7bf: {  	v4 =	vmul.f32 $8.000000000e+00, v4;
	_ =	sdelay $0x1  }
0x7c0: {  	[tilespmem:v59+s25+$0x0] =	vst.idx.msk $0xffff, v4  }
0x7c1: {  	v4 =	vld [tilespmem:s2+$0x10];
	_ =	sdelay $0x1  }
0x7c2: {  	v60 =	vor.u32 v58, v52;
	_ =	sdelay $0x2  }
0x7c3: {  	v4 =	vmul.f32 $8.000000000e+00, v4;
	_ =	sdelay $0x1  }
0x7c4: {  	[tilespmem:v60+s25+$0x0] =	vst.idx.msk $0xffff, v4  }
0x7c5: {  	v4 =	vld [tilespmem:s2+$0x20];
	_ =	sdelay $0x1  }
0x7c6: {  	v61 =	vor.u32 v58, v53;
	_ =	sdelay $0x2  }
0x7c7: {  	v4 =	vmul.f32 $8.000000000e+00, v4;
	_ =	sdelay $0x1  }
0x7c8: {  	[tilespmem:v61+s25+$0x0] =	vst.idx.msk $0xffff, v4  }
0x7c9: {  	v4 =	vld [tilespmem:s2+$0x30];
	_ =	sdelay $0x1  }
0x7ca: {  	v10 =	vor.u32 v58, v5;
	_ =	sdelay $0x2  }
0x7cb: {  	v4 =	vmul.f32 $8.000000000e+00, v4;
	_ =	sdelay $0x1  }
0x7cc: {  	[tilespmem:v10+s25+$0x0] =	vst.idx.msk $0xffff, v4  }
0x7cd: {  	v4 =	vld [tilespmem:s2+$0x40]  }
0x7ce: {  	v6 =	vor.u32 $0x3, v6  }
0x7cf: {  	v7 =	vor.u32 v6, v7;
	_ =	sdelay $0x2  }
0x7d0: {  	v4 =	vmul.f32 $8.000000000e+00, v4;
	_ =	sdelay $0x1  }
0x7d1: {  	[tilespmem:v7+s25+$0x0] =	vst.idx.msk $0xffff, v4  }
0x7d2: {  	v4 =	vld [tilespmem:s2+$0x50];
	_ =	sdelay $0x1  }
0x7d3: {  	v62 =	vor.u32 v6, v52;
	_ =	sdelay $0x2  }
0x7d4: {  	v4 =	vmul.f32 $8.000000000e+00, v4;
	_ =	sdelay $0x1  }
0x7d5: {  	[tilespmem:v62+s25+$0x0] =	vst.idx.msk $0xffff, v4  }
0x7d6: {  	v4 =	vld [tilespmem:s2+$0x60];
	_ =	sdelay $0x1  }
0x7d7: {  	v63 =	vor.u32 v6, v53;
	_ =	sdelay $0x2  }
0x7d8: {  	v4 =	vmul.f32 $8.000000000e+00, v4;
	_ =	sdelay $0x1  }
0x7d9: {  	[tilespmem:v63+s25+$0x0] =	vst.idx.msk $0xffff, v4  }
0x7da: {  	v4 =	vld [tilespmem:s2+$0x70];
	_ =	sdelay $0x1  }
0x7db: {  	v5 =	vor.u32 v6, v5;
	_ =	sdelay $0x2  }
0x7dc: {  	v4 =	vmul.f32 $8.000000000e+00, v4;
	_ =	sdelay $0x1  }
0x7dd: {  	s0 =	sadd.s32 s1, s14;
	s2 =	simm.s32 $0x6600;
	[tilespmem:v5+s25+$0x0] =	vst.idx.msk $0xffff, v4  }
0x7de: {  	[hbm4b:s0+s3] =	stream.linear.scatter [tilespmem:s2], [sflag:$0x4], $0x80, $0x38;
	[tilespmem:$0x8800] =	vst v63  }
0x7df: {  	s4 =	simm.s32 $0x6688;
	s24 =	sadd.s32 $0x10, s0  }
0x7e0: {  	[hbm4b:s24+s3] =	stream.linear.scatter [tilespmem:s4], [sflag:$0x4], $0x80, $0x38;
	[tilespmem:$0x8800] =	vst v63  }
0x7e1: {  	s26 =	simm.s32 $0x6710;
	s31 =	sadd.s32 $0x20, s0  }
0x7e2: {  	[hbm4b:s31+s3] =	stream.linear.scatter [tilespmem:s26], [sflag:$0x4], $0x80, $0x38;
	[tilespmem:$0x8800] =	vst v63  }
0x7e3: {  	s4 =	simm.s32 $0x6798;
	s24 =	sadd.s32 $0x30, s0  }
0x7e4: {  	[hbm4b:s24+s3] =	stream.linear.scatter [tilespmem:s4], [sflag:$0x4], $0x80, $0x38;
	[tilespmem:$0x8800] =	vst v63  }
0x7e5: {  	s26 =	simm.s32 $0x6820;
	s31 =	sadd.s32 $0x40, s0  }
0x7e6: {  	[hbm4b:s31+s3] =	stream.linear.scatter [tilespmem:s26], [sflag:$0x4], $0x80, $0x38;
	[tilespmem:$0x8800] =	vst v63  }
0x7e7: {  	s1 =	simm.s32 $0x440;
	s4 =	simm.s32 $0x68A8;
	s24 =	sadd.s32 $0x50, s0  }
0x7e8: {  	[hbm4b:s24+s3] =	stream.linear.scatter [tilespmem:s4], [sflag:$0x4], $0x80, $0x38;
	[tilespmem:$0x8800] =	vst v63  }
0x7e9: {  	s29 =	sadd.s32 $0x70, s0;
	s26 =	simm.s32 $0x6930;
	s31 =	sadd.s32 $0x60, s0  }
0x7ea: {  	[hbm4b:s31+s3] =	stream.linear.scatter [tilespmem:s26], [sflag:$0x4], $0x80, $0x38;
	[tilespmem:$0x8800] =	vst v63  }
0x7eb: {  	s2 =	sadd.s32 $0x400, s0;
	s24 =	simm.s32 $0x2200;
	s26 =	simm.s32 $0x69B8  }
.LBB2_33:
0x7ec: {  	[hbm4b:s29+s3] =	stream.linear.scatter [tilespmem:s26], [sflag:$0x4], $0x80, $0x38;
	[tilespmem:$0x8800] =	vst v63  }
0x7ed: {  	s0 =	smov.u32 s1;
	s1 =	smov.u32 s24  }
0x7ee: {  	s4 =	sadd.s32 $0x1100, s24;
	s1 =	sshra.s32 s1, $0x2;
	s26 =	sadd.s32 $0x6600, s0  }
0x7ef: {  	[hbm4b:s2+s3] =	stream.linear.scatter [tilespmem:s26], [sflag:$0x4], $0x80, $0x38;
	[tilespmem:$0x8800] =	vst v63  }
0x7f0: {  	p0 =	sne.s32 s24, $0x7700;
	s24 =	sadd.s32 $0x6688, s0;
	s26 =	sadd.s32 $0x10, s2  }
0x7f1: {  	[hbm4b:s26+s3] =	stream.linear.scatter [tilespmem:s24], [sflag:$0x4], $0x80, $0x38;
	[tilespmem:$0x8800] =	vst v63  }
0x7f2: {  	s24 =	sadd.s32 $0x6710, s0;
	s26 =	sadd.s32 $0x20, s2  }
0x7f3: {  	[hbm4b:s26+s3] =	stream.linear.scatter [tilespmem:s24], [sflag:$0x4], $0x80, $0x38;
	[tilespmem:$0x8800] =	vst v63  }
0x7f4: {  	s24 =	sadd.s32 $0x6798, s0;
	s26 =	sadd.s32 $0x30, s2  }
0x7f5: {  	[hbm4b:s26+s3] =	stream.linear.scatter [tilespmem:s24], [sflag:$0x4], $0x80, $0x38;
	[tilespmem:$0x8800] =	vst v63  }
0x7f6: {  	s24 =	sadd.s32 $0x6820, s0;
	s26 =	sadd.s32 $0x40, s2  }
0x7f7: {  	[hbm4b:s26+s3] =	stream.linear.scatter [tilespmem:s24], [sflag:$0x4], $0x80, $0x38;
	[tilespmem:$0x8800] =	vst v63  }
.Ltmp15:
0x7f8: {  	s24 =	sadd.s32 $0x68A8, s0;
	s26 =	sadd.s32 $0x50, s2;
	(pc) =	sbr.rel @p0 .LBB2_33-.Ltmp15, $4  }
0x7f9: {  	[hbm4b:s26+s3] =	stream.linear.scatter [tilespmem:s24], [sflag:$0x4], $0x80, $0x38;
	[tilespmem:$0x8800] =	vst v63  }
0x7fa: {  	s29 =	sadd.s32 $0x70, s2;
	s24 =	sadd.s32 $0x6930, s0;
	s26 =	sadd.s32 $0x60, s2  }
0x7fb: {  	[hbm4b:s26+s3] =	stream.linear.scatter [tilespmem:s24], [sflag:$0x4], $0x80, $0x38;
	[tilespmem:$0x8800] =	vst v63  }
0x7fc: {  	s2 =	sadd.s32 $0x400, s2;
	s26 =	sadd.s32 $0x69B8, s0;
	s24 =	smov.u32 s4  }
0x7fd: {  	[hbm4b:s29+s3] =	stream.linear.scatter [tilespmem:s26], [sflag:$0x4], $0x80, $0x38;
	[tilespmem:$0x8800] =	vst v63  }
0x7fe: {  	s0 =	sadd.s32 $0x6600, s1  }
0x7ff: {  	[hbm4b:s2+s3] =	stream.linear.scatter [tilespmem:s0], [sflag:$0x4], $0x80, $0x38;
	[tilespmem:$0x8800] =	vst v63  }
0x800: {  	s31 =	sadd.s32 $0x6688, s1;
	s4 =	sadd.s32 $0x10, s2  }
0x801: {  	[hbm4b:s4+s3] =	stream.linear.scatter [tilespmem:s31], [sflag:$0x4], $0x80, $0x38;
	[tilespmem:$0x8800] =	vst v63  }
0x802: {  	s24 =	sadd.s32 $0x6710, s1;
	s26 =	sadd.s32 $0x20, s2  }
0x803: {  	[hbm4b:s26+s3] =	stream.linear.scatter [tilespmem:s24], [sflag:$0x4], $0x80, $0x38;
	[tilespmem:$0x8800] =	vst v63  }
0x804: {  	s29 =	sadd.s32 $0x6798, s1;
	s31 =	sadd.s32 $0x30, s2  }
0x805: {  	[hbm4b:s31+s3] =	stream.linear.scatter [tilespmem:s29], [sflag:$0x4], $0x80, $0x38;
	[tilespmem:$0x8800] =	vst v63  }
0x806: {  	s24 =	sadd.s32 $0x6820, s1;
	s26 =	sadd.s32 $0x40, s2  }
0x807: {  	[hbm4b:s26+s3] =	stream.linear.scatter [tilespmem:s24], [sflag:$0x4], $0x80, $0x38;
	[tilespmem:$0x8800] =	vst v63  }
0x808: {  	s29 =	sadd.s32 $0x68A8, s1;
	s31 =	sadd.s32 $0x50, s2  }
0x809: {  	[hbm4b:s31+s3] =	stream.linear.scatter [tilespmem:s29], [sflag:$0x4], $0x80, $0x38;
	[tilespmem:$0x8800] =	vst v63  }
0x80a: {  	s24 =	sadd.s32 $0x6930, s1;
	s26 =	sadd.s32 $0x60, s2  }
0x80b: {  	[hbm4b:s26+s3] =	stream.linear.scatter [tilespmem:s24], [sflag:$0x4], $0x80, $0x38;
	[tilespmem:$0x8800] =	vst v63  }
0x80c: {  	s15 =	sadd.s32 $0x1, s15;
	s29 =	sadd.s32 $0x69B8, s1;
	s31 =	sadd.s32 $0x70, s2  }
0x80d: {  	[hbm4b:s31+s3] =	stream.linear.scatter [tilespmem:s29], [sflag:$0x4], $0x80, $0x38;
	[tilespmem:$0x8800] =	vst v63  }
0x80e: {  	p0 =	sne.s32 s15, s6;
	_ =	swait.ge [sflag:s28], $0x2000  }
.Ltmp16:
0x80f: {  	[sflag:s28] =	ssyncset.done $0x0;
	(pc) =	sbr.rel @p0 .LBB2_2-.Ltmp16, $4  }
0x810: {  	[sflag:s28] =	ssyncadd.s32 $0xFFFFE000  }
0x811: {  	_ =	swait.ge [sflag:s30], $0x2000  }
0x812: {  	[sflag:s30] =	ssyncset.done $0x0  }
0x813: {  	[sflag:s30] =	ssyncadd.s32 $0xFFFFE000  }
0x814: {  	s1 =	rddreg [dreg:$0x5]  }
0x815: {  	s0 =	rddreg [dreg:$0x4];
	s1 =	sadd.s32 $0x1, s1  }
0x816: {  	p0 =	sne.s32 s1, s0  }
.Ltmp17:
0x817: {  	_ = 	snop;
	(pc) =	sbr.rel @p0 .LBB2_1-.Ltmp17, $1  }
0x818: {  	_ =	sdelay $0x3  }
0x819: {  	_ =	sfence.sel $0x180000  }
0x81a: {  	[bflag:$0x0] =	sbarrier.arrive $0xFFFF  }
0x81b: {  	_ =	strace $0x90000047  }
0x81c: {  	s0 =	stileid.u32;
	[bflag:$0x2] =	sbarrier.arrive $0xFFFF  }
0x81d: {  	p0 =	sne.s32 s0, $0x0;
	s0 =	rddreg [dreg:$0x3]  }
0x81e: {  	s0 =	sadd.s32 @!p0 $0x100000, s0  }
0x81f: {  	[sflag:s0] =	ssyncadd.tile.s32 @!p0 $0x1;
	_ =	shalt  }
.Lfunc_end2:
_tile_overlayer_lowered:
.L_overlay_start_2:
0x820: {  	(tag) =	ssettag $0x2  }
0x821: {  	s0 =	rddreg [dreg:$0x0];
	s2 =	stileid.u32  }
0x822: {  	s1 =	rddreg [dreg:$0x1];
	p0 =	sne.s32 s2, $0x0  }
0x823: {  	s3 =	rddreg [dreg:$0x2];
	[bflag:$0x3] =	sbarrier.arrive $0xFFFF;
	s2 =	simm.s32 @!p0 $0x1C05  }
0x824: {  	[timem:s3], [sflag:s2] =	dma.local @!p0 [hbm:s0], s1  }
0x825: {  	s0 =	simm.s32 @!p0 $0x5  }
0x826: {  	_ =	swait.ge @!p0 [sflag:s0], s1  }
0x827: {  	s1 =	ssub.s32 @!p0 $0x0, s1;
	[sflag:s0] =	ssyncset.done @!p0 $0x0  }
0x828: {  	[sflag:s0] =	ssyncadd.s32 @!p0 s1  }
0x829: {  	[bflag:$0x3] =	sbarrier.arrive $0xFFFF  }
0x82a: {  	_ =	shalt  }

</sc_bundles>
